<compile_context>
chip_gen: v7x
topology: tpu7x:2x2x1
jax: 0.10.2.dev20260603
libtpu: 0.0.44.dev20260713+nightly
codegen_flags: <defaults>
</compile_context>

<pallas_src>
import jax
import jax.numpy as jnp
from jax import lax
from jax.experimental import pallas as pl
from jax.experimental.pallas import tpu as pltpu
from jax.experimental.pallas import tpu_sc as plsc

N_USERS = 50000
N_ITEMS = 50000
N_NODES = N_USERS + N_ITEMS
D = 32
HALF = N_NODES // 2
E = 1600000
GROUP = 128
NGROUPS = E // GROUP
NS = 16
GB, GR = divmod(NGROUPS, NS)

CHUNK = 400
NCHUNKS = HALF // CHUNK
CB, CR = divmod(NCHUNKS, NS)


def _make_layer(last: bool):
    mesh = plsc.VectorSubcoreMesh(core_axis_name="c", subcore_axis_name="s")
    if last:
        out_type = jax.ShapeDtypeStruct((N_NODES, D), jnp.float32)
    else:
        out_type = (jax.ShapeDtypeStruct((N_NODES, D), jnp.float32),
                    jax.ShapeDtypeStruct((N_NODES, D), jnp.float32))
    scratch = [
        pltpu.VMEM_SHARED((HALF + 8, D), jnp.float32),
        pltpu.VMEM((1, GROUP), jnp.int32),
        pltpu.VMEM((1, GROUP), jnp.int32),
        pltpu.VMEM((1, GROUP), jnp.int32),
        pltpu.VMEM((1, GROUP), jnp.float32),
        pltpu.VMEM((GROUP, D), jnp.float32),
        pltpu.VMEM((CHUNK, D), jnp.float32),
        pltpu.VMEM((CHUNK, D), jnp.float32),
        pltpu.SemaphoreType.DMA,
    ]

    def body(x, prev, src3, dst3, w3, zeros, *rest):
        if last:
            out, acc, sidx, didx, draw, wv, rows, db, pb, sem = rest
        else:
            xn, sumn, acc, sidx, didx, draw, wv, rows, db, pb, sem = rest
        c = lax.axis_index("c")
        s = lax.axis_index("s")
        base = c * HALF

        qlo = s * CB + jnp.minimum(s, CR)
        qcnt = CB + jnp.where(s < CR, 1, 0)

        def zloop(q, _):
            off = q * CHUNK
            pltpu.sync_copy(zeros.at[pl.ds(off, CHUNK)],
                            acc.at[pl.ds(off, CHUNK)])
            return 0

        lax.fori_loop(qlo, qlo + qcnt, zloop, 0)
        plsc.subcore_barrier()

        glo = s * GB + jnp.minimum(s, GR)
        gcnt = GB + jnp.where(s < GR, 1, 0)

        def eloop(g, carry):
            pltpu.sync_copy(src3.at[g], sidx)
            pltpu.sync_copy(dst3.at[g], draw)
            pltpu.sync_copy(w3.at[g], wv)
            pltpu.async_copy(x.at[sidx.at[0]], rows, sem).wait()

            def cgrp(i, _):
                d16 = draw[0, pl.ds(i * 16, 16)] - base
                ok = (d16 >= 0) & (d16 < HALF)
                didx[0, pl.ds(i * 16, 16)] = jnp.where(ok, d16, HALF)
                w16 = wv[0, pl.ds(i * 16, 16)]
                for e in range(16):
                    idx_e = i * 16 + e
                    wsc = w16[e]
                    r0 = rows[idx_e, pl.ds(0, 16)]
                    rows[idx_e, pl.ds(0, 16)] = r0 * wsc
                    r1 = rows[idx_e, pl.ds(16, 16)]
                    rows[idx_e, pl.ds(16, 16)] = r1 * wsc
                return 0

            lax.fori_loop(0, GROUP // 16, cgrp, 0)
            pltpu.sync_copy(rows, acc.at[didx.at[0]], add=True)
            return carry

        lax.fori_loop(glo, glo + gcnt, eloop, 0)
        plsc.subcore_barrier()

        def dloop(q, _):
            off = q * CHUNK
            pltpu.sync_copy(acc.at[pl.ds(off, CHUNK)], db)
            if not last:
                pltpu.sync_copy(db, xn.at[pl.ds(base + off, CHUNK)])
            pltpu.sync_copy(prev.at[pl.ds(base + off, CHUNK)], pb)

            def rloop(r, _):
                for h in range(2):
                    v = db[r, pl.ds(16 * h, 16)] + pb[r, pl.ds(16 * h, 16)]
                    if last:
                        v = v * 0.25
                    db[r, pl.ds(16 * h, 16)] = v
                return 0

            lax.fori_loop(0, CHUNK, rloop, 0)
            if last:
                pltpu.sync_copy(db, out.at[pl.ds(base + off, CHUNK)])
            else:
                pltpu.sync_copy(db, sumn.at[pl.ds(base + off, CHUNK)])
            return 0

        lax.fori_loop(qlo, qlo + qcnt, dloop, 0)

    return pl.kernel(
        body, out_type=out_type, mesh=mesh, scratch_types=scratch,
        compiler_params=pltpu.CompilerParams(use_tc_tiling_on_sc=False))


_layer = _make_layer(last=False)
_layer_last = _make_layer(last=True)


def kernel(user_table, item_table, edge_index, edge_weight):
    all_emb = jnp.concatenate([user_table, item_table], axis=0)
    src3 = edge_index[0].reshape(NGROUPS, 1, GROUP)
    dst3 = edge_index[1].reshape(NGROUPS, 1, GROUP)
    w3 = edge_weight.reshape(NGROUPS, 1, GROUP)
    zeros = jnp.zeros((HALF, D), jnp.float32)
    x1, s1 = _layer(all_emb, all_emb, src3, dst3, w3, zeros)
    x2, s2 = _layer(x1, s1, src3, dst3, w3, zeros)
    out = _layer_last(x2, s2, src3, dst3, w3, zeros)
    return out[:N_USERS], out[N_USERS:]

# --- scband reference (transcript-rebuilt; emitter-appended) ---
"""Pipeline reference for scband-light-gcn-17111149707404 (READ-ONLY COPY).

The authoritative reference and input builder live on the scoring server;
editing this copy changes nothing except your own understanding.
"""

import jax, jax.numpy as jnp
import numpy as np

N_USERS = 50000
N_ITEMS = 50000
EMBED_DIM = 32
N_LAYERS = 3
N_EDGES = 1600000
N_NODES = N_USERS + N_ITEMS


def setup_inputs(seed: int = 0) -> dict:
    key = jax.random.key(seed)
    k1, k2, k3, k4 = jax.random.split(key, 4)
    # Learned parameters (nn.Embedding weights, init std=0.005)
    user_table = jax.random.normal(k1, (N_USERS, EMBED_DIM), dtype=jnp.float32) * 0.005
    item_table = jax.random.normal(k2, (N_ITEMS, EMBED_DIM), dtype=jnp.float32) * 0.005
    # Sparse normalized adjacency (self.graph) in COO form: row 0 = src, row 1 = dst
    edge_index = jax.random.randint(k3, (2, N_EDGES), 0, N_NODES, dtype=jnp.int32)
    edge_weight = jax.random.uniform(k4, (N_EDGES,), dtype=jnp.float32)
    return {
        "user_table": user_table,
        "item_table": item_table,
        "edge_index": edge_index,
        "edge_weight": edge_weight,
    }


def _propagate(all_emb, src, dst, w):
    embs = [all_emb]
    x = all_emb
    for _ in range(N_LAYERS):
        # torch.sparse.mm(graph, x): gather by src, weight, scatter-add into dst
        msg = x[src] * w[:, None]
        x = jnp.zeros((N_NODES, EMBED_DIM), dtype=all_emb.dtype).at[dst].add(msg)
        embs.append(x)
    stacked = jnp.stack(embs, axis=1)  # [N, n_layers+1, d]
    return jnp.mean(stacked, axis=1)


def reference(user_table, item_table, edge_index, edge_weight):
    all_emb = jnp.concatenate([user_table, item_table], axis=0)
    src = edge_index[0]
    dst = edge_index[1]
    out = _propagate(all_emb, src, dst, edge_weight)
    users_out = out[:N_USERS]
    items_out = out[N_USERS:]
    return users_out, items_out

if __name__ == "__main__":
    import jax
    _d = setup_inputs()
    print(jax.jit(kernel)(*tuple(_d.values())))

</pallas_src>

<mosaic_0001>
#map = affine_map<(d0, d1) -> (0, 0)>
#map1 = affine_map<(d0, d1) -> (0, 0, 0)>
module attributes {stable_mosaic.version = 14 : i64} {
  func.func @body(%arg0: i32, %arg1: i32, %arg2: memref<100000x32xf32, #tpu.memory_space<hbm>>, %arg3: memref<100000x32xf32, #tpu.memory_space<hbm>>, %arg4: memref<12500x1x128xi32, #tpu.memory_space<hbm>>, %arg5: memref<12500x1x128xi32, #tpu.memory_space<hbm>>, %arg6: memref<12500x1x128xf32, #tpu.memory_space<hbm>>, %arg7: memref<50000x32xf32, #tpu.memory_space<hbm>>, %arg8: memref<100000x32xf32, #tpu.memory_space<hbm>>, %arg9: memref<100000x32xf32, #tpu.memory_space<hbm>>, %arg10: memref<50008x32xf32, #tpu.memory_space<vmem_shared>>, %arg11: memref<1x128xi32, #tpu.memory_space<vmem>>, %arg12: memref<1x128xi32, #tpu.memory_space<vmem>>, %arg13: memref<1x128xi32, #tpu.memory_space<vmem>>, %arg14: memref<1x128xf32, #tpu.memory_space<vmem>>, %arg15: memref<128x32xf32, #tpu.memory_space<vmem>>, %arg16: memref<400x32xf32, #tpu.memory_space<vmem>>, %arg17: memref<400x32xf32, #tpu.memory_space<vmem>>, %arg18: memref<!tpu.dma_semaphore, #tpu.memory_space<semaphore_mem>>) attributes {dimension_semantics = [#tpu.dimension_semantics<core_parallel>, #tpu.dimension_semantics<subcore_parallel>], iteration_bounds = array<i64: 2, 16>, scalar_prefetch = 0 : i64, scratch_operands = 9 : i64, tpu.core_type = #tpu.core_type<sc_vector_subcore>, window_params = [{transform_indices = #map}, {transform_indices = #map}, {transform_indices = #map1}, {transform_indices = #map1}, {transform_indices = #map1}, {transform_indices = #map}, {transform_indices = #map}, {transform_indices = #map}]} {
    %mul3A = arith.constant 50000 : i32
    %mul3A_0 = arith.muli %arg0, %mul3A : i32
    %mul3A_1 = arith.constant 7 : i32
    %mul3A_2 = arith.muli %arg1, %mul3A_1 : i32
    %min3A = arith.constant 13 : i32
    %min3A_3 = arith.minsi %arg1, %min3A : i32
    %add3A = arith.addi %mul3A_2, %min3A_3 : i32
    %lt3A = arith.constant 13 : i32
    %lt3A_4 = arith.cmpi slt, %arg1, %lt3A : i32
    %jit3A = arith.constant 1 : i32
    %jit3A_5 = arith.constant 0 : i32
    %select_n3A = arith.select %lt3A_4, %jit3A, %jit3A_5 : i32
    %add3A_6 = arith.constant 7 : i32
    %add3A_7 = arith.addi %add3A_6, %select_n3A : i32
    %add3A_8 = arith.addi %add3A, %add3A_7 : i32
    %while3A = arith.constant 0 : i32
    %while3A_9 = arith.subi %add3A_8, %add3A : i32
    %while3A_10 = arith.addi %add3A, %while3A_9 : i32
    %while3A_11 = arith.constant 1 : i32
    %while3A_12 = arith.divsi %while3A_9, %while3A_11 : i32
    %while3A_13 = arith.muli %while3A_12, %while3A_11 : i32
    %while3A_14 = arith.addi %add3A, %while3A_13 : i32
    %while3A_15 = arith.constant 1 : i32
    %while3A_16 = scf.for %while3A_54 = %add3A to %while3A_14 step %while3A_15 iter_args(%while3A_55 = %while3A) -> (i32)  : i32 {
      %mul3A_56 = arith.constant 400 : i32
      %mul3A_57 = arith.muli %while3A_54, %mul3A_56 : i32
      "tpu.region"() ({
        %run_scoped3A = tpu.sem_alloc : memref<!tpu.dma_semaphore, #tpu.memory_space<semaphore_mem>>
        %dma_start3A = arith.constant 0 : i32
        %dma_start3A_59 = tpu.memref_slice %arg10[%mul3A_57, %dma_start3A] : memref<50008x32xf32, #tpu.memory_space<vmem_shared>> -> memref<400x32xf32, #tpu.memory_space<vmem_shared>>
        %dma_start3A_60 = arith.constant 0 : i32
        %dma_start3A_61 = tpu.memref_slice %arg7[%mul3A_57, %dma_start3A_60] : memref<50000x32xf32, #tpu.memory_space<hbm>> -> memref<400x32xf32, #tpu.memory_space<hbm>>
        tpu.enqueue_dma source(%dma_start3A_61 : memref<400x32xf32, #tpu.memory_space<hbm>>) target(%dma_start3A_59 : memref<400x32xf32, #tpu.memory_space<vmem_shared>>) target_semaphore(%run_scoped3A : memref<!tpu.dma_semaphore, #tpu.memory_space<semaphore_mem>>)
        %dma_wait3A = arith.constant 0 : i32
        %dma_wait3A_62 = tpu.memref_slice %arg10[%mul3A_57, %dma_wait3A] : memref<50008x32xf32, #tpu.memory_space<vmem_shared>> -> memref<400x32xf32, #tpu.memory_space<vmem_shared>>
        %dma_wait3A_63 = arith.constant 0 : i32
        %dma_wait3A_64 = tpu.memref_slice %arg7[%mul3A_57, %dma_wait3A_63] : memref<50000x32xf32, #tpu.memory_space<hbm>> -> memref<400x32xf32, #tpu.memory_space<hbm>>
        tpu.wait_dma2 semaphore(%run_scoped3A : memref<!tpu.dma_semaphore, #tpu.memory_space<semaphore_mem>>) src(%dma_wait3A_64 : memref<400x32xf32, #tpu.memory_space<hbm>>) dst(%dma_wait3A_62 : memref<400x32xf32, #tpu.memory_space<vmem_shared>>)
        tpu.yield
      }) : () -> ()
      %while3A_58 = arith.constant 0 : i32
      scf.yield %while3A_58 : i32
    }
    %while3A_17 = arith.constant 1 : i32
    %while3A_18 = scf.for %while3A_54 = %while3A_14 to %while3A_10 step %while3A_17 iter_args(%while3A_55 = %while3A_16) -> (i32)  : i32 {
      %mul3A_56 = arith.constant 400 : i32
      %mul3A_57 = arith.muli %while3A_54, %mul3A_56 : i32
      "tpu.region"() ({
        %run_scoped3A = tpu.sem_alloc : memref<!tpu.dma_semaphore, #tpu.memory_space<semaphore_mem>>
        %dma_start3A = arith.constant 0 : i32
        %dma_start3A_59 = tpu.memref_slice %arg10[%mul3A_57, %dma_start3A] : memref<50008x32xf32, #tpu.memory_space<vmem_shared>> -> memref<400x32xf32, #tpu.memory_space<vmem_shared>>
        %dma_start3A_60 = arith.constant 0 : i32
        %dma_start3A_61 = tpu.memref_slice %arg7[%mul3A_57, %dma_start3A_60] : memref<50000x32xf32, #tpu.memory_space<hbm>> -> memref<400x32xf32, #tpu.memory_space<hbm>>
        tpu.enqueue_dma source(%dma_start3A_61 : memref<400x32xf32, #tpu.memory_space<hbm>>) target(%dma_start3A_59 : memref<400x32xf32, #tpu.memory_space<vmem_shared>>) target_semaphore(%run_scoped3A : memref<!tpu.dma_semaphore, #tpu.memory_space<semaphore_mem>>)
        %dma_wait3A = arith.constant 0 : i32
        %dma_wait3A_62 = tpu.memref_slice %arg10[%mul3A_57, %dma_wait3A] : memref<50008x32xf32, #tpu.memory_space<vmem_shared>> -> memref<400x32xf32, #tpu.memory_space<vmem_shared>>
        %dma_wait3A_63 = arith.constant 0 : i32
        %dma_wait3A_64 = tpu.memref_slice %arg7[%mul3A_57, %dma_wait3A_63] : memref<50000x32xf32, #tpu.memory_space<hbm>> -> memref<400x32xf32, #tpu.memory_space<hbm>>
        tpu.wait_dma2 semaphore(%run_scoped3A : memref<!tpu.dma_semaphore, #tpu.memory_space<semaphore_mem>>) src(%dma_wait3A_64 : memref<400x32xf32, #tpu.memory_space<hbm>>) dst(%dma_wait3A_62 : memref<400x32xf32, #tpu.memory_space<vmem_shared>>)
        tpu.yield
      }) : () -> ()
      %while3A_58 = arith.constant 0 : i32
      scf.yield %while3A_58 : i32
    }
    %barrier3A = arith.constant 0 : index
    tpu.barrier barrier_id(%barrier3A)
    %mul3A_19 = arith.constant 781 : i32
    %mul3A_20 = arith.muli %arg1, %mul3A_19 : i32
    %min3A_21 = arith.constant 4 : i32
    %min3A_22 = arith.minsi %arg1, %min3A_21 : i32
    %add3A_23 = arith.addi %mul3A_20, %min3A_22 : i32
    %lt3A_24 = arith.constant 4 : i32
    %lt3A_25 = arith.cmpi slt, %arg1, %lt3A_24 : i32
    %jit3A_26 = arith.constant 1 : i32
    %jit3A_27 = arith.constant 0 : i32
    %select_n3A_28 = arith.select %lt3A_25, %jit3A_26, %jit3A_27 : i32
    %add3A_29 = arith.constant 781 : i32
    %add3A_30 = arith.addi %add3A_29, %select_n3A_28 : i32
    %add3A_31 = arith.addi %add3A_23, %add3A_30 : i32
    %while3A_32 = arith.constant 0 : i32
    %while3A_33 = arith.subi %add3A_31, %add3A_23 : i32
    %while3A_34 = arith.addi %add3A_23, %while3A_33 : i32
    %while3A_35 = arith.constant 1 : i32
    %while3A_36 = arith.divsi %while3A_33, %while3A_35 : i32
    %while3A_37 = arith.muli %while3A_36, %while3A_35 : i32
    %while3A_38 = arith.addi %add3A_23, %while3A_37 : i32
    %while3A_39 = arith.constant 1 : i32
    scf.for %while3A_54 = %add3A_23 to %while3A_38 step %while3A_39  : i32 {
      "tpu.region"() ({
        %run_scoped3A_73 = tpu.sem_alloc : memref<!tpu.dma_semaphore, #tpu.memory_space<semaphore_mem>>
        %dma_start3A_74 = arith.constant 0 : i32
        %dma_start3A_75 = arith.constant 0 : i32
        %dma_start3A_76 = tpu.memref_slice %arg4[%while3A_54, %dma_start3A_74, %dma_start3A_75] : memref<12500x1x128xi32, #tpu.memory_space<hbm>> -> memref<1x1x128xi32, #tpu.memory_space<hbm>>
        %dma_start3A_77 = tpu.memref_squeeze %dma_start3A_76 : memref<1x1x128xi32, #tpu.memory_space<hbm>> -> memref<1x128xi32, #tpu.memory_space<hbm>>
        %dma_start3A_78 = arith.constant 0 : i32
        %dma_start3A_79 = arith.constant 0 : i32
        %dma_start3A_80 = tpu.memref_slice %arg4[%while3A_54, %dma_start3A_78, %dma_start3A_79] : memref<12500x1x128xi32, #tpu.memory_space<hbm>> -> memref<1x1x128xi32, #tpu.memory_space<hbm>>
        %dma_start3A_81 = tpu.memref_squeeze %dma_start3A_80 : memref<1x1x128xi32, #tpu.memory_space<hbm>> -> memref<1x128xi32, #tpu.memory_space<hbm>>
        tpu.enqueue_dma source(%dma_start3A_81 : memref<1x128xi32, #tpu.memory_space<hbm>>) target(%arg11 : memref<1x128xi32, #tpu.memory_space<vmem>>) target_semaphore(%run_scoped3A_73 : memref<!tpu.dma_semaphore, #tpu.memory_space<semaphore_mem>>)
        %dma_wait3A_82 = arith.constant 0 : i32
        %dma_wait3A_83 = arith.constant 0 : i32
        %dma_wait3A_84 = tpu.memref_slice %arg4[%while3A_54, %dma_wait3A_82, %dma_wait3A_83] : memref<12500x1x128xi32, #tpu.memory_space<hbm>> -> memref<1x1x128xi32, #tpu.memory_space<hbm>>
        %dma_wait3A_85 = tpu.memref_squeeze %dma_wait3A_84 : memref<1x1x128xi32, #tpu.memory_space<hbm>> -> memref<1x128xi32, #tpu.memory_space<hbm>>
        %dma_wait3A_86 = arith.constant 0 : i32
        %dma_wait3A_87 = arith.constant 0 : i32
        %dma_wait3A_88 = tpu.memref_slice %arg4[%while3A_54, %dma_wait3A_86, %dma_wait3A_87] : memref<12500x1x128xi32, #tpu.memory_space<hbm>> -> memref<1x1x128xi32, #tpu.memory_space<hbm>>
        %dma_wait3A_89 = tpu.memref_squeeze %dma_wait3A_88 : memref<1x1x128xi32, #tpu.memory_space<hbm>> -> memref<1x128xi32, #tpu.memory_space<hbm>>
        tpu.wait_dma2 semaphore(%run_scoped3A_73 : memref<!tpu.dma_semaphore, #tpu.memory_space<semaphore_mem>>) src(%dma_wait3A_89 : memref<1x128xi32, #tpu.memory_space<hbm>>) dst(%arg11 : memref<1x128xi32, #tpu.memory_space<vmem>>)
        tpu.yield
      }) : () -> ()
      "tpu.region"() ({
        %run_scoped3A_73 = tpu.sem_alloc : memref<!tpu.dma_semaphore, #tpu.memory_space<semaphore_mem>>
        %dma_start3A_74 = arith.constant 0 : i32
        %dma_start3A_75 = arith.constant 0 : i32
        %dma_start3A_76 = tpu.memref_slice %arg5[%while3A_54, %dma_start3A_74, %dma_start3A_75] : memref<12500x1x128xi32, #tpu.memory_space<hbm>> -> memref<1x1x128xi32, #tpu.memory_space<hbm>>
        %dma_start3A_77 = tpu.memref_squeeze %dma_start3A_76 : memref<1x1x128xi32, #tpu.memory_space<hbm>> -> memref<1x128xi32, #tpu.memory_space<hbm>>
        %dma_start3A_78 = arith.constant 0 : i32
        %dma_start3A_79 = arith.constant 0 : i32
        %dma_start3A_80 = tpu.memref_slice %arg5[%while3A_54, %dma_start3A_78, %dma_start3A_79] : memref<12500x1x128xi32, #tpu.memory_space<hbm>> -> memref<1x1x128xi32, #tpu.memory_space<hbm>>
        %dma_start3A_81 = tpu.memref_squeeze %dma_start3A_80 : memref<1x1x128xi32, #tpu.memory_space<hbm>> -> memref<1x128xi32, #tpu.memory_space<hbm>>
        tpu.enqueue_dma source(%dma_start3A_81 : memref<1x128xi32, #tpu.memory_space<hbm>>) target(%arg13 : memref<1x128xi32, #tpu.memory_space<vmem>>) target_semaphore(%run_scoped3A_73 : memref<!tpu.dma_semaphore, #tpu.memory_space<semaphore_mem>>)
        %dma_wait3A_82 = arith.constant 0 : i32
        %dma_wait3A_83 = arith.constant 0 : i32
        %dma_wait3A_84 = tpu.memref_slice %arg5[%while3A_54, %dma_wait3A_82, %dma_wait3A_83] : memref<12500x1x128xi32, #tpu.memory_space<hbm>> -> memref<1x1x128xi32, #tpu.memory_space<hbm>>
        %dma_wait3A_85 = tpu.memref_squeeze %dma_wait3A_84 : memref<1x1x128xi32, #tpu.memory_space<hbm>> -> memref<1x128xi32, #tpu.memory_space<hbm>>
        %dma_wait3A_86 = arith.constant 0 : i32
        %dma_wait3A_87 = arith.constant 0 : i32
        %dma_wait3A_88 = tpu.memref_slice %arg5[%while3A_54, %dma_wait3A_86, %dma_wait3A_87] : memref<12500x1x128xi32, #tpu.memory_space<hbm>> -> memref<1x1x128xi32, #tpu.memory_space<hbm>>
        %dma_wait3A_89 = tpu.memref_squeeze %dma_wait3A_88 : memref<1x1x128xi32, #tpu.memory_space<hbm>> -> memref<1x128xi32, #tpu.memory_space<hbm>>
        tpu.wait_dma2 semaphore(%run_scoped3A_73 : memref<!tpu.dma_semaphore, #tpu.memory_space<semaphore_mem>>) src(%dma_wait3A_89 : memref<1x128xi32, #tpu.memory_space<hbm>>) dst(%arg13 : memref<1x128xi32, #tpu.memory_space<vmem>>)
        tpu.yield
      }) : () -> ()
      "tpu.region"() ({
        %run_scoped3A_73 = tpu.sem_alloc : memref<!tpu.dma_semaphore, #tpu.memory_space<semaphore_mem>>
        %dma_start3A_74 = arith.constant 0 : i32
        %dma_start3A_75 = arith.constant 0 : i32
        %dma_start3A_76 = tpu.memref_slice %arg6[%while3A_54, %dma_start3A_74, %dma_start3A_75] : memref<12500x1x128xf32, #tpu.memory_space<hbm>> -> memref<1x1x128xf32, #tpu.memory_space<hbm>>
        %dma_start3A_77 = tpu.memref_squeeze %dma_start3A_76 : memref<1x1x128xf32, #tpu.memory_space<hbm>> -> memref<1x128xf32, #tpu.memory_space<hbm>>
        %dma_start3A_78 = arith.constant 0 : i32
        %dma_start3A_79 = arith.constant 0 : i32
        %dma_start3A_80 = tpu.memref_slice %arg6[%while3A_54, %dma_start3A_78, %dma_start3A_79] : memref<12500x1x128xf32, #tpu.memory_space<hbm>> -> memref<1x1x128xf32, #tpu.memory_space<hbm>>
        %dma_start3A_81 = tpu.memref_squeeze %dma_start3A_80 : memref<1x1x128xf32, #tpu.memory_space<hbm>> -> memref<1x128xf32, #tpu.memory_space<hbm>>
        tpu.enqueue_dma source(%dma_start3A_81 : memref<1x128xf32, #tpu.memory_space<hbm>>) target(%arg14 : memref<1x128xf32, #tpu.memory_space<vmem>>) target_semaphore(%run_scoped3A_73 : memref<!tpu.dma_semaphore, #tpu.memory_space<semaphore_mem>>)
        %dma_wait3A_82 = arith.constant 0 : i32
        %dma_wait3A_83 = arith.constant 0 : i32
        %dma_wait3A_84 = tpu.memref_slice %arg6[%while3A_54, %dma_wait3A_82, %dma_wait3A_83] : memref<12500x1x128xf32, #tpu.memory_space<hbm>> -> memref<1x1x128xf32, #tpu.memory_space<hbm>>
        %dma_wait3A_85 = tpu.memref_squeeze %dma_wait3A_84 : memref<1x1x128xf32, #tpu.memory_space<hbm>> -> memref<1x128xf32, #tpu.memory_space<hbm>>
        %dma_wait3A_86 = arith.constant 0 : i32
        %dma_wait3A_87 = arith.constant 0 : i32
        %dma_wait3A_88 = tpu.memref_slice %arg6[%while3A_54, %dma_wait3A_86, %dma_wait3A_87] : memref<12500x1x128xf32, #tpu.memory_space<hbm>> -> memref<1x1x128xf32, #tpu.memory_space<hbm>>
        %dma_wait3A_89 = tpu.memref_squeeze %dma_wait3A_88 : memref<1x1x128xf32, #tpu.memory_space<hbm>> -> memref<1x128xf32, #tpu.memory_space<hbm>>
        tpu.wait_dma2 semaphore(%run_scoped3A_73 : memref<!tpu.dma_semaphore, #tpu.memory_space<semaphore_mem>>) src(%dma_wait3A_89 : memref<1x128xf32, #tpu.memory_space<hbm>>) dst(%arg14 : memref<1x128xf32, #tpu.memory_space<vmem>>)
        tpu.yield
      }) : () -> ()
      %dma_start3A = arith.constant 0 : i32
      %dma_start3A_55 = arith.constant 0 : i32
      %dma_start3A_56 = tpu.memref_slice %arg11[%dma_start3A, %dma_start3A_55] : memref<1x128xi32, #tpu.memory_space<vmem>> -> memref<1x128xi32, #tpu.memory_space<vmem>>
      %dma_start3A_57 = tpu.memref_squeeze %dma_start3A_56 : memref<1x128xi32, #tpu.memory_space<vmem>> -> memref<128xi32, #tpu.memory_space<vmem>>
      %dma_start3A_58 = arith.constant 0 : i32
      %dma_start3A_59 = arith.constant 0 : i32
      %dma_start3A_60 = tpu.memref_slice %arg2[%dma_start3A_58, %dma_start3A_59] : memref<100000x32xf32, #tpu.memory_space<hbm>> -> memref<100000x32xf32, #tpu.memory_space<hbm>>
      tpu.enqueue_indirect_dma source(%dma_start3A_60 : memref<100000x32xf32, #tpu.memory_space<hbm>>) target(%arg15 : memref<128x32xf32, #tpu.memory_space<vmem>>) offsets(%dma_start3A_57 : memref<128xi32, #tpu.memory_space<vmem>>) semaphore(%arg18 : memref<!tpu.dma_semaphore, #tpu.memory_space<semaphore_mem>>)
      %dma_wait3A = arith.constant 0 : i32
      %dma_wait3A_61 = arith.constant 0 : i32
      %dma_wait3A_62 = tpu.memref_slice %arg11[%dma_wait3A, %dma_wait3A_61] : memref<1x128xi32, #tpu.memory_space<vmem>> -> memref<1x128xi32, #tpu.memory_space<vmem>>
      %dma_wait3A_63 = tpu.memref_squeeze %dma_wait3A_62 : memref<1x128xi32, #tpu.memory_space<vmem>> -> memref<128xi32, #tpu.memory_space<vmem>>
      %dma_wait3A_64 = arith.constant 0 : i32
      %dma_wait3A_65 = arith.constant 0 : i32
      %dma_wait3A_66 = tpu.memref_slice %arg2[%dma_wait3A_64, %dma_wait3A_65] : memref<100000x32xf32, #tpu.memory_space<hbm>> -> memref<100000x32xf32, #tpu.memory_space<hbm>>
      tpu.wait_indirect_dma semaphore(%arg18 : memref<!tpu.dma_semaphore, #tpu.memory_space<semaphore_mem>>) src(%dma_wait3A_66 : memref<100000x32xf32, #tpu.memory_space<hbm>>) dst(%arg15 : memref<128x32xf32, #tpu.memory_space<vmem>>)
      %scan3A = arith.constant 0 : i32
      %scan3A_67 = arith.constant 0 : i32
      %scan3A_68 = arith.constant 8 : i32
      %scan3A_69 = arith.addi %scan3A_67, %scan3A_68 : i32
      %scan3A_70 = arith.constant 1 : i32
      %scan3A_71 = scf.for %scan3A_73 = %scan3A_67 to %scan3A_69 step %scan3A_70 iter_args(%scan3A_74 = %scan3A) -> (i32)  : i32 {
        %mul3A_75 = arith.constant 16 : i32
        %mul3A_76 = arith.muli %scan3A_73, %mul3A_75 : i32
        %get3A = arith.constant 0 : i32
        %get3A_77 = arith.index_cast %get3A : i32 to index
        %get3A_78 = arith.index_cast %mul3A_76 : i32 to index
        %get3A_79 = tpu.vector_load %arg13[%get3A_77, %get3A_78] {strides = array<i32>} : memref<1x128xi32, #tpu.memory_space<vmem>>, vector<1x16xi32>,
        %get3A_80 = vector.shape_cast %get3A_79 : vector<1x16xi32> to vector<16xi32>
        %sub3A = vector.broadcast %mul3A_0 : i32 to vector<16xi32>
        %sub3A_81 = arith.subi %get3A_80, %sub3A : vector<16xi32>
        %ge3A = arith.constant 0 : i32
        %ge3A_82 = vector.broadcast %ge3A : i32 to vector<16xi32>
        %ge3A_83 = arith.cmpi sge, %sub3A_81, %ge3A_82 : vector<16xi32>
        %lt3A_84 = arith.constant 50000 : i32
        %lt3A_85 = vector.broadcast %lt3A_84 : i32 to vector<16xi32>
        %lt3A_86 = arith.cmpi slt, %sub3A_81, %lt3A_85 : vector<16xi32>
        %and3A = arith.andi %ge3A_83, %lt3A_86 : vector<16xi1>
        %jit3A_87 = arith.constant 50000 : i32
        %broadcast_in_dim3A = vector.broadcast %jit3A_87 : i32 to vector<16xi32>
        %select_n3A_88 = arith.select %and3A, %sub3A_81, %broadcast_in_dim3A : vector<16xi1>, vector<16xi32>
        %mul3A_89 = arith.constant 16 : i32
        %mul3A_90 = arith.muli %scan3A_73, %mul3A_89 : i32
        %swap3A = arith.constant 0 : i32
        %swap3A_91 = arith.index_cast %swap3A : i32 to index
        %swap3A_92 = arith.index_cast %mul3A_90 : i32 to index
        %swap3A_93 = tpu.vector_load %arg12[%swap3A_91, %swap3A_92] {strides = array<i32>} : memref<1x128xi32, #tpu.memory_space<vmem>>, vector<1x16xi32>,
        %swap3A_94 = vector.shape_cast %swap3A_93 : vector<1x16xi32> to vector<16xi32>
        %swap3A_95 = vector.shape_cast %select_n3A_88 : vector<16xi32> to vector<1x16xi32>
        tpu.vector_store %arg12[%swap3A_91, %swap3A_92], %swap3A_95 {strides = array<i32>} : memref<1x128xi32, #tpu.memory_space<vmem>>, vector<1x16xi32>,
        %mul3A_96 = arith.constant 16 : i32
        %mul3A_97 = arith.muli %scan3A_73, %mul3A_96 : i32
        %get3A_98 = arith.constant 0 : i32
        %get3A_99 = arith.index_cast %get3A_98 : i32 to index
        %get3A_100 = arith.index_cast %mul3A_97 : i32 to index
        %get3A_101 = tpu.vector_load %arg14[%get3A_99, %get3A_100] {strides = array<i32>} : memref<1x128xf32, #tpu.memory_space<vmem>>, vector<1x16xf32>,
        %get3A_102 = vector.shape_cast %get3A_101 : vector<1x16xf32> to vector<16xf32>
        %mul3A_103 = arith.constant 16 : i32
        %mul3A_104 = arith.muli %scan3A_73, %mul3A_103 : i32
        %add3A_105 = arith.constant 0 : i32
        %add3A_106 = arith.addi %mul3A_104, %add3A_105 : i32
        %slice3A = vector.extract_strided_slice %get3A_102 {offsets = [0], sizes = [1], strides = [1]} : vector<16xf32> to vector<1xf32>
        %squeeze3A = vector.extract %slice3A[0] : f32 from vector<1xf32>
        %get3A_107 = arith.index_cast %add3A_106 : i32 to index
        %get3A_108 = arith.constant 0 : index
        %get3A_109 = tpu.vector_load %arg15[%get3A_107, %get3A_108] {strides = array<i32>} : memref<128x32xf32, #tpu.memory_space<vmem>>, vector<1x16xf32>,
        %get3A_110 = vector.shape_cast %get3A_109 : vector<1x16xf32> to vector<16xf32>
        %mul3A_111 = vector.broadcast %squeeze3A : f32 to vector<16xf32>
        %mul3A_112 = arith.mulf %get3A_110, %mul3A_111 : vector<16xf32>
        %swap3A_113 = arith.index_cast %add3A_106 : i32 to index
        %swap3A_114 = arith.constant 0 : index
        %swap3A_115 = tpu.vector_load %arg15[%swap3A_113, %swap3A_114] {strides = array<i32>} : memref<128x32xf32, #tpu.memory_space<vmem>>, vector<1x16xf32>,
        %swap3A_116 = vector.shape_cast %swap3A_115 : vector<1x16xf32> to vector<16xf32>
        %swap3A_117 = vector.shape_cast %mul3A_112 : vector<16xf32> to vector<1x16xf32>
        tpu.vector_store %arg15[%swap3A_113, %swap3A_114], %swap3A_117 {strides = array<i32>} : memref<128x32xf32, #tpu.memory_space<vmem>>, vector<1x16xf32>,
        %get3A_118 = arith.index_cast %add3A_106 : i32 to index
        %get3A_119 = arith.constant 16 : index
        %get3A_120 = tpu.vector_load %arg15[%get3A_118, %get3A_119] {strides = array<i32>} : memref<128x32xf32, #tpu.memory_space<vmem>>, vector<1x16xf32>,
        %get3A_121 = vector.shape_cast %get3A_120 : vector<1x16xf32> to vector<16xf32>
        %mul3A_122 = vector.broadcast %squeeze3A : f32 to vector<16xf32>
        %mul3A_123 = arith.mulf %get3A_121, %mul3A_122 : vector<16xf32>
        %swap3A_124 = arith.index_cast %add3A_106 : i32 to index
        %swap3A_125 = arith.constant 16 : index
        %swap3A_126 = tpu.vector_load %arg15[%swap3A_124, %swap3A_125] {strides = array<i32>} : memref<128x32xf32, #tpu.memory_space<vmem>>, vector<1x16xf32>,
        %swap3A_127 = vector.shape_cast %swap3A_126 : vector<1x16xf32> to vector<16xf32>
        %swap3A_128 = vector.shape_cast %mul3A_123 : vector<16xf32> to vector<1x16xf32>
        tpu.vector_store %arg15[%swap3A_124, %swap3A_125], %swap3A_128 {strides = array<i32>} : memref<128x32xf32, #tpu.memory_space<vmem>>, vector<1x16xf32>,
        %mul3A_129 = arith.constant 16 : i32
        %mul3A_130 = arith.muli %scan3A_73, %mul3A_129 : i32
        %add3A_131 = arith.constant 1 : i32
        %add3A_132 = arith.addi %mul3A_130, %add3A_131 : i32
        %slice3A_133 = vector.extract_strided_slice %get3A_102 {offsets = [1], sizes = [1], strides = [1]} : vector<16xf32> to vector<1xf32>
        %squeeze3A_134 = vector.extract %slice3A_133[0] : f32 from vector<1xf32>
        %get3A_135 = arith.index_cast %add3A_132 : i32 to index
        %get3A_136 = arith.constant 0 : index
        %get3A_137 = tpu.vector_load %arg15[%get3A_135, %get3A_136] {strides = array<i32>} : memref<128x32xf32, #tpu.memory_space<vmem>>, vector<1x16xf32>,
        %get3A_138 = vector.shape_cast %get3A_137 : vector<1x16xf32> to vector<16xf32>
        %mul3A_139 = vector.broadcast %squeeze3A_134 : f32 to vector<16xf32>
        %mul3A_140 = arith.mulf %get3A_138, %mul3A_139 : vector<16xf32>
        %swap3A_141 = arith.index_cast %add3A_132 : i32 to index
        %swap3A_142 = arith.constant 0 : index
        %swap3A_143 = tpu.vector_load %arg15[%swap3A_141, %swap3A_142] {strides = array<i32>} : memref<128x32xf32, #tpu.memory_space<vmem>>, vector<1x16xf32>,
        %swap3A_144 = vector.shape_cast %swap3A_143 : vector<1x16xf32> to vector<16xf32>
        %swap3A_145 = vector.shape_cast %mul3A_140 : vector<16xf32> to vector<1x16xf32>
        tpu.vector_store %arg15[%swap3A_141, %swap3A_142], %swap3A_145 {strides = array<i32>} : memref<128x32xf32, #tpu.memory_space<vmem>>, vector<1x16xf32>,
        %get3A_146 = arith.index_cast %add3A_132 : i32 to index
        %get3A_147 = arith.constant 16 : index
        %get3A_148 = tpu.vector_load %arg15[%get3A_146, %get3A_147] {strides = array<i32>} : memref<128x32xf32, #tpu.memory_space<vmem>>, vector<1x16xf32>,
        %get3A_149 = vector.shape_cast %get3A_148 : vector<1x16xf32> to vector<16xf32>
        %mul3A_150 = vector.broadcast %squeeze3A_134 : f32 to vector<16xf32>
        %mul3A_151 = arith.mulf %get3A_149, %mul3A_150 : vector<16xf32>
        %swap3A_152 = arith.index_cast %add3A_132 : i32 to index
        %swap3A_153 = arith.constant 16 : index
        %swap3A_154 = tpu.vector_load %arg15[%swap3A_152, %swap3A_153] {strides = array<i32>} : memref<128x32xf32, #tpu.memory_space<vmem>>, vector<1x16xf32>,
        %swap3A_155 = vector.shape_cast %swap3A_154 : vector<1x16xf32> to vector<16xf32>
        %swap3A_156 = vector.shape_cast %mul3A_151 : vector<16xf32> to vector<1x16xf32>
        tpu.vector_store %arg15[%swap3A_152, %swap3A_153], %swap3A_156 {strides = array<i32>} : memref<128x32xf32, #tpu.memory_space<vmem>>, vector<1x16xf32>,
        %mul3A_157 = arith.constant 16 : i32
        %mul3A_158 = arith.muli %scan3A_73, %mul3A_157 : i32
        %add3A_159 = arith.constant 2 : i32
        %add3A_160 = arith.addi %mul3A_158, %add3A_159 : i32
        %slice3A_161 = vector.extract_strided_slice %get3A_102 {offsets = [2], sizes = [1], strides = [1]} : vector<16xf32> to vector<1xf32>
        %squeeze3A_162 = vector.extract %slice3A_161[0] : f32 from vector<1xf32>
        %get3A_163 = arith.index_cast %add3A_160 : i32 to index
        %get3A_164 = arith.constant 0 : index
        %get3A_165 = tpu.vector_load %arg15[%get3A_163, %get3A_164] {strides = array<i32>} : memref<128x32xf32, #tpu.memory_space<vmem>>, vector<1x16xf32>,
        %get3A_166 = vector.shape_cast %get3A_165 : vector<1x16xf32> to vector<16xf32>
        %mul3A_167 = vector.broadcast %squeeze3A_162 : f32 to vector<16xf32>
        %mul3A_168 = arith.mulf %get3A_166, %mul3A_167 : vector<16xf32>
        %swap3A_169 = arith.index_cast %add3A_160 : i32 to index
        %swap3A_170 = arith.constant 0 : index
        %swap3A_171 = tpu.vector_load %arg15[%swap3A_169, %swap3A_170] {strides = array<i32>} : memref<128x32xf32, #tpu.memory_space<vmem>>, vector<1x16xf32>,
        %swap3A_172 = vector.shape_cast %swap3A_171 : vector<1x16xf32> to vector<16xf32>
        %swap3A_173 = vector.shape_cast %mul3A_168 : vector<16xf32> to vector<1x16xf32>
        tpu.vector_store %arg15[%swap3A_169, %swap3A_170], %swap3A_173 {strides = array<i32>} : memref<128x32xf32, #tpu.memory_space<vmem>>, vector<1x16xf32>,
        %get3A_174 = arith.index_cast %add3A_160 : i32 to index
        %get3A_175 = arith.constant 16 : index
        %get3A_176 = tpu.vector_load %arg15[%get3A_174, %get3A_175] {strides = array<i32>} : memref<128x32xf32, #tpu.memory_space<vmem>>, vector<1x16xf32>,
        %get3A_177 = vector.shape_cast %get3A_176 : vector<1x16xf32> to vector<16xf32>
        %mul3A_178 = vector.broadcast %squeeze3A_162 : f32 to vector<16xf32>
        %mul3A_179 = arith.mulf %get3A_177, %mul3A_178 : vector<16xf32>
        %swap3A_180 = arith.index_cast %add3A_160 : i32 to index
        %swap3A_181 = arith.constant 16 : index
        %swap3A_182 = tpu.vector_load %arg15[%swap3A_180, %swap3A_181] {strides = array<i32>} : memref<128x32xf32, #tpu.memory_space<vmem>>, vector<1x16xf32>,
        %swap3A_183 = vector.shape_cast %swap3A_182 : vector<1x16xf32> to vector<16xf32>
        %swap3A_184 = vector.shape_cast %mul3A_179 : vector<16xf32> to vector<1x16xf32>
        tpu.vector_store %arg15[%swap3A_180, %swap3A_181], %swap3A_184 {strides = array<i32>} : memref<128x32xf32, #tpu.memory_space<vmem>>, vector<1x16xf32>,
        %mul3A_185 = arith.constant 16 : i32
        %mul3A_186 = arith.muli %scan3A_73, %mul3A_185 : i32
        %add3A_187 = arith.constant 3 : i32
        %add3A_188 = arith.addi %mul3A_186, %add3A_187 : i32
        %slice3A_189 = vector.extract_strided_slice %get3A_102 {offsets = [3], sizes = [1], strides = [1]} : vector<16xf32> to vector<1xf32>
        %squeeze3A_190 = vector.extract %slice3A_189[0] : f32 from vector<1xf32>
        %get3A_191 = arith.index_cast %add3A_188 : i32 to index
        %get3A_192 = arith.constant 0 : index
        %get3A_193 = tpu.vector_load %arg15[%get3A_191, %get3A_192] {strides = array<i32>} : memref<128x32xf32, #tpu.memory_space<vmem>>, vector<1x16xf32>,
        %get3A_194 = vector.shape_cast %get3A_193 : vector<1x16xf32> to vector<16xf32>
        %mul3A_195 = vector.broadcast %squeeze3A_190 : f32 to vector<16xf32>
        %mul3A_196 = arith.mulf %get3A_194, %mul3A_195 : vector<16xf32>
        %swap3A_197 = arith.index_cast %add3A_188 : i32 to index
        %swap3A_198 = arith.constant 0 : index
        %swap3A_199 = tpu.vector_load %arg15[%swap3A_197, %swap3A_198] {strides = array<i32>} : memref<128x32xf32, #tpu.memory_space<vmem>>, vector<1x16xf32>,
        %swap3A_200 = vector.shape_cast %swap3A_199 : vector<1x16xf32> to vector<16xf32>
        %swap3A_201 = vector.shape_cast %mul3A_196 : vector<16xf32> to vector<1x16xf32>
        tpu.vector_store %arg15[%swap3A_197, %swap3A_198], %swap3A_201 {strides = array<i32>} : memref<128x32xf32, #tpu.memory_space<vmem>>, vector<1x16xf32>,
        %get3A_202 = arith.index_cast %add3A_188 : i32 to index
        %get3A_203 = arith.constant 16 : index
        %get3A_204 = tpu.vector_load %arg15[%get3A_202, %get3A_203] {strides = array<i32>} : memref<128x32xf32, #tpu.memory_space<vmem>>, vector<1x16xf32>,
        %get3A_205 = vector.shape_cast %get3A_204 : vector<1x16xf32> to vector<16xf32>
        %mul3A_206 = vector.broadcast %squeeze3A_190 : f32 to vector<16xf32>
        %mul3A_207 = arith.mulf %get3A_205, %mul3A_206 : vector<16xf32>
        %swap3A_208 = arith.index_cast %add3A_188 : i32 to index
        %swap3A_209 = arith.constant 16 : index
        %swap3A_210 = tpu.vector_load %arg15[%swap3A_208, %swap3A_209] {strides = array<i32>} : memref<128x32xf32, #tpu.memory_space<vmem>>, vector<1x16xf32>,
        %swap3A_211 = vector.shape_cast %swap3A_210 : vector<1x16xf32> to vector<16xf32>
        %swap3A_212 = vector.shape_cast %mul3A_207 : vector<16xf32> to vector<1x16xf32>
        tpu.vector_store %arg15[%swap3A_208, %swap3A_209], %swap3A_212 {strides = array<i32>} : memref<128x32xf32, #tpu.memory_space<vmem>>, vector<1x16xf32>,
        %mul3A_213 = arith.constant 16 : i32
        %mul3A_214 = arith.muli %scan3A_73, %mul3A_213 : i32
        %add3A_215 = arith.constant 4 : i32
        %add3A_216 = arith.addi %mul3A_214, %add3A_215 : i32
        %slice3A_217 = vector.extract_strided_slice %get3A_102 {offsets = [4], sizes = [1], strides = [1]} : vector<16xf32> to vector<1xf32>
        %squeeze3A_218 = vector.extract %slice3A_217[0] : f32 from vector<1xf32>
        %get3A_219 = arith.index_cast %add3A_216 : i32 to index
        %get3A_220 = arith.constant 0 : index
        %get3A_221 = tpu.vector_load %arg15[%get3A_219, %get3A_220] {strides = array<i32>} : memref<128x32xf32, #tpu.memory_space<vmem>>, vector<1x16xf32>,
        %get3A_222 = vector.shape_cast %get3A_221 : vector<1x16xf32> to vector<16xf32>
        %mul3A_223 = vector.broadcast %squeeze3A_218 : f32 to vector<16xf32>
        %mul3A_224 = arith.mulf %get3A_222, %mul3A_223 : vector<16xf32>
        %swap3A_225 = arith.index_cast %add3A_216 : i32 to index
        %swap3A_226 = arith.constant 0 : index
        %swap3A_227 = tpu.vector_load %arg15[%swap3A_225, %swap3A_226] {strides = array<i32>} : memref<128x32xf32, #tpu.memory_space<vmem>>, vector<1x16xf32>,
        %swap3A_228 = vector.shape_cast %swap3A_227 : vector<1x16xf32> to vector<16xf32>
        %swap3A_229 = vector.shape_cast %mul3A_224 : vector<16xf32> to vector<1x16xf32>
        tpu.vector_store %arg15[%swap3A_225, %swap3A_226], %swap3A_229 {strides = array<i32>} : memref<128x32xf32, #tpu.memory_space<vmem>>, vector<1x16xf32>,
        %get3A_230 = arith.index_cast %add3A_216 : i32 to index
        %get3A_231 = arith.constant 16 : index
        %get3A_232 = tpu.vector_load %arg15[%get3A_230, %get3A_231] {strides = array<i32>} : memref<128x32xf32, #tpu.memory_space<vmem>>, vector<1x16xf32>,
        %get3A_233 = vector.shape_cast %get3A_232 : vector<1x16xf32> to vector<16xf32>
        %mul3A_234 = vector.broadcast %squeeze3A_218 : f32 to vector<16xf32>
        %mul3A_235 = arith.mulf %get3A_233, %mul3A_234 : vector<16xf32>
        %swap3A_236 = arith.index_cast %add3A_216 : i32 to index
        %swap3A_237 = arith.constant 16 : index
        %swap3A_238 = tpu.vector_load %arg15[%swap3A_236, %swap3A_237] {strides = array<i32>} : memref<128x32xf32, #tpu.memory_space<vmem>>, vector<1x16xf32>,
        %swap3A_239 = vector.shape_cast %swap3A_238 : vector<1x16xf32> to vector<16xf32>
        %swap3A_240 = vector.shape_cast %mul3A_235 : vector<16xf32> to vector<1x16xf32>
        tpu.vector_store %arg15[%swap3A_236, %swap3A_237], %swap3A_240 {strides = array<i32>} : memref<128x32xf32, #tpu.memory_space<vmem>>, vector<1x16xf32>,
        %mul3A_241 = arith.constant 16 : i32
        %mul3A_242 = arith.muli %scan3A_73, %mul3A_241 : i32
        %add3A_243 = arith.constant 5 : i32
        %add3A_244 = arith.addi %mul3A_242, %add3A_243 : i32
        %slice3A_245 = vector.extract_strided_slice %get3A_102 {offsets = [5], sizes = [1], strides = [1]} : vector<16xf32> to vector<1xf32>
        %squeeze3A_246 = vector.extract %slice3A_245[0] : f32 from vector<1xf32>
        %get3A_247 = arith.index_cast %add3A_244 : i32 to index
        %get3A_248 = arith.constant 0 : index
        %get3A_249 = tpu.vector_load %arg15[%get3A_247, %get3A_248] {strides = array<i32>} : memref<128x32xf32, #tpu.memory_space<vmem>>, vector<1x16xf32>,
        %get3A_250 = vector.shape_cast %get3A_249 : vector<1x16xf32> to vector<16xf32>
        %mul3A_251 = vector.broadcast %squeeze3A_246 : f32 to vector<16xf32>
        %mul3A_252 = arith.mulf %get3A_250, %mul3A_251 : vector<16xf32>
        %swap3A_253 = arith.index_cast %add3A_244 : i32 to index
        %swap3A_254 = arith.constant 0 : index
        %swap3A_255 = tpu.vector_load %arg15[%swap3A_253, %swap3A_254] {strides = array<i32>} : memref<128x32xf32, #tpu.memory_space<vmem>>, vector<1x16xf32>,
        %swap3A_256 = vector.shape_cast %swap3A_255 : vector<1x16xf32> to vector<16xf32>
        %swap3A_257 = vector.shape_cast %mul3A_252 : vector<16xf32> to vector<1x16xf32>
        tpu.vector_store %arg15[%swap3A_253, %swap3A_254], %swap3A_257 {strides = array<i32>} : memref<128x32xf32, #tpu.memory_space<vmem>>, vector<1x16xf32>,
        %get3A_258 = arith.index_cast %add3A_244 : i32 to index
        %get3A_259 = arith.constant 16 : index
        %get3A_260 = tpu.vector_load %arg15[%get3A_258, %get3A_259] {strides = array<i32>} : memref<128x32xf32, #tpu.memory_space<vmem>>, vector<1x16xf32>,
        %get3A_261 = vector.shape_cast %get3A_260 : vector<1x16xf32> to vector<16xf32>
        %mul3A_262 = vector.broadcast %squeeze3A_246 : f32 to vector<16xf32>
        %mul3A_263 = arith.mulf %get3A_261, %mul3A_262 : vector<16xf32>
        %swap3A_264 = arith.index_cast %add3A_244 : i32 to index
        %swap3A_265 = arith.constant 16 : index
        %swap3A_266 = tpu.vector_load %arg15[%swap3A_264, %swap3A_265] {strides = array<i32>} : memref<128x32xf32, #tpu.memory_space<vmem>>, vector<1x16xf32>,
        %swap3A_267 = vector.shape_cast %swap3A_266 : vector<1x16xf32> to vector<16xf32>
        %swap3A_268 = vector.shape_cast %mul3A_263 : vector<16xf32> to vector<1x16xf32>
        tpu.vector_store %arg15[%swap3A_264, %swap3A_265], %swap3A_268 {strides = array<i32>} : memref<128x32xf32, #tpu.memory_space<vmem>>, vector<1x16xf32>,
        %mul3A_269 = arith.constant 16 : i32
        %mul3A_270 = arith.muli %scan3A_73, %mul3A_269 : i32
        %add3A_271 = arith.constant 6 : i32
        %add3A_272 = arith.addi %mul3A_270, %add3A_271 : i32
        %slice3A_273 = vector.extract_strided_slice %get3A_102 {offsets = [6], sizes = [1], strides = [1]} : vector<16xf32> to vector<1xf32>
        %squeeze3A_274 = vector.extract %slice3A_273[0] : f32 from vector<1xf32>
        %get3A_275 = arith.index_cast %add3A_272 : i32 to index
        %get3A_276 = arith.constant 0 : index
        %get3A_277 = tpu.vector_load %arg15[%get3A_275, %get3A_276] {strides = array<i32>} : memref<128x32xf32, #tpu.memory_space<vmem>>, vector<1x16xf32>,
        %get3A_278 = vector.shape_cast %get3A_277 : vector<1x16xf32> to vector<16xf32>
        %mul3A_279 = vector.broadcast %squeeze3A_274 : f32 to vector<16xf32>
        %mul3A_280 = arith.mulf %get3A_278, %mul3A_279 : vector<16xf32>
        %swap3A_281 = arith.index_cast %add3A_272 : i32 to index
        %swap3A_282 = arith.constant 0 : index
        %swap3A_283 = tpu.vector_load %arg15[%swap3A_281, %swap3A_282] {strides = array<i32>} : memref<128x32xf32, #tpu.memory_space<vmem>>, vector<1x16xf32>,
        %swap3A_284 = vector.shape_cast %swap3A_283 : vector<1x16xf32> to vector<16xf32>
        %swap3A_285 = vector.shape_cast %mul3A_280 : vector<16xf32> to vector<1x16xf32>
        tpu.vector_store %arg15[%swap3A_281, %swap3A_282], %swap3A_285 {strides = array<i32>} : memref<128x32xf32, #tpu.memory_space<vmem>>, vector<1x16xf32>,
        %get3A_286 = arith.index_cast %add3A_272 : i32 to index
        %get3A_287 = arith.constant 16 : index
        %get3A_288 = tpu.vector_load %arg15[%get3A_286, %get3A_287] {strides = array<i32>} : memref<128x32xf32, #tpu.memory_space<vmem>>, vector<1x16xf32>,
        %get3A_289 = vector.shape_cast %get3A_288 : vector<1x16xf32> to vector<16xf32>
        %mul3A_290 = vector.broadcast %squeeze3A_274 : f32 to vector<16xf32>
        %mul3A_291 = arith.mulf %get3A_289, %mul3A_290 : vector<16xf32>
        %swap3A_292 = arith.index_cast %add3A_272 : i32 to index
        %swap3A_293 = arith.constant 16 : index
        %swap3A_294 = tpu.vector_load %arg15[%swap3A_292, %swap3A_293] {strides = array<i32>} : memref<128x32xf32, #tpu.memory_space<vmem>>, vector<1x16xf32>,
        %swap3A_295 = vector.shape_cast %swap3A_294 : vector<1x16xf32> to vector<16xf32>
        %swap3A_296 = vector.shape_cast %mul3A_291 : vector<16xf32> to vector<1x16xf32>
        tpu.vector_store %arg15[%swap3A_292, %swap3A_293], %swap3A_296 {strides = array<i32>} : memref<128x32xf32, #tpu.memory_space<vmem>>, vector<1x16xf32>,
        %mul3A_297 = arith.constant 16 : i32
        %mul3A_298 = arith.muli %scan3A_73, %mul3A_297 : i32
        %add3A_299 = arith.constant 7 : i32
        %add3A_300 = arith.addi %mul3A_298, %add3A_299 : i32
        %slice3A_301 = vector.extract_strided_slice %get3A_102 {offsets = [7], sizes = [1], strides = [1]} : vector<16xf32> to vector<1xf32>
        %squeeze3A_302 = vector.extract %slice3A_301[0] : f32 from vector<1xf32>
        %get3A_303 = arith.index_cast %add3A_300 : i32 to index
        %get3A_304 = arith.constant 0 : index
        %get3A_305 = tpu.vector_load %arg15[%get3A_303, %get3A_304] {strides = array<i32>} : memref<128x32xf32, #tpu.memory_space<vmem>>, vector<1x16xf32>,
        %get3A_306 = vector.shape_cast %get3A_305 : vector<1x16xf32> to vector<16xf32>
        %mul3A_307 = vector.broadcast %squeeze3A_302 : f32 to vector<16xf32>
        %mul3A_308 = arith.mulf %get3A_306, %mul3A_307 : vector<16xf32>
        %swap3A_309 = arith.index_cast %add3A_300 : i32 to index
        %swap3A_310 = arith.constant 0 : index
        %swap3A_311 = tpu.vector_load %arg15[%swap3A_309, %swap3A_310] {strides = array<i32>} : memref<128x32xf32, #tpu.memory_space<vmem>>, vector<1x16xf32>,
        %swap3A_312 = vector.shape_cast %swap3A_311 : vector<1x16xf32> to vector<16xf32>
        %swap3A_313 = vector.shape_cast %mul3A_308 : vector<16xf32> to vector<1x16xf32>
        tpu.vector_store %arg15[%swap3A_309, %swap3A_310], %swap3A_313 {strides = array<i32>} : memref<128x32xf32, #tpu.memory_space<vmem>>, vector<1x16xf32>,
        %get3A_314 = arith.index_cast %add3A_300 : i32 to index
        %get3A_315 = arith.constant 16 : index
        %get3A_316 = tpu.vector_load %arg15[%get3A_314, %get3A_315] {strides = array<i32>} : memref<128x32xf32, #tpu.memory_space<vmem>>, vector<1x16xf32>,
        %get3A_317 = vector.shape_cast %get3A_316 : vector<1x16xf32> to vector<16xf32>
        %mul3A_318 = vector.broadcast %squeeze3A_302 : f32 to vector<16xf32>
        %mul3A_319 = arith.mulf %get3A_317, %mul3A_318 : vector<16xf32>
        %swap3A_320 = arith.index_cast %add3A_300 : i32 to index
        %swap3A_321 = arith.constant 16 : index
        %swap3A_322 = tpu.vector_load %arg15[%swap3A_320, %swap3A_321] {strides = array<i32>} : memref<128x32xf32, #tpu.memory_space<vmem>>, vector<1x16xf32>,
        %swap3A_323 = vector.shape_cast %swap3A_322 : vector<1x16xf32> to vector<16xf32>
        %swap3A_324 = vector.shape_cast %mul3A_319 : vector<16xf32> to vector<1x16xf32>
        tpu.vector_store %arg15[%swap3A_320, %swap3A_321], %swap3A_324 {strides = array<i32>} : memref<128x32xf32, #tpu.memory_space<vmem>>, vector<1x16xf32>,
        %mul3A_325 = arith.constant 16 : i32
        %mul3A_326 = arith.muli %scan3A_73, %mul3A_325 : i32
        %add3A_327 = arith.constant 8 : i32
        %add3A_328 = arith.addi %mul3A_326, %add3A_327 : i32
        %slice3A_329 = vector.extract_strided_slice %get3A_102 {offsets = [8], sizes = [1], strides = [1]} : vector<16xf32> to vector<1xf32>
        %squeeze3A_330 = vector.extract %slice3A_329[0] : f32 from vector<1xf32>
        %get3A_331 = arith.index_cast %add3A_328 : i32 to index
        %get3A_332 = arith.constant 0 : index
        %get3A_333 = tpu.vector_load %arg15[%get3A_331, %get3A_332] {strides = array<i32>} : memref<128x32xf32, #tpu.memory_space<vmem>>, vector<1x16xf32>,
        %get3A_334 = vector.shape_cast %get3A_333 : vector<1x16xf32> to vector<16xf32>
        %mul3A_335 = vector.broadcast %squeeze3A_330 : f32 to vector<16xf32>
        %mul3A_336 = arith.mulf %get3A_334, %mul3A_335 : vector<16xf32>
        %swap3A_337 = arith.index_cast %add3A_328 : i32 to index
        %swap3A_338 = arith.constant 0 : index
        %swap3A_339 = tpu.vector_load %arg15[%swap3A_337, %swap3A_338] {strides = array<i32>} : memref<128x32xf32, #tpu.memory_space<vmem>>, vector<1x16xf32>,
        %swap3A_340 = vector.shape_cast %swap3A_339 : vector<1x16xf32> to vector<16xf32>
        %swap3A_341 = vector.shape_cast %mul3A_336 : vector<16xf32> to vector<1x16xf32>
        tpu.vector_store %arg15[%swap3A_337, %swap3A_338], %swap3A_341 {strides = array<i32>} : memref<128x32xf32, #tpu.memory_space<vmem>>, vector<1x16xf32>,
        %get3A_342 = arith.index_cast %add3A_328 : i32 to index
        %get3A_343 = arith.constant 16 : index
        %get3A_344 = tpu.vector_load %arg15[%get3A_342, %get3A_343] {strides = array<i32>} : memref<128x32xf32, #tpu.memory_space<vmem>>, vector<1x16xf32>,
        %get3A_345 = vector.shape_cast %get3A_344 : vector<1x16xf32> to vector<16xf32>
        %mul3A_346 = vector.broadcast %squeeze3A_330 : f32 to vector<16xf32>
        %mul3A_347 = arith.mulf %get3A_345, %mul3A_346 : vector<16xf32>
        %swap3A_348 = arith.index_cast %add3A_328 : i32 to index
        %swap3A_349 = arith.constant 16 : index
        %swap3A_350 = tpu.vector_load %arg15[%swap3A_348, %swap3A_349] {strides = array<i32>} : memref<128x32xf32, #tpu.memory_space<vmem>>, vector<1x16xf32>,
        %swap3A_351 = vector.shape_cast %swap3A_350 : vector<1x16xf32> to vector<16xf32>
        %swap3A_352 = vector.shape_cast %mul3A_347 : vector<16xf32> to vector<1x16xf32>
        tpu.vector_store %arg15[%swap3A_348, %swap3A_349], %swap3A_352 {strides = array<i32>} : memref<128x32xf32, #tpu.memory_space<vmem>>, vector<1x16xf32>,
        %mul3A_353 = arith.constant 16 : i32
        %mul3A_354 = arith.muli %scan3A_73, %mul3A_353 : i32
        %add3A_355 = arith.constant 9 : i32
        %add3A_356 = arith.addi %mul3A_354, %add3A_355 : i32
        %slice3A_357 = vector.extract_strided_slice %get3A_102 {offsets = [9], sizes = [1], strides = [1]} : vector<16xf32> to vector<1xf32>
        %squeeze3A_358 = vector.extract %slice3A_357[0] : f32 from vector<1xf32>
        %get3A_359 = arith.index_cast %add3A_356 : i32 to index
        %get3A_360 = arith.constant 0 : index
        %get3A_361 = tpu.vector_load %arg15[%get3A_359, %get3A_360] {strides = array<i32>} : memref<128x32xf32, #tpu.memory_space<vmem>>, vector<1x16xf32>,
        %get3A_362 = vector.shape_cast %get3A_361 : vector<1x16xf32> to vector<16xf32>
        %mul3A_363 = vector.broadcast %squeeze3A_358 : f32 to vector<16xf32>
        %mul3A_364 = arith.mulf %get3A_362, %mul3A_363 : vector<16xf32>
        %swap3A_365 = arith.index_cast %add3A_356 : i32 to index
        %swap3A_366 = arith.constant 0 : index
        %swap3A_367 = tpu.vector_load %arg15[%swap3A_365, %swap3A_366] {strides = array<i32>} : memref<128x32xf32, #tpu.memory_space<vmem>>, vector<1x16xf32>,
        %swap3A_368 = vector.shape_cast %swap3A_367 : vector<1x16xf32> to vector<16xf32>
        %swap3A_369 = vector.shape_cast %mul3A_364 : vector<16xf32> to vector<1x16xf32>
        tpu.vector_store %arg15[%swap3A_365, %swap3A_366], %swap3A_369 {strides = array<i32>} : memref<128x32xf32, #tpu.memory_space<vmem>>, vector<1x16xf32>,
        %get3A_370 = arith.index_cast %add3A_356 : i32 to index
        %get3A_371 = arith.constant 16 : index
        %get3A_372 = tpu.vector_load %arg15[%get3A_370, %get3A_371] {strides = array<i32>} : memref<128x32xf32, #tpu.memory_space<vmem>>, vector<1x16xf32>,
        %get3A_373 = vector.shape_cast %get3A_372 : vector<1x16xf32> to vector<16xf32>
        %mul3A_374 = vector.broadcast %squeeze3A_358 : f32 to vector<16xf32>
        %mul3A_375 = arith.mulf %get3A_373, %mul3A_374 : vector<16xf32>
        %swap3A_376 = arith.index_cast %add3A_356 : i32 to index
        %swap3A_377 = arith.constant 16 : index
        %swap3A_378 = tpu.vector_load %arg15[%swap3A_376, %swap3A_377] {strides = array<i32>} : memref<128x32xf32, #tpu.memory_space<vmem>>, vector<1x16xf32>,
        %swap3A_379 = vector.shape_cast %swap3A_378 : vector<1x16xf32> to vector<16xf32>
        %swap3A_380 = vector.shape_cast %mul3A_375 : vector<16xf32> to vector<1x16xf32>
        tpu.vector_store %arg15[%swap3A_376, %swap3A_377], %swap3A_380 {strides = array<i32>} : memref<128x32xf32, #tpu.memory_space<vmem>>, vector<1x16xf32>,
        %mul3A_381 = arith.constant 16 : i32
        %mul3A_382 = arith.muli %scan3A_73, %mul3A_381 : i32
        %add3A_383 = arith.constant 10 : i32
        %add3A_384 = arith.addi %mul3A_382, %add3A_383 : i32
        %slice3A_385 = vector.extract_strided_slice %get3A_102 {offsets = [10], sizes = [1], strides = [1]} : vector<16xf32> to vector<1xf32>
        %squeeze3A_386 = vector.extract %slice3A_385[0] : f32 from vector<1xf32>
        %get3A_387 = arith.index_cast %add3A_384 : i32 to index
        %get3A_388 = arith.constant 0 : index
        %get3A_389 = tpu.vector_load %arg15[%get3A_387, %get3A_388] {strides = array<i32>} : memref<128x32xf32, #tpu.memory_space<vmem>>, vector<1x16xf32>,
        %get3A_390 = vector.shape_cast %get3A_389 : vector<1x16xf32> to vector<16xf32>
        %mul3A_391 = vector.broadcast %squeeze3A_386 : f32 to vector<16xf32>
        %mul3A_392 = arith.mulf %get3A_390, %mul3A_391 : vector<16xf32>
        %swap3A_393 = arith.index_cast %add3A_384 : i32 to index
        %swap3A_394 = arith.constant 0 : index
        %swap3A_395 = tpu.vector_load %arg15[%swap3A_393, %swap3A_394] {strides = array<i32>} : memref<128x32xf32, #tpu.memory_space<vmem>>, vector<1x16xf32>,
        %swap3A_396 = vector.shape_cast %swap3A_395 : vector<1x16xf32> to vector<16xf32>
        %swap3A_397 = vector.shape_cast %mul3A_392 : vector<16xf32> to vector<1x16xf32>
        tpu.vector_store %arg15[%swap3A_393, %swap3A_394], %swap3A_397 {strides = array<i32>} : memref<128x32xf32, #tpu.memory_space<vmem>>, vector<1x16xf32>,
        %get3A_398 = arith.index_cast %add3A_384 : i32 to index
        %get3A_399 = arith.constant 16 : index
        %get3A_400 = tpu.vector_load %arg15[%get3A_398, %get3A_399] {strides = array<i32>} : memref<128x32xf32, #tpu.memory_space<vmem>>, vector<1x16xf32>,
        %get3A_401 = vector.shape_cast %get3A_400 : vector<1x16xf32> to vector<16xf32>
        %mul3A_402 = vector.broadcast %squeeze3A_386 : f32 to vector<16xf32>
        %mul3A_403 = arith.mulf %get3A_401, %mul3A_402 : vector<16xf32>
        %swap3A_404 = arith.index_cast %add3A_384 : i32 to index
        %swap3A_405 = arith.constant 16 : index
        %swap3A_406 = tpu.vector_load %arg15[%swap3A_404, %swap3A_405] {strides = array<i32>} : memref<128x32xf32, #tpu.memory_space<vmem>>, vector<1x16xf32>,
        %swap3A_407 = vector.shape_cast %swap3A_406 : vector<1x16xf32> to vector<16xf32>
        %swap3A_408 = vector.shape_cast %mul3A_403 : vector<16xf32> to vector<1x16xf32>
        tpu.vector_store %arg15[%swap3A_404, %swap3A_405], %swap3A_408 {strides = array<i32>} : memref<128x32xf32, #tpu.memory_space<vmem>>, vector<1x16xf32>,
        %mul3A_409 = arith.constant 16 : i32
        %mul3A_410 = arith.muli %scan3A_73, %mul3A_409 : i32
        %add3A_411 = arith.constant 11 : i32
        %add3A_412 = arith.addi %mul3A_410, %add3A_411 : i32
        %slice3A_413 = vector.extract_strided_slice %get3A_102 {offsets = [11], sizes = [1], strides = [1]} : vector<16xf32> to vector<1xf32>
        %squeeze3A_414 = vector.extract %slice3A_413[0] : f32 from vector<1xf32>
        %get3A_415 = arith.index_cast %add3A_412 : i32 to index
        %get3A_416 = arith.constant 0 : index
        %get3A_417 = tpu.vector_load %arg15[%get3A_415, %get3A_416] {strides = array<i32>} : memref<128x32xf32, #tpu.memory_space<vmem>>, vector<1x16xf32>,
        %get3A_418 = vector.shape_cast %get3A_417 : vector<1x16xf32> to vector<16xf32>
        %mul3A_419 = vector.broadcast %squeeze3A_414 : f32 to vector<16xf32>
        %mul3A_420 = arith.mulf %get3A_418, %mul3A_419 : vector<16xf32>
        %swap3A_421 = arith.index_cast %add3A_412 : i32 to index
        %swap3A_422 = arith.constant 0 : index
        %swap3A_423 = tpu.vector_load %arg15[%swap3A_421, %swap3A_422] {strides = array<i32>} : memref<128x32xf32, #tpu.memory_space<vmem>>, vector<1x16xf32>,
        %swap3A_424 = vector.shape_cast %swap3A_423 : vector<1x16xf32> to vector<16xf32>
        %swap3A_425 = vector.shape_cast %mul3A_420 : vector<16xf32> to vector<1x16xf32>
        tpu.vector_store %arg15[%swap3A_421, %swap3A_422], %swap3A_425 {strides = array<i32>} : memref<128x32xf32, #tpu.memory_space<vmem>>, vector<1x16xf32>,
        %get3A_426 = arith.index_cast %add3A_412 : i32 to index
        %get3A_427 = arith.constant 16 : index
        %get3A_428 = tpu.vector_load %arg15[%get3A_426, %get3A_427] {strides = array<i32>} : memref<128x32xf32, #tpu.memory_space<vmem>>, vector<1x16xf32>,
        %get3A_429 = vector.shape_cast %get3A_428 : vector<1x16xf32> to vector<16xf32>
        %mul3A_430 = vector.broadcast %squeeze3A_414 : f32 to vector<16xf32>
        %mul3A_431 = arith.mulf %get3A_429, %mul3A_430 : vector<16xf32>
        %swap3A_432 = arith.index_cast %add3A_412 : i32 to index
        %swap3A_433 = arith.constant 16 : index
        %swap3A_434 = tpu.vector_load %arg15[%swap3A_432, %swap3A_433] {strides = array<i32>} : memref<128x32xf32, #tpu.memory_space<vmem>>, vector<1x16xf32>,
        %swap3A_435 = vector.shape_cast %swap3A_434 : vector<1x16xf32> to vector<16xf32>
        %swap3A_436 = vector.shape_cast %mul3A_431 : vector<16xf32> to vector<1x16xf32>
        tpu.vector_store %arg15[%swap3A_432, %swap3A_433], %swap3A_436 {strides = array<i32>} : memref<128x32xf32, #tpu.memory_space<vmem>>, vector<1x16xf32>,
        %mul3A_437 = arith.constant 16 : i32
        %mul3A_438 = arith.muli %scan3A_73, %mul3A_437 : i32
        %add3A_439 = arith.constant 12 : i32
        %add3A_440 = arith.addi %mul3A_438, %add3A_439 : i32
        %slice3A_441 = vector.extract_strided_slice %get3A_102 {offsets = [12], sizes = [1], strides = [1]} : vector<16xf32> to vector<1xf32>
        %squeeze3A_442 = vector.extract %slice3A_441[0] : f32 from vector<1xf32>
        %get3A_443 = arith.index_cast %add3A_440 : i32 to index
        %get3A_444 = arith.constant 0 : index
        %get3A_445 = tpu.vector_load %arg15[%get3A_443, %get3A_444] {strides = array<i32>} : memref<128x32xf32, #tpu.memory_space<vmem>>, vector<1x16xf32>,
        %get3A_446 = vector.shape_cast %get3A_445 : vector<1x16xf32> to vector<16xf32>
        %mul3A_447 = vector.broadcast %squeeze3A_442 : f32 to vector<16xf32>
        %mul3A_448 = arith.mulf %get3A_446, %mul3A_447 : vector<16xf32>
        %swap3A_449 = arith.index_cast %add3A_440 : i32 to index
        %swap3A_450 = arith.constant 0 : index
        %swap3A_451 = tpu.vector_load %arg15[%swap3A_449, %swap3A_450] {strides = array<i32>} : memref<128x32xf32, #tpu.memory_space<vmem>>, vector<1x16xf32>,
        %swap3A_452 = vector.shape_cast %swap3A_451 : vector<1x16xf32> to vector<16xf32>
        %swap3A_453 = vector.shape_cast %mul3A_448 : vector<16xf32> to vector<1x16xf32>
        tpu.vector_store %arg15[%swap3A_449, %swap3A_450], %swap3A_453 {strides = array<i32>} : memref<128x32xf32, #tpu.memory_space<vmem>>, vector<1x16xf32>,
        %get3A_454 = arith.index_cast %add3A_440 : i32 to index
        %get3A_455 = arith.constant 16 : index
        %get3A_456 = tpu.vector_load %arg15[%get3A_454, %get3A_455] {strides = array<i32>} : memref<128x32xf32, #tpu.memory_space<vmem>>, vector<1x16xf32>,
        %get3A_457 = vector.shape_cast %get3A_456 : vector<1x16xf32> to vector<16xf32>
        %mul3A_458 = vector.broadcast %squeeze3A_442 : f32 to vector<16xf32>
        %mul3A_459 = arith.mulf %get3A_457, %mul3A_458 : vector<16xf32>
        %swap3A_460 = arith.index_cast %add3A_440 : i32 to index
        %swap3A_461 = arith.constant 16 : index
        %swap3A_462 = tpu.vector_load %arg15[%swap3A_460, %swap3A_461] {strides = array<i32>} : memref<128x32xf32, #tpu.memory_space<vmem>>, vector<1x16xf32>,
        %swap3A_463 = vector.shape_cast %swap3A_462 : vector<1x16xf32> to vector<16xf32>
        %swap3A_464 = vector.shape_cast %mul3A_459 : vector<16xf32> to vector<1x16xf32>
        tpu.vector_store %arg15[%swap3A_460, %swap3A_461], %swap3A_464 {strides = array<i32>} : memref<128x32xf32, #tpu.memory_space<vmem>>, vector<1x16xf32>,
        %mul3A_465 = arith.constant 16 : i32
        %mul3A_466 = arith.muli %scan3A_73, %mul3A_465 : i32
        %add3A_467 = arith.constant 13 : i32
        %add3A_468 = arith.addi %mul3A_466, %add3A_467 : i32
        %slice3A_469 = vector.extract_strided_slice %get3A_102 {offsets = [13], sizes = [1], strides = [1]} : vector<16xf32> to vector<1xf32>
        %squeeze3A_470 = vector.extract %slice3A_469[0] : f32 from vector<1xf32>
        %get3A_471 = arith.index_cast %add3A_468 : i32 to index
        %get3A_472 = arith.constant 0 : index
        %get3A_473 = tpu.vector_load %arg15[%get3A_471, %get3A_472] {strides = array<i32>} : memref<128x32xf32, #tpu.memory_space<vmem>>, vector<1x16xf32>,
        %get3A_474 = vector.shape_cast %get3A_473 : vector<1x16xf32> to vector<16xf32>
        %mul3A_475 = vector.broadcast %squeeze3A_470 : f32 to vector<16xf32>
        %mul3A_476 = arith.mulf %get3A_474, %mul3A_475 : vector<16xf32>
        %swap3A_477 = arith.index_cast %add3A_468 : i32 to index
        %swap3A_478 = arith.constant 0 : index
        %swap3A_479 = tpu.vector_load %arg15[%swap3A_477, %swap3A_478] {strides = array<i32>} : memref<128x32xf32, #tpu.memory_space<vmem>>, vector<1x16xf32>,
        %swap3A_480 = vector.shape_cast %swap3A_479 : vector<1x16xf32> to vector<16xf32>
        %swap3A_481 = vector.shape_cast %mul3A_476 : vector<16xf32> to vector<1x16xf32>
        tpu.vector_store %arg15[%swap3A_477, %swap3A_478], %swap3A_481 {strides = array<i32>} : memref<128x32xf32, #tpu.memory_space<vmem>>, vector<1x16xf32>,
        %get3A_482 = arith.index_cast %add3A_468 : i32 to index
        %get3A_483 = arith.constant 16 : index
        %get3A_484 = tpu.vector_load %arg15[%get3A_482, %get3A_483] {strides = array<i32>} : memref<128x32xf32, #tpu.memory_space<vmem>>, vector<1x16xf32>,
        %get3A_485 = vector.shape_cast %get3A_484 : vector<1x16xf32> to vector<16xf32>
        %mul3A_486 = vector.broadcast %squeeze3A_470 : f32 to vector<16xf32>
        %mul3A_487 = arith.mulf %get3A_485, %mul3A_486 : vector<16xf32>
        %swap3A_488 = arith.index_cast %add3A_468 : i32 to index
        %swap3A_489 = arith.constant 16 : index
        %swap3A_490 = tpu.vector_load %arg15[%swap3A_488, %swap3A_489] {strides = array<i32>} : memref<128x32xf32, #tpu.memory_space<vmem>>, vector<1x16xf32>,
        %swap3A_491 = vector.shape_cast %swap3A_490 : vector<1x16xf32> to vector<16xf32>
        %swap3A_492 = vector.shape_cast %mul3A_487 : vector<16xf32> to vector<1x16xf32>
        tpu.vector_store %arg15[%swap3A_488, %swap3A_489], %swap3A_492 {strides = array<i32>} : memref<128x32xf32, #tpu.memory_space<vmem>>, vector<1x16xf32>,
        %mul3A_493 = arith.constant 16 : i32
        %mul3A_494 = arith.muli %scan3A_73, %mul3A_493 : i32
        %add3A_495 = arith.constant 14 : i32
        %add3A_496 = arith.addi %mul3A_494, %add3A_495 : i32
        %slice3A_497 = vector.extract_strided_slice %get3A_102 {offsets = [14], sizes = [1], strides = [1]} : vector<16xf32> to vector<1xf32>
        %squeeze3A_498 = vector.extract %slice3A_497[0] : f32 from vector<1xf32>
        %get3A_499 = arith.index_cast %add3A_496 : i32 to index
        %get3A_500 = arith.constant 0 : index
        %get3A_501 = tpu.vector_load %arg15[%get3A_499, %get3A_500] {strides = array<i32>} : memref<128x32xf32, #tpu.memory_space<vmem>>, vector<1x16xf32>,
        %get3A_502 = vector.shape_cast %get3A_501 : vector<1x16xf32> to vector<16xf32>
        %mul3A_503 = vector.broadcast %squeeze3A_498 : f32 to vector<16xf32>
        %mul3A_504 = arith.mulf %get3A_502, %mul3A_503 : vector<16xf32>
        %swap3A_505 = arith.index_cast %add3A_496 : i32 to index
        %swap3A_506 = arith.constant 0 : index
        %swap3A_507 = tpu.vector_load %arg15[%swap3A_505, %swap3A_506] {strides = array<i32>} : memref<128x32xf32, #tpu.memory_space<vmem>>, vector<1x16xf32>,
        %swap3A_508 = vector.shape_cast %swap3A_507 : vector<1x16xf32> to vector<16xf32>
        %swap3A_509 = vector.shape_cast %mul3A_504 : vector<16xf32> to vector<1x16xf32>
        tpu.vector_store %arg15[%swap3A_505, %swap3A_506], %swap3A_509 {strides = array<i32>} : memref<128x32xf32, #tpu.memory_space<vmem>>, vector<1x16xf32>,
        %get3A_510 = arith.index_cast %add3A_496 : i32 to index
        %get3A_511 = arith.constant 16 : index
        %get3A_512 = tpu.vector_load %arg15[%get3A_510, %get3A_511] {strides = array<i32>} : memref<128x32xf32, #tpu.memory_space<vmem>>, vector<1x16xf32>,
        %get3A_513 = vector.shape_cast %get3A_512 : vector<1x16xf32> to vector<16xf32>
        %mul3A_514 = vector.broadcast %squeeze3A_498 : f32 to vector<16xf32>
        %mul3A_515 = arith.mulf %get3A_513, %mul3A_514 : vector<16xf32>
        %swap3A_516 = arith.index_cast %add3A_496 : i32 to index
        %swap3A_517 = arith.constant 16 : index
        %swap3A_518 = tpu.vector_load %arg15[%swap3A_516, %swap3A_517] {strides = array<i32>} : memref<128x32xf32, #tpu.memory_space<vmem>>, vector<1x16xf32>,
        %swap3A_519 = vector.shape_cast %swap3A_518 : vector<1x16xf32> to vector<16xf32>
        %swap3A_520 = vector.shape_cast %mul3A_515 : vector<16xf32> to vector<1x16xf32>
        tpu.vector_store %arg15[%swap3A_516, %swap3A_517], %swap3A_520 {strides = array<i32>} : memref<128x32xf32, #tpu.memory_space<vmem>>, vector<1x16xf32>,
        %mul3A_521 = arith.constant 16 : i32
        %mul3A_522 = arith.muli %scan3A_73, %mul3A_521 : i32
        %add3A_523 = arith.constant 15 : i32
        %add3A_524 = arith.addi %mul3A_522, %add3A_523 : i32
        %slice3A_525 = vector.extract_strided_slice %get3A_102 {offsets = [15], sizes = [1], strides = [1]} : vector<16xf32> to vector<1xf32>
        %squeeze3A_526 = vector.extract %slice3A_525[0] : f32 from vector<1xf32>
        %get3A_527 = arith.index_cast %add3A_524 : i32 to index
        %get3A_528 = arith.constant 0 : index
        %get3A_529 = tpu.vector_load %arg15[%get3A_527, %get3A_528] {strides = array<i32>} : memref<128x32xf32, #tpu.memory_space<vmem>>, vector<1x16xf32>,
        %get3A_530 = vector.shape_cast %get3A_529 : vector<1x16xf32> to vector<16xf32>
        %mul3A_531 = vector.broadcast %squeeze3A_526 : f32 to vector<16xf32>
        %mul3A_532 = arith.mulf %get3A_530, %mul3A_531 : vector<16xf32>
        %swap3A_533 = arith.index_cast %add3A_524 : i32 to index
        %swap3A_534 = arith.constant 0 : index
        %swap3A_535 = tpu.vector_load %arg15[%swap3A_533, %swap3A_534] {strides = array<i32>} : memref<128x32xf32, #tpu.memory_space<vmem>>, vector<1x16xf32>,
        %swap3A_536 = vector.shape_cast %swap3A_535 : vector<1x16xf32> to vector<16xf32>
        %swap3A_537 = vector.shape_cast %mul3A_532 : vector<16xf32> to vector<1x16xf32>
        tpu.vector_store %arg15[%swap3A_533, %swap3A_534], %swap3A_537 {strides = array<i32>} : memref<128x32xf32, #tpu.memory_space<vmem>>, vector<1x16xf32>,
        %get3A_538 = arith.index_cast %add3A_524 : i32 to index
        %get3A_539 = arith.constant 16 : index
        %get3A_540 = tpu.vector_load %arg15[%get3A_538, %get3A_539] {strides = array<i32>} : memref<128x32xf32, #tpu.memory_space<vmem>>, vector<1x16xf32>,
        %get3A_541 = vector.shape_cast %get3A_540 : vector<1x16xf32> to vector<16xf32>
        %mul3A_542 = vector.broadcast %squeeze3A_526 : f32 to vector<16xf32>
        %mul3A_543 = arith.mulf %get3A_541, %mul3A_542 : vector<16xf32>
        %swap3A_544 = arith.index_cast %add3A_524 : i32 to index
        %swap3A_545 = arith.constant 16 : index
        %swap3A_546 = tpu.vector_load %arg15[%swap3A_544, %swap3A_545] {strides = array<i32>} : memref<128x32xf32, #tpu.memory_space<vmem>>, vector<1x16xf32>,
        %swap3A_547 = vector.shape_cast %swap3A_546 : vector<1x16xf32> to vector<16xf32>
        %swap3A_548 = vector.shape_cast %mul3A_543 : vector<16xf32> to vector<1x16xf32>
        tpu.vector_store %arg15[%swap3A_544, %swap3A_545], %swap3A_548 {strides = array<i32>} : memref<128x32xf32, #tpu.memory_space<vmem>>, vector<1x16xf32>,
        %scan3A_549 = arith.constant 0 : i32
        scf.yield %scan3A_549 : i32
      }
      %scan3A_72 = arith.constant 8 : i32
      %run_scoped3A = arith.constant 0 : i32
      "tpu.region"() ({
        %run_scoped3A_73 = tpu.sem_alloc : memref<!tpu.dma_semaphore, #tpu.memory_space<semaphore_mem>>
        %dma_start3A_74 = arith.constant 0 : i32
        %dma_start3A_75 = tpu.memref_slice %arg12[%run_scoped3A, %dma_start3A_74] : memref<1x128xi32, #tpu.memory_space<vmem>> -> memref<1x128xi32, #tpu.memory_space<vmem>>
        %dma_start3A_76 = tpu.memref_squeeze %dma_start3A_75 : memref<1x128xi32, #tpu.memory_space<vmem>> -> memref<128xi32, #tpu.memory_space<vmem>>
        %dma_start3A_77 = arith.constant 0 : i32
        %dma_start3A_78 = arith.constant 0 : i32
        %dma_start3A_79 = tpu.memref_slice %arg10[%dma_start3A_77, %dma_start3A_78] : memref<50008x32xf32, #tpu.memory_space<vmem_shared>> -> memref<50008x32xf32, #tpu.memory_space<vmem_shared>>
        tpu.enqueue_indirect_dma source(%arg15 : memref<128x32xf32, #tpu.memory_space<vmem>>) target(%dma_start3A_79 : memref<50008x32xf32, #tpu.memory_space<vmem_shared>>) offsets(%dma_start3A_76 : memref<128xi32, #tpu.memory_space<vmem>>) semaphore(%run_scoped3A_73 : memref<!tpu.dma_semaphore, #tpu.memory_space<semaphore_mem>>) {add = true}
        %dma_wait3A_80 = arith.constant 0 : i32
        %dma_wait3A_81 = tpu.memref_slice %arg12[%run_scoped3A, %dma_wait3A_80] : memref<1x128xi32, #tpu.memory_space<vmem>> -> memref<1x128xi32, #tpu.memory_space<vmem>>
        %dma_wait3A_82 = tpu.memref_squeeze %dma_wait3A_81 : memref<1x128xi32, #tpu.memory_space<vmem>> -> memref<128xi32, #tpu.memory_space<vmem>>
        %dma_wait3A_83 = arith.constant 0 : i32
        %dma_wait3A_84 = arith.constant 0 : i32
        %dma_wait3A_85 = tpu.memref_slice %arg10[%dma_wait3A_83, %dma_wait3A_84] : memref<50008x32xf32, #tpu.memory_space<vmem_shared>> -> memref<50008x32xf32, #tpu.memory_space<vmem_shared>>
        tpu.wait_indirect_dma semaphore(%run_scoped3A_73 : memref<!tpu.dma_semaphore, #tpu.memory_space<semaphore_mem>>) src(%arg15 : memref<128x32xf32, #tpu.memory_space<vmem>>) dst(%dma_wait3A_85 : memref<50008x32xf32, #tpu.memory_space<vmem_shared>>)
        tpu.yield
      }) : () -> ()
    }
    %while3A_40 = arith.constant 1 : i32
    scf.for %while3A_54 = %while3A_38 to %while3A_34 step %while3A_40  : i32 {
      "tpu.region"() ({
        %run_scoped3A_73 = tpu.sem_alloc : memref<!tpu.dma_semaphore, #tpu.memory_space<semaphore_mem>>
        %dma_start3A_74 = arith.constant 0 : i32
        %dma_start3A_75 = arith.constant 0 : i32
        %dma_start3A_76 = tpu.memref_slice %arg4[%while3A_54, %dma_start3A_74, %dma_start3A_75] : memref<12500x1x128xi32, #tpu.memory_space<hbm>> -> memref<1x1x128xi32, #tpu.memory_space<hbm>>
        %dma_start3A_77 = tpu.memref_squeeze %dma_start3A_76 : memref<1x1x128xi32, #tpu.memory_space<hbm>> -> memref<1x128xi32, #tpu.memory_space<hbm>>
        %dma_start3A_78 = arith.constant 0 : i32
        %dma_start3A_79 = arith.constant 0 : i32
        %dma_start3A_80 = tpu.memref_slice %arg4[%while3A_54, %dma_start3A_78, %dma_start3A_79] : memref<12500x1x128xi32, #tpu.memory_space<hbm>> -> memref<1x1x128xi32, #tpu.memory_space<hbm>>
        %dma_start3A_81 = tpu.memref_squeeze %dma_start3A_80 : memref<1x1x128xi32, #tpu.memory_space<hbm>> -> memref<1x128xi32, #tpu.memory_space<hbm>>
        tpu.enqueue_dma source(%dma_start3A_81 : memref<1x128xi32, #tpu.memory_space<hbm>>) target(%arg11 : memref<1x128xi32, #tpu.memory_space<vmem>>) target_semaphore(%run_scoped3A_73 : memref<!tpu.dma_semaphore, #tpu.memory_space<semaphore_mem>>)
        %dma_wait3A_82 = arith.constant 0 : i32
        %dma_wait3A_83 = arith.constant 0 : i32
        %dma_wait3A_84 = tpu.memref_slice %arg4[%while3A_54, %dma_wait3A_82, %dma_wait3A_83] : memref<12500x1x128xi32, #tpu.memory_space<hbm>> -> memref<1x1x128xi32, #tpu.memory_space<hbm>>
        %dma_wait3A_85 = tpu.memref_squeeze %dma_wait3A_84 : memref<1x1x128xi32, #tpu.memory_space<hbm>> -> memref<1x128xi32, #tpu.memory_space<hbm>>
        %dma_wait3A_86 = arith.constant 0 : i32
        %dma_wait3A_87 = arith.constant 0 : i32
        %dma_wait3A_88 = tpu.memref_slice %arg4[%while3A_54, %dma_wait3A_86, %dma_wait3A_87] : memref<12500x1x128xi32, #tpu.memory_space<hbm>> -> memref<1x1x128xi32, #tpu.memory_space<hbm>>
        %dma_wait3A_89 = tpu.memref_squeeze %dma_wait3A_88 : memref<1x1x128xi32, #tpu.memory_space<hbm>> -> memref<1x128xi32, #tpu.memory_space<hbm>>
        tpu.wait_dma2 semaphore(%run_scoped3A_73 : memref<!tpu.dma_semaphore, #tpu.memory_space<semaphore_mem>>) src(%dma_wait3A_89 : memref<1x128xi32, #tpu.memory_space<hbm>>) dst(%arg11 : memref<1x128xi32, #tpu.memory_space<vmem>>)
        tpu.yield
      }) : () -> ()
      "tpu.region"() ({
        %run_scoped3A_73 = tpu.sem_alloc : memref<!tpu.dma_semaphore, #tpu.memory_space<semaphore_mem>>
        %dma_start3A_74 = arith.constant 0 : i32
        %dma_start3A_75 = arith.constant 0 : i32
        %dma_start3A_76 = tpu.memref_slice %arg5[%while3A_54, %dma_start3A_74, %dma_start3A_75] : memref<12500x1x128xi32, #tpu.memory_space<hbm>> -> memref<1x1x128xi32, #tpu.memory_space<hbm>>
        %dma_start3A_77 = tpu.memref_squeeze %dma_start3A_76 : memref<1x1x128xi32, #tpu.memory_space<hbm>> -> memref<1x128xi32, #tpu.memory_space<hbm>>
        %dma_start3A_78 = arith.constant 0 : i32
        %dma_start3A_79 = arith.constant 0 : i32
        %dma_start3A_80 = tpu.memref_slice %arg5[%while3A_54, %dma_start3A_78, %dma_start3A_79] : memref<12500x1x128xi32, #tpu.memory_space<hbm>> -> memref<1x1x128xi32, #tpu.memory_space<hbm>>
        %dma_start3A_81 = tpu.memref_squeeze %dma_start3A_80 : memref<1x1x128xi32, #tpu.memory_space<hbm>> -> memref<1x128xi32, #tpu.memory_space<hbm>>
        tpu.enqueue_dma source(%dma_start3A_81 : memref<1x128xi32, #tpu.memory_space<hbm>>) target(%arg13 : memref<1x128xi32, #tpu.memory_space<vmem>>) target_semaphore(%run_scoped3A_73 : memref<!tpu.dma_semaphore, #tpu.memory_space<semaphore_mem>>)
        %dma_wait3A_82 = arith.constant 0 : i32
        %dma_wait3A_83 = arith.constant 0 : i32
        %dma_wait3A_84 = tpu.memref_slice %arg5[%while3A_54, %dma_wait3A_82, %dma_wait3A_83] : memref<12500x1x128xi32, #tpu.memory_space<hbm>> -> memref<1x1x128xi32, #tpu.memory_space<hbm>>
        %dma_wait3A_85 = tpu.memref_squeeze %dma_wait3A_84 : memref<1x1x128xi32, #tpu.memory_space<hbm>> -> memref<1x128xi32, #tpu.memory_space<hbm>>
        %dma_wait3A_86 = arith.constant 0 : i32
        %dma_wait3A_87 = arith.constant 0 : i32
        %dma_wait3A_88 = tpu.memref_slice %arg5[%while3A_54, %dma_wait3A_86, %dma_wait3A_87] : memref<12500x1x128xi32, #tpu.memory_space<hbm>> -> memref<1x1x128xi32, #tpu.memory_space<hbm>>
        %dma_wait3A_89 = tpu.memref_squeeze %dma_wait3A_88 : memref<1x1x128xi32, #tpu.memory_space<hbm>> -> memref<1x128xi32, #tpu.memory_space<hbm>>
        tpu.wait_dma2 semaphore(%run_scoped3A_73 : memref<!tpu.dma_semaphore, #tpu.memory_space<semaphore_mem>>) src(%dma_wait3A_89 : memref<1x128xi32, #tpu.memory_space<hbm>>) dst(%arg13 : memref<1x128xi32, #tpu.memory_space<vmem>>)
        tpu.yield
      }) : () -> ()
      "tpu.region"() ({
        %run_scoped3A_73 = tpu.sem_alloc : memref<!tpu.dma_semaphore, #tpu.memory_space<semaphore_mem>>
        %dma_start3A_74 = arith.constant 0 : i32
        %dma_start3A_75 = arith.constant 0 : i32
        %dma_start3A_76 = tpu.memref_slice %arg6[%while3A_54, %dma_start3A_74, %dma_start3A_75] : memref<12500x1x128xf32, #tpu.memory_space<hbm>> -> memref<1x1x128xf32, #tpu.memory_space<hbm>>
        %dma_start3A_77 = tpu.memref_squeeze %dma_start3A_76 : memref<1x1x128xf32, #tpu.memory_space<hbm>> -> memref<1x128xf32, #tpu.memory_space<hbm>>
        %dma_start3A_78 = arith.constant 0 : i32
        %dma_start3A_79 = arith.constant 0 : i32
        %dma_start3A_80 = tpu.memref_slice %arg6[%while3A_54, %dma_start3A_78, %dma_start3A_79] : memref<12500x1x128xf32, #tpu.memory_space<hbm>> -> memref<1x1x128xf32, #tpu.memory_space<hbm>>
        %dma_start3A_81 = tpu.memref_squeeze %dma_start3A_80 : memref<1x1x128xf32, #tpu.memory_space<hbm>> -> memref<1x128xf32, #tpu.memory_space<hbm>>
        tpu.enqueue_dma source(%dma_start3A_81 : memref<1x128xf32, #tpu.memory_space<hbm>>) target(%arg14 : memref<1x128xf32, #tpu.memory_space<vmem>>) target_semaphore(%run_scoped3A_73 : memref<!tpu.dma_semaphore, #tpu.memory_space<semaphore_mem>>)
        %dma_wait3A_82 = arith.constant 0 : i32
        %dma_wait3A_83 = arith.constant 0 : i32
        %dma_wait3A_84 = tpu.memref_slice %arg6[%while3A_54, %dma_wait3A_82, %dma_wait3A_83] : memref<12500x1x128xf32, #tpu.memory_space<hbm>> -> memref<1x1x128xf32, #tpu.memory_space<hbm>>
        %dma_wait3A_85 = tpu.memref_squeeze %dma_wait3A_84 : memref<1x1x128xf32, #tpu.memory_space<hbm>> -> memref<1x128xf32, #tpu.memory_space<hbm>>
        %dma_wait3A_86 = arith.constant 0 : i32
        %dma_wait3A_87 = arith.constant 0 : i32
        %dma_wait3A_88 = tpu.memref_slice %arg6[%while3A_54, %dma_wait3A_86, %dma_wait3A_87] : memref<12500x1x128xf32, #tpu.memory_space<hbm>> -> memref<1x1x128xf32, #tpu.memory_space<hbm>>
        %dma_wait3A_89 = tpu.memref_squeeze %dma_wait3A_88 : memref<1x1x128xf32, #tpu.memory_space<hbm>> -> memref<1x128xf32, #tpu.memory_space<hbm>>
        tpu.wait_dma2 semaphore(%run_scoped3A_73 : memref<!tpu.dma_semaphore, #tpu.memory_space<semaphore_mem>>) src(%dma_wait3A_89 : memref<1x128xf32, #tpu.memory_space<hbm>>) dst(%arg14 : memref<1x128xf32, #tpu.memory_space<vmem>>)
        tpu.yield
      }) : () -> ()
      %dma_start3A = arith.constant 0 : i32
      %dma_start3A_55 = arith.constant 0 : i32
      %dma_start3A_56 = tpu.memref_slice %arg11[%dma_start3A, %dma_start3A_55] : memref<1x128xi32, #tpu.memory_space<vmem>> -> memref<1x128xi32, #tpu.memory_space<vmem>>
      %dma_start3A_57 = tpu.memref_squeeze %dma_start3A_56 : memref<1x128xi32, #tpu.memory_space<vmem>> -> memref<128xi32, #tpu.memory_space<vmem>>
      %dma_start3A_58 = arith.constant 0 : i32
      %dma_start3A_59 = arith.constant 0 : i32
      %dma_start3A_60 = tpu.memref_slice %arg2[%dma_start3A_58, %dma_start3A_59] : memref<100000x32xf32, #tpu.memory_space<hbm>> -> memref<100000x32xf32, #tpu.memory_space<hbm>>
      tpu.enqueue_indirect_dma source(%dma_start3A_60 : memref<100000x32xf32, #tpu.memory_space<hbm>>) target(%arg15 : memref<128x32xf32, #tpu.memory_space<vmem>>) offsets(%dma_start3A_57 : memref<128xi32, #tpu.memory_space<vmem>>) semaphore(%arg18 : memref<!tpu.dma_semaphore, #tpu.memory_space<semaphore_mem>>)
      %dma_wait3A = arith.constant 0 : i32
      %dma_wait3A_61 = arith.constant 0 : i32
      %dma_wait3A_62 = tpu.memref_slice %arg11[%dma_wait3A, %dma_wait3A_61] : memref<1x128xi32, #tpu.memory_space<vmem>> -> memref<1x128xi32, #tpu.memory_space<vmem>>
      %dma_wait3A_63 = tpu.memref_squeeze %dma_wait3A_62 : memref<1x128xi32, #tpu.memory_space<vmem>> -> memref<128xi32, #tpu.memory_space<vmem>>
      %dma_wait3A_64 = arith.constant 0 : i32
      %dma_wait3A_65 = arith.constant 0 : i32
      %dma_wait3A_66 = tpu.memref_slice %arg2[%dma_wait3A_64, %dma_wait3A_65] : memref<100000x32xf32, #tpu.memory_space<hbm>> -> memref<100000x32xf32, #tpu.memory_space<hbm>>
      tpu.wait_indirect_dma semaphore(%arg18 : memref<!tpu.dma_semaphore, #tpu.memory_space<semaphore_mem>>) src(%dma_wait3A_66 : memref<100000x32xf32, #tpu.memory_space<hbm>>) dst(%arg15 : memref<128x32xf32, #tpu.memory_space<vmem>>)
      %scan3A = arith.constant 0 : i32
      %scan3A_67 = arith.constant 0 : i32
      %scan3A_68 = arith.constant 8 : i32
      %scan3A_69 = arith.addi %scan3A_67, %scan3A_68 : i32
      %scan3A_70 = arith.constant 1 : i32
      %scan3A_71 = scf.for %scan3A_73 = %scan3A_67 to %scan3A_69 step %scan3A_70 iter_args(%scan3A_74 = %scan3A) -> (i32)  : i32 {
        %mul3A_75 = arith.constant 16 : i32
        %mul3A_76 = arith.muli %scan3A_73, %mul3A_75 : i32
        %get3A = arith.constant 0 : i32
        %get3A_77 = arith.index_cast %get3A : i32 to index
        %get3A_78 = arith.index_cast %mul3A_76 : i32 to index
        %get3A_79 = tpu.vector_load %arg13[%get3A_77, %get3A_78] {strides = array<i32>} : memref<1x128xi32, #tpu.memory_space<vmem>>, vector<1x16xi32>,
        %get3A_80 = vector.shape_cast %get3A_79 : vector<1x16xi32> to vector<16xi32>
        %sub3A = vector.broadcast %mul3A_0 : i32 to vector<16xi32>
        %sub3A_81 = arith.subi %get3A_80, %sub3A : vector<16xi32>
        %ge3A = arith.constant 0 : i32
        %ge3A_82 = vector.broadcast %ge3A : i32 to vector<16xi32>
        %ge3A_83 = arith.cmpi sge, %sub3A_81, %ge3A_82 : vector<16xi32>
        %lt3A_84 = arith.constant 50000 : i32
        %lt3A_85 = vector.broadcast %lt3A_84 : i32 to vector<16xi32>
        %lt3A_86 = arith.cmpi slt, %sub3A_81, %lt3A_85 : vector<16xi32>
        %and3A = arith.andi %ge3A_83, %lt3A_86 : vector<16xi1>
        %jit3A_87 = arith.constant 50000 : i32
        %broadcast_in_dim3A = vector.broadcast %jit3A_87 : i32 to vector<16xi32>
        %select_n3A_88 = arith.select %and3A, %sub3A_81, %broadcast_in_dim3A : vector<16xi1>, vector<16xi32>
        %mul3A_89 = arith.constant 16 : i32
        %mul3A_90 = arith.muli %scan3A_73, %mul3A_89 : i32
        %swap3A = arith.constant 0 : i32
        %swap3A_91 = arith.index_cast %swap3A : i32 to index
        %swap3A_92 = arith.index_cast %mul3A_90 : i32 to index
        %swap3A_93 = tpu.vector_load %arg12[%swap3A_91, %swap3A_92] {strides = array<i32>} : memref<1x128xi32, #tpu.memory_space<vmem>>, vector<1x16xi32>,
        %swap3A_94 = vector.shape_cast %swap3A_93 : vector<1x16xi32> to vector<16xi32>
        %swap3A_95 = vector.shape_cast %select_n3A_88 : vector<16xi32> to vector<1x16xi32>
        tpu.vector_store %arg12[%swap3A_91, %swap3A_92], %swap3A_95 {strides = array<i32>} : memref<1x128xi32, #tpu.memory_space<vmem>>, vector<1x16xi32>,
        %mul3A_96 = arith.constant 16 : i32
        %mul3A_97 = arith.muli %scan3A_73, %mul3A_96 : i32
        %get3A_98 = arith.constant 0 : i32
        %get3A_99 = arith.index_cast %get3A_98 : i32 to index
        %get3A_100 = arith.index_cast %mul3A_97 : i32 to index
        %get3A_101 = tpu.vector_load %arg14[%get3A_99, %get3A_100] {strides = array<i32>} : memref<1x128xf32, #tpu.memory_space<vmem>>, vector<1x16xf32>,
        %get3A_102 = vector.shape_cast %get3A_101 : vector<1x16xf32> to vector<16xf32>
        %mul3A_103 = arith.constant 16 : i32
        %mul3A_104 = arith.muli %scan3A_73, %mul3A_103 : i32
        %add3A_105 = arith.constant 0 : i32
        %add3A_106 = arith.addi %mul3A_104, %add3A_105 : i32
        %slice3A = vector.extract_strided_slice %get3A_102 {offsets = [0], sizes = [1], strides = [1]} : vector<16xf32> to vector<1xf32>
        %squeeze3A = vector.extract %slice3A[0] : f32 from vector<1xf32>
        %get3A_107 = arith.index_cast %add3A_106 : i32 to index
        %get3A_108 = arith.constant 0 : index
        %get3A_109 = tpu.vector_load %arg15[%get3A_107, %get3A_108] {strides = array<i32>} : memref<128x32xf32, #tpu.memory_space<vmem>>, vector<1x16xf32>,
        %get3A_110 = vector.shape_cast %get3A_109 : vector<1x16xf32> to vector<16xf32>
        %mul3A_111 = vector.broadcast %squeeze3A : f32 to vector<16xf32>
        %mul3A_112 = arith.mulf %get3A_110, %mul3A_111 : vector<16xf32>
        %swap3A_113 = arith.index_cast %add3A_106 : i32 to index
        %swap3A_114 = arith.constant 0 : index
        %swap3A_115 = tpu.vector_load %arg15[%swap3A_113, %swap3A_114] {strides = array<i32>} : memref<128x32xf32, #tpu.memory_space<vmem>>, vector<1x16xf32>,
        %swap3A_116 = vector.shape_cast %swap3A_115 : vector<1x16xf32> to vector<16xf32>
        %swap3A_117 = vector.shape_cast %mul3A_112 : vector<16xf32> to vector<1x16xf32>
        tpu.vector_store %arg15[%swap3A_113, %swap3A_114], %swap3A_117 {strides = array<i32>} : memref<128x32xf32, #tpu.memory_space<vmem>>, vector<1x16xf32>,
        %get3A_118 = arith.index_cast %add3A_106 : i32 to index
        %get3A_119 = arith.constant 16 : index
        %get3A_120 = tpu.vector_load %arg15[%get3A_118, %get3A_119] {strides = array<i32>} : memref<128x32xf32, #tpu.memory_space<vmem>>, vector<1x16xf32>,
        %get3A_121 = vector.shape_cast %get3A_120 : vector<1x16xf32> to vector<16xf32>
        %mul3A_122 = vector.broadcast %squeeze3A : f32 to vector<16xf32>
        %mul3A_123 = arith.mulf %get3A_121, %mul3A_122 : vector<16xf32>
        %swap3A_124 = arith.index_cast %add3A_106 : i32 to index
        %swap3A_125 = arith.constant 16 : index
        %swap3A_126 = tpu.vector_load %arg15[%swap3A_124, %swap3A_125] {strides = array<i32>} : memref<128x32xf32, #tpu.memory_space<vmem>>, vector<1x16xf32>,
        %swap3A_127 = vector.shape_cast %swap3A_126 : vector<1x16xf32> to vector<16xf32>
        %swap3A_128 = vector.shape_cast %mul3A_123 : vector<16xf32> to vector<1x16xf32>
        tpu.vector_store %arg15[%swap3A_124, %swap3A_125], %swap3A_128 {strides = array<i32>} : memref<128x32xf32, #tpu.memory_space<vmem>>, vector<1x16xf32>,
        %mul3A_129 = arith.constant 16 : i32
        %mul3A_130 = arith.muli %scan3A_73, %mul3A_129 : i32
        %add3A_131 = arith.constant 1 : i32
        %add3A_132 = arith.addi %mul3A_130, %add3A_131 : i32
        %slice3A_133 = vector.extract_strided_slice %get3A_102 {offsets = [1], sizes = [1], strides = [1]} : vector<16xf32> to vector<1xf32>
        %squeeze3A_134 = vector.extract %slice3A_133[0] : f32 from vector<1xf32>
        %get3A_135 = arith.index_cast %add3A_132 : i32 to index
        %get3A_136 = arith.constant 0 : index
        %get3A_137 = tpu.vector_load %arg15[%get3A_135, %get3A_136] {strides = array<i32>} : memref<128x32xf32, #tpu.memory_space<vmem>>, vector<1x16xf32>,
        %get3A_138 = vector.shape_cast %get3A_137 : vector<1x16xf32> to vector<16xf32>
        %mul3A_139 = vector.broadcast %squeeze3A_134 : f32 to vector<16xf32>
        %mul3A_140 = arith.mulf %get3A_138, %mul3A_139 : vector<16xf32>
        %swap3A_141 = arith.index_cast %add3A_132 : i32 to index
        %swap3A_142 = arith.constant 0 : index
        %swap3A_143 = tpu.vector_load %arg15[%swap3A_141, %swap3A_142] {strides = array<i32>} : memref<128x32xf32, #tpu.memory_space<vmem>>, vector<1x16xf32>,
        %swap3A_144 = vector.shape_cast %swap3A_143 : vector<1x16xf32> to vector<16xf32>
        %swap3A_145 = vector.shape_cast %mul3A_140 : vector<16xf32> to vector<1x16xf32>
        tpu.vector_store %arg15[%swap3A_141, %swap3A_142], %swap3A_145 {strides = array<i32>} : memref<128x32xf32, #tpu.memory_space<vmem>>, vector<1x16xf32>,
        %get3A_146 = arith.index_cast %add3A_132 : i32 to index
        %get3A_147 = arith.constant 16 : index
        %get3A_148 = tpu.vector_load %arg15[%get3A_146, %get3A_147] {strides = array<i32>} : memref<128x32xf32, #tpu.memory_space<vmem>>, vector<1x16xf32>,
        %get3A_149 = vector.shape_cast %get3A_148 : vector<1x16xf32> to vector<16xf32>
        %mul3A_150 = vector.broadcast %squeeze3A_134 : f32 to vector<16xf32>
        %mul3A_151 = arith.mulf %get3A_149, %mul3A_150 : vector<16xf32>
        %swap3A_152 = arith.index_cast %add3A_132 : i32 to index
        %swap3A_153 = arith.constant 16 : index
        %swap3A_154 = tpu.vector_load %arg15[%swap3A_152, %swap3A_153] {strides = array<i32>} : memref<128x32xf32, #tpu.memory_space<vmem>>, vector<1x16xf32>,
        %swap3A_155 = vector.shape_cast %swap3A_154 : vector<1x16xf32> to vector<16xf32>
        %swap3A_156 = vector.shape_cast %mul3A_151 : vector<16xf32> to vector<1x16xf32>
        tpu.vector_store %arg15[%swap3A_152, %swap3A_153], %swap3A_156 {strides = array<i32>} : memref<128x32xf32, #tpu.memory_space<vmem>>, vector<1x16xf32>,
        %mul3A_157 = arith.constant 16 : i32
        %mul3A_158 = arith.muli %scan3A_73, %mul3A_157 : i32
        %add3A_159 = arith.constant 2 : i32
        %add3A_160 = arith.addi %mul3A_158, %add3A_159 : i32
        %slice3A_161 = vector.extract_strided_slice %get3A_102 {offsets = [2], sizes = [1], strides = [1]} : vector<16xf32> to vector<1xf32>
        %squeeze3A_162 = vector.extract %slice3A_161[0] : f32 from vector<1xf32>
        %get3A_163 = arith.index_cast %add3A_160 : i32 to index
        %get3A_164 = arith.constant 0 : index
        %get3A_165 = tpu.vector_load %arg15[%get3A_163, %get3A_164] {strides = array<i32>} : memref<128x32xf32, #tpu.memory_space<vmem>>, vector<1x16xf32>,
        %get3A_166 = vector.shape_cast %get3A_165 : vector<1x16xf32> to vector<16xf32>
        %mul3A_167 = vector.broadcast %squeeze3A_162 : f32 to vector<16xf32>
        %mul3A_168 = arith.mulf %get3A_166, %mul3A_167 : vector<16xf32>
        %swap3A_169 = arith.index_cast %add3A_160 : i32 to index
        %swap3A_170 = arith.constant 0 : index
        %swap3A_171 = tpu.vector_load %arg15[%swap3A_169, %swap3A_170] {strides = array<i32>} : memref<128x32xf32, #tpu.memory_space<vmem>>, vector<1x16xf32>,
        %swap3A_172 = vector.shape_cast %swap3A_171 : vector<1x16xf32> to vector<16xf32>
        %swap3A_173 = vector.shape_cast %mul3A_168 : vector<16xf32> to vector<1x16xf32>
        tpu.vector_store %arg15[%swap3A_169, %swap3A_170], %swap3A_173 {strides = array<i32>} : memref<128x32xf32, #tpu.memory_space<vmem>>, vector<1x16xf32>,
        %get3A_174 = arith.index_cast %add3A_160 : i32 to index
        %get3A_175 = arith.constant 16 : index
        %get3A_176 = tpu.vector_load %arg15[%get3A_174, %get3A_175] {strides = array<i32>} : memref<128x32xf32, #tpu.memory_space<vmem>>, vector<1x16xf32>,
        %get3A_177 = vector.shape_cast %get3A_176 : vector<1x16xf32> to vector<16xf32>
        %mul3A_178 = vector.broadcast %squeeze3A_162 : f32 to vector<16xf32>
        %mul3A_179 = arith.mulf %get3A_177, %mul3A_178 : vector<16xf32>
        %swap3A_180 = arith.index_cast %add3A_160 : i32 to index
        %swap3A_181 = arith.constant 16 : index
        %swap3A_182 = tpu.vector_load %arg15[%swap3A_180, %swap3A_181] {strides = array<i32>} : memref<128x32xf32, #tpu.memory_space<vmem>>, vector<1x16xf32>,
        %swap3A_183 = vector.shape_cast %swap3A_182 : vector<1x16xf32> to vector<16xf32>
        %swap3A_184 = vector.shape_cast %mul3A_179 : vector<16xf32> to vector<1x16xf32>
        tpu.vector_store %arg15[%swap3A_180, %swap3A_181], %swap3A_184 {strides = array<i32>} : memref<128x32xf32, #tpu.memory_space<vmem>>, vector<1x16xf32>,
        %mul3A_185 = arith.constant 16 : i32
        %mul3A_186 = arith.muli %scan3A_73, %mul3A_185 : i32
        %add3A_187 = arith.constant 3 : i32
        %add3A_188 = arith.addi %mul3A_186, %add3A_187 : i32
        %slice3A_189 = vector.extract_strided_slice %get3A_102 {offsets = [3], sizes = [1], strides = [1]} : vector<16xf32> to vector<1xf32>
        %squeeze3A_190 = vector.extract %slice3A_189[0] : f32 from vector<1xf32>
        %get3A_191 = arith.index_cast %add3A_188 : i32 to index
        %get3A_192 = arith.constant 0 : index
        %get3A_193 = tpu.vector_load %arg15[%get3A_191, %get3A_192] {strides = array<i32>} : memref<128x32xf32, #tpu.memory_space<vmem>>, vector<1x16xf32>,
        %get3A_194 = vector.shape_cast %get3A_193 : vector<1x16xf32> to vector<16xf32>
        %mul3A_195 = vector.broadcast %squeeze3A_190 : f32 to vector<16xf32>
        %mul3A_196 = arith.mulf %get3A_194, %mul3A_195 : vector<16xf32>
        %swap3A_197 = arith.index_cast %add3A_188 : i32 to index
        %swap3A_198 = arith.constant 0 : index
        %swap3A_199 = tpu.vector_load %arg15[%swap3A_197, %swap3A_198] {strides = array<i32>} : memref<128x32xf32, #tpu.memory_space<vmem>>, vector<1x16xf32>,
        %swap3A_200 = vector.shape_cast %swap3A_199 : vector<1x16xf32> to vector<16xf32>
        %swap3A_201 = vector.shape_cast %mul3A_196 : vector<16xf32> to vector<1x16xf32>
        tpu.vector_store %arg15[%swap3A_197, %swap3A_198], %swap3A_201 {strides = array<i32>} : memref<128x32xf32, #tpu.memory_space<vmem>>, vector<1x16xf32>,
        %get3A_202 = arith.index_cast %add3A_188 : i32 to index
        %get3A_203 = arith.constant 16 : index
        %get3A_204 = tpu.vector_load %arg15[%get3A_202, %get3A_203] {strides = array<i32>} : memref<128x32xf32, #tpu.memory_space<vmem>>, vector<1x16xf32>,
        %get3A_205 = vector.shape_cast %get3A_204 : vector<1x16xf32> to vector<16xf32>
        %mul3A_206 = vector.broadcast %squeeze3A_190 : f32 to vector<16xf32>
        %mul3A_207 = arith.mulf %get3A_205, %mul3A_206 : vector<16xf32>
        %swap3A_208 = arith.index_cast %add3A_188 : i32 to index
        %swap3A_209 = arith.constant 16 : index
        %swap3A_210 = tpu.vector_load %arg15[%swap3A_208, %swap3A_209] {strides = array<i32>} : memref<128x32xf32, #tpu.memory_space<vmem>>, vector<1x16xf32>,
        %swap3A_211 = vector.shape_cast %swap3A_210 : vector<1x16xf32> to vector<16xf32>
        %swap3A_212 = vector.shape_cast %mul3A_207 : vector<16xf32> to vector<1x16xf32>
        tpu.vector_store %arg15[%swap3A_208, %swap3A_209], %swap3A_212 {strides = array<i32>} : memref<128x32xf32, #tpu.memory_space<vmem>>, vector<1x16xf32>,
        %mul3A_213 = arith.constant 16 : i32
        %mul3A_214 = arith.muli %scan3A_73, %mul3A_213 : i32
        %add3A_215 = arith.constant 4 : i32
        %add3A_216 = arith.addi %mul3A_214, %add3A_215 : i32
        %slice3A_217 = vector.extract_strided_slice %get3A_102 {offsets = [4], sizes = [1], strides = [1]} : vector<16xf32> to vector<1xf32>
        %squeeze3A_218 = vector.extract %slice3A_217[0] : f32 from vector<1xf32>
        %get3A_219 = arith.index_cast %add3A_216 : i32 to index
        %get3A_220 = arith.constant 0 : index
        %get3A_221 = tpu.vector_load %arg15[%get3A_219, %get3A_220] {strides = array<i32>} : memref<128x32xf32, #tpu.memory_space<vmem>>, vector<1x16xf32>,
        %get3A_222 = vector.shape_cast %get3A_221 : vector<1x16xf32> to vector<16xf32>
        %mul3A_223 = vector.broadcast %squeeze3A_218 : f32 to vector<16xf32>
        %mul3A_224 = arith.mulf %get3A_222, %mul3A_223 : vector<16xf32>
        %swap3A_225 = arith.index_cast %add3A_216 : i32 to index
        %swap3A_226 = arith.constant 0 : index
        %swap3A_227 = tpu.vector_load %arg15[%swap3A_225, %swap3A_226] {strides = array<i32>} : memref<128x32xf32, #tpu.memory_space<vmem>>, vector<1x16xf32>,
        %swap3A_228 = vector.shape_cast %swap3A_227 : vector<1x16xf32> to vector<16xf32>
        %swap3A_229 = vector.shape_cast %mul3A_224 : vector<16xf32> to vector<1x16xf32>
        tpu.vector_store %arg15[%swap3A_225, %swap3A_226], %swap3A_229 {strides = array<i32>} : memref<128x32xf32, #tpu.memory_space<vmem>>, vector<1x16xf32>,
        %get3A_230 = arith.index_cast %add3A_216 : i32 to index
        %get3A_231 = arith.constant 16 : index
        %get3A_232 = tpu.vector_load %arg15[%get3A_230, %get3A_231] {strides = array<i32>} : memref<128x32xf32, #tpu.memory_space<vmem>>, vector<1x16xf32>,
        %get3A_233 = vector.shape_cast %get3A_232 : vector<1x16xf32> to vector<16xf32>
        %mul3A_234 = vector.broadcast %squeeze3A_218 : f32 to vector<16xf32>
        %mul3A_235 = arith.mulf %get3A_233, %mul3A_234 : vector<16xf32>
        %swap3A_236 = arith.index_cast %add3A_216 : i32 to index
        %swap3A_237 = arith.constant 16 : index
        %swap3A_238 = tpu.vector_load %arg15[%swap3A_236, %swap3A_237] {strides = array<i32>} : memref<128x32xf32, #tpu.memory_space<vmem>>, vector<1x16xf32>,
        %swap3A_239 = vector.shape_cast %swap3A_238 : vector<1x16xf32> to vector<16xf32>
        %swap3A_240 = vector.shape_cast %mul3A_235 : vector<16xf32> to vector<1x16xf32>
        tpu.vector_store %arg15[%swap3A_236, %swap3A_237], %swap3A_240 {strides = array<i32>} : memref<128x32xf32, #tpu.memory_space<vmem>>, vector<1x16xf32>,
        %mul3A_241 = arith.constant 16 : i32
        %mul3A_242 = arith.muli %scan3A_73, %mul3A_241 : i32
        %add3A_243 = arith.constant 5 : i32
        %add3A_244 = arith.addi %mul3A_242, %add3A_243 : i32
        %slice3A_245 = vector.extract_strided_slice %get3A_102 {offsets = [5], sizes = [1], strides = [1]} : vector<16xf32> to vector<1xf32>
        %squeeze3A_246 = vector.extract %slice3A_245[0] : f32 from vector<1xf32>
        %get3A_247 = arith.index_cast %add3A_244 : i32 to index
        %get3A_248 = arith.constant 0 : index
        %get3A_249 = tpu.vector_load %arg15[%get3A_247, %get3A_248] {strides = array<i32>} : memref<128x32xf32, #tpu.memory_space<vmem>>, vector<1x16xf32>,
        %get3A_250 = vector.shape_cast %get3A_249 : vector<1x16xf32> to vector<16xf32>
        %mul3A_251 = vector.broadcast %squeeze3A_246 : f32 to vector<16xf32>
        %mul3A_252 = arith.mulf %get3A_250, %mul3A_251 : vector<16xf32>
        %swap3A_253 = arith.index_cast %add3A_244 : i32 to index
        %swap3A_254 = arith.constant 0 : index
        %swap3A_255 = tpu.vector_load %arg15[%swap3A_253, %swap3A_254] {strides = array<i32>} : memref<128x32xf32, #tpu.memory_space<vmem>>, vector<1x16xf32>,
        %swap3A_256 = vector.shape_cast %swap3A_255 : vector<1x16xf32> to vector<16xf32>
        %swap3A_257 = vector.shape_cast %mul3A_252 : vector<16xf32> to vector<1x16xf32>
        tpu.vector_store %arg15[%swap3A_253, %swap3A_254], %swap3A_257 {strides = array<i32>} : memref<128x32xf32, #tpu.memory_space<vmem>>, vector<1x16xf32>,
        %get3A_258 = arith.index_cast %add3A_244 : i32 to index
        %get3A_259 = arith.constant 16 : index
        %get3A_260 = tpu.vector_load %arg15[%get3A_258, %get3A_259] {strides = array<i32>} : memref<128x32xf32, #tpu.memory_space<vmem>>, vector<1x16xf32>,
        %get3A_261 = vector.shape_cast %get3A_260 : vector<1x16xf32> to vector<16xf32>
        %mul3A_262 = vector.broadcast %squeeze3A_246 : f32 to vector<16xf32>
        %mul3A_263 = arith.mulf %get3A_261, %mul3A_262 : vector<16xf32>
        %swap3A_264 = arith.index_cast %add3A_244 : i32 to index
        %swap3A_265 = arith.constant 16 : index
        %swap3A_266 = tpu.vector_load %arg15[%swap3A_264, %swap3A_265] {strides = array<i32>} : memref<128x32xf32, #tpu.memory_space<vmem>>, vector<1x16xf32>,
        %swap3A_267 = vector.shape_cast %swap3A_266 : vector<1x16xf32> to vector<16xf32>
        %swap3A_268 = vector.shape_cast %mul3A_263 : vector<16xf32> to vector<1x16xf32>
        tpu.vector_store %arg15[%swap3A_264, %swap3A_265], %swap3A_268 {strides = array<i32>} : memref<128x32xf32, #tpu.memory_space<vmem>>, vector<1x16xf32>,
        %mul3A_269 = arith.constant 16 : i32
        %mul3A_270 = arith.muli %scan3A_73, %mul3A_269 : i32
        %add3A_271 = arith.constant 6 : i32
        %add3A_272 = arith.addi %mul3A_270, %add3A_271 : i32
        %slice3A_273 = vector.extract_strided_slice %get3A_102 {offsets = [6], sizes = [1], strides = [1]} : vector<16xf32> to vector<1xf32>
        %squeeze3A_274 = vector.extract %slice3A_273[0] : f32 from vector<1xf32>
        %get3A_275 = arith.index_cast %add3A_272 : i32 to index
        %get3A_276 = arith.constant 0 : index
        %get3A_277 = tpu.vector_load %arg15[%get3A_275, %get3A_276] {strides = array<i32>} : memref<128x32xf32, #tpu.memory_space<vmem>>, vector<1x16xf32>,
        %get3A_278 = vector.shape_cast %get3A_277 : vector<1x16xf32> to vector<16xf32>
        %mul3A_279 = vector.broadcast %squeeze3A_274 : f32 to vector<16xf32>
        %mul3A_280 = arith.mulf %get3A_278, %mul3A_279 : vector<16xf32>
        %swap3A_281 = arith.index_cast %add3A_272 : i32 to index
        %swap3A_282 = arith.constant 0 : index
        %swap3A_283 = tpu.vector_load %arg15[%swap3A_281, %swap3A_282] {strides = array<i32>} : memref<128x32xf32, #tpu.memory_space<vmem>>, vector<1x16xf32>,
        %swap3A_284 = vector.shape_cast %swap3A_283 : vector<1x16xf32> to vector<16xf32>
        %swap3A_285 = vector.shape_cast %mul3A_280 : vector<16xf32> to vector<1x16xf32>
        tpu.vector_store %arg15[%swap3A_281, %swap3A_282], %swap3A_285 {strides = array<i32>} : memref<128x32xf32, #tpu.memory_space<vmem>>, vector<1x16xf32>,
        %get3A_286 = arith.index_cast %add3A_272 : i32 to index
        %get3A_287 = arith.constant 16 : index
        %get3A_288 = tpu.vector_load %arg15[%get3A_286, %get3A_287] {strides = array<i32>} : memref<128x32xf32, #tpu.memory_space<vmem>>, vector<1x16xf32>,
        %get3A_289 = vector.shape_cast %get3A_288 : vector<1x16xf32> to vector<16xf32>
        %mul3A_290 = vector.broadcast %squeeze3A_274 : f32 to vector<16xf32>
        %mul3A_291 = arith.mulf %get3A_289, %mul3A_290 : vector<16xf32>
        %swap3A_292 = arith.index_cast %add3A_272 : i32 to index
        %swap3A_293 = arith.constant 16 : index
        %swap3A_294 = tpu.vector_load %arg15[%swap3A_292, %swap3A_293] {strides = array<i32>} : memref<128x32xf32, #tpu.memory_space<vmem>>, vector<1x16xf32>,
        %swap3A_295 = vector.shape_cast %swap3A_294 : vector<1x16xf32> to vector<16xf32>
        %swap3A_296 = vector.shape_cast %mul3A_291 : vector<16xf32> to vector<1x16xf32>
        tpu.vector_store %arg15[%swap3A_292, %swap3A_293], %swap3A_296 {strides = array<i32>} : memref<128x32xf32, #tpu.memory_space<vmem>>, vector<1x16xf32>,
        %mul3A_297 = arith.constant 16 : i32
        %mul3A_298 = arith.muli %scan3A_73, %mul3A_297 : i32
        %add3A_299 = arith.constant 7 : i32
        %add3A_300 = arith.addi %mul3A_298, %add3A_299 : i32
        %slice3A_301 = vector.extract_strided_slice %get3A_102 {offsets = [7], sizes = [1], strides = [1]} : vector<16xf32> to vector<1xf32>
        %squeeze3A_302 = vector.extract %slice3A_301[0] : f32 from vector<1xf32>
        %get3A_303 = arith.index_cast %add3A_300 : i32 to index
        %get3A_304 = arith.constant 0 : index
        %get3A_305 = tpu.vector_load %arg15[%get3A_303, %get3A_304] {strides = array<i32>} : memref<128x32xf32, #tpu.memory_space<vmem>>, vector<1x16xf32>,
        %get3A_306 = vector.shape_cast %get3A_305 : vector<1x16xf32> to vector<16xf32>
        %mul3A_307 = vector.broadcast %squeeze3A_302 : f32 to vector<16xf32>
        %mul3A_308 = arith.mulf %get3A_306, %mul3A_307 : vector<16xf32>
        %swap3A_309 = arith.index_cast %add3A_300 : i32 to index
        %swap3A_310 = arith.constant 0 : index
        %swap3A_311 = tpu.vector_load %arg15[%swap3A_309, %swap3A_310] {strides = array<i32>} : memref<128x32xf32, #tpu.memory_space<vmem>>, vector<1x16xf32>,
        %swap3A_312 = vector.shape_cast %swap3A_311 : vector<1x16xf32> to vector<16xf32>
        %swap3A_313 = vector.shape_cast %mul3A_308 : vector<16xf32> to vector<1x16xf32>
        tpu.vector_store %arg15[%swap3A_309, %swap3A_310], %swap3A_313 {strides = array<i32>} : memref<128x32xf32, #tpu.memory_space<vmem>>, vector<1x16xf32>,
        %get3A_314 = arith.index_cast %add3A_300 : i32 to index
        %get3A_315 = arith.constant 16 : index
        %get3A_316 = tpu.vector_load %arg15[%get3A_314, %get3A_315] {strides = array<i32>} : memref<128x32xf32, #tpu.memory_space<vmem>>, vector<1x16xf32>,
        %get3A_317 = vector.shape_cast %get3A_316 : vector<1x16xf32> to vector<16xf32>
        %mul3A_318 = vector.broadcast %squeeze3A_302 : f32 to vector<16xf32>
        %mul3A_319 = arith.mulf %get3A_317, %mul3A_318 : vector<16xf32>
        %swap3A_320 = arith.index_cast %add3A_300 : i32 to index
        %swap3A_321 = arith.constant 16 : index
        %swap3A_322 = tpu.vector_load %arg15[%swap3A_320, %swap3A_321] {strides = array<i32>} : memref<128x32xf32, #tpu.memory_space<vmem>>, vector<1x16xf32>,
        %swap3A_323 = vector.shape_cast %swap3A_322 : vector<1x16xf32> to vector<16xf32>
        %swap3A_324 = vector.shape_cast %mul3A_319 : vector<16xf32> to vector<1x16xf32>
        tpu.vector_store %arg15[%swap3A_320, %swap3A_321], %swap3A_324 {strides = array<i32>} : memref<128x32xf32, #tpu.memory_space<vmem>>, vector<1x16xf32>,
        %mul3A_325 = arith.constant 16 : i32
        %mul3A_326 = arith.muli %scan3A_73, %mul3A_325 : i32
        %add3A_327 = arith.constant 8 : i32
        %add3A_328 = arith.addi %mul3A_326, %add3A_327 : i32
        %slice3A_329 = vector.extract_strided_slice %get3A_102 {offsets = [8], sizes = [1], strides = [1]} : vector<16xf32> to vector<1xf32>
        %squeeze3A_330 = vector.extract %slice3A_329[0] : f32 from vector<1xf32>
        %get3A_331 = arith.index_cast %add3A_328 : i32 to index
        %get3A_332 = arith.constant 0 : index
        %get3A_333 = tpu.vector_load %arg15[%get3A_331, %get3A_332] {strides = array<i32>} : memref<128x32xf32, #tpu.memory_space<vmem>>, vector<1x16xf32>,
        %get3A_334 = vector.shape_cast %get3A_333 : vector<1x16xf32> to vector<16xf32>
        %mul3A_335 = vector.broadcast %squeeze3A_330 : f32 to vector<16xf32>
        %mul3A_336 = arith.mulf %get3A_334, %mul3A_335 : vector<16xf32>
        %swap3A_337 = arith.index_cast %add3A_328 : i32 to index
        %swap3A_338 = arith.constant 0 : index
        %swap3A_339 = tpu.vector_load %arg15[%swap3A_337, %swap3A_338] {strides = array<i32>} : memref<128x32xf32, #tpu.memory_space<vmem>>, vector<1x16xf32>,
        %swap3A_340 = vector.shape_cast %swap3A_339 : vector<1x16xf32> to vector<16xf32>
        %swap3A_341 = vector.shape_cast %mul3A_336 : vector<16xf32> to vector<1x16xf32>
        tpu.vector_store %arg15[%swap3A_337, %swap3A_338], %swap3A_341 {strides = array<i32>} : memref<128x32xf32, #tpu.memory_space<vmem>>, vector<1x16xf32>,
        %get3A_342 = arith.index_cast %add3A_328 : i32 to index
        %get3A_343 = arith.constant 16 : index
        %get3A_344 = tpu.vector_load %arg15[%get3A_342, %get3A_343] {strides = array<i32>} : memref<128x32xf32, #tpu.memory_space<vmem>>, vector<1x16xf32>,
        %get3A_345 = vector.shape_cast %get3A_344 : vector<1x16xf32> to vector<16xf32>
        %mul3A_346 = vector.broadcast %squeeze3A_330 : f32 to vector<16xf32>
        %mul3A_347 = arith.mulf %get3A_345, %mul3A_346 : vector<16xf32>
        %swap3A_348 = arith.index_cast %add3A_328 : i32 to index
        %swap3A_349 = arith.constant 16 : index
        %swap3A_350 = tpu.vector_load %arg15[%swap3A_348, %swap3A_349] {strides = array<i32>} : memref<128x32xf32, #tpu.memory_space<vmem>>, vector<1x16xf32>,
        %swap3A_351 = vector.shape_cast %swap3A_350 : vector<1x16xf32> to vector<16xf32>
        %swap3A_352 = vector.shape_cast %mul3A_347 : vector<16xf32> to vector<1x16xf32>
        tpu.vector_store %arg15[%swap3A_348, %swap3A_349], %swap3A_352 {strides = array<i32>} : memref<128x32xf32, #tpu.memory_space<vmem>>, vector<1x16xf32>,
        %mul3A_353 = arith.constant 16 : i32
        %mul3A_354 = arith.muli %scan3A_73, %mul3A_353 : i32
        %add3A_355 = arith.constant 9 : i32
        %add3A_356 = arith.addi %mul3A_354, %add3A_355 : i32
        %slice3A_357 = vector.extract_strided_slice %get3A_102 {offsets = [9], sizes = [1], strides = [1]} : vector<16xf32> to vector<1xf32>
        %squeeze3A_358 = vector.extract %slice3A_357[0] : f32 from vector<1xf32>
        %get3A_359 = arith.index_cast %add3A_356 : i32 to index
        %get3A_360 = arith.constant 0 : index
        %get3A_361 = tpu.vector_load %arg15[%get3A_359, %get3A_360] {strides = array<i32>} : memref<128x32xf32, #tpu.memory_space<vmem>>, vector<1x16xf32>,
        %get3A_362 = vector.shape_cast %get3A_361 : vector<1x16xf32> to vector<16xf32>
        %mul3A_363 = vector.broadcast %squeeze3A_358 : f32 to vector<16xf32>
        %mul3A_364 = arith.mulf %get3A_362, %mul3A_363 : vector<16xf32>
        %swap3A_365 = arith.index_cast %add3A_356 : i32 to index
        %swap3A_366 = arith.constant 0 : index
        %swap3A_367 = tpu.vector_load %arg15[%swap3A_365, %swap3A_366] {strides = array<i32>} : memref<128x32xf32, #tpu.memory_space<vmem>>, vector<1x16xf32>,
        %swap3A_368 = vector.shape_cast %swap3A_367 : vector<1x16xf32> to vector<16xf32>
        %swap3A_369 = vector.shape_cast %mul3A_364 : vector<16xf32> to vector<1x16xf32>
        tpu.vector_store %arg15[%swap3A_365, %swap3A_366], %swap3A_369 {strides = array<i32>} : memref<128x32xf32, #tpu.memory_space<vmem>>, vector<1x16xf32>,
        %get3A_370 = arith.index_cast %add3A_356 : i32 to index
        %get3A_371 = arith.constant 16 : index
        %get3A_372 = tpu.vector_load %arg15[%get3A_370, %get3A_371] {strides = array<i32>} : memref<128x32xf32, #tpu.memory_space<vmem>>, vector<1x16xf32>,
        %get3A_373 = vector.shape_cast %get3A_372 : vector<1x16xf32> to vector<16xf32>
        %mul3A_374 = vector.broadcast %squeeze3A_358 : f32 to vector<16xf32>
        %mul3A_375 = arith.mulf %get3A_373, %mul3A_374 : vector<16xf32>
        %swap3A_376 = arith.index_cast %add3A_356 : i32 to index
        %swap3A_377 = arith.constant 16 : index
        %swap3A_378 = tpu.vector_load %arg15[%swap3A_376, %swap3A_377] {strides = array<i32>} : memref<128x32xf32, #tpu.memory_space<vmem>>, vector<1x16xf32>,
        %swap3A_379 = vector.shape_cast %swap3A_378 : vector<1x16xf32> to vector<16xf32>
        %swap3A_380 = vector.shape_cast %mul3A_375 : vector<16xf32> to vector<1x16xf32>
        tpu.vector_store %arg15[%swap3A_376, %swap3A_377], %swap3A_380 {strides = array<i32>} : memref<128x32xf32, #tpu.memory_space<vmem>>, vector<1x16xf32>,
        %mul3A_381 = arith.constant 16 : i32
        %mul3A_382 = arith.muli %scan3A_73, %mul3A_381 : i32
        %add3A_383 = arith.constant 10 : i32
        %add3A_384 = arith.addi %mul3A_382, %add3A_383 : i32
        %slice3A_385 = vector.extract_strided_slice %get3A_102 {offsets = [10], sizes = [1], strides = [1]} : vector<16xf32> to vector<1xf32>
        %squeeze3A_386 = vector.extract %slice3A_385[0] : f32 from vector<1xf32>
        %get3A_387 = arith.index_cast %add3A_384 : i32 to index
        %get3A_388 = arith.constant 0 : index
        %get3A_389 = tpu.vector_load %arg15[%get3A_387, %get3A_388] {strides = array<i32>} : memref<128x32xf32, #tpu.memory_space<vmem>>, vector<1x16xf32>,
        %get3A_390 = vector.shape_cast %get3A_389 : vector<1x16xf32> to vector<16xf32>
        %mul3A_391 = vector.broadcast %squeeze3A_386 : f32 to vector<16xf32>
        %mul3A_392 = arith.mulf %get3A_390, %mul3A_391 : vector<16xf32>
        %swap3A_393 = arith.index_cast %add3A_384 : i32 to index
        %swap3A_394 = arith.constant 0 : index
        %swap3A_395 = tpu.vector_load %arg15[%swap3A_393, %swap3A_394] {strides = array<i32>} : memref<128x32xf32, #tpu.memory_space<vmem>>, vector<1x16xf32>,
        %swap3A_396 = vector.shape_cast %swap3A_395 : vector<1x16xf32> to vector<16xf32>
        %swap3A_397 = vector.shape_cast %mul3A_392 : vector<16xf32> to vector<1x16xf32>
        tpu.vector_store %arg15[%swap3A_393, %swap3A_394], %swap3A_397 {strides = array<i32>} : memref<128x32xf32, #tpu.memory_space<vmem>>, vector<1x16xf32>,
        %get3A_398 = arith.index_cast %add3A_384 : i32 to index
        %get3A_399 = arith.constant 16 : index
        %get3A_400 = tpu.vector_load %arg15[%get3A_398, %get3A_399] {strides = array<i32>} : memref<128x32xf32, #tpu.memory_space<vmem>>, vector<1x16xf32>,
        %get3A_401 = vector.shape_cast %get3A_400 : vector<1x16xf32> to vector<16xf32>
        %mul3A_402 = vector.broadcast %squeeze3A_386 : f32 to vector<16xf32>
        %mul3A_403 = arith.mulf %get3A_401, %mul3A_402 : vector<16xf32>
        %swap3A_404 = arith.index_cast %add3A_384 : i32 to index
        %swap3A_405 = arith.constant 16 : index
        %swap3A_406 = tpu.vector_load %arg15[%swap3A_404, %swap3A_405] {strides = array<i32>} : memref<128x32xf32, #tpu.memory_space<vmem>>, vector<1x16xf32>,
        %swap3A_407 = vector.shape_cast %swap3A_406 : vector<1x16xf32> to vector<16xf32>
        %swap3A_408 = vector.shape_cast %mul3A_403 : vector<16xf32> to vector<1x16xf32>
        tpu.vector_store %arg15[%swap3A_404, %swap3A_405], %swap3A_408 {strides = array<i32>} : memref<128x32xf32, #tpu.memory_space<vmem>>, vector<1x16xf32>,
        %mul3A_409 = arith.constant 16 : i32
        %mul3A_410 = arith.muli %scan3A_73, %mul3A_409 : i32
        %add3A_411 = arith.constant 11 : i32
        %add3A_412 = arith.addi %mul3A_410, %add3A_411 : i32
        %slice3A_413 = vector.extract_strided_slice %get3A_102 {offsets = [11], sizes = [1], strides = [1]} : vector<16xf32> to vector<1xf32>
        %squeeze3A_414 = vector.extract %slice3A_413[0] : f32 from vector<1xf32>
        %get3A_415 = arith.index_cast %add3A_412 : i32 to index
        %get3A_416 = arith.constant 0 : index
        %get3A_417 = tpu.vector_load %arg15[%get3A_415, %get3A_416] {strides = array<i32>} : memref<128x32xf32, #tpu.memory_space<vmem>>, vector<1x16xf32>,
        %get3A_418 = vector.shape_cast %get3A_417 : vector<1x16xf32> to vector<16xf32>
        %mul3A_419 = vector.broadcast %squeeze3A_414 : f32 to vector<16xf32>
        %mul3A_420 = arith.mulf %get3A_418, %mul3A_419 : vector<16xf32>
        %swap3A_421 = arith.index_cast %add3A_412 : i32 to index
        %swap3A_422 = arith.constant 0 : index
        %swap3A_423 = tpu.vector_load %arg15[%swap3A_421, %swap3A_422] {strides = array<i32>} : memref<128x32xf32, #tpu.memory_space<vmem>>, vector<1x16xf32>,
        %swap3A_424 = vector.shape_cast %swap3A_423 : vector<1x16xf32> to vector<16xf32>
        %swap3A_425 = vector.shape_cast %mul3A_420 : vector<16xf32> to vector<1x16xf32>
        tpu.vector_store %arg15[%swap3A_421, %swap3A_422], %swap3A_425 {strides = array<i32>} : memref<128x32xf32, #tpu.memory_space<vmem>>, vector<1x16xf32>,
        %get3A_426 = arith.index_cast %add3A_412 : i32 to index
        %get3A_427 = arith.constant 16 : index
        %get3A_428 = tpu.vector_load %arg15[%get3A_426, %get3A_427] {strides = array<i32>} : memref<128x32xf32, #tpu.memory_space<vmem>>, vector<1x16xf32>,
        %get3A_429 = vector.shape_cast %get3A_428 : vector<1x16xf32> to vector<16xf32>
        %mul3A_430 = vector.broadcast %squeeze3A_414 : f32 to vector<16xf32>
        %mul3A_431 = arith.mulf %get3A_429, %mul3A_430 : vector<16xf32>
        %swap3A_432 = arith.index_cast %add3A_412 : i32 to index
        %swap3A_433 = arith.constant 16 : index
        %swap3A_434 = tpu.vector_load %arg15[%swap3A_432, %swap3A_433] {strides = array<i32>} : memref<128x32xf32, #tpu.memory_space<vmem>>, vector<1x16xf32>,
        %swap3A_435 = vector.shape_cast %swap3A_434 : vector<1x16xf32> to vector<16xf32>
        %swap3A_436 = vector.shape_cast %mul3A_431 : vector<16xf32> to vector<1x16xf32>
        tpu.vector_store %arg15[%swap3A_432, %swap3A_433], %swap3A_436 {strides = array<i32>} : memref<128x32xf32, #tpu.memory_space<vmem>>, vector<1x16xf32>,
        %mul3A_437 = arith.constant 16 : i32
        %mul3A_438 = arith.muli %scan3A_73, %mul3A_437 : i32
        %add3A_439 = arith.constant 12 : i32
        %add3A_440 = arith.addi %mul3A_438, %add3A_439 : i32
        %slice3A_441 = vector.extract_strided_slice %get3A_102 {offsets = [12], sizes = [1], strides = [1]} : vector<16xf32> to vector<1xf32>
        %squeeze3A_442 = vector.extract %slice3A_441[0] : f32 from vector<1xf32>
        %get3A_443 = arith.index_cast %add3A_440 : i32 to index
        %get3A_444 = arith.constant 0 : index
        %get3A_445 = tpu.vector_load %arg15[%get3A_443, %get3A_444] {strides = array<i32>} : memref<128x32xf32, #tpu.memory_space<vmem>>, vector<1x16xf32>,
        %get3A_446 = vector.shape_cast %get3A_445 : vector<1x16xf32> to vector<16xf32>
        %mul3A_447 = vector.broadcast %squeeze3A_442 : f32 to vector<16xf32>
        %mul3A_448 = arith.mulf %get3A_446, %mul3A_447 : vector<16xf32>
        %swap3A_449 = arith.index_cast %add3A_440 : i32 to index
        %swap3A_450 = arith.constant 0 : index
        %swap3A_451 = tpu.vector_load %arg15[%swap3A_449, %swap3A_450] {strides = array<i32>} : memref<128x32xf32, #tpu.memory_space<vmem>>, vector<1x16xf32>,
        %swap3A_452 = vector.shape_cast %swap3A_451 : vector<1x16xf32> to vector<16xf32>
        %swap3A_453 = vector.shape_cast %mul3A_448 : vector<16xf32> to vector<1x16xf32>
        tpu.vector_store %arg15[%swap3A_449, %swap3A_450], %swap3A_453 {strides = array<i32>} : memref<128x32xf32, #tpu.memory_space<vmem>>, vector<1x16xf32>,
        %get3A_454 = arith.index_cast %add3A_440 : i32 to index
        %get3A_455 = arith.constant 16 : index
        %get3A_456 = tpu.vector_load %arg15[%get3A_454, %get3A_455] {strides = array<i32>} : memref<128x32xf32, #tpu.memory_space<vmem>>, vector<1x16xf32>,
        %get3A_457 = vector.shape_cast %get3A_456 : vector<1x16xf32> to vector<16xf32>
        %mul3A_458 = vector.broadcast %squeeze3A_442 : f32 to vector<16xf32>
        %mul3A_459 = arith.mulf %get3A_457, %mul3A_458 : vector<16xf32>
        %swap3A_460 = arith.index_cast %add3A_440 : i32 to index
        %swap3A_461 = arith.constant 16 : index
        %swap3A_462 = tpu.vector_load %arg15[%swap3A_460, %swap3A_461] {strides = array<i32>} : memref<128x32xf32, #tpu.memory_space<vmem>>, vector<1x16xf32>,
        %swap3A_463 = vector.shape_cast %swap3A_462 : vector<1x16xf32> to vector<16xf32>
        %swap3A_464 = vector.shape_cast %mul3A_459 : vector<16xf32> to vector<1x16xf32>
        tpu.vector_store %arg15[%swap3A_460, %swap3A_461], %swap3A_464 {strides = array<i32>} : memref<128x32xf32, #tpu.memory_space<vmem>>, vector<1x16xf32>,
        %mul3A_465 = arith.constant 16 : i32
        %mul3A_466 = arith.muli %scan3A_73, %mul3A_465 : i32
        %add3A_467 = arith.constant 13 : i32
        %add3A_468 = arith.addi %mul3A_466, %add3A_467 : i32
        %slice3A_469 = vector.extract_strided_slice %get3A_102 {offsets = [13], sizes = [1], strides = [1]} : vector<16xf32> to vector<1xf32>
        %squeeze3A_470 = vector.extract %slice3A_469[0] : f32 from vector<1xf32>
        %get3A_471 = arith.index_cast %add3A_468 : i32 to index
        %get3A_472 = arith.constant 0 : index
        %get3A_473 = tpu.vector_load %arg15[%get3A_471, %get3A_472] {strides = array<i32>} : memref<128x32xf32, #tpu.memory_space<vmem>>, vector<1x16xf32>,
        %get3A_474 = vector.shape_cast %get3A_473 : vector<1x16xf32> to vector<16xf32>
        %mul3A_475 = vector.broadcast %squeeze3A_470 : f32 to vector<16xf32>
        %mul3A_476 = arith.mulf %get3A_474, %mul3A_475 : vector<16xf32>
        %swap3A_477 = arith.index_cast %add3A_468 : i32 to index
        %swap3A_478 = arith.constant 0 : index
        %swap3A_479 = tpu.vector_load %arg15[%swap3A_477, %swap3A_478] {strides = array<i32>} : memref<128x32xf32, #tpu.memory_space<vmem>>, vector<1x16xf32>,
        %swap3A_480 = vector.shape_cast %swap3A_479 : vector<1x16xf32> to vector<16xf32>
        %swap3A_481 = vector.shape_cast %mul3A_476 : vector<16xf32> to vector<1x16xf32>
        tpu.vector_store %arg15[%swap3A_477, %swap3A_478], %swap3A_481 {strides = array<i32>} : memref<128x32xf32, #tpu.memory_space<vmem>>, vector<1x16xf32>,
        %get3A_482 = arith.index_cast %add3A_468 : i32 to index
        %get3A_483 = arith.constant 16 : index
        %get3A_484 = tpu.vector_load %arg15[%get3A_482, %get3A_483] {strides = array<i32>} : memref<128x32xf32, #tpu.memory_space<vmem>>, vector<1x16xf32>,
        %get3A_485 = vector.shape_cast %get3A_484 : vector<1x16xf32> to vector<16xf32>
        %mul3A_486 = vector.broadcast %squeeze3A_470 : f32 to vector<16xf32>
        %mul3A_487 = arith.mulf %get3A_485, %mul3A_486 : vector<16xf32>
        %swap3A_488 = arith.index_cast %add3A_468 : i32 to index
        %swap3A_489 = arith.constant 16 : index
        %swap3A_490 = tpu.vector_load %arg15[%swap3A_488, %swap3A_489] {strides = array<i32>} : memref<128x32xf32, #tpu.memory_space<vmem>>, vector<1x16xf32>,
        %swap3A_491 = vector.shape_cast %swap3A_490 : vector<1x16xf32> to vector<16xf32>
        %swap3A_492 = vector.shape_cast %mul3A_487 : vector<16xf32> to vector<1x16xf32>
        tpu.vector_store %arg15[%swap3A_488, %swap3A_489], %swap3A_492 {strides = array<i32>} : memref<128x32xf32, #tpu.memory_space<vmem>>, vector<1x16xf32>,
        %mul3A_493 = arith.constant 16 : i32
        %mul3A_494 = arith.muli %scan3A_73, %mul3A_493 : i32
        %add3A_495 = arith.constant 14 : i32
        %add3A_496 = arith.addi %mul3A_494, %add3A_495 : i32
        %slice3A_497 = vector.extract_strided_slice %get3A_102 {offsets = [14], sizes = [1], strides = [1]} : vector<16xf32> to vector<1xf32>
        %squeeze3A_498 = vector.extract %slice3A_497[0] : f32 from vector<1xf32>
        %get3A_499 = arith.index_cast %add3A_496 : i32 to index
        %get3A_500 = arith.constant 0 : index
        %get3A_501 = tpu.vector_load %arg15[%get3A_499, %get3A_500] {strides = array<i32>} : memref<128x32xf32, #tpu.memory_space<vmem>>, vector<1x16xf32>,
        %get3A_502 = vector.shape_cast %get3A_501 : vector<1x16xf32> to vector<16xf32>
        %mul3A_503 = vector.broadcast %squeeze3A_498 : f32 to vector<16xf32>
        %mul3A_504 = arith.mulf %get3A_502, %mul3A_503 : vector<16xf32>
        %swap3A_505 = arith.index_cast %add3A_496 : i32 to index
        %swap3A_506 = arith.constant 0 : index
        %swap3A_507 = tpu.vector_load %arg15[%swap3A_505, %swap3A_506] {strides = array<i32>} : memref<128x32xf32, #tpu.memory_space<vmem>>, vector<1x16xf32>,
        %swap3A_508 = vector.shape_cast %swap3A_507 : vector<1x16xf32> to vector<16xf32>
        %swap3A_509 = vector.shape_cast %mul3A_504 : vector<16xf32> to vector<1x16xf32>
        tpu.vector_store %arg15[%swap3A_505, %swap3A_506], %swap3A_509 {strides = array<i32>} : memref<128x32xf32, #tpu.memory_space<vmem>>, vector<1x16xf32>,
        %get3A_510 = arith.index_cast %add3A_496 : i32 to index
        %get3A_511 = arith.constant 16 : index
        %get3A_512 = tpu.vector_load %arg15[%get3A_510, %get3A_511] {strides = array<i32>} : memref<128x32xf32, #tpu.memory_space<vmem>>, vector<1x16xf32>,
        %get3A_513 = vector.shape_cast %get3A_512 : vector<1x16xf32> to vector<16xf32>
        %mul3A_514 = vector.broadcast %squeeze3A_498 : f32 to vector<16xf32>
        %mul3A_515 = arith.mulf %get3A_513, %mul3A_514 : vector<16xf32>
        %swap3A_516 = arith.index_cast %add3A_496 : i32 to index
        %swap3A_517 = arith.constant 16 : index
        %swap3A_518 = tpu.vector_load %arg15[%swap3A_516, %swap3A_517] {strides = array<i32>} : memref<128x32xf32, #tpu.memory_space<vmem>>, vector<1x16xf32>,
        %swap3A_519 = vector.shape_cast %swap3A_518 : vector<1x16xf32> to vector<16xf32>
        %swap3A_520 = vector.shape_cast %mul3A_515 : vector<16xf32> to vector<1x16xf32>
        tpu.vector_store %arg15[%swap3A_516, %swap3A_517], %swap3A_520 {strides = array<i32>} : memref<128x32xf32, #tpu.memory_space<vmem>>, vector<1x16xf32>,
        %mul3A_521 = arith.constant 16 : i32
        %mul3A_522 = arith.muli %scan3A_73, %mul3A_521 : i32
        %add3A_523 = arith.constant 15 : i32
        %add3A_524 = arith.addi %mul3A_522, %add3A_523 : i32
        %slice3A_525 = vector.extract_strided_slice %get3A_102 {offsets = [15], sizes = [1], strides = [1]} : vector<16xf32> to vector<1xf32>
        %squeeze3A_526 = vector.extract %slice3A_525[0] : f32 from vector<1xf32>
        %get3A_527 = arith.index_cast %add3A_524 : i32 to index
        %get3A_528 = arith.constant 0 : index
        %get3A_529 = tpu.vector_load %arg15[%get3A_527, %get3A_528] {strides = array<i32>} : memref<128x32xf32, #tpu.memory_space<vmem>>, vector<1x16xf32>,
        %get3A_530 = vector.shape_cast %get3A_529 : vector<1x16xf32> to vector<16xf32>
        %mul3A_531 = vector.broadcast %squeeze3A_526 : f32 to vector<16xf32>
        %mul3A_532 = arith.mulf %get3A_530, %mul3A_531 : vector<16xf32>
        %swap3A_533 = arith.index_cast %add3A_524 : i32 to index
        %swap3A_534 = arith.constant 0 : index
        %swap3A_535 = tpu.vector_load %arg15[%swap3A_533, %swap3A_534] {strides = array<i32>} : memref<128x32xf32, #tpu.memory_space<vmem>>, vector<1x16xf32>,
        %swap3A_536 = vector.shape_cast %swap3A_535 : vector<1x16xf32> to vector<16xf32>
        %swap3A_537 = vector.shape_cast %mul3A_532 : vector<16xf32> to vector<1x16xf32>
        tpu.vector_store %arg15[%swap3A_533, %swap3A_534], %swap3A_537 {strides = array<i32>} : memref<128x32xf32, #tpu.memory_space<vmem>>, vector<1x16xf32>,
        %get3A_538 = arith.index_cast %add3A_524 : i32 to index
        %get3A_539 = arith.constant 16 : index
        %get3A_540 = tpu.vector_load %arg15[%get3A_538, %get3A_539] {strides = array<i32>} : memref<128x32xf32, #tpu.memory_space<vmem>>, vector<1x16xf32>,
        %get3A_541 = vector.shape_cast %get3A_540 : vector<1x16xf32> to vector<16xf32>
        %mul3A_542 = vector.broadcast %squeeze3A_526 : f32 to vector<16xf32>
        %mul3A_543 = arith.mulf %get3A_541, %mul3A_542 : vector<16xf32>
        %swap3A_544 = arith.index_cast %add3A_524 : i32 to index
        %swap3A_545 = arith.constant 16 : index
        %swap3A_546 = tpu.vector_load %arg15[%swap3A_544, %swap3A_545] {strides = array<i32>} : memref<128x32xf32, #tpu.memory_space<vmem>>, vector<1x16xf32>,
        %swap3A_547 = vector.shape_cast %swap3A_546 : vector<1x16xf32> to vector<16xf32>
        %swap3A_548 = vector.shape_cast %mul3A_543 : vector<16xf32> to vector<1x16xf32>
        tpu.vector_store %arg15[%swap3A_544, %swap3A_545], %swap3A_548 {strides = array<i32>} : memref<128x32xf32, #tpu.memory_space<vmem>>, vector<1x16xf32>,
        %scan3A_549 = arith.constant 0 : i32
        scf.yield %scan3A_549 : i32
      }
      %scan3A_72 = arith.constant 8 : i32
      %run_scoped3A = arith.constant 0 : i32
      "tpu.region"() ({
        %run_scoped3A_73 = tpu.sem_alloc : memref<!tpu.dma_semaphore, #tpu.memory_space<semaphore_mem>>
        %dma_start3A_74 = arith.constant 0 : i32
        %dma_start3A_75 = tpu.memref_slice %arg12[%run_scoped3A, %dma_start3A_74] : memref<1x128xi32, #tpu.memory_space<vmem>> -> memref<1x128xi32, #tpu.memory_space<vmem>>
        %dma_start3A_76 = tpu.memref_squeeze %dma_start3A_75 : memref<1x128xi32, #tpu.memory_space<vmem>> -> memref<128xi32, #tpu.memory_space<vmem>>
        %dma_start3A_77 = arith.constant 0 : i32
        %dma_start3A_78 = arith.constant 0 : i32
        %dma_start3A_79 = tpu.memref_slice %arg10[%dma_start3A_77, %dma_start3A_78] : memref<50008x32xf32, #tpu.memory_space<vmem_shared>> -> memref<50008x32xf32, #tpu.memory_space<vmem_shared>>
        tpu.enqueue_indirect_dma source(%arg15 : memref<128x32xf32, #tpu.memory_space<vmem>>) target(%dma_start3A_79 : memref<50008x32xf32, #tpu.memory_space<vmem_shared>>) offsets(%dma_start3A_76 : memref<128xi32, #tpu.memory_space<vmem>>) semaphore(%run_scoped3A_73 : memref<!tpu.dma_semaphore, #tpu.memory_space<semaphore_mem>>) {add = true}
        %dma_wait3A_80 = arith.constant 0 : i32
        %dma_wait3A_81 = tpu.memref_slice %arg12[%run_scoped3A, %dma_wait3A_80] : memref<1x128xi32, #tpu.memory_space<vmem>> -> memref<1x128xi32, #tpu.memory_space<vmem>>
        %dma_wait3A_82 = tpu.memref_squeeze %dma_wait3A_81 : memref<1x128xi32, #tpu.memory_space<vmem>> -> memref<128xi32, #tpu.memory_space<vmem>>
        %dma_wait3A_83 = arith.constant 0 : i32
        %dma_wait3A_84 = arith.constant 0 : i32
        %dma_wait3A_85 = tpu.memref_slice %arg10[%dma_wait3A_83, %dma_wait3A_84] : memref<50008x32xf32, #tpu.memory_space<vmem_shared>> -> memref<50008x32xf32, #tpu.memory_space<vmem_shared>>
        tpu.wait_indirect_dma semaphore(%run_scoped3A_73 : memref<!tpu.dma_semaphore, #tpu.memory_space<semaphore_mem>>) src(%arg15 : memref<128x32xf32, #tpu.memory_space<vmem>>) dst(%dma_wait3A_85 : memref<50008x32xf32, #tpu.memory_space<vmem_shared>>)
        tpu.yield
      }) : () -> ()
    }
    %barrier3A_41 = arith.constant 0 : index
    tpu.barrier barrier_id(%barrier3A_41)
    %add3A_42 = arith.addi %add3A, %add3A_7 : i32
    %while3A_43 = arith.constant 0 : i32
    %while3A_44 = arith.subi %add3A_42, %add3A : i32
    %while3A_45 = arith.addi %add3A, %while3A_44 : i32
    %while3A_46 = arith.constant 1 : i32
    %while3A_47 = arith.divsi %while3A_44, %while3A_46 : i32
    %while3A_48 = arith.muli %while3A_47, %while3A_46 : i32
    %while3A_49 = arith.addi %add3A, %while3A_48 : i32
    %while3A_50 = arith.constant 1 : i32
    %while3A_51 = scf.for %while3A_54 = %add3A to %while3A_49 step %while3A_50 iter_args(%while3A_55 = %while3A_43) -> (i32)  : i32 {
      %mul3A_56 = arith.constant 400 : i32
      %mul3A_57 = arith.muli %while3A_54, %mul3A_56 : i32
      "tpu.region"() ({
        %run_scoped3A = tpu.sem_alloc : memref<!tpu.dma_semaphore, #tpu.memory_space<semaphore_mem>>
        %dma_start3A = arith.constant 0 : i32
        %dma_start3A_68 = tpu.memref_slice %arg10[%mul3A_57, %dma_start3A] : memref<50008x32xf32, #tpu.memory_space<vmem_shared>> -> memref<400x32xf32, #tpu.memory_space<vmem_shared>>
        %dma_start3A_69 = arith.constant 0 : i32
        %dma_start3A_70 = tpu.memref_slice %arg10[%mul3A_57, %dma_start3A_69] : memref<50008x32xf32, #tpu.memory_space<vmem_shared>> -> memref<400x32xf32, #tpu.memory_space<vmem_shared>>
        tpu.enqueue_dma source(%dma_start3A_70 : memref<400x32xf32, #tpu.memory_space<vmem_shared>>) target(%arg16 : memref<400x32xf32, #tpu.memory_space<vmem>>) target_semaphore(%run_scoped3A : memref<!tpu.dma_semaphore, #tpu.memory_space<semaphore_mem>>)
        %dma_wait3A = arith.constant 0 : i32
        %dma_wait3A_71 = tpu.memref_slice %arg10[%mul3A_57, %dma_wait3A] : memref<50008x32xf32, #tpu.memory_space<vmem_shared>> -> memref<400x32xf32, #tpu.memory_space<vmem_shared>>
        %dma_wait3A_72 = arith.constant 0 : i32
        %dma_wait3A_73 = tpu.memref_slice %arg10[%mul3A_57, %dma_wait3A_72] : memref<50008x32xf32, #tpu.memory_space<vmem_shared>> -> memref<400x32xf32, #tpu.memory_space<vmem_shared>>
        tpu.wait_dma2 semaphore(%run_scoped3A : memref<!tpu.dma_semaphore, #tpu.memory_space<semaphore_mem>>) src(%dma_wait3A_73 : memref<400x32xf32, #tpu.memory_space<vmem_shared>>) dst(%arg16 : memref<400x32xf32, #tpu.memory_space<vmem>>)
        tpu.yield
      }) : () -> ()
      %add3A_58 = arith.addi %mul3A_0, %mul3A_57 : i32
      "tpu.region"() ({
        %run_scoped3A = tpu.sem_alloc : memref<!tpu.dma_semaphore, #tpu.memory_space<semaphore_mem>>
        %dma_start3A = arith.constant 0 : i32
        %dma_start3A_68 = tpu.memref_slice %arg8[%add3A_58, %dma_start3A] : memref<100000x32xf32, #tpu.memory_space<hbm>> -> memref<400x32xf32, #tpu.memory_space<hbm>>
        %dma_start3A_69 = arith.constant 0 : i32
        %dma_start3A_70 = tpu.memref_slice %arg8[%add3A_58, %dma_start3A_69] : memref<100000x32xf32, #tpu.memory_space<hbm>> -> memref<400x32xf32, #tpu.memory_space<hbm>>
        tpu.enqueue_dma source(%arg16 : memref<400x32xf32, #tpu.memory_space<vmem>>) target(%dma_start3A_70 : memref<400x32xf32, #tpu.memory_space<hbm>>) target_semaphore(%run_scoped3A : memref<!tpu.dma_semaphore, #tpu.memory_space<semaphore_mem>>)
        %dma_wait3A = arith.constant 0 : i32
        %dma_wait3A_71 = tpu.memref_slice %arg8[%add3A_58, %dma_wait3A] : memref<100000x32xf32, #tpu.memory_space<hbm>> -> memref<400x32xf32, #tpu.memory_space<hbm>>
        %dma_wait3A_72 = arith.constant 0 : i32
        %dma_wait3A_73 = tpu.memref_slice %arg8[%add3A_58, %dma_wait3A_72] : memref<100000x32xf32, #tpu.memory_space<hbm>> -> memref<400x32xf32, #tpu.memory_space<hbm>>
        tpu.wait_dma2 semaphore(%run_scoped3A : memref<!tpu.dma_semaphore, #tpu.memory_space<semaphore_mem>>) src(%arg16 : memref<400x32xf32, #tpu.memory_space<vmem>>) dst(%dma_wait3A_73 : memref<400x32xf32, #tpu.memory_space<hbm>>)
        tpu.yield
      }) : () -> ()
      %add3A_59 = arith.addi %mul3A_0, %mul3A_57 : i32
      "tpu.region"() ({
        %run_scoped3A = tpu.sem_alloc : memref<!tpu.dma_semaphore, #tpu.memory_space<semaphore_mem>>
        %dma_start3A = arith.constant 0 : i32
        %dma_start3A_68 = tpu.memref_slice %arg3[%add3A_59, %dma_start3A] : memref<100000x32xf32, #tpu.memory_space<hbm>> -> memref<400x32xf32, #tpu.memory_space<hbm>>
        %dma_start3A_69 = arith.constant 0 : i32
        %dma_start3A_70 = tpu.memref_slice %arg3[%add3A_59, %dma_start3A_69] : memref<100000x32xf32, #tpu.memory_space<hbm>> -> memref<400x32xf32, #tpu.memory_space<hbm>>
        tpu.enqueue_dma source(%dma_start3A_70 : memref<400x32xf32, #tpu.memory_space<hbm>>) target(%arg17 : memref<400x32xf32, #tpu.memory_space<vmem>>) target_semaphore(%run_scoped3A : memref<!tpu.dma_semaphore, #tpu.memory_space<semaphore_mem>>)
        %dma_wait3A = arith.constant 0 : i32
        %dma_wait3A_71 = tpu.memref_slice %arg3[%add3A_59, %dma_wait3A] : memref<100000x32xf32, #tpu.memory_space<hbm>> -> memref<400x32xf32, #tpu.memory_space<hbm>>
        %dma_wait3A_72 = arith.constant 0 : i32
        %dma_wait3A_73 = tpu.memref_slice %arg3[%add3A_59, %dma_wait3A_72] : memref<100000x32xf32, #tpu.memory_space<hbm>> -> memref<400x32xf32, #tpu.memory_space<hbm>>
        tpu.wait_dma2 semaphore(%run_scoped3A : memref<!tpu.dma_semaphore, #tpu.memory_space<semaphore_mem>>) src(%dma_wait3A_73 : memref<400x32xf32, #tpu.memory_space<hbm>>) dst(%arg17 : memref<400x32xf32, #tpu.memory_space<vmem>>)
        tpu.yield
      }) : () -> ()
      %scan3A = arith.constant 0 : i32
      %scan3A_60 = arith.constant 0 : i32
      %scan3A_61 = arith.constant 400 : i32
      %scan3A_62 = arith.addi %scan3A_60, %scan3A_61 : i32
      %scan3A_63 = arith.constant 1 : i32
      %scan3A_64 = scf.for %scan3A_68 = %scan3A_60 to %scan3A_62 step %scan3A_63 iter_args(%scan3A_69 = %scan3A) -> (i32)  : i32 {
        %get3A = arith.index_cast %scan3A_68 : i32 to index
        %get3A_70 = arith.constant 0 : index
        %get3A_71 = tpu.vector_load %arg16[%get3A, %get3A_70] {strides = array<i32>} : memref<400x32xf32, #tpu.memory_space<vmem>>, vector<1x16xf32>,
        %get3A_72 = vector.shape_cast %get3A_71 : vector<1x16xf32> to vector<16xf32>
        %get3A_73 = arith.index_cast %scan3A_68 : i32 to index
        %get3A_74 = arith.constant 0 : index
        %get3A_75 = tpu.vector_load %arg17[%get3A_73, %get3A_74] {strides = array<i32>} : memref<400x32xf32, #tpu.memory_space<vmem>>, vector<1x16xf32>,
        %get3A_76 = vector.shape_cast %get3A_75 : vector<1x16xf32> to vector<16xf32>
        %add3A_77 = arith.addf %get3A_72, %get3A_76 : vector<16xf32>
        %swap3A = arith.index_cast %scan3A_68 : i32 to index
        %swap3A_78 = arith.constant 0 : index
        %swap3A_79 = tpu.vector_load %arg16[%swap3A, %swap3A_78] {strides = array<i32>} : memref<400x32xf32, #tpu.memory_space<vmem>>, vector<1x16xf32>,
        %swap3A_80 = vector.shape_cast %swap3A_79 : vector<1x16xf32> to vector<16xf32>
        %swap3A_81 = vector.shape_cast %add3A_77 : vector<16xf32> to vector<1x16xf32>
        tpu.vector_store %arg16[%swap3A, %swap3A_78], %swap3A_81 {strides = array<i32>} : memref<400x32xf32, #tpu.memory_space<vmem>>, vector<1x16xf32>,
        %get3A_82 = arith.index_cast %scan3A_68 : i32 to index
        %get3A_83 = arith.constant 16 : index
        %get3A_84 = tpu.vector_load %arg16[%get3A_82, %get3A_83] {strides = array<i32>} : memref<400x32xf32, #tpu.memory_space<vmem>>, vector<1x16xf32>,
        %get3A_85 = vector.shape_cast %get3A_84 : vector<1x16xf32> to vector<16xf32>
        %get3A_86 = arith.index_cast %scan3A_68 : i32 to index
        %get3A_87 = arith.constant 16 : index
        %get3A_88 = tpu.vector_load %arg17[%get3A_86, %get3A_87] {strides = array<i32>} : memref<400x32xf32, #tpu.memory_space<vmem>>, vector<1x16xf32>,
        %get3A_89 = vector.shape_cast %get3A_88 : vector<1x16xf32> to vector<16xf32>
        %add3A_90 = arith.addf %get3A_85, %get3A_89 : vector<16xf32>
        %swap3A_91 = arith.index_cast %scan3A_68 : i32 to index
        %swap3A_92 = arith.constant 16 : index
        %swap3A_93 = tpu.vector_load %arg16[%swap3A_91, %swap3A_92] {strides = array<i32>} : memref<400x32xf32, #tpu.memory_space<vmem>>, vector<1x16xf32>,
        %swap3A_94 = vector.shape_cast %swap3A_93 : vector<1x16xf32> to vector<16xf32>
        %swap3A_95 = vector.shape_cast %add3A_90 : vector<16xf32> to vector<1x16xf32>
        tpu.vector_store %arg16[%swap3A_91, %swap3A_92], %swap3A_95 {strides = array<i32>} : memref<400x32xf32, #tpu.memory_space<vmem>>, vector<1x16xf32>,
        %scan3A_96 = arith.constant 0 : i32
        scf.yield %scan3A_96 : i32
      }
      %scan3A_65 = arith.constant 400 : i32
      %add3A_66 = arith.addi %mul3A_0, %mul3A_57 : i32
      "tpu.region"() ({
        %run_scoped3A = tpu.sem_alloc : memref<!tpu.dma_semaphore, #tpu.memory_space<semaphore_mem>>
        %dma_start3A = arith.constant 0 : i32
        %dma_start3A_68 = tpu.memref_slice %arg9[%add3A_66, %dma_start3A] : memref<100000x32xf32, #tpu.memory_space<hbm>> -> memref<400x32xf32, #tpu.memory_space<hbm>>
        %dma_start3A_69 = arith.constant 0 : i32
        %dma_start3A_70 = tpu.memref_slice %arg9[%add3A_66, %dma_start3A_69] : memref<100000x32xf32, #tpu.memory_space<hbm>> -> memref<400x32xf32, #tpu.memory_space<hbm>>
        tpu.enqueue_dma source(%arg16 : memref<400x32xf32, #tpu.memory_space<vmem>>) target(%dma_start3A_70 : memref<400x32xf32, #tpu.memory_space<hbm>>) target_semaphore(%run_scoped3A : memref<!tpu.dma_semaphore, #tpu.memory_space<semaphore_mem>>)
        %dma_wait3A = arith.constant 0 : i32
        %dma_wait3A_71 = tpu.memref_slice %arg9[%add3A_66, %dma_wait3A] : memref<100000x32xf32, #tpu.memory_space<hbm>> -> memref<400x32xf32, #tpu.memory_space<hbm>>
        %dma_wait3A_72 = arith.constant 0 : i32
        %dma_wait3A_73 = tpu.memref_slice %arg9[%add3A_66, %dma_wait3A_72] : memref<100000x32xf32, #tpu.memory_space<hbm>> -> memref<400x32xf32, #tpu.memory_space<hbm>>
        tpu.wait_dma2 semaphore(%run_scoped3A : memref<!tpu.dma_semaphore, #tpu.memory_space<semaphore_mem>>) src(%arg16 : memref<400x32xf32, #tpu.memory_space<vmem>>) dst(%dma_wait3A_73 : memref<400x32xf32, #tpu.memory_space<hbm>>)
        tpu.yield
      }) : () -> ()
      %while3A_67 = arith.constant 0 : i32
      scf.yield %while3A_67 : i32
    }
    %while3A_52 = arith.constant 1 : i32
    %while3A_53 = scf.for %while3A_54 = %while3A_49 to %while3A_45 step %while3A_52 iter_args(%while3A_55 = %while3A_51) -> (i32)  : i32 {
      %mul3A_56 = arith.constant 400 : i32
      %mul3A_57 = arith.muli %while3A_54, %mul3A_56 : i32
      "tpu.region"() ({
        %run_scoped3A = tpu.sem_alloc : memref<!tpu.dma_semaphore, #tpu.memory_space<semaphore_mem>>
        %dma_start3A = arith.constant 0 : i32
        %dma_start3A_68 = tpu.memref_slice %arg10[%mul3A_57, %dma_start3A] : memref<50008x32xf32, #tpu.memory_space<vmem_shared>> -> memref<400x32xf32, #tpu.memory_space<vmem_shared>>
        %dma_start3A_69 = arith.constant 0 : i32
        %dma_start3A_70 = tpu.memref_slice %arg10[%mul3A_57, %dma_start3A_69] : memref<50008x32xf32, #tpu.memory_space<vmem_shared>> -> memref<400x32xf32, #tpu.memory_space<vmem_shared>>
        tpu.enqueue_dma source(%dma_start3A_70 : memref<400x32xf32, #tpu.memory_space<vmem_shared>>) target(%arg16 : memref<400x32xf32, #tpu.memory_space<vmem>>) target_semaphore(%run_scoped3A : memref<!tpu.dma_semaphore, #tpu.memory_space<semaphore_mem>>)
        %dma_wait3A = arith.constant 0 : i32
        %dma_wait3A_71 = tpu.memref_slice %arg10[%mul3A_57, %dma_wait3A] : memref<50008x32xf32, #tpu.memory_space<vmem_shared>> -> memref<400x32xf32, #tpu.memory_space<vmem_shared>>
        %dma_wait3A_72 = arith.constant 0 : i32
        %dma_wait3A_73 = tpu.memref_slice %arg10[%mul3A_57, %dma_wait3A_72] : memref<50008x32xf32, #tpu.memory_space<vmem_shared>> -> memref<400x32xf32, #tpu.memory_space<vmem_shared>>
        tpu.wait_dma2 semaphore(%run_scoped3A : memref<!tpu.dma_semaphore, #tpu.memory_space<semaphore_mem>>) src(%dma_wait3A_73 : memref<400x32xf32, #tpu.memory_space<vmem_shared>>) dst(%arg16 : memref<400x32xf32, #tpu.memory_space<vmem>>)
        tpu.yield
      }) : () -> ()
      %add3A_58 = arith.addi %mul3A_0, %mul3A_57 : i32
      "tpu.region"() ({
        %run_scoped3A = tpu.sem_alloc : memref<!tpu.dma_semaphore, #tpu.memory_space<semaphore_mem>>
        %dma_start3A = arith.constant 0 : i32
        %dma_start3A_68 = tpu.memref_slice %arg8[%add3A_58, %dma_start3A] : memref<100000x32xf32, #tpu.memory_space<hbm>> -> memref<400x32xf32, #tpu.memory_space<hbm>>
        %dma_start3A_69 = arith.constant 0 : i32
        %dma_start3A_70 = tpu.memref_slice %arg8[%add3A_58, %dma_start3A_69] : memref<100000x32xf32, #tpu.memory_space<hbm>> -> memref<400x32xf32, #tpu.memory_space<hbm>>
        tpu.enqueue_dma source(%arg16 : memref<400x32xf32, #tpu.memory_space<vmem>>) target(%dma_start3A_70 : memref<400x32xf32, #tpu.memory_space<hbm>>) target_semaphore(%run_scoped3A : memref<!tpu.dma_semaphore, #tpu.memory_space<semaphore_mem>>)
        %dma_wait3A = arith.constant 0 : i32
        %dma_wait3A_71 = tpu.memref_slice %arg8[%add3A_58, %dma_wait3A] : memref<100000x32xf32, #tpu.memory_space<hbm>> -> memref<400x32xf32, #tpu.memory_space<hbm>>
        %dma_wait3A_72 = arith.constant 0 : i32
        %dma_wait3A_73 = tpu.memref_slice %arg8[%add3A_58, %dma_wait3A_72] : memref<100000x32xf32, #tpu.memory_space<hbm>> -> memref<400x32xf32, #tpu.memory_space<hbm>>
        tpu.wait_dma2 semaphore(%run_scoped3A : memref<!tpu.dma_semaphore, #tpu.memory_space<semaphore_mem>>) src(%arg16 : memref<400x32xf32, #tpu.memory_space<vmem>>) dst(%dma_wait3A_73 : memref<400x32xf32, #tpu.memory_space<hbm>>)
        tpu.yield
      }) : () -> ()
      %add3A_59 = arith.addi %mul3A_0, %mul3A_57 : i32
      "tpu.region"() ({
        %run_scoped3A = tpu.sem_alloc : memref<!tpu.dma_semaphore, #tpu.memory_space<semaphore_mem>>
        %dma_start3A = arith.constant 0 : i32
        %dma_start3A_68 = tpu.memref_slice %arg3[%add3A_59, %dma_start3A] : memref<100000x32xf32, #tpu.memory_space<hbm>> -> memref<400x32xf32, #tpu.memory_space<hbm>>
        %dma_start3A_69 = arith.constant 0 : i32
        %dma_start3A_70 = tpu.memref_slice %arg3[%add3A_59, %dma_start3A_69] : memref<100000x32xf32, #tpu.memory_space<hbm>> -> memref<400x32xf32, #tpu.memory_space<hbm>>
        tpu.enqueue_dma source(%dma_start3A_70 : memref<400x32xf32, #tpu.memory_space<hbm>>) target(%arg17 : memref<400x32xf32, #tpu.memory_space<vmem>>) target_semaphore(%run_scoped3A : memref<!tpu.dma_semaphore, #tpu.memory_space<semaphore_mem>>)
        %dma_wait3A = arith.constant 0 : i32
        %dma_wait3A_71 = tpu.memref_slice %arg3[%add3A_59, %dma_wait3A] : memref<100000x32xf32, #tpu.memory_space<hbm>> -> memref<400x32xf32, #tpu.memory_space<hbm>>
        %dma_wait3A_72 = arith.constant 0 : i32
        %dma_wait3A_73 = tpu.memref_slice %arg3[%add3A_59, %dma_wait3A_72] : memref<100000x32xf32, #tpu.memory_space<hbm>> -> memref<400x32xf32, #tpu.memory_space<hbm>>
        tpu.wait_dma2 semaphore(%run_scoped3A : memref<!tpu.dma_semaphore, #tpu.memory_space<semaphore_mem>>) src(%dma_wait3A_73 : memref<400x32xf32, #tpu.memory_space<hbm>>) dst(%arg17 : memref<400x32xf32, #tpu.memory_space<vmem>>)
        tpu.yield
      }) : () -> ()
      %scan3A = arith.constant 0 : i32
      %scan3A_60 = arith.constant 0 : i32
      %scan3A_61 = arith.constant 400 : i32
      %scan3A_62 = arith.addi %scan3A_60, %scan3A_61 : i32
      %scan3A_63 = arith.constant 1 : i32
      %scan3A_64 = scf.for %scan3A_68 = %scan3A_60 to %scan3A_62 step %scan3A_63 iter_args(%scan3A_69 = %scan3A) -> (i32)  : i32 {
        %get3A = arith.index_cast %scan3A_68 : i32 to index
        %get3A_70 = arith.constant 0 : index
        %get3A_71 = tpu.vector_load %arg16[%get3A, %get3A_70] {strides = array<i32>} : memref<400x32xf32, #tpu.memory_space<vmem>>, vector<1x16xf32>,
        %get3A_72 = vector.shape_cast %get3A_71 : vector<1x16xf32> to vector<16xf32>
        %get3A_73 = arith.index_cast %scan3A_68 : i32 to index
        %get3A_74 = arith.constant 0 : index
        %get3A_75 = tpu.vector_load %arg17[%get3A_73, %get3A_74] {strides = array<i32>} : memref<400x32xf32, #tpu.memory_space<vmem>>, vector<1x16xf32>,
        %get3A_76 = vector.shape_cast %get3A_75 : vector<1x16xf32> to vector<16xf32>
        %add3A_77 = arith.addf %get3A_72, %get3A_76 : vector<16xf32>
        %swap3A = arith.index_cast %scan3A_68 : i32 to index
        %swap3A_78 = arith.constant 0 : index
        %swap3A_79 = tpu.vector_load %arg16[%swap3A, %swap3A_78] {strides = array<i32>} : memref<400x32xf32, #tpu.memory_space<vmem>>, vector<1x16xf32>,
        %swap3A_80 = vector.shape_cast %swap3A_79 : vector<1x16xf32> to vector<16xf32>
        %swap3A_81 = vector.shape_cast %add3A_77 : vector<16xf32> to vector<1x16xf32>
        tpu.vector_store %arg16[%swap3A, %swap3A_78], %swap3A_81 {strides = array<i32>} : memref<400x32xf32, #tpu.memory_space<vmem>>, vector<1x16xf32>,
        %get3A_82 = arith.index_cast %scan3A_68 : i32 to index
        %get3A_83 = arith.constant 16 : index
        %get3A_84 = tpu.vector_load %arg16[%get3A_82, %get3A_83] {strides = array<i32>} : memref<400x32xf32, #tpu.memory_space<vmem>>, vector<1x16xf32>,
        %get3A_85 = vector.shape_cast %get3A_84 : vector<1x16xf32> to vector<16xf32>
        %get3A_86 = arith.index_cast %scan3A_68 : i32 to index
        %get3A_87 = arith.constant 16 : index
        %get3A_88 = tpu.vector_load %arg17[%get3A_86, %get3A_87] {strides = array<i32>} : memref<400x32xf32, #tpu.memory_space<vmem>>, vector<1x16xf32>,
        %get3A_89 = vector.shape_cast %get3A_88 : vector<1x16xf32> to vector<16xf32>
        %add3A_90 = arith.addf %get3A_85, %get3A_89 : vector<16xf32>
        %swap3A_91 = arith.index_cast %scan3A_68 : i32 to index
        %swap3A_92 = arith.constant 16 : index
        %swap3A_93 = tpu.vector_load %arg16[%swap3A_91, %swap3A_92] {strides = array<i32>} : memref<400x32xf32, #tpu.memory_space<vmem>>, vector<1x16xf32>,
        %swap3A_94 = vector.shape_cast %swap3A_93 : vector<1x16xf32> to vector<16xf32>
        %swap3A_95 = vector.shape_cast %add3A_90 : vector<16xf32> to vector<1x16xf32>
        tpu.vector_store %arg16[%swap3A_91, %swap3A_92], %swap3A_95 {strides = array<i32>} : memref<400x32xf32, #tpu.memory_space<vmem>>, vector<1x16xf32>,
        %scan3A_96 = arith.constant 0 : i32
        scf.yield %scan3A_96 : i32
      }
      %scan3A_65 = arith.constant 400 : i32
      %add3A_66 = arith.addi %mul3A_0, %mul3A_57 : i32
      "tpu.region"() ({
        %run_scoped3A = tpu.sem_alloc : memref<!tpu.dma_semaphore, #tpu.memory_space<semaphore_mem>>
        %dma_start3A = arith.constant 0 : i32
        %dma_start3A_68 = tpu.memref_slice %arg9[%add3A_66, %dma_start3A] : memref<100000x32xf32, #tpu.memory_space<hbm>> -> memref<400x32xf32, #tpu.memory_space<hbm>>
        %dma_start3A_69 = arith.constant 0 : i32
        %dma_start3A_70 = tpu.memref_slice %arg9[%add3A_66, %dma_start3A_69] : memref<100000x32xf32, #tpu.memory_space<hbm>> -> memref<400x32xf32, #tpu.memory_space<hbm>>
        tpu.enqueue_dma source(%arg16 : memref<400x32xf32, #tpu.memory_space<vmem>>) target(%dma_start3A_70 : memref<400x32xf32, #tpu.memory_space<hbm>>) target_semaphore(%run_scoped3A : memref<!tpu.dma_semaphore, #tpu.memory_space<semaphore_mem>>)
        %dma_wait3A = arith.constant 0 : i32
        %dma_wait3A_71 = tpu.memref_slice %arg9[%add3A_66, %dma_wait3A] : memref<100000x32xf32, #tpu.memory_space<hbm>> -> memref<400x32xf32, #tpu.memory_space<hbm>>
        %dma_wait3A_72 = arith.constant 0 : i32
        %dma_wait3A_73 = tpu.memref_slice %arg9[%add3A_66, %dma_wait3A_72] : memref<100000x32xf32, #tpu.memory_space<hbm>> -> memref<400x32xf32, #tpu.memory_space<hbm>>
        tpu.wait_dma2 semaphore(%run_scoped3A : memref<!tpu.dma_semaphore, #tpu.memory_space<semaphore_mem>>) src(%arg16 : memref<400x32xf32, #tpu.memory_space<vmem>>) dst(%dma_wait3A_73 : memref<400x32xf32, #tpu.memory_space<hbm>>)
        tpu.yield
      }) : () -> ()
      %while3A_67 = arith.constant 0 : i32
      scf.yield %while3A_67 : i32
    }
    return
  }
}

#map = affine_map<(d0, d1) -> (0, 0)>
#map1 = affine_map<(d0, d1) -> (0, 0, 0)>
module attributes {stable_mosaic.version = 14 : i64} {
  func.func @body(%arg0: i32, %arg1: i32, %arg2: memref<100000x32xf32, #tpu.memory_space<hbm>>, %arg3: memref<100000x32xf32, #tpu.memory_space<hbm>>, %arg4: memref<12500x1x128xi32, #tpu.memory_space<hbm>>, %arg5: memref<12500x1x128xi32, #tpu.memory_space<hbm>>, %arg6: memref<12500x1x128xf32, #tpu.memory_space<hbm>>, %arg7: memref<50000x32xf32, #tpu.memory_space<hbm>>, %arg8: memref<100000x32xf32, #tpu.memory_space<hbm>>, %arg9: memref<100000x32xf32, #tpu.memory_space<hbm>>, %arg10: memref<50008x32xf32, #tpu.memory_space<vmem_shared>>, %arg11: memref<1x128xi32, #tpu.memory_space<vmem>>, %arg12: memref<1x128xi32, #tpu.memory_space<vmem>>, %arg13: memref<1x128xi32, #tpu.memory_space<vmem>>, %arg14: memref<1x128xf32, #tpu.memory_space<vmem>>, %arg15: memref<128x32xf32, #tpu.memory_space<vmem>>, %arg16: memref<400x32xf32, #tpu.memory_space<vmem>>, %arg17: memref<400x32xf32, #tpu.memory_space<vmem>>, %arg18: memref<!tpu.dma_semaphore, #tpu.memory_space<semaphore_mem>>) attributes {dimension_semantics = [#tpu.dimension_semantics<core_parallel>, #tpu.dimension_semantics<subcore_parallel>], iteration_bounds = array<i64: 2, 16>, scalar_prefetch = 0 : i64, scratch_operands = 9 : i64, tpu.core_type = #tpu.core_type<sc_vector_subcore>, window_params = [{transform_indices = #map}, {transform_indices = #map}, {transform_indices = #map1}, {transform_indices = #map1}, {transform_indices = #map1}, {transform_indices = #map}, {transform_indices = #map}, {transform_indices = #map}]} {
    %mul3A = arith.constant 50000 : i32
    %mul3A_0 = arith.muli %arg0, %mul3A : i32
    %mul3A_1 = arith.constant 7 : i32
    %mul3A_2 = arith.muli %arg1, %mul3A_1 : i32
    %min3A = arith.constant 13 : i32
    %min3A_3 = arith.minsi %arg1, %min3A : i32
    %add3A = arith.addi %mul3A_2, %min3A_3 : i32
    %lt3A = arith.constant 13 : i32
    %lt3A_4 = arith.cmpi slt, %arg1, %lt3A : i32
    %jit3A = arith.constant 1 : i32
    %jit3A_5 = arith.constant 0 : i32
    %select_n3A = arith.select %lt3A_4, %jit3A, %jit3A_5 : i32
    %add3A_6 = arith.constant 7 : i32
    %add3A_7 = arith.addi %add3A_6, %select_n3A : i32
    %add3A_8 = arith.addi %add3A, %add3A_7 : i32
    %while3A = arith.constant 0 : i32
    %while3A_9 = arith.subi %add3A_8, %add3A : i32
    %while3A_10 = arith.addi %add3A, %while3A_9 : i32
    %while3A_11 = arith.constant 1 : i32
    %while3A_12 = arith.divsi %while3A_9, %while3A_11 : i32
    %while3A_13 = arith.muli %while3A_12, %while3A_11 : i32
    %while3A_14 = arith.addi %add3A, %while3A_13 : i32
    %while3A_15 = arith.constant 1 : i32
    %while3A_16 = scf.for %while3A_54 = %add3A to %while3A_14 step %while3A_15 iter_args(%while3A_55 = %while3A) -> (i32)  : i32 {
      %mul3A_56 = arith.constant 400 : i32
      %mul3A_57 = arith.muli %while3A_54, %mul3A_56 : i32
      "tpu.region"() ({
        %run_scoped3A = tpu.sem_alloc : memref<!tpu.dma_semaphore, #tpu.memory_space<semaphore_mem>>
        %dma_start3A = arith.constant 0 : i32
        %dma_start3A_59 = tpu.memref_slice %arg10[%mul3A_57, %dma_start3A] : memref<50008x32xf32, #tpu.memory_space<vmem_shared>> -> memref<400x32xf32, #tpu.memory_space<vmem_shared>>
        %dma_start3A_60 = arith.constant 0 : i32
        %dma_start3A_61 = tpu.memref_slice %arg7[%mul3A_57, %dma_start3A_60] : memref<50000x32xf32, #tpu.memory_space<hbm>> -> memref<400x32xf32, #tpu.memory_space<hbm>>
        tpu.enqueue_dma source(%dma_start3A_61 : memref<400x32xf32, #tpu.memory_space<hbm>>) target(%dma_start3A_59 : memref<400x32xf32, #tpu.memory_space<vmem_shared>>) target_semaphore(%run_scoped3A : memref<!tpu.dma_semaphore, #tpu.memory_space<semaphore_mem>>)
        %dma_wait3A = arith.constant 0 : i32
        %dma_wait3A_62 = tpu.memref_slice %arg10[%mul3A_57, %dma_wait3A] : memref<50008x32xf32, #tpu.memory_space<vmem_shared>> -> memref<400x32xf32, #tpu.memory_space<vmem_shared>>
        %dma_wait3A_63 = arith.constant 0 : i32
        %dma_wait3A_64 = tpu.memref_slice %arg7[%mul3A_57, %dma_wait3A_63] : memref<50000x32xf32, #tpu.memory_space<hbm>> -> memref<400x32xf32, #tpu.memory_space<hbm>>
        tpu.wait_dma2 semaphore(%run_scoped3A : memref<!tpu.dma_semaphore, #tpu.memory_space<semaphore_mem>>) src(%dma_wait3A_64 : memref<400x32xf32, #tpu.memory_space<hbm>>) dst(%dma_wait3A_62 : memref<400x32xf32, #tpu.memory_space<vmem_shared>>)
        tpu.yield
      }) : () -> ()
      %while3A_58 = arith.constant 0 : i32
      scf.yield %while3A_58 : i32
    }
    %while3A_17 = arith.constant 1 : i32
    %while3A_18 = scf.for %while3A_54 = %while3A_14 to %while3A_10 step %while3A_17 iter_args(%while3A_55 = %while3A_16) -> (i32)  : i32 {
      %mul3A_56 = arith.constant 400 : i32
      %mul3A_57 = arith.muli %while3A_54, %mul3A_56 : i32
      "tpu.region"() ({
        %run_scoped3A = tpu.sem_alloc : memref<!tpu.dma_semaphore, #tpu.memory_space<semaphore_mem>>
        %dma_start3A = arith.constant 0 : i32
        %dma_start3A_59 = tpu.memref_slice %arg10[%mul3A_57, %dma_start3A] : memref<50008x32xf32, #tpu.memory_space<vmem_shared>> -> memref<400x32xf32, #tpu.memory_space<vmem_shared>>
        %dma_start3A_60 = arith.constant 0 : i32
        %dma_start3A_61 = tpu.memref_slice %arg7[%mul3A_57, %dma_start3A_60] : memref<50000x32xf32, #tpu.memory_space<hbm>> -> memref<400x32xf32, #tpu.memory_space<hbm>>
        tpu.enqueue_dma source(%dma_start3A_61 : memref<400x32xf32, #tpu.memory_space<hbm>>) target(%dma_start3A_59 : memref<400x32xf32, #tpu.memory_space<vmem_shared>>) target_semaphore(%run_scoped3A : memref<!tpu.dma_semaphore, #tpu.memory_space<semaphore_mem>>)
        %dma_wait3A = arith.constant 0 : i32
        %dma_wait3A_62 = tpu.memref_slice %arg10[%mul3A_57, %dma_wait3A] : memref<50008x32xf32, #tpu.memory_space<vmem_shared>> -> memref<400x32xf32, #tpu.memory_space<vmem_shared>>
        %dma_wait3A_63 = arith.constant 0 : i32
        %dma_wait3A_64 = tpu.memref_slice %arg7[%mul3A_57, %dma_wait3A_63] : memref<50000x32xf32, #tpu.memory_space<hbm>> -> memref<400x32xf32, #tpu.memory_space<hbm>>
        tpu.wait_dma2 semaphore(%run_scoped3A : memref<!tpu.dma_semaphore, #tpu.memory_space<semaphore_mem>>) src(%dma_wait3A_64 : memref<400x32xf32, #tpu.memory_space<hbm>>) dst(%dma_wait3A_62 : memref<400x32xf32, #tpu.memory_space<vmem_shared>>)
        tpu.yield
      }) : () -> ()
      %while3A_58 = arith.constant 0 : i32
      scf.yield %while3A_58 : i32
    }
    %barrier3A = arith.constant 0 : index
    tpu.barrier barrier_id(%barrier3A)
    %mul3A_19 = arith.constant 781 : i32
    %mul3A_20 = arith.muli %arg1, %mul3A_19 : i32
    %min3A_21 = arith.constant 4 : i32
    %min3A_22 = arith.minsi %arg1, %min3A_21 : i32
    %add3A_23 = arith.addi %mul3A_20, %min3A_22 : i32
    %lt3A_24 = arith.constant 4 : i32
    %lt3A_25 = arith.cmpi slt, %arg1, %lt3A_24 : i32
    %jit3A_26 = arith.constant 1 : i32
    %jit3A_27 = arith.constant 0 : i32
    %select_n3A_28 = arith.select %lt3A_25, %jit3A_26, %jit3A_27 : i32
    %add3A_29 = arith.constant 781 : i32
    %add3A_30 = arith.addi %add3A_29, %select_n3A_28 : i32
    %add3A_31 = arith.addi %add3A_23, %add3A_30 : i32
    %while3A_32 = arith.constant 0 : i32
    %while3A_33 = arith.subi %add3A_31, %add3A_23 : i32
    %while3A_34 = arith.addi %add3A_23, %while3A_33 : i32
    %while3A_35 = arith.constant 1 : i32
    %while3A_36 = arith.divsi %while3A_33, %while3A_35 : i32
    %while3A_37 = arith.muli %while3A_36, %while3A_35 : i32
    %while3A_38 = arith.addi %add3A_23, %while3A_37 : i32
    %while3A_39 = arith.constant 1 : i32
    scf.for %while3A_54 = %add3A_23 to %while3A_38 step %while3A_39  : i32 {
      "tpu.region"() ({
        %run_scoped3A_73 = tpu.sem_alloc : memref<!tpu.dma_semaphore, #tpu.memory_space<semaphore_mem>>
        %dma_start3A_74 = arith.constant 0 : i32
        %dma_start3A_75 = arith.constant 0 : i32
        %dma_start3A_76 = tpu.memref_slice %arg4[%while3A_54, %dma_start3A_74, %dma_start3A_75] : memref<12500x1x128xi32, #tpu.memory_space<hbm>> -> memref<1x1x128xi32, #tpu.memory_space<hbm>>
        %dma_start3A_77 = tpu.memref_squeeze %dma_start3A_76 : memref<1x1x128xi32, #tpu.memory_space<hbm>> -> memref<1x128xi32, #tpu.memory_space<hbm>>
        %dma_start3A_78 = arith.constant 0 : i32
        %dma_start3A_79 = arith.constant 0 : i32
        %dma_start3A_80 = tpu.memref_slice %arg4[%while3A_54, %dma_start3A_78, %dma_start3A_79] : memref<12500x1x128xi32, #tpu.memory_space<hbm>> -> memref<1x1x128xi32, #tpu.memory_space<hbm>>
        %dma_start3A_81 = tpu.memref_squeeze %dma_start3A_80 : memref<1x1x128xi32, #tpu.memory_space<hbm>> -> memref<1x128xi32, #tpu.memory_space<hbm>>
        tpu.enqueue_dma source(%dma_start3A_81 : memref<1x128xi32, #tpu.memory_space<hbm>>) target(%arg11 : memref<1x128xi32, #tpu.memory_space<vmem>>) target_semaphore(%run_scoped3A_73 : memref<!tpu.dma_semaphore, #tpu.memory_space<semaphore_mem>>)
        %dma_wait3A_82 = arith.constant 0 : i32
        %dma_wait3A_83 = arith.constant 0 : i32
        %dma_wait3A_84 = tpu.memref_slice %arg4[%while3A_54, %dma_wait3A_82, %dma_wait3A_83] : memref<12500x1x128xi32, #tpu.memory_space<hbm>> -> memref<1x1x128xi32, #tpu.memory_space<hbm>>
        %dma_wait3A_85 = tpu.memref_squeeze %dma_wait3A_84 : memref<1x1x128xi32, #tpu.memory_space<hbm>> -> memref<1x128xi32, #tpu.memory_space<hbm>>
        %dma_wait3A_86 = arith.constant 0 : i32
        %dma_wait3A_87 = arith.constant 0 : i32
        %dma_wait3A_88 = tpu.memref_slice %arg4[%while3A_54, %dma_wait3A_86, %dma_wait3A_87] : memref<12500x1x128xi32, #tpu.memory_space<hbm>> -> memref<1x1x128xi32, #tpu.memory_space<hbm>>
        %dma_wait3A_89 = tpu.memref_squeeze %dma_wait3A_88 : memref<1x1x128xi32, #tpu.memory_space<hbm>> -> memref<1x128xi32, #tpu.memory_space<hbm>>
        tpu.wait_dma2 semaphore(%run_scoped3A_73 : memref<!tpu.dma_semaphore, #tpu.memory_space<semaphore_mem>>) src(%dma_wait3A_89 : memref<1x128xi32, #tpu.memory_space<hbm>>) dst(%arg11 : memref<1x128xi32, #tpu.memory_space<vmem>>)
        tpu.yield
      }) : () -> ()
      "tpu.region"() ({
        %run_scoped3A_73 = tpu.sem_alloc : memref<!tpu.dma_semaphore, #tpu.memory_space<semaphore_mem>>
        %dma_start3A_74 = arith.constant 0 : i32
        %dma_start3A_75 = arith.constant 0 : i32
        %dma_start3A_76 = tpu.memref_slice %arg5[%while3A_54, %dma_start3A_74, %dma_start3A_75] : memref<12500x1x128xi32, #tpu.memory_space<hbm>> -> memref<1x1x128xi32, #tpu.memory_space<hbm>>
        %dma_start3A_77 = tpu.memref_squeeze %dma_start3A_76 : memref<1x1x128xi32, #tpu.memory_space<hbm>> -> memref<1x128xi32, #tpu.memory_space<hbm>>
        %dma_start3A_78 = arith.constant 0 : i32
        %dma_start3A_79 = arith.constant 0 : i32
        %dma_start3A_80 = tpu.memref_slice %arg5[%while3A_54, %dma_start3A_78, %dma_start3A_79] : memref<12500x1x128xi32, #tpu.memory_space<hbm>> -> memref<1x1x128xi32, #tpu.memory_space<hbm>>
        %dma_start3A_81 = tpu.memref_squeeze %dma_start3A_80 : memref<1x1x128xi32, #tpu.memory_space<hbm>> -> memref<1x128xi32, #tpu.memory_space<hbm>>
        tpu.enqueue_dma source(%dma_start3A_81 : memref<1x128xi32, #tpu.memory_space<hbm>>) target(%arg13 : memref<1x128xi32, #tpu.memory_space<vmem>>) target_semaphore(%run_scoped3A_73 : memref<!tpu.dma_semaphore, #tpu.memory_space<semaphore_mem>>)
        %dma_wait3A_82 = arith.constant 0 : i32
        %dma_wait3A_83 = arith.constant 0 : i32
        %dma_wait3A_84 = tpu.memref_slice %arg5[%while3A_54, %dma_wait3A_82, %dma_wait3A_83] : memref<12500x1x128xi32, #tpu.memory_space<hbm>> -> memref<1x1x128xi32, #tpu.memory_space<hbm>>
        %dma_wait3A_85 = tpu.memref_squeeze %dma_wait3A_84 : memref<1x1x128xi32, #tpu.memory_space<hbm>> -> memref<1x128xi32, #tpu.memory_space<hbm>>
        %dma_wait3A_86 = arith.constant 0 : i32
        %dma_wait3A_87 = arith.constant 0 : i32
        %dma_wait3A_88 = tpu.memref_slice %arg5[%while3A_54, %dma_wait3A_86, %dma_wait3A_87] : memref<12500x1x128xi32, #tpu.memory_space<hbm>> -> memref<1x1x128xi32, #tpu.memory_space<hbm>>
        %dma_wait3A_89 = tpu.memref_squeeze %dma_wait3A_88 : memref<1x1x128xi32, #tpu.memory_space<hbm>> -> memref<1x128xi32, #tpu.memory_space<hbm>>
        tpu.wait_dma2 semaphore(%run_scoped3A_73 : memref<!tpu.dma_semaphore, #tpu.memory_space<semaphore_mem>>) src(%dma_wait3A_89 : memref<1x128xi32, #tpu.memory_space<hbm>>) dst(%arg13 : memref<1x128xi32, #tpu.memory_space<vmem>>)
        tpu.yield
      }) : () -> ()
      "tpu.region"() ({
        %run_scoped3A_73 = tpu.sem_alloc : memref<!tpu.dma_semaphore, #tpu.memory_space<semaphore_mem>>
        %dma_start3A_74 = arith.constant 0 : i32
        %dma_start3A_75 = arith.constant 0 : i32
        %dma_start3A_76 = tpu.memref_slice %arg6[%while3A_54, %dma_start3A_74, %dma_start3A_75] : memref<12500x1x128xf32, #tpu.memory_space<hbm>> -> memref<1x1x128xf32, #tpu.memory_space<hbm>>
        %dma_start3A_77 = tpu.memref_squeeze %dma_start3A_76 : memref<1x1x128xf32, #tpu.memory_space<hbm>> -> memref<1x128xf32, #tpu.memory_space<hbm>>
        %dma_start3A_78 = arith.constant 0 : i32
        %dma_start3A_79 = arith.constant 0 : i32
        %dma_start3A_80 = tpu.memref_slice %arg6[%while3A_54, %dma_start3A_78, %dma_start3A_79] : memref<12500x1x128xf32, #tpu.memory_space<hbm>> -> memref<1x1x128xf32, #tpu.memory_space<hbm>>
        %dma_start3A_81 = tpu.memref_squeeze %dma_start3A_80 : memref<1x1x128xf32, #tpu.memory_space<hbm>> -> memref<1x128xf32, #tpu.memory_space<hbm>>
        tpu.enqueue_dma source(%dma_start3A_81 : memref<1x128xf32, #tpu.memory_space<hbm>>) target(%arg14 : memref<1x128xf32, #tpu.memory_space<vmem>>) target_semaphore(%run_scoped3A_73 : memref<!tpu.dma_semaphore, #tpu.memory_space<semaphore_mem>>)
        %dma_wait3A_82 = arith.constant 0 : i32
        %dma_wait3A_83 = arith.constant 0 : i32
        %dma_wait3A_84 = tpu.memref_slice %arg6[%while3A_54, %dma_wait3A_82, %dma_wait3A_83] : memref<12500x1x128xf32, #tpu.memory_space<hbm>> -> memref<1x1x128xf32, #tpu.memory_space<hbm>>
        %dma_wait3A_85 = tpu.memref_squeeze %dma_wait3A_84 : memref<1x1x128xf32, #tpu.memory_space<hbm>> -> memref<1x128xf32, #tpu.memory_space<hbm>>
        %dma_wait3A_86 = arith.constant 0 : i32
        %dma_wait3A_87 = arith.constant 0 : i32
        %dma_wait3A_88 = tpu.memref_slice %arg6[%while3A_54, %dma_wait3A_86, %dma_wait3A_87] : memref<12500x1x128xf32, #tpu.memory_space<hbm>> -> memref<1x1x128xf32, #tpu.memory_space<hbm>>
        %dma_wait3A_89 = tpu.memref_squeeze %dma_wait3A_88 : memref<1x1x128xf32, #tpu.memory_space<hbm>> -> memref<1x128xf32, #tpu.memory_space<hbm>>
        tpu.wait_dma2 semaphore(%run_scoped3A_73 : memref<!tpu.dma_semaphore, #tpu.memory_space<semaphore_mem>>) src(%dma_wait3A_89 : memref<1x128xf32, #tpu.memory_space<hbm>>) dst(%arg14 : memref<1x128xf32, #tpu.memory_space<vmem>>)
        tpu.yield
      }) : () -> ()
      %dma_start3A = arith.constant 0 : i32
      %dma_start3A_55 = arith.constant 0 : i32
      %dma_start3A_56 = tpu.memref_slice %arg11[%dma_start3A, %dma_start3A_55] : memref<1x128xi32, #tpu.memory_space<vmem>> -> memref<1x128xi32, #tpu.memory_space<vmem>>
      %dma_start3A_57 = tpu.memref_squeeze %dma_start3A_56 : memref<1x128xi32, #tpu.memory_space<vmem>> -> memref<128xi32, #tpu.memory_space<vmem>>
      %dma_start3A_58 = arith.constant 0 : i32
      %dma_start3A_59 = arith.constant 0 : i32
      %dma_start3A_60 = tpu.memref_slice %arg2[%dma_start3A_58, %dma_start3A_59] : memref<100000x32xf32, #tpu.memory_space<hbm>> -> memref<100000x32xf32, #tpu.memory_space<hbm>>
      tpu.enqueue_indirect_dma source(%dma_start3A_60 : memref<100000x32xf32, #tpu.memory_space<hbm>>) target(%arg15 : memref<128x32xf32, #tpu.memory_space<vmem>>) offsets(%dma_start3A_57 : memref<128xi32, #tpu.memory_space<vmem>>) semaphore(%arg18 : memref<!tpu.dma_semaphore, #tpu.memory_space<semaphore_mem>>)
      %dma_wait3A = arith.constant 0 : i32
      %dma_wait3A_61 = arith.constant 0 : i32
      %dma_wait3A_62 = tpu.memref_slice %arg11[%dma_wait3A, %dma_wait3A_61] : memref<1x128xi32, #tpu.memory_space<vmem>> -> memref<1x128xi32, #tpu.memory_space<vmem>>
      %dma_wait3A_63 = tpu.memref_squeeze %dma_wait3A_62 : memref<1x128xi32, #tpu.memory_space<vmem>> -> memref<128xi32, #tpu.memory_space<vmem>>
      %dma_wait3A_64 = arith.constant 0 : i32
      %dma_wait3A_65 = arith.constant 0 : i32
      %dma_wait3A_66 = tpu.memref_slice %arg2[%dma_wait3A_64, %dma_wait3A_65] : memref<100000x32xf32, #tpu.memory_space<hbm>> -> memref<100000x32xf32, #tpu.memory_space<hbm>>
      tpu.wait_indirect_dma semaphore(%arg18 : memref<!tpu.dma_semaphore, #tpu.memory_space<semaphore_mem>>) src(%dma_wait3A_66 : memref<100000x32xf32, #tpu.memory_space<hbm>>) dst(%arg15 : memref<128x32xf32, #tpu.memory_space<vmem>>)
      %scan3A = arith.constant 0 : i32
      %scan3A_67 = arith.constant 0 : i32
      %scan3A_68 = arith.constant 8 : i32
      %scan3A_69 = arith.addi %scan3A_67, %scan3A_68 : i32
      %scan3A_70 = arith.constant 1 : i32
      %scan3A_71 = scf.for %scan3A_73 = %scan3A_67 to %scan3A_69 step %scan3A_70 iter_args(%scan3A_74 = %scan3A) -> (i32)  : i32 {
        %mul3A_75 = arith.constant 16 : i32
        %mul3A_76 = arith.muli %scan3A_73, %mul3A_75 : i32
        %get3A = arith.constant 0 : i32
        %get3A_77 = arith.index_cast %get3A : i32 to index
        %get3A_78 = arith.index_cast %mul3A_76 : i32 to index
        %get3A_79 = tpu.vector_load %arg13[%get3A_77, %get3A_78] {strides = array<i32>} : memref<1x128xi32, #tpu.memory_space<vmem>>, vector<1x16xi32>,
        %get3A_80 = vector.shape_cast %get3A_79 : vector<1x16xi32> to vector<16xi32>
        %sub3A = vector.broadcast %mul3A_0 : i32 to vector<16xi32>
        %sub3A_81 = arith.subi %get3A_80, %sub3A : vector<16xi32>
        %ge3A = arith.constant 0 : i32
        %ge3A_82 = vector.broadcast %ge3A : i32 to vector<16xi32>
        %ge3A_83 = arith.cmpi sge, %sub3A_81, %ge3A_82 : vector<16xi32>
        %lt3A_84 = arith.constant 50000 : i32
        %lt3A_85 = vector.broadcast %lt3A_84 : i32 to vector<16xi32>
        %lt3A_86 = arith.cmpi slt, %sub3A_81, %lt3A_85 : vector<16xi32>
        %and3A = arith.andi %ge3A_83, %lt3A_86 : vector<16xi1>
        %jit3A_87 = arith.constant 50000 : i32
        %broadcast_in_dim3A = vector.broadcast %jit3A_87 : i32 to vector<16xi32>
        %select_n3A_88 = arith.select %and3A, %sub3A_81, %broadcast_in_dim3A : vector<16xi1>, vector<16xi32>
        %mul3A_89 = arith.constant 16 : i32
        %mul3A_90 = arith.muli %scan3A_73, %mul3A_89 : i32
        %swap3A = arith.constant 0 : i32
        %swap3A_91 = arith.index_cast %swap3A : i32 to index
        %swap3A_92 = arith.index_cast %mul3A_90 : i32 to index
        %swap3A_93 = tpu.vector_load %arg12[%swap3A_91, %swap3A_92] {strides = array<i32>} : memref<1x128xi32, #tpu.memory_space<vmem>>, vector<1x16xi32>,
        %swap3A_94 = vector.shape_cast %swap3A_93 : vector<1x16xi32> to vector<16xi32>
        %swap3A_95 = vector.shape_cast %select_n3A_88 : vector<16xi32> to vector<1x16xi32>
        tpu.vector_store %arg12[%swap3A_91, %swap3A_92], %swap3A_95 {strides = array<i32>} : memref<1x128xi32, #tpu.memory_space<vmem>>, vector<1x16xi32>,
        %mul3A_96 = arith.constant 16 : i32
        %mul3A_97 = arith.muli %scan3A_73, %mul3A_96 : i32
        %get3A_98 = arith.constant 0 : i32
        %get3A_99 = arith.index_cast %get3A_98 : i32 to index
        %get3A_100 = arith.index_cast %mul3A_97 : i32 to index
        %get3A_101 = tpu.vector_load %arg14[%get3A_99, %get3A_100] {strides = array<i32>} : memref<1x128xf32, #tpu.memory_space<vmem>>, vector<1x16xf32>,
        %get3A_102 = vector.shape_cast %get3A_101 : vector<1x16xf32> to vector<16xf32>
        %mul3A_103 = arith.constant 16 : i32
        %mul3A_104 = arith.muli %scan3A_73, %mul3A_103 : i32
        %add3A_105 = arith.constant 0 : i32
        %add3A_106 = arith.addi %mul3A_104, %add3A_105 : i32
        %slice3A = vector.extract_strided_slice %get3A_102 {offsets = [0], sizes = [1], strides = [1]} : vector<16xf32> to vector<1xf32>
        %squeeze3A = vector.extract %slice3A[0] : f32 from vector<1xf32>
        %get3A_107 = arith.index_cast %add3A_106 : i32 to index
        %get3A_108 = arith.constant 0 : index
        %get3A_109 = tpu.vector_load %arg15[%get3A_107, %get3A_108] {strides = array<i32>} : memref<128x32xf32, #tpu.memory_space<vmem>>, vector<1x16xf32>,
        %get3A_110 = vector.shape_cast %get3A_109 : vector<1x16xf32> to vector<16xf32>
        %mul3A_111 = vector.broadcast %squeeze3A : f32 to vector<16xf32>
        %mul3A_112 = arith.mulf %get3A_110, %mul3A_111 : vector<16xf32>
        %swap3A_113 = arith.index_cast %add3A_106 : i32 to index
        %swap3A_114 = arith.constant 0 : index
        %swap3A_115 = tpu.vector_load %arg15[%swap3A_113, %swap3A_114] {strides = array<i32>} : memref<128x32xf32, #tpu.memory_space<vmem>>, vector<1x16xf32>,
        %swap3A_116 = vector.shape_cast %swap3A_115 : vector<1x16xf32> to vector<16xf32>
        %swap3A_117 = vector.shape_cast %mul3A_112 : vector<16xf32> to vector<1x16xf32>
        tpu.vector_store %arg15[%swap3A_113, %swap3A_114], %swap3A_117 {strides = array<i32>} : memref<128x32xf32, #tpu.memory_space<vmem>>, vector<1x16xf32>,
        %get3A_118 = arith.index_cast %add3A_106 : i32 to index
        %get3A_119 = arith.constant 16 : index
        %get3A_120 = tpu.vector_load %arg15[%get3A_118, %get3A_119] {strides = array<i32>} : memref<128x32xf32, #tpu.memory_space<vmem>>, vector<1x16xf32>,
        %get3A_121 = vector.shape_cast %get3A_120 : vector<1x16xf32> to vector<16xf32>
        %mul3A_122 = vector.broadcast %squeeze3A : f32 to vector<16xf32>
        %mul3A_123 = arith.mulf %get3A_121, %mul3A_122 : vector<16xf32>
        %swap3A_124 = arith.index_cast %add3A_106 : i32 to index
        %swap3A_125 = arith.constant 16 : index
        %swap3A_126 = tpu.vector_load %arg15[%swap3A_124, %swap3A_125] {strides = array<i32>} : memref<128x32xf32, #tpu.memory_space<vmem>>, vector<1x16xf32>,
        %swap3A_127 = vector.shape_cast %swap3A_126 : vector<1x16xf32> to vector<16xf32>
        %swap3A_128 = vector.shape_cast %mul3A_123 : vector<16xf32> to vector<1x16xf32>
        tpu.vector_store %arg15[%swap3A_124, %swap3A_125], %swap3A_128 {strides = array<i32>} : memref<128x32xf32, #tpu.memory_space<vmem>>, vector<1x16xf32>,
        %mul3A_129 = arith.constant 16 : i32
        %mul3A_130 = arith.muli %scan3A_73, %mul3A_129 : i32
        %add3A_131 = arith.constant 1 : i32
        %add3A_132 = arith.addi %mul3A_130, %add3A_131 : i32
        %slice3A_133 = vector.extract_strided_slice %get3A_102 {offsets = [1], sizes = [1], strides = [1]} : vector<16xf32> to vector<1xf32>
        %squeeze3A_134 = vector.extract %slice3A_133[0] : f32 from vector<1xf32>
        %get3A_135 = arith.index_cast %add3A_132 : i32 to index
        %get3A_136 = arith.constant 0 : index
        %get3A_137 = tpu.vector_load %arg15[%get3A_135, %get3A_136] {strides = array<i32>} : memref<128x32xf32, #tpu.memory_space<vmem>>, vector<1x16xf32>,
        %get3A_138 = vector.shape_cast %get3A_137 : vector<1x16xf32> to vector<16xf32>
        %mul3A_139 = vector.broadcast %squeeze3A_134 : f32 to vector<16xf32>
        %mul3A_140 = arith.mulf %get3A_138, %mul3A_139 : vector<16xf32>
        %swap3A_141 = arith.index_cast %add3A_132 : i32 to index
        %swap3A_142 = arith.constant 0 : index
        %swap3A_143 = tpu.vector_load %arg15[%swap3A_141, %swap3A_142] {strides = array<i32>} : memref<128x32xf32, #tpu.memory_space<vmem>>, vector<1x16xf32>,
        %swap3A_144 = vector.shape_cast %swap3A_143 : vector<1x16xf32> to vector<16xf32>
        %swap3A_145 = vector.shape_cast %mul3A_140 : vector<16xf32> to vector<1x16xf32>
        tpu.vector_store %arg15[%swap3A_141, %swap3A_142], %swap3A_145 {strides = array<i32>} : memref<128x32xf32, #tpu.memory_space<vmem>>, vector<1x16xf32>,
        %get3A_146 = arith.index_cast %add3A_132 : i32 to index
        %get3A_147 = arith.constant 16 : index
        %get3A_148 = tpu.vector_load %arg15[%get3A_146, %get3A_147] {strides = array<i32>} : memref<128x32xf32, #tpu.memory_space<vmem>>, vector<1x16xf32>,
        %get3A_149 = vector.shape_cast %get3A_148 : vector<1x16xf32> to vector<16xf32>
        %mul3A_150 = vector.broadcast %squeeze3A_134 : f32 to vector<16xf32>
        %mul3A_151 = arith.mulf %get3A_149, %mul3A_150 : vector<16xf32>
        %swap3A_152 = arith.index_cast %add3A_132 : i32 to index
        %swap3A_153 = arith.constant 16 : index
        %swap3A_154 = tpu.vector_load %arg15[%swap3A_152, %swap3A_153] {strides = array<i32>} : memref<128x32xf32, #tpu.memory_space<vmem>>, vector<1x16xf32>,
        %swap3A_155 = vector.shape_cast %swap3A_154 : vector<1x16xf32> to vector<16xf32>
        %swap3A_156 = vector.shape_cast %mul3A_151 : vector<16xf32> to vector<1x16xf32>
        tpu.vector_store %arg15[%swap3A_152, %swap3A_153], %swap3A_156 {strides = array<i32>} : memref<128x32xf32, #tpu.memory_space<vmem>>, vector<1x16xf32>,
        %mul3A_157 = arith.constant 16 : i32
        %mul3A_158 = arith.muli %scan3A_73, %mul3A_157 : i32
        %add3A_159 = arith.constant 2 : i32
        %add3A_160 = arith.addi %mul3A_158, %add3A_159 : i32
        %slice3A_161 = vector.extract_strided_slice %get3A_102 {offsets = [2], sizes = [1], strides = [1]} : vector<16xf32> to vector<1xf32>
        %squeeze3A_162 = vector.extract %slice3A_161[0] : f32 from vector<1xf32>
        %get3A_163 = arith.index_cast %add3A_160 : i32 to index
        %get3A_164 = arith.constant 0 : index
        %get3A_165 = tpu.vector_load %arg15[%get3A_163, %get3A_164] {strides = array<i32>} : memref<128x32xf32, #tpu.memory_space<vmem>>, vector<1x16xf32>,
        %get3A_166 = vector.shape_cast %get3A_165 : vector<1x16xf32> to vector<16xf32>
        %mul3A_167 = vector.broadcast %squeeze3A_162 : f32 to vector<16xf32>
        %mul3A_168 = arith.mulf %get3A_166, %mul3A_167 : vector<16xf32>
        %swap3A_169 = arith.index_cast %add3A_160 : i32 to index
        %swap3A_170 = arith.constant 0 : index
        %swap3A_171 = tpu.vector_load %arg15[%swap3A_169, %swap3A_170] {strides = array<i32>} : memref<128x32xf32, #tpu.memory_space<vmem>>, vector<1x16xf32>,
        %swap3A_172 = vector.shape_cast %swap3A_171 : vector<1x16xf32> to vector<16xf32>
        %swap3A_173 = vector.shape_cast %mul3A_168 : vector<16xf32> to vector<1x16xf32>
        tpu.vector_store %arg15[%swap3A_169, %swap3A_170], %swap3A_173 {strides = array<i32>} : memref<128x32xf32, #tpu.memory_space<vmem>>, vector<1x16xf32>,
        %get3A_174 = arith.index_cast %add3A_160 : i32 to index
        %get3A_175 = arith.constant 16 : index
        %get3A_176 = tpu.vector_load %arg15[%get3A_174, %get3A_175] {strides = array<i32>} : memref<128x32xf32, #tpu.memory_space<vmem>>, vector<1x16xf32>,
        %get3A_177 = vector.shape_cast %get3A_176 : vector<1x16xf32> to vector<16xf32>
        %mul3A_178 = vector.broadcast %squeeze3A_162 : f32 to vector<16xf32>
        %mul3A_179 = arith.mulf %get3A_177, %mul3A_178 : vector<16xf32>
        %swap3A_180 = arith.index_cast %add3A_160 : i32 to index
        %swap3A_181 = arith.constant 16 : index
        %swap3A_182 = tpu.vector_load %arg15[%swap3A_180, %swap3A_181] {strides = array<i32>} : memref<128x32xf32, #tpu.memory_space<vmem>>, vector<1x16xf32>,
        %swap3A_183 = vector.shape_cast %swap3A_182 : vector<1x16xf32> to vector<16xf32>
        %swap3A_184 = vector.shape_cast %mul3A_179 : vector<16xf32> to vector<1x16xf32>
        tpu.vector_store %arg15[%swap3A_180, %swap3A_181], %swap3A_184 {strides = array<i32>} : memref<128x32xf32, #tpu.memory_space<vmem>>, vector<1x16xf32>,
        %mul3A_185 = arith.constant 16 : i32
        %mul3A_186 = arith.muli %scan3A_73, %mul3A_185 : i32
        %add3A_187 = arith.constant 3 : i32
        %add3A_188 = arith.addi %mul3A_186, %add3A_187 : i32
        %slice3A_189 = vector.extract_strided_slice %get3A_102 {offsets = [3], sizes = [1], strides = [1]} : vector<16xf32> to vector<1xf32>
        %squeeze3A_190 = vector.extract %slice3A_189[0] : f32 from vector<1xf32>
        %get3A_191 = arith.index_cast %add3A_188 : i32 to index
        %get3A_192 = arith.constant 0 : index
        %get3A_193 = tpu.vector_load %arg15[%get3A_191, %get3A_192] {strides = array<i32>} : memref<128x32xf32, #tpu.memory_space<vmem>>, vector<1x16xf32>,
        %get3A_194 = vector.shape_cast %get3A_193 : vector<1x16xf32> to vector<16xf32>
        %mul3A_195 = vector.broadcast %squeeze3A_190 : f32 to vector<16xf32>
        %mul3A_196 = arith.mulf %get3A_194, %mul3A_195 : vector<16xf32>
        %swap3A_197 = arith.index_cast %add3A_188 : i32 to index
        %swap3A_198 = arith.constant 0 : index
        %swap3A_199 = tpu.vector_load %arg15[%swap3A_197, %swap3A_198] {strides = array<i32>} : memref<128x32xf32, #tpu.memory_space<vmem>>, vector<1x16xf32>,
        %swap3A_200 = vector.shape_cast %swap3A_199 : vector<1x16xf32> to vector<16xf32>
        %swap3A_201 = vector.shape_cast %mul3A_196 : vector<16xf32> to vector<1x16xf32>
        tpu.vector_store %arg15[%swap3A_197, %swap3A_198], %swap3A_201 {strides = array<i32>} : memref<128x32xf32, #tpu.memory_space<vmem>>, vector<1x16xf32>,
        %get3A_202 = arith.index_cast %add3A_188 : i32 to index
        %get3A_203 = arith.constant 16 : index
        %get3A_204 = tpu.vector_load %arg15[%get3A_202, %get3A_203] {strides = array<i32>} : memref<128x32xf32, #tpu.memory_space<vmem>>, vector<1x16xf32>,
        %get3A_205 = vector.shape_cast %get3A_204 : vector<1x16xf32> to vector<16xf32>
        %mul3A_206 = vector.broadcast %squeeze3A_190 : f32 to vector<16xf32>
        %mul3A_207 = arith.mulf %get3A_205, %mul3A_206 : vector<16xf32>
        %swap3A_208 = arith.index_cast %add3A_188 : i32 to index
        %swap3A_209 = arith.constant 16 : index
        %swap3A_210 = tpu.vector_load %arg15[%swap3A_208, %swap3A_209] {strides = array<i32>} : memref<128x32xf32, #tpu.memory_space<vmem>>, vector<1x16xf32>,
        %swap3A_211 = vector.shape_cast %swap3A_210 : vector<1x16xf32> to vector<16xf32>
        %swap3A_212 = vector.shape_cast %mul3A_207 : vector<16xf32> to vector<1x16xf32>
        tpu.vector_store %arg15[%swap3A_208, %swap3A_209], %swap3A_212 {strides = array<i32>} : memref<128x32xf32, #tpu.memory_space<vmem>>, vector<1x16xf32>,
        %mul3A_213 = arith.constant 16 : i32
        %mul3A_214 = arith.muli %scan3A_73, %mul3A_213 : i32
        %add3A_215 = arith.constant 4 : i32
        %add3A_216 = arith.addi %mul3A_214, %add3A_215 : i32
        %slice3A_217 = vector.extract_strided_slice %get3A_102 {offsets = [4], sizes = [1], strides = [1]} : vector<16xf32> to vector<1xf32>
        %squeeze3A_218 = vector.extract %slice3A_217[0] : f32 from vector<1xf32>
        %get3A_219 = arith.index_cast %add3A_216 : i32 to index
        %get3A_220 = arith.constant 0 : index
        %get3A_221 = tpu.vector_load %arg15[%get3A_219, %get3A_220] {strides = array<i32>} : memref<128x32xf32, #tpu.memory_space<vmem>>, vector<1x16xf32>,
        %get3A_222 = vector.shape_cast %get3A_221 : vector<1x16xf32> to vector<16xf32>
        %mul3A_223 = vector.broadcast %squeeze3A_218 : f32 to vector<16xf32>
        %mul3A_224 = arith.mulf %get3A_222, %mul3A_223 : vector<16xf32>
        %swap3A_225 = arith.index_cast %add3A_216 : i32 to index
        %swap3A_226 = arith.constant 0 : index
        %swap3A_227 = tpu.vector_load %arg15[%swap3A_225, %swap3A_226] {strides = array<i32>} : memref<128x32xf32, #tpu.memory_space<vmem>>, vector<1x16xf32>,
        %swap3A_228 = vector.shape_cast %swap3A_227 : vector<1x16xf32> to vector<16xf32>
        %swap3A_229 = vector.shape_cast %mul3A_224 : vector<16xf32> to vector<1x16xf32>
        tpu.vector_store %arg15[%swap3A_225, %swap3A_226], %swap3A_229 {strides = array<i32>} : memref<128x32xf32, #tpu.memory_space<vmem>>, vector<1x16xf32>,
        %get3A_230 = arith.index_cast %add3A_216 : i32 to index
        %get3A_231 = arith.constant 16 : index
        %get3A_232 = tpu.vector_load %arg15[%get3A_230, %get3A_231] {strides = array<i32>} : memref<128x32xf32, #tpu.memory_space<vmem>>, vector<1x16xf32>,
        %get3A_233 = vector.shape_cast %get3A_232 : vector<1x16xf32> to vector<16xf32>
        %mul3A_234 = vector.broadcast %squeeze3A_218 : f32 to vector<16xf32>
        %mul3A_235 = arith.mulf %get3A_233, %mul3A_234 : vector<16xf32>
        %swap3A_236 = arith.index_cast %add3A_216 : i32 to index
        %swap3A_237 = arith.constant 16 : index
        %swap3A_238 = tpu.vector_load %arg15[%swap3A_236, %swap3A_237] {strides = array<i32>} : memref<128x32xf32, #tpu.memory_space<vmem>>, vector<1x16xf32>,
        %swap3A_239 = vector.shape_cast %swap3A_238 : vector<1x16xf32> to vector<16xf32>
        %swap3A_240 = vector.shape_cast %mul3A_235 : vector<16xf32> to vector<1x16xf32>
        tpu.vector_store %arg15[%swap3A_236, %swap3A_237], %swap3A_240 {strides = array<i32>} : memref<128x32xf32, #tpu.memory_space<vmem>>, vector<1x16xf32>,
        %mul3A_241 = arith.constant 16 : i32
        %mul3A_242 = arith.muli %scan3A_73, %mul3A_241 : i32
        %add3A_243 = arith.constant 5 : i32
        %add3A_244 = arith.addi %mul3A_242, %add3A_243 : i32
        %slice3A_245 = vector.extract_strided_slice %get3A_102 {offsets = [5], sizes = [1], strides = [1]} : vector<16xf32> to vector<1xf32>
        %squeeze3A_246 = vector.extract %slice3A_245[0] : f32 from vector<1xf32>
        %get3A_247 = arith.index_cast %add3A_244 : i32 to index
        %get3A_248 = arith.constant 0 : index
        %get3A_249 = tpu.vector_load %arg15[%get3A_247, %get3A_248] {strides = array<i32>} : memref<128x32xf32, #tpu.memory_space<vmem>>, vector<1x16xf32>,
        %get3A_250 = vector.shape_cast %get3A_249 : vector<1x16xf32> to vector<16xf32>
        %mul3A_251 = vector.broadcast %squeeze3A_246 : f32 to vector<16xf32>
        %mul3A_252 = arith.mulf %get3A_250, %mul3A_251 : vector<16xf32>
        %swap3A_253 = arith.index_cast %add3A_244 : i32 to index
        %swap3A_254 = arith.constant 0 : index
        %swap3A_255 = tpu.vector_load %arg15[%swap3A_253, %swap3A_254] {strides = array<i32>} : memref<128x32xf32, #tpu.memory_space<vmem>>, vector<1x16xf32>,
        %swap3A_256 = vector.shape_cast %swap3A_255 : vector<1x16xf32> to vector<16xf32>
        %swap3A_257 = vector.shape_cast %mul3A_252 : vector<16xf32> to vector<1x16xf32>
        tpu.vector_store %arg15[%swap3A_253, %swap3A_254], %swap3A_257 {strides = array<i32>} : memref<128x32xf32, #tpu.memory_space<vmem>>, vector<1x16xf32>,
        %get3A_258 = arith.index_cast %add3A_244 : i32 to index
        %get3A_259 = arith.constant 16 : index
        %get3A_260 = tpu.vector_load %arg15[%get3A_258, %get3A_259] {strides = array<i32>} : memref<128x32xf32, #tpu.memory_space<vmem>>, vector<1x16xf32>,
        %get3A_261 = vector.shape_cast %get3A_260 : vector<1x16xf32> to vector<16xf32>
        %mul3A_262 = vector.broadcast %squeeze3A_246 : f32 to vector<16xf32>
        %mul3A_263 = arith.mulf %get3A_261, %mul3A_262 : vector<16xf32>
        %swap3A_264 = arith.index_cast %add3A_244 : i32 to index
        %swap3A_265 = arith.constant 16 : index
        %swap3A_266 = tpu.vector_load %arg15[%swap3A_264, %swap3A_265] {strides = array<i32>} : memref<128x32xf32, #tpu.memory_space<vmem>>, vector<1x16xf32>,
        %swap3A_267 = vector.shape_cast %swap3A_266 : vector<1x16xf32> to vector<16xf32>
        %swap3A_268 = vector.shape_cast %mul3A_263 : vector<16xf32> to vector<1x16xf32>
        tpu.vector_store %arg15[%swap3A_264, %swap3A_265], %swap3A_268 {strides = array<i32>} : memref<128x32xf32, #tpu.memory_space<vmem>>, vector<1x16xf32>,
        %mul3A_269 = arith.constant 16 : i32
        %mul3A_270 = arith.muli %scan3A_73, %mul3A_269 : i32
        %add3A_271 = arith.constant 6 : i32
        %add3A_272 = arith.addi %mul3A_270, %add3A_271 : i32
        %slice3A_273 = vector.extract_strided_slice %get3A_102 {offsets = [6], sizes = [1], strides = [1]} : vector<16xf32> to vector<1xf32>
        %squeeze3A_274 = vector.extract %slice3A_273[0] : f32 from vector<1xf32>
        %get3A_275 = arith.index_cast %add3A_272 : i32 to index
        %get3A_276 = arith.constant 0 : index
        %get3A_277 = tpu.vector_load %arg15[%get3A_275, %get3A_276] {strides = array<i32>} : memref<128x32xf32, #tpu.memory_space<vmem>>, vector<1x16xf32>,
        %get3A_278 = vector.shape_cast %get3A_277 : vector<1x16xf32> to vector<16xf32>
        %mul3A_279 = vector.broadcast %squeeze3A_274 : f32 to vector<16xf32>
        %mul3A_280 = arith.mulf %get3A_278, %mul3A_279 : vector<16xf32>
        %swap3A_281 = arith.index_cast %add3A_272 : i32 to index
        %swap3A_282 = arith.constant 0 : index
        %swap3A_283 = tpu.vector_load %arg15[%swap3A_281, %swap3A_282] {strides = array<i32>} : memref<128x32xf32, #tpu.memory_space<vmem>>, vector<1x16xf32>,
        %swap3A_284 = vector.shape_cast %swap3A_283 : vector<1x16xf32> to vector<16xf32>
        %swap3A_285 = vector.shape_cast %mul3A_280 : vector<16xf32> to vector<1x16xf32>
        tpu.vector_store %arg15[%swap3A_281, %swap3A_282], %swap3A_285 {strides = array<i32>} : memref<128x32xf32, #tpu.memory_space<vmem>>, vector<1x16xf32>,
        %get3A_286 = arith.index_cast %add3A_272 : i32 to index
        %get3A_287 = arith.constant 16 : index
        %get3A_288 = tpu.vector_load %arg15[%get3A_286, %get3A_287] {strides = array<i32>} : memref<128x32xf32, #tpu.memory_space<vmem>>, vector<1x16xf32>,
        %get3A_289 = vector.shape_cast %get3A_288 : vector<1x16xf32> to vector<16xf32>
        %mul3A_290 = vector.broadcast %squeeze3A_274 : f32 to vector<16xf32>
        %mul3A_291 = arith.mulf %get3A_289, %mul3A_290 : vector<16xf32>
        %swap3A_292 = arith.index_cast %add3A_272 : i32 to index
        %swap3A_293 = arith.constant 16 : index
        %swap3A_294 = tpu.vector_load %arg15[%swap3A_292, %swap3A_293] {strides = array<i32>} : memref<128x32xf32, #tpu.memory_space<vmem>>, vector<1x16xf32>,
        %swap3A_295 = vector.shape_cast %swap3A_294 : vector<1x16xf32> to vector<16xf32>
        %swap3A_296 = vector.shape_cast %mul3A_291 : vector<16xf32> to vector<1x16xf32>
        tpu.vector_store %arg15[%swap3A_292, %swap3A_293], %swap3A_296 {strides = array<i32>} : memref<128x32xf32, #tpu.memory_space<vmem>>, vector<1x16xf32>,
        %mul3A_297 = arith.constant 16 : i32
        %mul3A_298 = arith.muli %scan3A_73, %mul3A_297 : i32
        %add3A_299 = arith.constant 7 : i32
        %add3A_300 = arith.addi %mul3A_298, %add3A_299 : i32
        %slice3A_301 = vector.extract_strided_slice %get3A_102 {offsets = [7], sizes = [1], strides = [1]} : vector<16xf32> to vector<1xf32>
        %squeeze3A_302 = vector.extract %slice3A_301[0] : f32 from vector<1xf32>
        %get3A_303 = arith.index_cast %add3A_300 : i32 to index
        %get3A_304 = arith.constant 0 : index
        %get3A_305 = tpu.vector_load %arg15[%get3A_303, %get3A_304] {strides = array<i32>} : memref<128x32xf32, #tpu.memory_space<vmem>>, vector<1x16xf32>,
        %get3A_306 = vector.shape_cast %get3A_305 : vector<1x16xf32> to vector<16xf32>
        %mul3A_307 = vector.broadcast %squeeze3A_302 : f32 to vector<16xf32>
        %mul3A_308 = arith.mulf %get3A_306, %mul3A_307 : vector<16xf32>
        %swap3A_309 = arith.index_cast %add3A_300 : i32 to index
        %swap3A_310 = arith.constant 0 : index
        %swap3A_311 = tpu.vector_load %arg15[%swap3A_309, %swap3A_310] {strides = array<i32>} : memref<128x32xf32, #tpu.memory_space<vmem>>, vector<1x16xf32>,
        %swap3A_312 = vector.shape_cast %swap3A_311 : vector<1x16xf32> to vector<16xf32>
        %swap3A_313 = vector.shape_cast %mul3A_308 : vector<16xf32> to vector<1x16xf32>
        tpu.vector_store %arg15[%swap3A_309, %swap3A_310], %swap3A_313 {strides = array<i32>} : memref<128x32xf32, #tpu.memory_space<vmem>>, vector<1x16xf32>,
        %get3A_314 = arith.index_cast %add3A_300 : i32 to index
        %get3A_315 = arith.constant 16 : index
        %get3A_316 = tpu.vector_load %arg15[%get3A_314, %get3A_315] {strides = array<i32>} : memref<128x32xf32, #tpu.memory_space<vmem>>, vector<1x16xf32>,
        %get3A_317 = vector.shape_cast %get3A_316 : vector<1x16xf32> to vector<16xf32>
        %mul3A_318 = vector.broadcast %squeeze3A_302 : f32 to vector<16xf32>
        %mul3A_319 = arith.mulf %get3A_317, %mul3A_318 : vector<16xf32>
        %swap3A_320 = arith.index_cast %add3A_300 : i32 to index
        %swap3A_321 = arith.constant 16 : index
        %swap3A_322 = tpu.vector_load %arg15[%swap3A_320, %swap3A_321] {strides = array<i32>} : memref<128x32xf32, #tpu.memory_space<vmem>>, vector<1x16xf32>,
        %swap3A_323 = vector.shape_cast %swap3A_322 : vector<1x16xf32> to vector<16xf32>
        %swap3A_324 = vector.shape_cast %mul3A_319 : vector<16xf32> to vector<1x16xf32>
        tpu.vector_store %arg15[%swap3A_320, %swap3A_321], %swap3A_324 {strides = array<i32>} : memref<128x32xf32, #tpu.memory_space<vmem>>, vector<1x16xf32>,
        %mul3A_325 = arith.constant 16 : i32
        %mul3A_326 = arith.muli %scan3A_73, %mul3A_325 : i32
        %add3A_327 = arith.constant 8 : i32
        %add3A_328 = arith.addi %mul3A_326, %add3A_327 : i32
        %slice3A_329 = vector.extract_strided_slice %get3A_102 {offsets = [8], sizes = [1], strides = [1]} : vector<16xf32> to vector<1xf32>
        %squeeze3A_330 = vector.extract %slice3A_329[0] : f32 from vector<1xf32>
        %get3A_331 = arith.index_cast %add3A_328 : i32 to index
        %get3A_332 = arith.constant 0 : index
        %get3A_333 = tpu.vector_load %arg15[%get3A_331, %get3A_332] {strides = array<i32>} : memref<128x32xf32, #tpu.memory_space<vmem>>, vector<1x16xf32>,
        %get3A_334 = vector.shape_cast %get3A_333 : vector<1x16xf32> to vector<16xf32>
        %mul3A_335 = vector.broadcast %squeeze3A_330 : f32 to vector<16xf32>
        %mul3A_336 = arith.mulf %get3A_334, %mul3A_335 : vector<16xf32>
        %swap3A_337 = arith.index_cast %add3A_328 : i32 to index
        %swap3A_338 = arith.constant 0 : index
        %swap3A_339 = tpu.vector_load %arg15[%swap3A_337, %swap3A_338] {strides = array<i32>} : memref<128x32xf32, #tpu.memory_space<vmem>>, vector<1x16xf32>,
        %swap3A_340 = vector.shape_cast %swap3A_339 : vector<1x16xf32> to vector<16xf32>
        %swap3A_341 = vector.shape_cast %mul3A_336 : vector<16xf32> to vector<1x16xf32>
        tpu.vector_store %arg15[%swap3A_337, %swap3A_338], %swap3A_341 {strides = array<i32>} : memref<128x32xf32, #tpu.memory_space<vmem>>, vector<1x16xf32>,
        %get3A_342 = arith.index_cast %add3A_328 : i32 to index
        %get3A_343 = arith.constant 16 : index
        %get3A_344 = tpu.vector_load %arg15[%get3A_342, %get3A_343] {strides = array<i32>} : memref<128x32xf32, #tpu.memory_space<vmem>>, vector<1x16xf32>,
        %get3A_345 = vector.shape_cast %get3A_344 : vector<1x16xf32> to vector<16xf32>
        %mul3A_346 = vector.broadcast %squeeze3A_330 : f32 to vector<16xf32>
        %mul3A_347 = arith.mulf %get3A_345, %mul3A_346 : vector<16xf32>
        %swap3A_348 = arith.index_cast %add3A_328 : i32 to index
        %swap3A_349 = arith.constant 16 : index
        %swap3A_350 = tpu.vector_load %arg15[%swap3A_348, %swap3A_349] {strides = array<i32>} : memref<128x32xf32, #tpu.memory_space<vmem>>, vector<1x16xf32>,
        %swap3A_351 = vector.shape_cast %swap3A_350 : vector<1x16xf32> to vector<16xf32>
        %swap3A_352 = vector.shape_cast %mul3A_347 : vector<16xf32> to vector<1x16xf32>
        tpu.vector_store %arg15[%swap3A_348, %swap3A_349], %swap3A_352 {strides = array<i32>} : memref<128x32xf32, #tpu.memory_space<vmem>>, vector<1x16xf32>,
        %mul3A_353 = arith.constant 16 : i32
        %mul3A_354 = arith.muli %scan3A_73, %mul3A_353 : i32
        %add3A_355 = arith.constant 9 : i32
        %add3A_356 = arith.addi %mul3A_354, %add3A_355 : i32
        %slice3A_357 = vector.extract_strided_slice %get3A_102 {offsets = [9], sizes = [1], strides = [1]} : vector<16xf32> to vector<1xf32>
        %squeeze3A_358 = vector.extract %slice3A_357[0] : f32 from vector<1xf32>
        %get3A_359 = arith.index_cast %add3A_356 : i32 to index
        %get3A_360 = arith.constant 0 : index
        %get3A_361 = tpu.vector_load %arg15[%get3A_359, %get3A_360] {strides = array<i32>} : memref<128x32xf32, #tpu.memory_space<vmem>>, vector<1x16xf32>,
        %get3A_362 = vector.shape_cast %get3A_361 : vector<1x16xf32> to vector<16xf32>
        %mul3A_363 = vector.broadcast %squeeze3A_358 : f32 to vector<16xf32>
        %mul3A_364 = arith.mulf %get3A_362, %mul3A_363 : vector<16xf32>
        %swap3A_365 = arith.index_cast %add3A_356 : i32 to index
        %swap3A_366 = arith.constant 0 : index
        %swap3A_367 = tpu.vector_load %arg15[%swap3A_365, %swap3A_366] {strides = array<i32>} : memref<128x32xf32, #tpu.memory_space<vmem>>, vector<1x16xf32>,
        %swap3A_368 = vector.shape_cast %swap3A_367 : vector<1x16xf32> to vector<16xf32>
        %swap3A_369 = vector.shape_cast %mul3A_364 : vector<16xf32> to vector<1x16xf32>
        tpu.vector_store %arg15[%swap3A_365, %swap3A_366], %swap3A_369 {strides = array<i32>} : memref<128x32xf32, #tpu.memory_space<vmem>>, vector<1x16xf32>,
        %get3A_370 = arith.index_cast %add3A_356 : i32 to index
        %get3A_371 = arith.constant 16 : index
        %get3A_372 = tpu.vector_load %arg15[%get3A_370, %get3A_371] {strides = array<i32>} : memref<128x32xf32, #tpu.memory_space<vmem>>, vector<1x16xf32>,
        %get3A_373 = vector.shape_cast %get3A_372 : vector<1x16xf32> to vector<16xf32>
        %mul3A_374 = vector.broadcast %squeeze3A_358 : f32 to vector<16xf32>
        %mul3A_375 = arith.mulf %get3A_373, %mul3A_374 : vector<16xf32>
        %swap3A_376 = arith.index_cast %add3A_356 : i32 to index
        %swap3A_377 = arith.constant 16 : index
        %swap3A_378 = tpu.vector_load %arg15[%swap3A_376, %swap3A_377] {strides = array<i32>} : memref<128x32xf32, #tpu.memory_space<vmem>>, vector<1x16xf32>,
        %swap3A_379 = vector.shape_cast %swap3A_378 : vector<1x16xf32> to vector<16xf32>
        %swap3A_380 = vector.shape_cast %mul3A_375 : vector<16xf32> to vector<1x16xf32>
        tpu.vector_store %arg15[%swap3A_376, %swap3A_377], %swap3A_380 {strides = array<i32>} : memref<128x32xf32, #tpu.memory_space<vmem>>, vector<1x16xf32>,
        %mul3A_381 = arith.constant 16 : i32
        %mul3A_382 = arith.muli %scan3A_73, %mul3A_381 : i32
        %add3A_383 = arith.constant 10 : i32
        %add3A_384 = arith.addi %mul3A_382, %add3A_383 : i32
        %slice3A_385 = vector.extract_strided_slice %get3A_102 {offsets = [10], sizes = [1], strides = [1]} : vector<16xf32> to vector<1xf32>
        %squeeze3A_386 = vector.extract %slice3A_385[0] : f32 from vector<1xf32>
        %get3A_387 = arith.index_cast %add3A_384 : i32 to index
        %get3A_388 = arith.constant 0 : index
        %get3A_389 = tpu.vector_load %arg15[%get3A_387, %get3A_388] {strides = array<i32>} : memref<128x32xf32, #tpu.memory_space<vmem>>, vector<1x16xf32>,
        %get3A_390 = vector.shape_cast %get3A_389 : vector<1x16xf32> to vector<16xf32>
        %mul3A_391 = vector.broadcast %squeeze3A_386 : f32 to vector<16xf32>
        %mul3A_392 = arith.mulf %get3A_390, %mul3A_391 : vector<16xf32>
        %swap3A_393 = arith.index_cast %add3A_384 : i32 to index
        %swap3A_394 = arith.constant 0 : index
        %swap3A_395 = tpu.vector_load %arg15[%swap3A_393, %swap3A_394] {strides = array<i32>} : memref<128x32xf32, #tpu.memory_space<vmem>>, vector<1x16xf32>,
        %swap3A_396 = vector.shape_cast %swap3A_395 : vector<1x16xf32> to vector<16xf32>
        %swap3A_397 = vector.shape_cast %mul3A_392 : vector<16xf32> to vector<1x16xf32>
        tpu.vector_store %arg15[%swap3A_393, %swap3A_394], %swap3A_397 {strides = array<i32>} : memref<128x32xf32, #tpu.memory_space<vmem>>, vector<1x16xf32>,
        %get3A_398 = arith.index_cast %add3A_384 : i32 to index
        %get3A_399 = arith.constant 16 : index
        %get3A_400 = tpu.vector_load %arg15[%get3A_398, %get3A_399] {strides = array<i32>} : memref<128x32xf32, #tpu.memory_space<vmem>>, vector<1x16xf32>,
        %get3A_401 = vector.shape_cast %get3A_400 : vector<1x16xf32> to vector<16xf32>
        %mul3A_402 = vector.broadcast %squeeze3A_386 : f32 to vector<16xf32>
        %mul3A_403 = arith.mulf %get3A_401, %mul3A_402 : vector<16xf32>
        %swap3A_404 = arith.index_cast %add3A_384 : i32 to index
        %swap3A_405 = arith.constant 16 : index
        %swap3A_406 = tpu.vector_load %arg15[%swap3A_404, %swap3A_405] {strides = array<i32>} : memref<128x32xf32, #tpu.memory_space<vmem>>, vector<1x16xf32>,
        %swap3A_407 = vector.shape_cast %swap3A_406 : vector<1x16xf32> to vector<16xf32>
        %swap3A_408 = vector.shape_cast %mul3A_403 : vector<16xf32> to vector<1x16xf32>
        tpu.vector_store %arg15[%swap3A_404, %swap3A_405], %swap3A_408 {strides = array<i32>} : memref<128x32xf32, #tpu.memory_space<vmem>>, vector<1x16xf32>,
        %mul3A_409 = arith.constant 16 : i32
        %mul3A_410 = arith.muli %scan3A_73, %mul3A_409 : i32
        %add3A_411 = arith.constant 11 : i32
        %add3A_412 = arith.addi %mul3A_410, %add3A_411 : i32
        %slice3A_413 = vector.extract_strided_slice %get3A_102 {offsets = [11], sizes = [1], strides = [1]} : vector<16xf32> to vector<1xf32>
        %squeeze3A_414 = vector.extract %slice3A_413[0] : f32 from vector<1xf32>
        %get3A_415 = arith.index_cast %add3A_412 : i32 to index
        %get3A_416 = arith.constant 0 : index
        %get3A_417 = tpu.vector_load %arg15[%get3A_415, %get3A_416] {strides = array<i32>} : memref<128x32xf32, #tpu.memory_space<vmem>>, vector<1x16xf32>,
        %get3A_418 = vector.shape_cast %get3A_417 : vector<1x16xf32> to vector<16xf32>
        %mul3A_419 = vector.broadcast %squeeze3A_414 : f32 to vector<16xf32>
        %mul3A_420 = arith.mulf %get3A_418, %mul3A_419 : vector<16xf32>
        %swap3A_421 = arith.index_cast %add3A_412 : i32 to index
        %swap3A_422 = arith.constant 0 : index
        %swap3A_423 = tpu.vector_load %arg15[%swap3A_421, %swap3A_422] {strides = array<i32>} : memref<128x32xf32, #tpu.memory_space<vmem>>, vector<1x16xf32>,
        %swap3A_424 = vector.shape_cast %swap3A_423 : vector<1x16xf32> to vector<16xf32>
        %swap3A_425 = vector.shape_cast %mul3A_420 : vector<16xf32> to vector<1x16xf32>
        tpu.vector_store %arg15[%swap3A_421, %swap3A_422], %swap3A_425 {strides = array<i32>} : memref<128x32xf32, #tpu.memory_space<vmem>>, vector<1x16xf32>,
        %get3A_426 = arith.index_cast %add3A_412 : i32 to index
        %get3A_427 = arith.constant 16 : index
        %get3A_428 = tpu.vector_load %arg15[%get3A_426, %get3A_427] {strides = array<i32>} : memref<128x32xf32, #tpu.memory_space<vmem>>, vector<1x16xf32>,
        %get3A_429 = vector.shape_cast %get3A_428 : vector<1x16xf32> to vector<16xf32>
        %mul3A_430 = vector.broadcast %squeeze3A_414 : f32 to vector<16xf32>
        %mul3A_431 = arith.mulf %get3A_429, %mul3A_430 : vector<16xf32>
        %swap3A_432 = arith.index_cast %add3A_412 : i32 to index
        %swap3A_433 = arith.constant 16 : index
        %swap3A_434 = tpu.vector_load %arg15[%swap3A_432, %swap3A_433] {strides = array<i32>} : memref<128x32xf32, #tpu.memory_space<vmem>>, vector<1x16xf32>,
        %swap3A_435 = vector.shape_cast %swap3A_434 : vector<1x16xf32> to vector<16xf32>
        %swap3A_436 = vector.shape_cast %mul3A_431 : vector<16xf32> to vector<1x16xf32>
        tpu.vector_store %arg15[%swap3A_432, %swap3A_433], %swap3A_436 {strides = array<i32>} : memref<128x32xf32, #tpu.memory_space<vmem>>, vector<1x16xf32>,
        %mul3A_437 = arith.constant 16 : i32
        %mul3A_438 = arith.muli %scan3A_73, %mul3A_437 : i32
        %add3A_439 = arith.constant 12 : i32
        %add3A_440 = arith.addi %mul3A_438, %add3A_439 : i32
        %slice3A_441 = vector.extract_strided_slice %get3A_102 {offsets = [12], sizes = [1], strides = [1]} : vector<16xf32> to vector<1xf32>
        %squeeze3A_442 = vector.extract %slice3A_441[0] : f32 from vector<1xf32>
        %get3A_443 = arith.index_cast %add3A_440 : i32 to index
        %get3A_444 = arith.constant 0 : index
        %get3A_445 = tpu.vector_load %arg15[%get3A_443, %get3A_444] {strides = array<i32>} : memref<128x32xf32, #tpu.memory_space<vmem>>, vector<1x16xf32>,
        %get3A_446 = vector.shape_cast %get3A_445 : vector<1x16xf32> to vector<16xf32>
        %mul3A_447 = vector.broadcast %squeeze3A_442 : f32 to vector<16xf32>
        %mul3A_448 = arith.mulf %get3A_446, %mul3A_447 : vector<16xf32>
        %swap3A_449 = arith.index_cast %add3A_440 : i32 to index
        %swap3A_450 = arith.constant 0 : index
        %swap3A_451 = tpu.vector_load %arg15[%swap3A_449, %swap3A_450] {strides = array<i32>} : memref<128x32xf32, #tpu.memory_space<vmem>>, vector<1x16xf32>,
        %swap3A_452 = vector.shape_cast %swap3A_451 : vector<1x16xf32> to vector<16xf32>
        %swap3A_453 = vector.shape_cast %mul3A_448 : vector<16xf32> to vector<1x16xf32>
        tpu.vector_store %arg15[%swap3A_449, %swap3A_450], %swap3A_453 {strides = array<i32>} : memref<128x32xf32, #tpu.memory_space<vmem>>, vector<1x16xf32>,
        %get3A_454 = arith.index_cast %add3A_440 : i32 to index
        %get3A_455 = arith.constant 16 : index
        %get3A_456 = tpu.vector_load %arg15[%get3A_454, %get3A_455] {strides = array<i32>} : memref<128x32xf32, #tpu.memory_space<vmem>>, vector<1x16xf32>,
        %get3A_457 = vector.shape_cast %get3A_456 : vector<1x16xf32> to vector<16xf32>
        %mul3A_458 = vector.broadcast %squeeze3A_442 : f32 to vector<16xf32>
        %mul3A_459 = arith.mulf %get3A_457, %mul3A_458 : vector<16xf32>
        %swap3A_460 = arith.index_cast %add3A_440 : i32 to index
        %swap3A_461 = arith.constant 16 : index
        %swap3A_462 = tpu.vector_load %arg15[%swap3A_460, %swap3A_461] {strides = array<i32>} : memref<128x32xf32, #tpu.memory_space<vmem>>, vector<1x16xf32>,
        %swap3A_463 = vector.shape_cast %swap3A_462 : vector<1x16xf32> to vector<16xf32>
        %swap3A_464 = vector.shape_cast %mul3A_459 : vector<16xf32> to vector<1x16xf32>
        tpu.vector_store %arg15[%swap3A_460, %swap3A_461], %swap3A_464 {strides = array<i32>} : memref<128x32xf32, #tpu.memory_space<vmem>>, vector<1x16xf32>,
        %mul3A_465 = arith.constant 16 : i32
        %mul3A_466 = arith.muli %scan3A_73, %mul3A_465 : i32
        %add3A_467 = arith.constant 13 : i32
        %add3A_468 = arith.addi %mul3A_466, %add3A_467 : i32
        %slice3A_469 = vector.extract_strided_slice %get3A_102 {offsets = [13], sizes = [1], strides = [1]} : vector<16xf32> to vector<1xf32>
        %squeeze3A_470 = vector.extract %slice3A_469[0] : f32 from vector<1xf32>
        %get3A_471 = arith.index_cast %add3A_468 : i32 to index
        %get3A_472 = arith.constant 0 : index
        %get3A_473 = tpu.vector_load %arg15[%get3A_471, %get3A_472] {strides = array<i32>} : memref<128x32xf32, #tpu.memory_space<vmem>>, vector<1x16xf32>,
        %get3A_474 = vector.shape_cast %get3A_473 : vector<1x16xf32> to vector<16xf32>
        %mul3A_475 = vector.broadcast %squeeze3A_470 : f32 to vector<16xf32>
        %mul3A_476 = arith.mulf %get3A_474, %mul3A_475 : vector<16xf32>
        %swap3A_477 = arith.index_cast %add3A_468 : i32 to index
        %swap3A_478 = arith.constant 0 : index
        %swap3A_479 = tpu.vector_load %arg15[%swap3A_477, %swap3A_478] {strides = array<i32>} : memref<128x32xf32, #tpu.memory_space<vmem>>, vector<1x16xf32>,
        %swap3A_480 = vector.shape_cast %swap3A_479 : vector<1x16xf32> to vector<16xf32>
        %swap3A_481 = vector.shape_cast %mul3A_476 : vector<16xf32> to vector<1x16xf32>
        tpu.vector_store %arg15[%swap3A_477, %swap3A_478], %swap3A_481 {strides = array<i32>} : memref<128x32xf32, #tpu.memory_space<vmem>>, vector<1x16xf32>,
        %get3A_482 = arith.index_cast %add3A_468 : i32 to index
        %get3A_483 = arith.constant 16 : index
        %get3A_484 = tpu.vector_load %arg15[%get3A_482, %get3A_483] {strides = array<i32>} : memref<128x32xf32, #tpu.memory_space<vmem>>, vector<1x16xf32>,
        %get3A_485 = vector.shape_cast %get3A_484 : vector<1x16xf32> to vector<16xf32>
        %mul3A_486 = vector.broadcast %squeeze3A_470 : f32 to vector<16xf32>
        %mul3A_487 = arith.mulf %get3A_485, %mul3A_486 : vector<16xf32>
        %swap3A_488 = arith.index_cast %add3A_468 : i32 to index
        %swap3A_489 = arith.constant 16 : index
        %swap3A_490 = tpu.vector_load %arg15[%swap3A_488, %swap3A_489] {strides = array<i32>} : memref<128x32xf32, #tpu.memory_space<vmem>>, vector<1x16xf32>,
        %swap3A_491 = vector.shape_cast %swap3A_490 : vector<1x16xf32> to vector<16xf32>
        %swap3A_492 = vector.shape_cast %mul3A_487 : vector<16xf32> to vector<1x16xf32>
        tpu.vector_store %arg15[%swap3A_488, %swap3A_489], %swap3A_492 {strides = array<i32>} : memref<128x32xf32, #tpu.memory_space<vmem>>, vector<1x16xf32>,
        %mul3A_493 = arith.constant 16 : i32
        %mul3A_494 = arith.muli %scan3A_73, %mul3A_493 : i32
        %add3A_495 = arith.constant 14 : i32
        %add3A_496 = arith.addi %mul3A_494, %add3A_495 : i32
        %slice3A_497 = vector.extract_strided_slice %get3A_102 {offsets = [14], sizes = [1], strides = [1]} : vector<16xf32> to vector<1xf32>
        %squeeze3A_498 = vector.extract %slice3A_497[0] : f32 from vector<1xf32>
        %get3A_499 = arith.index_cast %add3A_496 : i32 to index
        %get3A_500 = arith.constant 0 : index
        %get3A_501 = tpu.vector_load %arg15[%get3A_499, %get3A_500] {strides = array<i32>} : memref<128x32xf32, #tpu.memory_space<vmem>>, vector<1x16xf32>,
        %get3A_502 = vector.shape_cast %get3A_501 : vector<1x16xf32> to vector<16xf32>
        %mul3A_503 = vector.broadcast %squeeze3A_498 : f32 to vector<16xf32>
        %mul3A_504 = arith.mulf %get3A_502, %mul3A_503 : vector<16xf32>
        %swap3A_505 = arith.index_cast %add3A_496 : i32 to index
        %swap3A_506 = arith.constant 0 : index
        %swap3A_507 = tpu.vector_load %arg15[%swap3A_505, %swap3A_506] {strides = array<i32>} : memref<128x32xf32, #tpu.memory_space<vmem>>, vector<1x16xf32>,
        %swap3A_508 = vector.shape_cast %swap3A_507 : vector<1x16xf32> to vector<16xf32>
        %swap3A_509 = vector.shape_cast %mul3A_504 : vector<16xf32> to vector<1x16xf32>
        tpu.vector_store %arg15[%swap3A_505, %swap3A_506], %swap3A_509 {strides = array<i32>} : memref<128x32xf32, #tpu.memory_space<vmem>>, vector<1x16xf32>,
        %get3A_510 = arith.index_cast %add3A_496 : i32 to index
        %get3A_511 = arith.constant 16 : index
        %get3A_512 = tpu.vector_load %arg15[%get3A_510, %get3A_511] {strides = array<i32>} : memref<128x32xf32, #tpu.memory_space<vmem>>, vector<1x16xf32>,
        %get3A_513 = vector.shape_cast %get3A_512 : vector<1x16xf32> to vector<16xf32>
        %mul3A_514 = vector.broadcast %squeeze3A_498 : f32 to vector<16xf32>
        %mul3A_515 = arith.mulf %get3A_513, %mul3A_514 : vector<16xf32>
        %swap3A_516 = arith.index_cast %add3A_496 : i32 to index
        %swap3A_517 = arith.constant 16 : index
        %swap3A_518 = tpu.vector_load %arg15[%swap3A_516, %swap3A_517] {strides = array<i32>} : memref<128x32xf32, #tpu.memory_space<vmem>>, vector<1x16xf32>,
        %swap3A_519 = vector.shape_cast %swap3A_518 : vector<1x16xf32> to vector<16xf32>
        %swap3A_520 = vector.shape_cast %mul3A_515 : vector<16xf32> to vector<1x16xf32>
        tpu.vector_store %arg15[%swap3A_516, %swap3A_517], %swap3A_520 {strides = array<i32>} : memref<128x32xf32, #tpu.memory_space<vmem>>, vector<1x16xf32>,
        %mul3A_521 = arith.constant 16 : i32
        %mul3A_522 = arith.muli %scan3A_73, %mul3A_521 : i32
        %add3A_523 = arith.constant 15 : i32
        %add3A_524 = arith.addi %mul3A_522, %add3A_523 : i32
        %slice3A_525 = vector.extract_strided_slice %get3A_102 {offsets = [15], sizes = [1], strides = [1]} : vector<16xf32> to vector<1xf32>
        %squeeze3A_526 = vector.extract %slice3A_525[0] : f32 from vector<1xf32>
        %get3A_527 = arith.index_cast %add3A_524 : i32 to index
        %get3A_528 = arith.constant 0 : index
        %get3A_529 = tpu.vector_load %arg15[%get3A_527, %get3A_528] {strides = array<i32>} : memref<128x32xf32, #tpu.memory_space<vmem>>, vector<1x16xf32>,
        %get3A_530 = vector.shape_cast %get3A_529 : vector<1x16xf32> to vector<16xf32>
        %mul3A_531 = vector.broadcast %squeeze3A_526 : f32 to vector<16xf32>
        %mul3A_532 = arith.mulf %get3A_530, %mul3A_531 : vector<16xf32>
        %swap3A_533 = arith.index_cast %add3A_524 : i32 to index
        %swap3A_534 = arith.constant 0 : index
        %swap3A_535 = tpu.vector_load %arg15[%swap3A_533, %swap3A_534] {strides = array<i32>} : memref<128x32xf32, #tpu.memory_space<vmem>>, vector<1x16xf32>,
        %swap3A_536 = vector.shape_cast %swap3A_535 : vector<1x16xf32> to vector<16xf32>
        %swap3A_537 = vector.shape_cast %mul3A_532 : vector<16xf32> to vector<1x16xf32>
        tpu.vector_store %arg15[%swap3A_533, %swap3A_534], %swap3A_537 {strides = array<i32>} : memref<128x32xf32, #tpu.memory_space<vmem>>, vector<1x16xf32>,
        %get3A_538 = arith.index_cast %add3A_524 : i32 to index
        %get3A_539 = arith.constant 16 : index
        %get3A_540 = tpu.vector_load %arg15[%get3A_538, %get3A_539] {strides = array<i32>} : memref<128x32xf32, #tpu.memory_space<vmem>>, vector<1x16xf32>,
        %get3A_541 = vector.shape_cast %get3A_540 : vector<1x16xf32> to vector<16xf32>
        %mul3A_542 = vector.broadcast %squeeze3A_526 : f32 to vector<16xf32>
        %mul3A_543 = arith.mulf %get3A_541, %mul3A_542 : vector<16xf32>
        %swap3A_544 = arith.index_cast %add3A_524 : i32 to index
        %swap3A_545 = arith.constant 16 : index
        %swap3A_546 = tpu.vector_load %arg15[%swap3A_544, %swap3A_545] {strides = array<i32>} : memref<128x32xf32, #tpu.memory_space<vmem>>, vector<1x16xf32>,
        %swap3A_547 = vector.shape_cast %swap3A_546 : vector<1x16xf32> to vector<16xf32>
        %swap3A_548 = vector.shape_cast %mul3A_543 : vector<16xf32> to vector<1x16xf32>
        tpu.vector_store %arg15[%swap3A_544, %swap3A_545], %swap3A_548 {strides = array<i32>} : memref<128x32xf32, #tpu.memory_space<vmem>>, vector<1x16xf32>,
        %scan3A_549 = arith.constant 0 : i32
        scf.yield %scan3A_549 : i32
      }
      %scan3A_72 = arith.constant 8 : i32
      %run_scoped3A = arith.constant 0 : i32
      "tpu.region"() ({
        %run_scoped3A_73 = tpu.sem_alloc : memref<!tpu.dma_semaphore, #tpu.memory_space<semaphore_mem>>
        %dma_start3A_74 = arith.constant 0 : i32
        %dma_start3A_75 = tpu.memref_slice %arg12[%run_scoped3A, %dma_start3A_74] : memref<1x128xi32, #tpu.memory_space<vmem>> -> memref<1x128xi32, #tpu.memory_space<vmem>>
        %dma_start3A_76 = tpu.memref_squeeze %dma_start3A_75 : memref<1x128xi32, #tpu.memory_space<vmem>> -> memref<128xi32, #tpu.memory_space<vmem>>
        %dma_start3A_77 = arith.constant 0 : i32
        %dma_start3A_78 = arith.constant 0 : i32
        %dma_start3A_79 = tpu.memref_slice %arg10[%dma_start3A_77, %dma_start3A_78] : memref<50008x32xf32, #tpu.memory_space<vmem_shared>> -> memref<50008x32xf32, #tpu.memory_space<vmem_shared>>
        tpu.enqueue_indirect_dma source(%arg15 : memref<128x32xf32, #tpu.memory_space<vmem>>) target(%dma_start3A_79 : memref<50008x32xf32, #tpu.memory_space<vmem_shared>>) offsets(%dma_start3A_76 : memref<128xi32, #tpu.memory_space<vmem>>) semaphore(%run_scoped3A_73 : memref<!tpu.dma_semaphore, #tpu.memory_space<semaphore_mem>>) {add = true}
        %dma_wait3A_80 = arith.constant 0 : i32
        %dma_wait3A_81 = tpu.memref_slice %arg12[%run_scoped3A, %dma_wait3A_80] : memref<1x128xi32, #tpu.memory_space<vmem>> -> memref<1x128xi32, #tpu.memory_space<vmem>>
        %dma_wait3A_82 = tpu.memref_squeeze %dma_wait3A_81 : memref<1x128xi32, #tpu.memory_space<vmem>> -> memref<128xi32, #tpu.memory_space<vmem>>
        %dma_wait3A_83 = arith.constant 0 : i32
        %dma_wait3A_84 = arith.constant 0 : i32
        %dma_wait3A_85 = tpu.memref_slice %arg10[%dma_wait3A_83, %dma_wait3A_84] : memref<50008x32xf32, #tpu.memory_space<vmem_shared>> -> memref<50008x32xf32, #tpu.memory_space<vmem_shared>>
        tpu.wait_indirect_dma semaphore(%run_scoped3A_73 : memref<!tpu.dma_semaphore, #tpu.memory_space<semaphore_mem>>) src(%arg15 : memref<128x32xf32, #tpu.memory_space<vmem>>) dst(%dma_wait3A_85 : memref<50008x32xf32, #tpu.memory_space<vmem_shared>>)
        tpu.yield
      }) : () -> ()
    }
    %while3A_40 = arith.constant 1 : i32
    scf.for %while3A_54 = %while3A_38 to %while3A_34 step %while3A_40  : i32 {
      "tpu.region"() ({
        %run_scoped3A_73 = tpu.sem_alloc : memref<!tpu.dma_semaphore, #tpu.memory_space<semaphore_mem>>
        %dma_start3A_74 = arith.constant 0 : i32
        %dma_start3A_75 = arith.constant 0 : i32
        %dma_start3A_76 = tpu.memref_slice %arg4[%while3A_54, %dma_start3A_74, %dma_start3A_75] : memref<12500x1x128xi32, #tpu.memory_space<hbm>> -> memref<1x1x128xi32, #tpu.memory_space<hbm>>
        %dma_start3A_77 = tpu.memref_squeeze %dma_start3A_76 : memref<1x1x128xi32, #tpu.memory_space<hbm>> -> memref<1x128xi32, #tpu.memory_space<hbm>>
        %dma_start3A_78 = arith.constant 0 : i32
        %dma_start3A_79 = arith.constant 0 : i32
        %dma_start3A_80 = tpu.memref_slice %arg4[%while3A_54, %dma_start3A_78, %dma_start3A_79] : memref<12500x1x128xi32, #tpu.memory_space<hbm>> -> memref<1x1x128xi32, #tpu.memory_space<hbm>>
        %dma_start3A_81 = tpu.memref_squeeze %dma_start3A_80 : memref<1x1x128xi32, #tpu.memory_space<hbm>> -> memref<1x128xi32, #tpu.memory_space<hbm>>
        tpu.enqueue_dma source(%dma_start3A_81 : memref<1x128xi32, #tpu.memory_space<hbm>>) target(%arg11 : memref<1x128xi32, #tpu.memory_space<vmem>>) target_semaphore(%run_scoped3A_73 : memref<!tpu.dma_semaphore, #tpu.memory_space<semaphore_mem>>)
        %dma_wait3A_82 = arith.constant 0 : i32
        %dma_wait3A_83 = arith.constant 0 : i32
        %dma_wait3A_84 = tpu.memref_slice %arg4[%while3A_54, %dma_wait3A_82, %dma_wait3A_83] : memref<12500x1x128xi32, #tpu.memory_space<hbm>> -> memref<1x1x128xi32, #tpu.memory_space<hbm>>
        %dma_wait3A_85 = tpu.memref_squeeze %dma_wait3A_84 : memref<1x1x128xi32, #tpu.memory_space<hbm>> -> memref<1x128xi32, #tpu.memory_space<hbm>>
        %dma_wait3A_86 = arith.constant 0 : i32
        %dma_wait3A_87 = arith.constant 0 : i32
        %dma_wait3A_88 = tpu.memref_slice %arg4[%while3A_54, %dma_wait3A_86, %dma_wait3A_87] : memref<12500x1x128xi32, #tpu.memory_space<hbm>> -> memref<1x1x128xi32, #tpu.memory_space<hbm>>
        %dma_wait3A_89 = tpu.memref_squeeze %dma_wait3A_88 : memref<1x1x128xi32, #tpu.memory_space<hbm>> -> memref<1x128xi32, #tpu.memory_space<hbm>>
        tpu.wait_dma2 semaphore(%run_scoped3A_73 : memref<!tpu.dma_semaphore, #tpu.memory_space<semaphore_mem>>) src(%dma_wait3A_89 : memref<1x128xi32, #tpu.memory_space<hbm>>) dst(%arg11 : memref<1x128xi32, #tpu.memory_space<vmem>>)
        tpu.yield
      }) : () -> ()
      "tpu.region"() ({
        %run_scoped3A_73 = tpu.sem_alloc : memref<!tpu.dma_semaphore, #tpu.memory_space<semaphore_mem>>
        %dma_start3A_74 = arith.constant 0 : i32
        %dma_start3A_75 = arith.constant 0 : i32
        %dma_start3A_76 = tpu.memref_slice %arg5[%while3A_54, %dma_start3A_74, %dma_start3A_75] : memref<12500x1x128xi32, #tpu.memory_space<hbm>> -> memref<1x1x128xi32, #tpu.memory_space<hbm>>
        %dma_start3A_77 = tpu.memref_squeeze %dma_start3A_76 : memref<1x1x128xi32, #tpu.memory_space<hbm>> -> memref<1x128xi32, #tpu.memory_space<hbm>>
        %dma_start3A_78 = arith.constant 0 : i32
        %dma_start3A_79 = arith.constant 0 : i32
        %dma_start3A_80 = tpu.memref_slice %arg5[%while3A_54, %dma_start3A_78, %dma_start3A_79] : memref<12500x1x128xi32, #tpu.memory_space<hbm>> -> memref<1x1x128xi32, #tpu.memory_space<hbm>>
        %dma_start3A_81 = tpu.memref_squeeze %dma_start3A_80 : memref<1x1x128xi32, #tpu.memory_space<hbm>> -> memref<1x128xi32, #tpu.memory_space<hbm>>
        tpu.enqueue_dma source(%dma_start3A_81 : memref<1x128xi32, #tpu.memory_space<hbm>>) target(%arg13 : memref<1x128xi32, #tpu.memory_space<vmem>>) target_semaphore(%run_scoped3A_73 : memref<!tpu.dma_semaphore, #tpu.memory_space<semaphore_mem>>)
        %dma_wait3A_82 = arith.constant 0 : i32
        %dma_wait3A_83 = arith.constant 0 : i32
        %dma_wait3A_84 = tpu.memref_slice %arg5[%while3A_54, %dma_wait3A_82, %dma_wait3A_83] : memref<12500x1x128xi32, #tpu.memory_space<hbm>> -> memref<1x1x128xi32, #tpu.memory_space<hbm>>
        %dma_wait3A_85 = tpu.memref_squeeze %dma_wait3A_84 : memref<1x1x128xi32, #tpu.memory_space<hbm>> -> memref<1x128xi32, #tpu.memory_space<hbm>>
        %dma_wait3A_86 = arith.constant 0 : i32
        %dma_wait3A_87 = arith.constant 0 : i32
        %dma_wait3A_88 = tpu.memref_slice %arg5[%while3A_54, %dma_wait3A_86, %dma_wait3A_87] : memref<12500x1x128xi32, #tpu.memory_space<hbm>> -> memref<1x1x128xi32, #tpu.memory_space<hbm>>
        %dma_wait3A_89 = tpu.memref_squeeze %dma_wait3A_88 : memref<1x1x128xi32, #tpu.memory_space<hbm>> -> memref<1x128xi32, #tpu.memory_space<hbm>>
        tpu.wait_dma2 semaphore(%run_scoped3A_73 : memref<!tpu.dma_semaphore, #tpu.memory_space<semaphore_mem>>) src(%dma_wait3A_89 : memref<1x128xi32, #tpu.memory_space<hbm>>) dst(%arg13 : memref<1x128xi32, #tpu.memory_space<vmem>>)
        tpu.yield
      }) : () -> ()
      "tpu.region"() ({
        %run_scoped3A_73 = tpu.sem_alloc : memref<!tpu.dma_semaphore, #tpu.memory_space<semaphore_mem>>
        %dma_start3A_74 = arith.constant 0 : i32
        %dma_start3A_75 = arith.constant 0 : i32
        %dma_start3A_76 = tpu.memref_slice %arg6[%while3A_54, %dma_start3A_74, %dma_start3A_75] : memref<12500x1x128xf32, #tpu.memory_space<hbm>> -> memref<1x1x128xf32, #tpu.memory_space<hbm>>
        %dma_start3A_77 = tpu.memref_squeeze %dma_start3A_76 : memref<1x1x128xf32, #tpu.memory_space<hbm>> -> memref<1x128xf32, #tpu.memory_space<hbm>>
        %dma_start3A_78 = arith.constant 0 : i32
        %dma_start3A_79 = arith.constant 0 : i32
        %dma_start3A_80 = tpu.memref_slice %arg6[%while3A_54, %dma_start3A_78, %dma_start3A_79] : memref<12500x1x128xf32, #tpu.memory_space<hbm>> -> memref<1x1x128xf32, #tpu.memory_space<hbm>>
        %dma_start3A_81 = tpu.memref_squeeze %dma_start3A_80 : memref<1x1x128xf32, #tpu.memory_space<hbm>> -> memref<1x128xf32, #tpu.memory_space<hbm>>
        tpu.enqueue_dma source(%dma_start3A_81 : memref<1x128xf32, #tpu.memory_space<hbm>>) target(%arg14 : memref<1x128xf32, #tpu.memory_space<vmem>>) target_semaphore(%run_scoped3A_73 : memref<!tpu.dma_semaphore, #tpu.memory_space<semaphore_mem>>)
        %dma_wait3A_82 = arith.constant 0 : i32
        %dma_wait3A_83 = arith.constant 0 : i32
        %dma_wait3A_84 = tpu.memref_slice %arg6[%while3A_54, %dma_wait3A_82, %dma_wait3A_83] : memref<12500x1x128xf32, #tpu.memory_space<hbm>> -> memref<1x1x128xf32, #tpu.memory_space<hbm>>
        %dma_wait3A_85 = tpu.memref_squeeze %dma_wait3A_84 : memref<1x1x128xf32, #tpu.memory_space<hbm>> -> memref<1x128xf32, #tpu.memory_space<hbm>>
        %dma_wait3A_86 = arith.constant 0 : i32
        %dma_wait3A_87 = arith.constant 0 : i32
        %dma_wait3A_88 = tpu.memref_slice %arg6[%while3A_54, %dma_wait3A_86, %dma_wait3A_87] : memref<12500x1x128xf32, #tpu.memory_space<hbm>> -> memref<1x1x128xf32, #tpu.memory_space<hbm>>
        %dma_wait3A_89 = tpu.memref_squeeze %dma_wait3A_88 : memref<1x1x128xf32, #tpu.memory_space<hbm>> -> memref<1x128xf32, #tpu.memory_space<hbm>>
        tpu.wait_dma2 semaphore(%run_scoped3A_73 : memref<!tpu.dma_semaphore, #tpu.memory_space<semaphore_mem>>) src(%dma_wait3A_89 : memref<1x128xf32, #tpu.memory_space<hbm>>) dst(%arg14 : memref<1x128xf32, #tpu.memory_space<vmem>>)
        tpu.yield
      }) : () -> ()
      %dma_start3A = arith.constant 0 : i32
      %dma_start3A_55 = arith.constant 0 : i32
      %dma_start3A_56 = tpu.memref_slice %arg11[%dma_start3A, %dma_start3A_55] : memref<1x128xi32, #tpu.memory_space<vmem>> -> memref<1x128xi32, #tpu.memory_space<vmem>>
      %dma_start3A_57 = tpu.memref_squeeze %dma_start3A_56 : memref<1x128xi32, #tpu.memory_space<vmem>> -> memref<128xi32, #tpu.memory_space<vmem>>
      %dma_start3A_58 = arith.constant 0 : i32
      %dma_start3A_59 = arith.constant 0 : i32
      %dma_start3A_60 = tpu.memref_slice %arg2[%dma_start3A_58, %dma_start3A_59] : memref<100000x32xf32, #tpu.memory_space<hbm>> -> memref<100000x32xf32, #tpu.memory_space<hbm>>
      tpu.enqueue_indirect_dma source(%dma_start3A_60 : memref<100000x32xf32, #tpu.memory_space<hbm>>) target(%arg15 : memref<128x32xf32, #tpu.memory_space<vmem>>) offsets(%dma_start3A_57 : memref<128xi32, #tpu.memory_space<vmem>>) semaphore(%arg18 : memref<!tpu.dma_semaphore, #tpu.memory_space<semaphore_mem>>)
      %dma_wait3A = arith.constant 0 : i32
      %dma_wait3A_61 = arith.constant 0 : i32
      %dma_wait3A_62 = tpu.memref_slice %arg11[%dma_wait3A, %dma_wait3A_61] : memref<1x128xi32, #tpu.memory_space<vmem>> -> memref<1x128xi32, #tpu.memory_space<vmem>>
      %dma_wait3A_63 = tpu.memref_squeeze %dma_wait3A_62 : memref<1x128xi32, #tpu.memory_space<vmem>> -> memref<128xi32, #tpu.memory_space<vmem>>
      %dma_wait3A_64 = arith.constant 0 : i32
      %dma_wait3A_65 = arith.constant 0 : i32
      %dma_wait3A_66 = tpu.memref_slice %arg2[%dma_wait3A_64, %dma_wait3A_65] : memref<100000x32xf32, #tpu.memory_space<hbm>> -> memref<100000x32xf32, #tpu.memory_space<hbm>>
      tpu.wait_indirect_dma semaphore(%arg18 : memref<!tpu.dma_semaphore, #tpu.memory_space<semaphore_mem>>) src(%dma_wait3A_66 : memref<100000x32xf32, #tpu.memory_space<hbm>>) dst(%arg15 : memref<128x32xf32, #tpu.memory_space<vmem>>)
      %scan3A = arith.constant 0 : i32
      %scan3A_67 = arith.constant 0 : i32
      %scan3A_68 = arith.constant 8 : i32
      %scan3A_69 = arith.addi %scan3A_67, %scan3A_68 : i32
      %scan3A_70 = arith.constant 1 : i32
      %scan3A_71 = scf.for %scan3A_73 = %scan3A_67 to %scan3A_69 step %scan3A_70 iter_args(%scan3A_74 = %scan3A) -> (i32)  : i32 {
        %mul3A_75 = arith.constant 16 : i32
        %mul3A_76 = arith.muli %scan3A_73, %mul3A_75 : i32
        %get3A = arith.constant 0 : i32
        %get3A_77 = arith.index_cast %get3A : i32 to index
        %get3A_78 = arith.index_cast %mul3A_76 : i32 to index
        %get3A_79 = tpu.vector_load %arg13[%get3A_77, %get3A_78] {strides = array<i32>} : memref<1x128xi32, #tpu.memory_space<vmem>>, vector<1x16xi32>,
        %get3A_80 = vector.shape_cast %get3A_79 : vector<1x16xi32> to vector<16xi32>
        %sub3A = vector.broadcast %mul3A_0 : i32 to vector<16xi32>
        %sub3A_81 = arith.subi %get3A_80, %sub3A : vector<16xi32>
        %ge3A = arith.constant 0 : i32
        %ge3A_82 = vector.broadcast %ge3A : i32 to vector<16xi32>
        %ge3A_83 = arith.cmpi sge, %sub3A_81, %ge3A_82 : vector<16xi32>
        %lt3A_84 = arith.constant 50000 : i32
        %lt3A_85 = vector.broadcast %lt3A_84 : i32 to vector<16xi32>
        %lt3A_86 = arith.cmpi slt, %sub3A_81, %lt3A_85 : vector<16xi32>
        %and3A = arith.andi %ge3A_83, %lt3A_86 : vector<16xi1>
        %jit3A_87 = arith.constant 50000 : i32
        %broadcast_in_dim3A = vector.broadcast %jit3A_87 : i32 to vector<16xi32>
        %select_n3A_88 = arith.select %and3A, %sub3A_81, %broadcast_in_dim3A : vector<16xi1>, vector<16xi32>
        %mul3A_89 = arith.constant 16 : i32
        %mul3A_90 = arith.muli %scan3A_73, %mul3A_89 : i32
        %swap3A = arith.constant 0 : i32
        %swap3A_91 = arith.index_cast %swap3A : i32 to index
        %swap3A_92 = arith.index_cast %mul3A_90 : i32 to index
        %swap3A_93 = tpu.vector_load %arg12[%swap3A_91, %swap3A_92] {strides = array<i32>} : memref<1x128xi32, #tpu.memory_space<vmem>>, vector<1x16xi32>,
        %swap3A_94 = vector.shape_cast %swap3A_93 : vector<1x16xi32> to vector<16xi32>
        %swap3A_95 = vector.shape_cast %select_n3A_88 : vector<16xi32> to vector<1x16xi32>
        tpu.vector_store %arg12[%swap3A_91, %swap3A_92], %swap3A_95 {strides = array<i32>} : memref<1x128xi32, #tpu.memory_space<vmem>>, vector<1x16xi32>,
        %mul3A_96 = arith.constant 16 : i32
        %mul3A_97 = arith.muli %scan3A_73, %mul3A_96 : i32
        %get3A_98 = arith.constant 0 : i32
        %get3A_99 = arith.index_cast %get3A_98 : i32 to index
        %get3A_100 = arith.index_cast %mul3A_97 : i32 to index
        %get3A_101 = tpu.vector_load %arg14[%get3A_99, %get3A_100] {strides = array<i32>} : memref<1x128xf32, #tpu.memory_space<vmem>>, vector<1x16xf32>,
        %get3A_102 = vector.shape_cast %get3A_101 : vector<1x16xf32> to vector<16xf32>
        %mul3A_103 = arith.constant 16 : i32
        %mul3A_104 = arith.muli %scan3A_73, %mul3A_103 : i32
        %add3A_105 = arith.constant 0 : i32
        %add3A_106 = arith.addi %mul3A_104, %add3A_105 : i32
        %slice3A = vector.extract_strided_slice %get3A_102 {offsets = [0], sizes = [1], strides = [1]} : vector<16xf32> to vector<1xf32>
        %squeeze3A = vector.extract %slice3A[0] : f32 from vector<1xf32>
        %get3A_107 = arith.index_cast %add3A_106 : i32 to index
        %get3A_108 = arith.constant 0 : index
        %get3A_109 = tpu.vector_load %arg15[%get3A_107, %get3A_108] {strides = array<i32>} : memref<128x32xf32, #tpu.memory_space<vmem>>, vector<1x16xf32>,
        %get3A_110 = vector.shape_cast %get3A_109 : vector<1x16xf32> to vector<16xf32>
        %mul3A_111 = vector.broadcast %squeeze3A : f32 to vector<16xf32>
        %mul3A_112 = arith.mulf %get3A_110, %mul3A_111 : vector<16xf32>
        %swap3A_113 = arith.index_cast %add3A_106 : i32 to index
        %swap3A_114 = arith.constant 0 : index
        %swap3A_115 = tpu.vector_load %arg15[%swap3A_113, %swap3A_114] {strides = array<i32>} : memref<128x32xf32, #tpu.memory_space<vmem>>, vector<1x16xf32>,
        %swap3A_116 = vector.shape_cast %swap3A_115 : vector<1x16xf32> to vector<16xf32>
        %swap3A_117 = vector.shape_cast %mul3A_112 : vector<16xf32> to vector<1x16xf32>
        tpu.vector_store %arg15[%swap3A_113, %swap3A_114], %swap3A_117 {strides = array<i32>} : memref<128x32xf32, #tpu.memory_space<vmem>>, vector<1x16xf32>,
        %get3A_118 = arith.index_cast %add3A_106 : i32 to index
        %get3A_119 = arith.constant 16 : index
        %get3A_120 = tpu.vector_load %arg15[%get3A_118, %get3A_119] {strides = array<i32>} : memref<128x32xf32, #tpu.memory_space<vmem>>, vector<1x16xf32>,
        %get3A_121 = vector.shape_cast %get3A_120 : vector<1x16xf32> to vector<16xf32>
        %mul3A_122 = vector.broadcast %squeeze3A : f32 to vector<16xf32>
        %mul3A_123 = arith.mulf %get3A_121, %mul3A_122 : vector<16xf32>
        %swap3A_124 = arith.index_cast %add3A_106 : i32 to index
        %swap3A_125 = arith.constant 16 : index
        %swap3A_126 = tpu.vector_load %arg15[%swap3A_124, %swap3A_125] {strides = array<i32>} : memref<128x32xf32, #tpu.memory_space<vmem>>, vector<1x16xf32>,
        %swap3A_127 = vector.shape_cast %swap3A_126 : vector<1x16xf32> to vector<16xf32>
        %swap3A_128 = vector.shape_cast %mul3A_123 : vector<16xf32> to vector<1x16xf32>
        tpu.vector_store %arg15[%swap3A_124, %swap3A_125], %swap3A_128 {strides = array<i32>} : memref<128x32xf32, #tpu.memory_space<vmem>>, vector<1x16xf32>,
        %mul3A_129 = arith.constant 16 : i32
        %mul3A_130 = arith.muli %scan3A_73, %mul3A_129 : i32
        %add3A_131 = arith.constant 1 : i32
        %add3A_132 = arith.addi %mul3A_130, %add3A_131 : i32
        %slice3A_133 = vector.extract_strided_slice %get3A_102 {offsets = [1], sizes = [1], strides = [1]} : vector<16xf32> to vector<1xf32>
        %squeeze3A_134 = vector.extract %slice3A_133[0] : f32 from vector<1xf32>
        %get3A_135 = arith.index_cast %add3A_132 : i32 to index
        %get3A_136 = arith.constant 0 : index
        %get3A_137 = tpu.vector_load %arg15[%get3A_135, %get3A_136] {strides = array<i32>} : memref<128x32xf32, #tpu.memory_space<vmem>>, vector<1x16xf32>,
        %get3A_138 = vector.shape_cast %get3A_137 : vector<1x16xf32> to vector<16xf32>
        %mul3A_139 = vector.broadcast %squeeze3A_134 : f32 to vector<16xf32>
        %mul3A_140 = arith.mulf %get3A_138, %mul3A_139 : vector<16xf32>
        %swap3A_141 = arith.index_cast %add3A_132 : i32 to index
        %swap3A_142 = arith.constant 0 : index
        %swap3A_143 = tpu.vector_load %arg15[%swap3A_141, %swap3A_142] {strides = array<i32>} : memref<128x32xf32, #tpu.memory_space<vmem>>, vector<1x16xf32>,
        %swap3A_144 = vector.shape_cast %swap3A_143 : vector<1x16xf32> to vector<16xf32>
        %swap3A_145 = vector.shape_cast %mul3A_140 : vector<16xf32> to vector<1x16xf32>
        tpu.vector_store %arg15[%swap3A_141, %swap3A_142], %swap3A_145 {strides = array<i32>} : memref<128x32xf32, #tpu.memory_space<vmem>>, vector<1x16xf32>,
        %get3A_146 = arith.index_cast %add3A_132 : i32 to index
        %get3A_147 = arith.constant 16 : index
        %get3A_148 = tpu.vector_load %arg15[%get3A_146, %get3A_147] {strides = array<i32>} : memref<128x32xf32, #tpu.memory_space<vmem>>, vector<1x16xf32>,
        %get3A_149 = vector.shape_cast %get3A_148 : vector<1x16xf32> to vector<16xf32>
        %mul3A_150 = vector.broadcast %squeeze3A_134 : f32 to vector<16xf32>
        %mul3A_151 = arith.mulf %get3A_149, %mul3A_150 : vector<16xf32>
        %swap3A_152 = arith.index_cast %add3A_132 : i32 to index
        %swap3A_153 = arith.constant 16 : index
        %swap3A_154 = tpu.vector_load %arg15[%swap3A_152, %swap3A_153] {strides = array<i32>} : memref<128x32xf32, #tpu.memory_space<vmem>>, vector<1x16xf32>,
        %swap3A_155 = vector.shape_cast %swap3A_154 : vector<1x16xf32> to vector<16xf32>
        %swap3A_156 = vector.shape_cast %mul3A_151 : vector<16xf32> to vector<1x16xf32>
        tpu.vector_store %arg15[%swap3A_152, %swap3A_153], %swap3A_156 {strides = array<i32>} : memref<128x32xf32, #tpu.memory_space<vmem>>, vector<1x16xf32>,
        %mul3A_157 = arith.constant 16 : i32
        %mul3A_158 = arith.muli %scan3A_73, %mul3A_157 : i32
        %add3A_159 = arith.constant 2 : i32
        %add3A_160 = arith.addi %mul3A_158, %add3A_159 : i32
        %slice3A_161 = vector.extract_strided_slice %get3A_102 {offsets = [2], sizes = [1], strides = [1]} : vector<16xf32> to vector<1xf32>
        %squeeze3A_162 = vector.extract %slice3A_161[0] : f32 from vector<1xf32>
        %get3A_163 = arith.index_cast %add3A_160 : i32 to index
        %get3A_164 = arith.constant 0 : index
        %get3A_165 = tpu.vector_load %arg15[%get3A_163, %get3A_164] {strides = array<i32>} : memref<128x32xf32, #tpu.memory_space<vmem>>, vector<1x16xf32>,
        %get3A_166 = vector.shape_cast %get3A_165 : vector<1x16xf32> to vector<16xf32>
        %mul3A_167 = vector.broadcast %squeeze3A_162 : f32 to vector<16xf32>
        %mul3A_168 = arith.mulf %get3A_166, %mul3A_167 : vector<16xf32>
        %swap3A_169 = arith.index_cast %add3A_160 : i32 to index
        %swap3A_170 = arith.constant 0 : index
        %swap3A_171 = tpu.vector_load %arg15[%swap3A_169, %swap3A_170] {strides = array<i32>} : memref<128x32xf32, #tpu.memory_space<vmem>>, vector<1x16xf32>,
        %swap3A_172 = vector.shape_cast %swap3A_171 : vector<1x16xf32> to vector<16xf32>
        %swap3A_173 = vector.shape_cast %mul3A_168 : vector<16xf32> to vector<1x16xf32>
        tpu.vector_store %arg15[%swap3A_169, %swap3A_170], %swap3A_173 {strides = array<i32>} : memref<128x32xf32, #tpu.memory_space<vmem>>, vector<1x16xf32>,
        %get3A_174 = arith.index_cast %add3A_160 : i32 to index
        %get3A_175 = arith.constant 16 : index
        %get3A_176 = tpu.vector_load %arg15[%get3A_174, %get3A_175] {strides = array<i32>} : memref<128x32xf32, #tpu.memory_space<vmem>>, vector<1x16xf32>,
        %get3A_177 = vector.shape_cast %get3A_176 : vector<1x16xf32> to vector<16xf32>
        %mul3A_178 = vector.broadcast %squeeze3A_162 : f32 to vector<16xf32>
        %mul3A_179 = arith.mulf %get3A_177, %mul3A_178 : vector<16xf32>
        %swap3A_180 = arith.index_cast %add3A_160 : i32 to index
        %swap3A_181 = arith.constant 16 : index
        %swap3A_182 = tpu.vector_load %arg15[%swap3A_180, %swap3A_181] {strides = array<i32>} : memref<128x32xf32, #tpu.memory_space<vmem>>, vector<1x16xf32>,
        %swap3A_183 = vector.shape_cast %swap3A_182 : vector<1x16xf32> to vector<16xf32>
        %swap3A_184 = vector.shape_cast %mul3A_179 : vector<16xf32> to vector<1x16xf32>
        tpu.vector_store %arg15[%swap3A_180, %swap3A_181], %swap3A_184 {strides = array<i32>} : memref<128x32xf32, #tpu.memory_space<vmem>>, vector<1x16xf32>,
        %mul3A_185 = arith.constant 16 : i32
        %mul3A_186 = arith.muli %scan3A_73, %mul3A_185 : i32
        %add3A_187 = arith.constant 3 : i32
        %add3A_188 = arith.addi %mul3A_186, %add3A_187 : i32
        %slice3A_189 = vector.extract_strided_slice %get3A_102 {offsets = [3], sizes = [1], strides = [1]} : vector<16xf32> to vector<1xf32>
        %squeeze3A_190 = vector.extract %slice3A_189[0] : f32 from vector<1xf32>
        %get3A_191 = arith.index_cast %add3A_188 : i32 to index
        %get3A_192 = arith.constant 0 : index
        %get3A_193 = tpu.vector_load %arg15[%get3A_191, %get3A_192] {strides = array<i32>} : memref<128x32xf32, #tpu.memory_space<vmem>>, vector<1x16xf32>,
        %get3A_194 = vector.shape_cast %get3A_193 : vector<1x16xf32> to vector<16xf32>
        %mul3A_195 = vector.broadcast %squeeze3A_190 : f32 to vector<16xf32>
        %mul3A_196 = arith.mulf %get3A_194, %mul3A_195 : vector<16xf32>
        %swap3A_197 = arith.index_cast %add3A_188 : i32 to index
        %swap3A_198 = arith.constant 0 : index
        %swap3A_199 = tpu.vector_load %arg15[%swap3A_197, %swap3A_198] {strides = array<i32>} : memref<128x32xf32, #tpu.memory_space<vmem>>, vector<1x16xf32>,
        %swap3A_200 = vector.shape_cast %swap3A_199 : vector<1x16xf32> to vector<16xf32>
        %swap3A_201 = vector.shape_cast %mul3A_196 : vector<16xf32> to vector<1x16xf32>
        tpu.vector_store %arg15[%swap3A_197, %swap3A_198], %swap3A_201 {strides = array<i32>} : memref<128x32xf32, #tpu.memory_space<vmem>>, vector<1x16xf32>,
        %get3A_202 = arith.index_cast %add3A_188 : i32 to index
        %get3A_203 = arith.constant 16 : index
        %get3A_204 = tpu.vector_load %arg15[%get3A_202, %get3A_203] {strides = array<i32>} : memref<128x32xf32, #tpu.memory_space<vmem>>, vector<1x16xf32>,
        %get3A_205 = vector.shape_cast %get3A_204 : vector<1x16xf32> to vector<16xf32>
        %mul3A_206 = vector.broadcast %squeeze3A_190 : f32 to vector<16xf32>
        %mul3A_207 = arith.mulf %get3A_205, %mul3A_206 : vector<16xf32>
        %swap3A_208 = arith.index_cast %add3A_188 : i32 to index
        %swap3A_209 = arith.constant 16 : index
        %swap3A_210 = tpu.vector_load %arg15[%swap3A_208, %swap3A_209] {strides = array<i32>} : memref<128x32xf32, #tpu.memory_space<vmem>>, vector<1x16xf32>,
        %swap3A_211 = vector.shape_cast %swap3A_210 : vector<1x16xf32> to vector<16xf32>
        %swap3A_212 = vector.shape_cast %mul3A_207 : vector<16xf32> to vector<1x16xf32>
        tpu.vector_store %arg15[%swap3A_208, %swap3A_209], %swap3A_212 {strides = array<i32>} : memref<128x32xf32, #tpu.memory_space<vmem>>, vector<1x16xf32>,
        %mul3A_213 = arith.constant 16 : i32
        %mul3A_214 = arith.muli %scan3A_73, %mul3A_213 : i32
        %add3A_215 = arith.constant 4 : i32
        %add3A_216 = arith.addi %mul3A_214, %add3A_215 : i32
        %slice3A_217 = vector.extract_strided_slice %get3A_102 {offsets = [4], sizes = [1], strides = [1]} : vector<16xf32> to vector<1xf32>
        %squeeze3A_218 = vector.extract %slice3A_217[0] : f32 from vector<1xf32>
        %get3A_219 = arith.index_cast %add3A_216 : i32 to index
        %get3A_220 = arith.constant 0 : index
        %get3A_221 = tpu.vector_load %arg15[%get3A_219, %get3A_220] {strides = array<i32>} : memref<128x32xf32, #tpu.memory_space<vmem>>, vector<1x16xf32>,
        %get3A_222 = vector.shape_cast %get3A_221 : vector<1x16xf32> to vector<16xf32>
        %mul3A_223 = vector.broadcast %squeeze3A_218 : f32 to vector<16xf32>
        %mul3A_224 = arith.mulf %get3A_222, %mul3A_223 : vector<16xf32>
        %swap3A_225 = arith.index_cast %add3A_216 : i32 to index
        %swap3A_226 = arith.constant 0 : index
        %swap3A_227 = tpu.vector_load %arg15[%swap3A_225, %swap3A_226] {strides = array<i32>} : memref<128x32xf32, #tpu.memory_space<vmem>>, vector<1x16xf32>,
        %swap3A_228 = vector.shape_cast %swap3A_227 : vector<1x16xf32> to vector<16xf32>
        %swap3A_229 = vector.shape_cast %mul3A_224 : vector<16xf32> to vector<1x16xf32>
        tpu.vector_store %arg15[%swap3A_225, %swap3A_226], %swap3A_229 {strides = array<i32>} : memref<128x32xf32, #tpu.memory_space<vmem>>, vector<1x16xf32>,
        %get3A_230 = arith.index_cast %add3A_216 : i32 to index
        %get3A_231 = arith.constant 16 : index
        %get3A_232 = tpu.vector_load %arg15[%get3A_230, %get3A_231] {strides = array<i32>} : memref<128x32xf32, #tpu.memory_space<vmem>>, vector<1x16xf32>,
        %get3A_233 = vector.shape_cast %get3A_232 : vector<1x16xf32> to vector<16xf32>
        %mul3A_234 = vector.broadcast %squeeze3A_218 : f32 to vector<16xf32>
        %mul3A_235 = arith.mulf %get3A_233, %mul3A_234 : vector<16xf32>
        %swap3A_236 = arith.index_cast %add3A_216 : i32 to index
        %swap3A_237 = arith.constant 16 : index
        %swap3A_238 = tpu.vector_load %arg15[%swap3A_236, %swap3A_237] {strides = array<i32>} : memref<128x32xf32, #tpu.memory_space<vmem>>, vector<1x16xf32>,
        %swap3A_239 = vector.shape_cast %swap3A_238 : vector<1x16xf32> to vector<16xf32>
        %swap3A_240 = vector.shape_cast %mul3A_235 : vector<16xf32> to vector<1x16xf32>
        tpu.vector_store %arg15[%swap3A_236, %swap3A_237], %swap3A_240 {strides = array<i32>} : memref<128x32xf32, #tpu.memory_space<vmem>>, vector<1x16xf32>,
        %mul3A_241 = arith.constant 16 : i32
        %mul3A_242 = arith.muli %scan3A_73, %mul3A_241 : i32
        %add3A_243 = arith.constant 5 : i32
        %add3A_244 = arith.addi %mul3A_242, %add3A_243 : i32
        %slice3A_245 = vector.extract_strided_slice %get3A_102 {offsets = [5], sizes = [1], strides = [1]} : vector<16xf32> to vector<1xf32>
        %squeeze3A_246 = vector.extract %slice3A_245[0] : f32 from vector<1xf32>
        %get3A_247 = arith.index_cast %add3A_244 : i32 to index
        %get3A_248 = arith.constant 0 : index
        %get3A_249 = tpu.vector_load %arg15[%get3A_247, %get3A_248] {strides = array<i32>} : memref<128x32xf32, #tpu.memory_space<vmem>>, vector<1x16xf32>,
        %get3A_250 = vector.shape_cast %get3A_249 : vector<1x16xf32> to vector<16xf32>
        %mul3A_251 = vector.broadcast %squeeze3A_246 : f32 to vector<16xf32>
        %mul3A_252 = arith.mulf %get3A_250, %mul3A_251 : vector<16xf32>
        %swap3A_253 = arith.index_cast %add3A_244 : i32 to index
        %swap3A_254 = arith.constant 0 : index
        %swap3A_255 = tpu.vector_load %arg15[%swap3A_253, %swap3A_254] {strides = array<i32>} : memref<128x32xf32, #tpu.memory_space<vmem>>, vector<1x16xf32>,
        %swap3A_256 = vector.shape_cast %swap3A_255 : vector<1x16xf32> to vector<16xf32>
        %swap3A_257 = vector.shape_cast %mul3A_252 : vector<16xf32> to vector<1x16xf32>
        tpu.vector_store %arg15[%swap3A_253, %swap3A_254], %swap3A_257 {strides = array<i32>} : memref<128x32xf32, #tpu.memory_space<vmem>>, vector<1x16xf32>,
        %get3A_258 = arith.index_cast %add3A_244 : i32 to index
        %get3A_259 = arith.constant 16 : index
        %get3A_260 = tpu.vector_load %arg15[%get3A_258, %get3A_259] {strides = array<i32>} : memref<128x32xf32, #tpu.memory_space<vmem>>, vector<1x16xf32>,
        %get3A_261 = vector.shape_cast %get3A_260 : vector<1x16xf32> to vector<16xf32>
        %mul3A_262 = vector.broadcast %squeeze3A_246 : f32 to vector<16xf32>
        %mul3A_263 = arith.mulf %get3A_261, %mul3A_262 : vector<16xf32>
        %swap3A_264 = arith.index_cast %add3A_244 : i32 to index
        %swap3A_265 = arith.constant 16 : index
        %swap3A_266 = tpu.vector_load %arg15[%swap3A_264, %swap3A_265] {strides = array<i32>} : memref<128x32xf32, #tpu.memory_space<vmem>>, vector<1x16xf32>,
        %swap3A_267 = vector.shape_cast %swap3A_266 : vector<1x16xf32> to vector<16xf32>
        %swap3A_268 = vector.shape_cast %mul3A_263 : vector<16xf32> to vector<1x16xf32>
        tpu.vector_store %arg15[%swap3A_264, %swap3A_265], %swap3A_268 {strides = array<i32>} : memref<128x32xf32, #tpu.memory_space<vmem>>, vector<1x16xf32>,
        %mul3A_269 = arith.constant 16 : i32
        %mul3A_270 = arith.muli %scan3A_73, %mul3A_269 : i32
        %add3A_271 = arith.constant 6 : i32
        %add3A_272 = arith.addi %mul3A_270, %add3A_271 : i32
        %slice3A_273 = vector.extract_strided_slice %get3A_102 {offsets = [6], sizes = [1], strides = [1]} : vector<16xf32> to vector<1xf32>
        %squeeze3A_274 = vector.extract %slice3A_273[0] : f32 from vector<1xf32>
        %get3A_275 = arith.index_cast %add3A_272 : i32 to index
        %get3A_276 = arith.constant 0 : index
        %get3A_277 = tpu.vector_load %arg15[%get3A_275, %get3A_276] {strides = array<i32>} : memref<128x32xf32, #tpu.memory_space<vmem>>, vector<1x16xf32>,
        %get3A_278 = vector.shape_cast %get3A_277 : vector<1x16xf32> to vector<16xf32>
        %mul3A_279 = vector.broadcast %squeeze3A_274 : f32 to vector<16xf32>
        %mul3A_280 = arith.mulf %get3A_278, %mul3A_279 : vector<16xf32>
        %swap3A_281 = arith.index_cast %add3A_272 : i32 to index
        %swap3A_282 = arith.constant 0 : index
        %swap3A_283 = tpu.vector_load %arg15[%swap3A_281, %swap3A_282] {strides = array<i32>} : memref<128x32xf32, #tpu.memory_space<vmem>>, vector<1x16xf32>,
        %swap3A_284 = vector.shape_cast %swap3A_283 : vector<1x16xf32> to vector<16xf32>
        %swap3A_285 = vector.shape_cast %mul3A_280 : vector<16xf32> to vector<1x16xf32>
        tpu.vector_store %arg15[%swap3A_281, %swap3A_282], %swap3A_285 {strides = array<i32>} : memref<128x32xf32, #tpu.memory_space<vmem>>, vector<1x16xf32>,
        %get3A_286 = arith.index_cast %add3A_272 : i32 to index
        %get3A_287 = arith.constant 16 : index
        %get3A_288 = tpu.vector_load %arg15[%get3A_286, %get3A_287] {strides = array<i32>} : memref<128x32xf32, #tpu.memory_space<vmem>>, vector<1x16xf32>,
        %get3A_289 = vector.shape_cast %get3A_288 : vector<1x16xf32> to vector<16xf32>
        %mul3A_290 = vector.broadcast %squeeze3A_274 : f32 to vector<16xf32>
        %mul3A_291 = arith.mulf %get3A_289, %mul3A_290 : vector<16xf32>
        %swap3A_292 = arith.index_cast %add3A_272 : i32 to index
        %swap3A_293 = arith.constant 16 : index
        %swap3A_294 = tpu.vector_load %arg15[%swap3A_292, %swap3A_293] {strides = array<i32>} : memref<128x32xf32, #tpu.memory_space<vmem>>, vector<1x16xf32>,
        %swap3A_295 = vector.shape_cast %swap3A_294 : vector<1x16xf32> to vector<16xf32>
        %swap3A_296 = vector.shape_cast %mul3A_291 : vector<16xf32> to vector<1x16xf32>
        tpu.vector_store %arg15[%swap3A_292, %swap3A_293], %swap3A_296 {strides = array<i32>} : memref<128x32xf32, #tpu.memory_space<vmem>>, vector<1x16xf32>,
        %mul3A_297 = arith.constant 16 : i32
        %mul3A_298 = arith.muli %scan3A_73, %mul3A_297 : i32
        %add3A_299 = arith.constant 7 : i32
        %add3A_300 = arith.addi %mul3A_298, %add3A_299 : i32
        %slice3A_301 = vector.extract_strided_slice %get3A_102 {offsets = [7], sizes = [1], strides = [1]} : vector<16xf32> to vector<1xf32>
        %squeeze3A_302 = vector.extract %slice3A_301[0] : f32 from vector<1xf32>
        %get3A_303 = arith.index_cast %add3A_300 : i32 to index
        %get3A_304 = arith.constant 0 : index
        %get3A_305 = tpu.vector_load %arg15[%get3A_303, %get3A_304] {strides = array<i32>} : memref<128x32xf32, #tpu.memory_space<vmem>>, vector<1x16xf32>,
        %get3A_306 = vector.shape_cast %get3A_305 : vector<1x16xf32> to vector<16xf32>
        %mul3A_307 = vector.broadcast %squeeze3A_302 : f32 to vector<16xf32>
        %mul3A_308 = arith.mulf %get3A_306, %mul3A_307 : vector<16xf32>
        %swap3A_309 = arith.index_cast %add3A_300 : i32 to index
        %swap3A_310 = arith.constant 0 : index
        %swap3A_311 = tpu.vector_load %arg15[%swap3A_309, %swap3A_310] {strides = array<i32>} : memref<128x32xf32, #tpu.memory_space<vmem>>, vector<1x16xf32>,
        %swap3A_312 = vector.shape_cast %swap3A_311 : vector<1x16xf32> to vector<16xf32>
        %swap3A_313 = vector.shape_cast %mul3A_308 : vector<16xf32> to vector<1x16xf32>
        tpu.vector_store %arg15[%swap3A_309, %swap3A_310], %swap3A_313 {strides = array<i32>} : memref<128x32xf32, #tpu.memory_space<vmem>>, vector<1x16xf32>,
        %get3A_314 = arith.index_cast %add3A_300 : i32 to index
        %get3A_315 = arith.constant 16 : index
        %get3A_316 = tpu.vector_load %arg15[%get3A_314, %get3A_315] {strides = array<i32>} : memref<128x32xf32, #tpu.memory_space<vmem>>, vector<1x16xf32>,
        %get3A_317 = vector.shape_cast %get3A_316 : vector<1x16xf32> to vector<16xf32>
        %mul3A_318 = vector.broadcast %squeeze3A_302 : f32 to vector<16xf32>
        %mul3A_319 = arith.mulf %get3A_317, %mul3A_318 : vector<16xf32>
        %swap3A_320 = arith.index_cast %add3A_300 : i32 to index
        %swap3A_321 = arith.constant 16 : index
        %swap3A_322 = tpu.vector_load %arg15[%swap3A_320, %swap3A_321] {strides = array<i32>} : memref<128x32xf32, #tpu.memory_space<vmem>>, vector<1x16xf32>,
        %swap3A_323 = vector.shape_cast %swap3A_322 : vector<1x16xf32> to vector<16xf32>
        %swap3A_324 = vector.shape_cast %mul3A_319 : vector<16xf32> to vector<1x16xf32>
        tpu.vector_store %arg15[%swap3A_320, %swap3A_321], %swap3A_324 {strides = array<i32>} : memref<128x32xf32, #tpu.memory_space<vmem>>, vector<1x16xf32>,
        %mul3A_325 = arith.constant 16 : i32
        %mul3A_326 = arith.muli %scan3A_73, %mul3A_325 : i32
        %add3A_327 = arith.constant 8 : i32
        %add3A_328 = arith.addi %mul3A_326, %add3A_327 : i32
        %slice3A_329 = vector.extract_strided_slice %get3A_102 {offsets = [8], sizes = [1], strides = [1]} : vector<16xf32> to vector<1xf32>
        %squeeze3A_330 = vector.extract %slice3A_329[0] : f32 from vector<1xf32>
        %get3A_331 = arith.index_cast %add3A_328 : i32 to index
        %get3A_332 = arith.constant 0 : index
        %get3A_333 = tpu.vector_load %arg15[%get3A_331, %get3A_332] {strides = array<i32>} : memref<128x32xf32, #tpu.memory_space<vmem>>, vector<1x16xf32>,
        %get3A_334 = vector.shape_cast %get3A_333 : vector<1x16xf32> to vector<16xf32>
        %mul3A_335 = vector.broadcast %squeeze3A_330 : f32 to vector<16xf32>
        %mul3A_336 = arith.mulf %get3A_334, %mul3A_335 : vector<16xf32>
        %swap3A_337 = arith.index_cast %add3A_328 : i32 to index
        %swap3A_338 = arith.constant 0 : index
        %swap3A_339 = tpu.vector_load %arg15[%swap3A_337, %swap3A_338] {strides = array<i32>} : memref<128x32xf32, #tpu.memory_space<vmem>>, vector<1x16xf32>,
        %swap3A_340 = vector.shape_cast %swap3A_339 : vector<1x16xf32> to vector<16xf32>
        %swap3A_341 = vector.shape_cast %mul3A_336 : vector<16xf32> to vector<1x16xf32>
        tpu.vector_store %arg15[%swap3A_337, %swap3A_338], %swap3A_341 {strides = array<i32>} : memref<128x32xf32, #tpu.memory_space<vmem>>, vector<1x16xf32>,
        %get3A_342 = arith.index_cast %add3A_328 : i32 to index
        %get3A_343 = arith.constant 16 : index
        %get3A_344 = tpu.vector_load %arg15[%get3A_342, %get3A_343] {strides = array<i32>} : memref<128x32xf32, #tpu.memory_space<vmem>>, vector<1x16xf32>,
        %get3A_345 = vector.shape_cast %get3A_344 : vector<1x16xf32> to vector<16xf32>
        %mul3A_346 = vector.broadcast %squeeze3A_330 : f32 to vector<16xf32>
        %mul3A_347 = arith.mulf %get3A_345, %mul3A_346 : vector<16xf32>
        %swap3A_348 = arith.index_cast %add3A_328 : i32 to index
        %swap3A_349 = arith.constant 16 : index
        %swap3A_350 = tpu.vector_load %arg15[%swap3A_348, %swap3A_349] {strides = array<i32>} : memref<128x32xf32, #tpu.memory_space<vmem>>, vector<1x16xf32>,
        %swap3A_351 = vector.shape_cast %swap3A_350 : vector<1x16xf32> to vector<16xf32>
        %swap3A_352 = vector.shape_cast %mul3A_347 : vector<16xf32> to vector<1x16xf32>
        tpu.vector_store %arg15[%swap3A_348, %swap3A_349], %swap3A_352 {strides = array<i32>} : memref<128x32xf32, #tpu.memory_space<vmem>>, vector<1x16xf32>,
        %mul3A_353 = arith.constant 16 : i32
        %mul3A_354 = arith.muli %scan3A_73, %mul3A_353 : i32
        %add3A_355 = arith.constant 9 : i32
        %add3A_356 = arith.addi %mul3A_354, %add3A_355 : i32
        %slice3A_357 = vector.extract_strided_slice %get3A_102 {offsets = [9], sizes = [1], strides = [1]} : vector<16xf32> to vector<1xf32>
        %squeeze3A_358 = vector.extract %slice3A_357[0] : f32 from vector<1xf32>
        %get3A_359 = arith.index_cast %add3A_356 : i32 to index
        %get3A_360 = arith.constant 0 : index
        %get3A_361 = tpu.vector_load %arg15[%get3A_359, %get3A_360] {strides = array<i32>} : memref<128x32xf32, #tpu.memory_space<vmem>>, vector<1x16xf32>,
        %get3A_362 = vector.shape_cast %get3A_361 : vector<1x16xf32> to vector<16xf32>
        %mul3A_363 = vector.broadcast %squeeze3A_358 : f32 to vector<16xf32>
        %mul3A_364 = arith.mulf %get3A_362, %mul3A_363 : vector<16xf32>
        %swap3A_365 = arith.index_cast %add3A_356 : i32 to index
        %swap3A_366 = arith.constant 0 : index
        %swap3A_367 = tpu.vector_load %arg15[%swap3A_365, %swap3A_366] {strides = array<i32>} : memref<128x32xf32, #tpu.memory_space<vmem>>, vector<1x16xf32>,
        %swap3A_368 = vector.shape_cast %swap3A_367 : vector<1x16xf32> to vector<16xf32>
        %swap3A_369 = vector.shape_cast %mul3A_364 : vector<16xf32> to vector<1x16xf32>
        tpu.vector_store %arg15[%swap3A_365, %swap3A_366], %swap3A_369 {strides = array<i32>} : memref<128x32xf32, #tpu.memory_space<vmem>>, vector<1x16xf32>,
        %get3A_370 = arith.index_cast %add3A_356 : i32 to index
        %get3A_371 = arith.constant 16 : index
        %get3A_372 = tpu.vector_load %arg15[%get3A_370, %get3A_371] {strides = array<i32>} : memref<128x32xf32, #tpu.memory_space<vmem>>, vector<1x16xf32>,
        %get3A_373 = vector.shape_cast %get3A_372 : vector<1x16xf32> to vector<16xf32>
        %mul3A_374 = vector.broadcast %squeeze3A_358 : f32 to vector<16xf32>
        %mul3A_375 = arith.mulf %get3A_373, %mul3A_374 : vector<16xf32>
        %swap3A_376 = arith.index_cast %add3A_356 : i32 to index
        %swap3A_377 = arith.constant 16 : index
        %swap3A_378 = tpu.vector_load %arg15[%swap3A_376, %swap3A_377] {strides = array<i32>} : memref<128x32xf32, #tpu.memory_space<vmem>>, vector<1x16xf32>,
        %swap3A_379 = vector.shape_cast %swap3A_378 : vector<1x16xf32> to vector<16xf32>
        %swap3A_380 = vector.shape_cast %mul3A_375 : vector<16xf32> to vector<1x16xf32>
        tpu.vector_store %arg15[%swap3A_376, %swap3A_377], %swap3A_380 {strides = array<i32>} : memref<128x32xf32, #tpu.memory_space<vmem>>, vector<1x16xf32>,
        %mul3A_381 = arith.constant 16 : i32
        %mul3A_382 = arith.muli %scan3A_73, %mul3A_381 : i32
        %add3A_383 = arith.constant 10 : i32
        %add3A_384 = arith.addi %mul3A_382, %add3A_383 : i32
        %slice3A_385 = vector.extract_strided_slice %get3A_102 {offsets = [10], sizes = [1], strides = [1]} : vector<16xf32> to vector<1xf32>
        %squeeze3A_386 = vector.extract %slice3A_385[0] : f32 from vector<1xf32>
        %get3A_387 = arith.index_cast %add3A_384 : i32 to index
        %get3A_388 = arith.constant 0 : index
        %get3A_389 = tpu.vector_load %arg15[%get3A_387, %get3A_388] {strides = array<i32>} : memref<128x32xf32, #tpu.memory_space<vmem>>, vector<1x16xf32>,
        %get3A_390 = vector.shape_cast %get3A_389 : vector<1x16xf32> to vector<16xf32>
        %mul3A_391 = vector.broadcast %squeeze3A_386 : f32 to vector<16xf32>
        %mul3A_392 = arith.mulf %get3A_390, %mul3A_391 : vector<16xf32>
        %swap3A_393 = arith.index_cast %add3A_384 : i32 to index
        %swap3A_394 = arith.constant 0 : index
        %swap3A_395 = tpu.vector_load %arg15[%swap3A_393, %swap3A_394] {strides = array<i32>} : memref<128x32xf32, #tpu.memory_space<vmem>>, vector<1x16xf32>,
        %swap3A_396 = vector.shape_cast %swap3A_395 : vector<1x16xf32> to vector<16xf32>
        %swap3A_397 = vector.shape_cast %mul3A_392 : vector<16xf32> to vector<1x16xf32>
        tpu.vector_store %arg15[%swap3A_393, %swap3A_394], %swap3A_397 {strides = array<i32>} : memref<128x32xf32, #tpu.memory_space<vmem>>, vector<1x16xf32>,
        %get3A_398 = arith.index_cast %add3A_384 : i32 to index
        %get3A_399 = arith.constant 16 : index
        %get3A_400 = tpu.vector_load %arg15[%get3A_398, %get3A_399] {strides = array<i32>} : memref<128x32xf32, #tpu.memory_space<vmem>>, vector<1x16xf32>,
        %get3A_401 = vector.shape_cast %get3A_400 : vector<1x16xf32> to vector<16xf32>
        %mul3A_402 = vector.broadcast %squeeze3A_386 : f32 to vector<16xf32>
        %mul3A_403 = arith.mulf %get3A_401, %mul3A_402 : vector<16xf32>
        %swap3A_404 = arith.index_cast %add3A_384 : i32 to index
        %swap3A_405 = arith.constant 16 : index
        %swap3A_406 = tpu.vector_load %arg15[%swap3A_404, %swap3A_405] {strides = array<i32>} : memref<128x32xf32, #tpu.memory_space<vmem>>, vector<1x16xf32>,
        %swap3A_407 = vector.shape_cast %swap3A_406 : vector<1x16xf32> to vector<16xf32>
        %swap3A_408 = vector.shape_cast %mul3A_403 : vector<16xf32> to vector<1x16xf32>
        tpu.vector_store %arg15[%swap3A_404, %swap3A_405], %swap3A_408 {strides = array<i32>} : memref<128x32xf32, #tpu.memory_space<vmem>>, vector<1x16xf32>,
        %mul3A_409 = arith.constant 16 : i32
        %mul3A_410 = arith.muli %scan3A_73, %mul3A_409 : i32
        %add3A_411 = arith.constant 11 : i32
        %add3A_412 = arith.addi %mul3A_410, %add3A_411 : i32
        %slice3A_413 = vector.extract_strided_slice %get3A_102 {offsets = [11], sizes = [1], strides = [1]} : vector<16xf32> to vector<1xf32>
        %squeeze3A_414 = vector.extract %slice3A_413[0] : f32 from vector<1xf32>
        %get3A_415 = arith.index_cast %add3A_412 : i32 to index
        %get3A_416 = arith.constant 0 : index
        %get3A_417 = tpu.vector_load %arg15[%get3A_415, %get3A_416] {strides = array<i32>} : memref<128x32xf32, #tpu.memory_space<vmem>>, vector<1x16xf32>,
        %get3A_418 = vector.shape_cast %get3A_417 : vector<1x16xf32> to vector<16xf32>
        %mul3A_419 = vector.broadcast %squeeze3A_414 : f32 to vector<16xf32>
        %mul3A_420 = arith.mulf %get3A_418, %mul3A_419 : vector<16xf32>
        %swap3A_421 = arith.index_cast %add3A_412 : i32 to index
        %swap3A_422 = arith.constant 0 : index
        %swap3A_423 = tpu.vector_load %arg15[%swap3A_421, %swap3A_422] {strides = array<i32>} : memref<128x32xf32, #tpu.memory_space<vmem>>, vector<1x16xf32>,
        %swap3A_424 = vector.shape_cast %swap3A_423 : vector<1x16xf32> to vector<16xf32>
        %swap3A_425 = vector.shape_cast %mul3A_420 : vector<16xf32> to vector<1x16xf32>
        tpu.vector_store %arg15[%swap3A_421, %swap3A_422], %swap3A_425 {strides = array<i32>} : memref<128x32xf32, #tpu.memory_space<vmem>>, vector<1x16xf32>,
        %get3A_426 = arith.index_cast %add3A_412 : i32 to index
        %get3A_427 = arith.constant 16 : index
        %get3A_428 = tpu.vector_load %arg15[%get3A_426, %get3A_427] {strides = array<i32>} : memref<128x32xf32, #tpu.memory_space<vmem>>, vector<1x16xf32>,
        %get3A_429 = vector.shape_cast %get3A_428 : vector<1x16xf32> to vector<16xf32>
        %mul3A_430 = vector.broadcast %squeeze3A_414 : f32 to vector<16xf32>
        %mul3A_431 = arith.mulf %get3A_429, %mul3A_430 : vector<16xf32>
        %swap3A_432 = arith.index_cast %add3A_412 : i32 to index
        %swap3A_433 = arith.constant 16 : index
        %swap3A_434 = tpu.vector_load %arg15[%swap3A_432, %swap3A_433] {strides = array<i32>} : memref<128x32xf32, #tpu.memory_space<vmem>>, vector<1x16xf32>,
        %swap3A_435 = vector.shape_cast %swap3A_434 : vector<1x16xf32> to vector<16xf32>
        %swap3A_436 = vector.shape_cast %mul3A_431 : vector<16xf32> to vector<1x16xf32>
        tpu.vector_store %arg15[%swap3A_432, %swap3A_433], %swap3A_436 {strides = array<i32>} : memref<128x32xf32, #tpu.memory_space<vmem>>, vector<1x16xf32>,
        %mul3A_437 = arith.constant 16 : i32
        %mul3A_438 = arith.muli %scan3A_73, %mul3A_437 : i32
        %add3A_439 = arith.constant 12 : i32
        %add3A_440 = arith.addi %mul3A_438, %add3A_439 : i32
        %slice3A_441 = vector.extract_strided_slice %get3A_102 {offsets = [12], sizes = [1], strides = [1]} : vector<16xf32> to vector<1xf32>
        %squeeze3A_442 = vector.extract %slice3A_441[0] : f32 from vector<1xf32>
        %get3A_443 = arith.index_cast %add3A_440 : i32 to index
        %get3A_444 = arith.constant 0 : index
        %get3A_445 = tpu.vector_load %arg15[%get3A_443, %get3A_444] {strides = array<i32>} : memref<128x32xf32, #tpu.memory_space<vmem>>, vector<1x16xf32>,
        %get3A_446 = vector.shape_cast %get3A_445 : vector<1x16xf32> to vector<16xf32>
        %mul3A_447 = vector.broadcast %squeeze3A_442 : f32 to vector<16xf32>
        %mul3A_448 = arith.mulf %get3A_446, %mul3A_447 : vector<16xf32>
        %swap3A_449 = arith.index_cast %add3A_440 : i32 to index
        %swap3A_450 = arith.constant 0 : index
        %swap3A_451 = tpu.vector_load %arg15[%swap3A_449, %swap3A_450] {strides = array<i32>} : memref<128x32xf32, #tpu.memory_space<vmem>>, vector<1x16xf32>,
        %swap3A_452 = vector.shape_cast %swap3A_451 : vector<1x16xf32> to vector<16xf32>
        %swap3A_453 = vector.shape_cast %mul3A_448 : vector<16xf32> to vector<1x16xf32>
        tpu.vector_store %arg15[%swap3A_449, %swap3A_450], %swap3A_453 {strides = array<i32>} : memref<128x32xf32, #tpu.memory_space<vmem>>, vector<1x16xf32>,
        %get3A_454 = arith.index_cast %add3A_440 : i32 to index
        %get3A_455 = arith.constant 16 : index
        %get3A_456 = tpu.vector_load %arg15[%get3A_454, %get3A_455] {strides = array<i32>} : memref<128x32xf32, #tpu.memory_space<vmem>>, vector<1x16xf32>,
        %get3A_457 = vector.shape_cast %get3A_456 : vector<1x16xf32> to vector<16xf32>
        %mul3A_458 = vector.broadcast %squeeze3A_442 : f32 to vector<16xf32>
        %mul3A_459 = arith.mulf %get3A_457, %mul3A_458 : vector<16xf32>
        %swap3A_460 = arith.index_cast %add3A_440 : i32 to index
        %swap3A_461 = arith.constant 16 : index
        %swap3A_462 = tpu.vector_load %arg15[%swap3A_460, %swap3A_461] {strides = array<i32>} : memref<128x32xf32, #tpu.memory_space<vmem>>, vector<1x16xf32>,
        %swap3A_463 = vector.shape_cast %swap3A_462 : vector<1x16xf32> to vector<16xf32>
        %swap3A_464 = vector.shape_cast %mul3A_459 : vector<16xf32> to vector<1x16xf32>
        tpu.vector_store %arg15[%swap3A_460, %swap3A_461], %swap3A_464 {strides = array<i32>} : memref<128x32xf32, #tpu.memory_space<vmem>>, vector<1x16xf32>,
        %mul3A_465 = arith.constant 16 : i32
        %mul3A_466 = arith.muli %scan3A_73, %mul3A_465 : i32
        %add3A_467 = arith.constant 13 : i32
        %add3A_468 = arith.addi %mul3A_466, %add3A_467 : i32
        %slice3A_469 = vector.extract_strided_slice %get3A_102 {offsets = [13], sizes = [1], strides = [1]} : vector<16xf32> to vector<1xf32>
        %squeeze3A_470 = vector.extract %slice3A_469[0] : f32 from vector<1xf32>
        %get3A_471 = arith.index_cast %add3A_468 : i32 to index
        %get3A_472 = arith.constant 0 : index
        %get3A_473 = tpu.vector_load %arg15[%get3A_471, %get3A_472] {strides = array<i32>} : memref<128x32xf32, #tpu.memory_space<vmem>>, vector<1x16xf32>,
        %get3A_474 = vector.shape_cast %get3A_473 : vector<1x16xf32> to vector<16xf32>
        %mul3A_475 = vector.broadcast %squeeze3A_470 : f32 to vector<16xf32>
        %mul3A_476 = arith.mulf %get3A_474, %mul3A_475 : vector<16xf32>
        %swap3A_477 = arith.index_cast %add3A_468 : i32 to index
        %swap3A_478 = arith.constant 0 : index
        %swap3A_479 = tpu.vector_load %arg15[%swap3A_477, %swap3A_478] {strides = array<i32>} : memref<128x32xf32, #tpu.memory_space<vmem>>, vector<1x16xf32>,
        %swap3A_480 = vector.shape_cast %swap3A_479 : vector<1x16xf32> to vector<16xf32>
        %swap3A_481 = vector.shape_cast %mul3A_476 : vector<16xf32> to vector<1x16xf32>
        tpu.vector_store %arg15[%swap3A_477, %swap3A_478], %swap3A_481 {strides = array<i32>} : memref<128x32xf32, #tpu.memory_space<vmem>>, vector<1x16xf32>,
        %get3A_482 = arith.index_cast %add3A_468 : i32 to index
        %get3A_483 = arith.constant 16 : index
        %get3A_484 = tpu.vector_load %arg15[%get3A_482, %get3A_483] {strides = array<i32>} : memref<128x32xf32, #tpu.memory_space<vmem>>, vector<1x16xf32>,
        %get3A_485 = vector.shape_cast %get3A_484 : vector<1x16xf32> to vector<16xf32>
        %mul3A_486 = vector.broadcast %squeeze3A_470 : f32 to vector<16xf32>
        %mul3A_487 = arith.mulf %get3A_485, %mul3A_486 : vector<16xf32>
        %swap3A_488 = arith.index_cast %add3A_468 : i32 to index
        %swap3A_489 = arith.constant 16 : index
        %swap3A_490 = tpu.vector_load %arg15[%swap3A_488, %swap3A_489] {strides = array<i32>} : memref<128x32xf32, #tpu.memory_space<vmem>>, vector<1x16xf32>,
        %swap3A_491 = vector.shape_cast %swap3A_490 : vector<1x16xf32> to vector<16xf32>
        %swap3A_492 = vector.shape_cast %mul3A_487 : vector<16xf32> to vector<1x16xf32>
        tpu.vector_store %arg15[%swap3A_488, %swap3A_489], %swap3A_492 {strides = array<i32>} : memref<128x32xf32, #tpu.memory_space<vmem>>, vector<1x16xf32>,
        %mul3A_493 = arith.constant 16 : i32
        %mul3A_494 = arith.muli %scan3A_73, %mul3A_493 : i32
        %add3A_495 = arith.constant 14 : i32
        %add3A_496 = arith.addi %mul3A_494, %add3A_495 : i32
        %slice3A_497 = vector.extract_strided_slice %get3A_102 {offsets = [14], sizes = [1], strides = [1]} : vector<16xf32> to vector<1xf32>
        %squeeze3A_498 = vector.extract %slice3A_497[0] : f32 from vector<1xf32>
        %get3A_499 = arith.index_cast %add3A_496 : i32 to index
        %get3A_500 = arith.constant 0 : index
        %get3A_501 = tpu.vector_load %arg15[%get3A_499, %get3A_500] {strides = array<i32>} : memref<128x32xf32, #tpu.memory_space<vmem>>, vector<1x16xf32>,
        %get3A_502 = vector.shape_cast %get3A_501 : vector<1x16xf32> to vector<16xf32>
        %mul3A_503 = vector.broadcast %squeeze3A_498 : f32 to vector<16xf32>
        %mul3A_504 = arith.mulf %get3A_502, %mul3A_503 : vector<16xf32>
        %swap3A_505 = arith.index_cast %add3A_496 : i32 to index
        %swap3A_506 = arith.constant 0 : index
        %swap3A_507 = tpu.vector_load %arg15[%swap3A_505, %swap3A_506] {strides = array<i32>} : memref<128x32xf32, #tpu.memory_space<vmem>>, vector<1x16xf32>,
        %swap3A_508 = vector.shape_cast %swap3A_507 : vector<1x16xf32> to vector<16xf32>
        %swap3A_509 = vector.shape_cast %mul3A_504 : vector<16xf32> to vector<1x16xf32>
        tpu.vector_store %arg15[%swap3A_505, %swap3A_506], %swap3A_509 {strides = array<i32>} : memref<128x32xf32, #tpu.memory_space<vmem>>, vector<1x16xf32>,
        %get3A_510 = arith.index_cast %add3A_496 : i32 to index
        %get3A_511 = arith.constant 16 : index
        %get3A_512 = tpu.vector_load %arg15[%get3A_510, %get3A_511] {strides = array<i32>} : memref<128x32xf32, #tpu.memory_space<vmem>>, vector<1x16xf32>,
        %get3A_513 = vector.shape_cast %get3A_512 : vector<1x16xf32> to vector<16xf32>
        %mul3A_514 = vector.broadcast %squeeze3A_498 : f32 to vector<16xf32>
        %mul3A_515 = arith.mulf %get3A_513, %mul3A_514 : vector<16xf32>
        %swap3A_516 = arith.index_cast %add3A_496 : i32 to index
        %swap3A_517 = arith.constant 16 : index
        %swap3A_518 = tpu.vector_load %arg15[%swap3A_516, %swap3A_517] {strides = array<i32>} : memref<128x32xf32, #tpu.memory_space<vmem>>, vector<1x16xf32>,
        %swap3A_519 = vector.shape_cast %swap3A_518 : vector<1x16xf32> to vector<16xf32>
        %swap3A_520 = vector.shape_cast %mul3A_515 : vector<16xf32> to vector<1x16xf32>
        tpu.vector_store %arg15[%swap3A_516, %swap3A_517], %swap3A_520 {strides = array<i32>} : memref<128x32xf32, #tpu.memory_space<vmem>>, vector<1x16xf32>,
        %mul3A_521 = arith.constant 16 : i32
        %mul3A_522 = arith.muli %scan3A_73, %mul3A_521 : i32
        %add3A_523 = arith.constant 15 : i32
        %add3A_524 = arith.addi %mul3A_522, %add3A_523 : i32
        %slice3A_525 = vector.extract_strided_slice %get3A_102 {offsets = [15], sizes = [1], strides = [1]} : vector<16xf32> to vector<1xf32>
        %squeeze3A_526 = vector.extract %slice3A_525[0] : f32 from vector<1xf32>
        %get3A_527 = arith.index_cast %add3A_524 : i32 to index
        %get3A_528 = arith.constant 0 : index
        %get3A_529 = tpu.vector_load %arg15[%get3A_527, %get3A_528] {strides = array<i32>} : memref<128x32xf32, #tpu.memory_space<vmem>>, vector<1x16xf32>,
        %get3A_530 = vector.shape_cast %get3A_529 : vector<1x16xf32> to vector<16xf32>
        %mul3A_531 = vector.broadcast %squeeze3A_526 : f32 to vector<16xf32>
        %mul3A_532 = arith.mulf %get3A_530, %mul3A_531 : vector<16xf32>
        %swap3A_533 = arith.index_cast %add3A_524 : i32 to index
        %swap3A_534 = arith.constant 0 : index
        %swap3A_535 = tpu.vector_load %arg15[%swap3A_533, %swap3A_534] {strides = array<i32>} : memref<128x32xf32, #tpu.memory_space<vmem>>, vector<1x16xf32>,
        %swap3A_536 = vector.shape_cast %swap3A_535 : vector<1x16xf32> to vector<16xf32>
        %swap3A_537 = vector.shape_cast %mul3A_532 : vector<16xf32> to vector<1x16xf32>
        tpu.vector_store %arg15[%swap3A_533, %swap3A_534], %swap3A_537 {strides = array<i32>} : memref<128x32xf32, #tpu.memory_space<vmem>>, vector<1x16xf32>,
        %get3A_538 = arith.index_cast %add3A_524 : i32 to index
        %get3A_539 = arith.constant 16 : index
        %get3A_540 = tpu.vector_load %arg15[%get3A_538, %get3A_539] {strides = array<i32>} : memref<128x32xf32, #tpu.memory_space<vmem>>, vector<1x16xf32>,
        %get3A_541 = vector.shape_cast %get3A_540 : vector<1x16xf32> to vector<16xf32>
        %mul3A_542 = vector.broadcast %squeeze3A_526 : f32 to vector<16xf32>
        %mul3A_543 = arith.mulf %get3A_541, %mul3A_542 : vector<16xf32>
        %swap3A_544 = arith.index_cast %add3A_524 : i32 to index
        %swap3A_545 = arith.constant 16 : index
        %swap3A_546 = tpu.vector_load %arg15[%swap3A_544, %swap3A_545] {strides = array<i32>} : memref<128x32xf32, #tpu.memory_space<vmem>>, vector<1x16xf32>,
        %swap3A_547 = vector.shape_cast %swap3A_546 : vector<1x16xf32> to vector<16xf32>
        %swap3A_548 = vector.shape_cast %mul3A_543 : vector<16xf32> to vector<1x16xf32>
        tpu.vector_store %arg15[%swap3A_544, %swap3A_545], %swap3A_548 {strides = array<i32>} : memref<128x32xf32, #tpu.memory_space<vmem>>, vector<1x16xf32>,
        %scan3A_549 = arith.constant 0 : i32
        scf.yield %scan3A_549 : i32
      }
      %scan3A_72 = arith.constant 8 : i32
      %run_scoped3A = arith.constant 0 : i32
      "tpu.region"() ({
        %run_scoped3A_73 = tpu.sem_alloc : memref<!tpu.dma_semaphore, #tpu.memory_space<semaphore_mem>>
        %dma_start3A_74 = arith.constant 0 : i32
        %dma_start3A_75 = tpu.memref_slice %arg12[%run_scoped3A, %dma_start3A_74] : memref<1x128xi32, #tpu.memory_space<vmem>> -> memref<1x128xi32, #tpu.memory_space<vmem>>
        %dma_start3A_76 = tpu.memref_squeeze %dma_start3A_75 : memref<1x128xi32, #tpu.memory_space<vmem>> -> memref<128xi32, #tpu.memory_space<vmem>>
        %dma_start3A_77 = arith.constant 0 : i32
        %dma_start3A_78 = arith.constant 0 : i32
        %dma_start3A_79 = tpu.memref_slice %arg10[%dma_start3A_77, %dma_start3A_78] : memref<50008x32xf32, #tpu.memory_space<vmem_shared>> -> memref<50008x32xf32, #tpu.memory_space<vmem_shared>>
        tpu.enqueue_indirect_dma source(%arg15 : memref<128x32xf32, #tpu.memory_space<vmem>>) target(%dma_start3A_79 : memref<50008x32xf32, #tpu.memory_space<vmem_shared>>) offsets(%dma_start3A_76 : memref<128xi32, #tpu.memory_space<vmem>>) semaphore(%run_scoped3A_73 : memref<!tpu.dma_semaphore, #tpu.memory_space<semaphore_mem>>) {add = true}
        %dma_wait3A_80 = arith.constant 0 : i32
        %dma_wait3A_81 = tpu.memref_slice %arg12[%run_scoped3A, %dma_wait3A_80] : memref<1x128xi32, #tpu.memory_space<vmem>> -> memref<1x128xi32, #tpu.memory_space<vmem>>
        %dma_wait3A_82 = tpu.memref_squeeze %dma_wait3A_81 : memref<1x128xi32, #tpu.memory_space<vmem>> -> memref<128xi32, #tpu.memory_space<vmem>>
        %dma_wait3A_83 = arith.constant 0 : i32
        %dma_wait3A_84 = arith.constant 0 : i32
        %dma_wait3A_85 = tpu.memref_slice %arg10[%dma_wait3A_83, %dma_wait3A_84] : memref<50008x32xf32, #tpu.memory_space<vmem_shared>> -> memref<50008x32xf32, #tpu.memory_space<vmem_shared>>
        tpu.wait_indirect_dma semaphore(%run_scoped3A_73 : memref<!tpu.dma_semaphore, #tpu.memory_space<semaphore_mem>>) src(%arg15 : memref<128x32xf32, #tpu.memory_space<vmem>>) dst(%dma_wait3A_85 : memref<50008x32xf32, #tpu.memory_space<vmem_shared>>)
        tpu.yield
      }) : () -> ()
    }
    %barrier3A_41 = arith.constant 0 : index
    tpu.barrier barrier_id(%barrier3A_41)
    %add3A_42 = arith.addi %add3A, %add3A_7 : i32
    %while3A_43 = arith.constant 0 : i32
    %while3A_44 = arith.subi %add3A_42, %add3A : i32
    %while3A_45 = arith.addi %add3A, %while3A_44 : i32
    %while3A_46 = arith.constant 1 : i32
    %while3A_47 = arith.divsi %while3A_44, %while3A_46 : i32
    %while3A_48 = arith.muli %while3A_47, %while3A_46 : i32
    %while3A_49 = arith.addi %add3A, %while3A_48 : i32
    %while3A_50 = arith.constant 1 : i32
    %while3A_51 = scf.for %while3A_54 = %add3A to %while3A_49 step %while3A_50 iter_args(%while3A_55 = %while3A_43) -> (i32)  : i32 {
      %mul3A_56 = arith.constant 400 : i32
      %mul3A_57 = arith.muli %while3A_54, %mul3A_56 : i32
      "tpu.region"() ({
        %run_scoped3A = tpu.sem_alloc : memref<!tpu.dma_semaphore, #tpu.memory_space<semaphore_mem>>
        %dma_start3A = arith.constant 0 : i32
        %dma_start3A_68 = tpu.memref_slice %arg10[%mul3A_57, %dma_start3A] : memref<50008x32xf32, #tpu.memory_space<vmem_shared>> -> memref<400x32xf32, #tpu.memory_space<vmem_shared>>
        %dma_start3A_69 = arith.constant 0 : i32
        %dma_start3A_70 = tpu.memref_slice %arg10[%mul3A_57, %dma_start3A_69] : memref<50008x32xf32, #tpu.memory_space<vmem_shared>> -> memref<400x32xf32, #tpu.memory_space<vmem_shared>>
        tpu.enqueue_dma source(%dma_start3A_70 : memref<400x32xf32, #tpu.memory_space<vmem_shared>>) target(%arg16 : memref<400x32xf32, #tpu.memory_space<vmem>>) target_semaphore(%run_scoped3A : memref<!tpu.dma_semaphore, #tpu.memory_space<semaphore_mem>>)
        %dma_wait3A = arith.constant 0 : i32
        %dma_wait3A_71 = tpu.memref_slice %arg10[%mul3A_57, %dma_wait3A] : memref<50008x32xf32, #tpu.memory_space<vmem_shared>> -> memref<400x32xf32, #tpu.memory_space<vmem_shared>>
        %dma_wait3A_72 = arith.constant 0 : i32
        %dma_wait3A_73 = tpu.memref_slice %arg10[%mul3A_57, %dma_wait3A_72] : memref<50008x32xf32, #tpu.memory_space<vmem_shared>> -> memref<400x32xf32, #tpu.memory_space<vmem_shared>>
        tpu.wait_dma2 semaphore(%run_scoped3A : memref<!tpu.dma_semaphore, #tpu.memory_space<semaphore_mem>>) src(%dma_wait3A_73 : memref<400x32xf32, #tpu.memory_space<vmem_shared>>) dst(%arg16 : memref<400x32xf32, #tpu.memory_space<vmem>>)
        tpu.yield
      }) : () -> ()
      %add3A_58 = arith.addi %mul3A_0, %mul3A_57 : i32
      "tpu.region"() ({
        %run_scoped3A = tpu.sem_alloc : memref<!tpu.dma_semaphore, #tpu.memory_space<semaphore_mem>>
        %dma_start3A = arith.constant 0 : i32
        %dma_start3A_68 = tpu.memref_slice %arg8[%add3A_58, %dma_start3A] : memref<100000x32xf32, #tpu.memory_space<hbm>> -> memref<400x32xf32, #tpu.memory_space<hbm>>
        %dma_start3A_69 = arith.constant 0 : i32
        %dma_start3A_70 = tpu.memref_slice %arg8[%add3A_58, %dma_start3A_69] : memref<100000x32xf32, #tpu.memory_space<hbm>> -> memref<400x32xf32, #tpu.memory_space<hbm>>
        tpu.enqueue_dma source(%arg16 : memref<400x32xf32, #tpu.memory_space<vmem>>) target(%dma_start3A_70 : memref<400x32xf32, #tpu.memory_space<hbm>>) target_semaphore(%run_scoped3A : memref<!tpu.dma_semaphore, #tpu.memory_space<semaphore_mem>>)
        %dma_wait3A = arith.constant 0 : i32
        %dma_wait3A_71 = tpu.memref_slice %arg8[%add3A_58, %dma_wait3A] : memref<100000x32xf32, #tpu.memory_space<hbm>> -> memref<400x32xf32, #tpu.memory_space<hbm>>
        %dma_wait3A_72 = arith.constant 0 : i32
        %dma_wait3A_73 = tpu.memref_slice %arg8[%add3A_58, %dma_wait3A_72] : memref<100000x32xf32, #tpu.memory_space<hbm>> -> memref<400x32xf32, #tpu.memory_space<hbm>>
        tpu.wait_dma2 semaphore(%run_scoped3A : memref<!tpu.dma_semaphore, #tpu.memory_space<semaphore_mem>>) src(%arg16 : memref<400x32xf32, #tpu.memory_space<vmem>>) dst(%dma_wait3A_73 : memref<400x32xf32, #tpu.memory_space<hbm>>)
        tpu.yield
      }) : () -> ()
      %add3A_59 = arith.addi %mul3A_0, %mul3A_57 : i32
      "tpu.region"() ({
        %run_scoped3A = tpu.sem_alloc : memref<!tpu.dma_semaphore, #tpu.memory_space<semaphore_mem>>
        %dma_start3A = arith.constant 0 : i32
        %dma_start3A_68 = tpu.memref_slice %arg3[%add3A_59, %dma_start3A] : memref<100000x32xf32, #tpu.memory_space<hbm>> -> memref<400x32xf32, #tpu.memory_space<hbm>>
        %dma_start3A_69 = arith.constant 0 : i32
        %dma_start3A_70 = tpu.memref_slice %arg3[%add3A_59, %dma_start3A_69] : memref<100000x32xf32, #tpu.memory_space<hbm>> -> memref<400x32xf32, #tpu.memory_space<hbm>>
        tpu.enqueue_dma source(%dma_start3A_70 : memref<400x32xf32, #tpu.memory_space<hbm>>) target(%arg17 : memref<400x32xf32, #tpu.memory_space<vmem>>) target_semaphore(%run_scoped3A : memref<!tpu.dma_semaphore, #tpu.memory_space<semaphore_mem>>)
        %dma_wait3A = arith.constant 0 : i32
        %dma_wait3A_71 = tpu.memref_slice %arg3[%add3A_59, %dma_wait3A] : memref<100000x32xf32, #tpu.memory_space<hbm>> -> memref<400x32xf32, #tpu.memory_space<hbm>>
        %dma_wait3A_72 = arith.constant 0 : i32
        %dma_wait3A_73 = tpu.memref_slice %arg3[%add3A_59, %dma_wait3A_72] : memref<100000x32xf32, #tpu.memory_space<hbm>> -> memref<400x32xf32, #tpu.memory_space<hbm>>
        tpu.wait_dma2 semaphore(%run_scoped3A : memref<!tpu.dma_semaphore, #tpu.memory_space<semaphore_mem>>) src(%dma_wait3A_73 : memref<400x32xf32, #tpu.memory_space<hbm>>) dst(%arg17 : memref<400x32xf32, #tpu.memory_space<vmem>>)
        tpu.yield
      }) : () -> ()
      %scan3A = arith.constant 0 : i32
      %scan3A_60 = arith.constant 0 : i32
      %scan3A_61 = arith.constant 400 : i32
      %scan3A_62 = arith.addi %scan3A_60, %scan3A_61 : i32
      %scan3A_63 = arith.constant 1 : i32
      %scan3A_64 = scf.for %scan3A_68 = %scan3A_60 to %scan3A_62 step %scan3A_63 iter_args(%scan3A_69 = %scan3A) -> (i32)  : i32 {
        %get3A = arith.index_cast %scan3A_68 : i32 to index
        %get3A_70 = arith.constant 0 : index
        %get3A_71 = tpu.vector_load %arg16[%get3A, %get3A_70] {strides = array<i32>} : memref<400x32xf32, #tpu.memory_space<vmem>>, vector<1x16xf32>,
        %get3A_72 = vector.shape_cast %get3A_71 : vector<1x16xf32> to vector<16xf32>
        %get3A_73 = arith.index_cast %scan3A_68 : i32 to index
        %get3A_74 = arith.constant 0 : index
        %get3A_75 = tpu.vector_load %arg17[%get3A_73, %get3A_74] {strides = array<i32>} : memref<400x32xf32, #tpu.memory_space<vmem>>, vector<1x16xf32>,
        %get3A_76 = vector.shape_cast %get3A_75 : vector<1x16xf32> to vector<16xf32>
        %add3A_77 = arith.addf %get3A_72, %get3A_76 : vector<16xf32>
        %swap3A = arith.index_cast %scan3A_68 : i32 to index
        %swap3A_78 = arith.constant 0 : index
        %swap3A_79 = tpu.vector_load %arg16[%swap3A, %swap3A_78] {strides = array<i32>} : memref<400x32xf32, #tpu.memory_space<vmem>>, vector<1x16xf32>,
        %swap3A_80 = vector.shape_cast %swap3A_79 : vector<1x16xf32> to vector<16xf32>
        %swap3A_81 = vector.shape_cast %add3A_77 : vector<16xf32> to vector<1x16xf32>
        tpu.vector_store %arg16[%swap3A, %swap3A_78], %swap3A_81 {strides = array<i32>} : memref<400x32xf32, #tpu.memory_space<vmem>>, vector<1x16xf32>,
        %get3A_82 = arith.index_cast %scan3A_68 : i32 to index
        %get3A_83 = arith.constant 16 : index
        %get3A_84 = tpu.vector_load %arg16[%get3A_82, %get3A_83] {strides = array<i32>} : memref<400x32xf32, #tpu.memory_space<vmem>>, vector<1x16xf32>,
        %get3A_85 = vector.shape_cast %get3A_84 : vector<1x16xf32> to vector<16xf32>
        %get3A_86 = arith.index_cast %scan3A_68 : i32 to index
        %get3A_87 = arith.constant 16 : index
        %get3A_88 = tpu.vector_load %arg17[%get3A_86, %get3A_87] {strides = array<i32>} : memref<400x32xf32, #tpu.memory_space<vmem>>, vector<1x16xf32>,
        %get3A_89 = vector.shape_cast %get3A_88 : vector<1x16xf32> to vector<16xf32>
        %add3A_90 = arith.addf %get3A_85, %get3A_89 : vector<16xf32>
        %swap3A_91 = arith.index_cast %scan3A_68 : i32 to index
        %swap3A_92 = arith.constant 16 : index
        %swap3A_93 = tpu.vector_load %arg16[%swap3A_91, %swap3A_92] {strides = array<i32>} : memref<400x32xf32, #tpu.memory_space<vmem>>, vector<1x16xf32>,
        %swap3A_94 = vector.shape_cast %swap3A_93 : vector<1x16xf32> to vector<16xf32>
        %swap3A_95 = vector.shape_cast %add3A_90 : vector<16xf32> to vector<1x16xf32>
        tpu.vector_store %arg16[%swap3A_91, %swap3A_92], %swap3A_95 {strides = array<i32>} : memref<400x32xf32, #tpu.memory_space<vmem>>, vector<1x16xf32>,
        %scan3A_96 = arith.constant 0 : i32
        scf.yield %scan3A_96 : i32
      }
      %scan3A_65 = arith.constant 400 : i32
      %add3A_66 = arith.addi %mul3A_0, %mul3A_57 : i32
      "tpu.region"() ({
        %run_scoped3A = tpu.sem_alloc : memref<!tpu.dma_semaphore, #tpu.memory_space<semaphore_mem>>
        %dma_start3A = arith.constant 0 : i32
        %dma_start3A_68 = tpu.memref_slice %arg9[%add3A_66, %dma_start3A] : memref<100000x32xf32, #tpu.memory_space<hbm>> -> memref<400x32xf32, #tpu.memory_space<hbm>>
        %dma_start3A_69 = arith.constant 0 : i32
        %dma_start3A_70 = tpu.memref_slice %arg9[%add3A_66, %dma_start3A_69] : memref<100000x32xf32, #tpu.memory_space<hbm>> -> memref<400x32xf32, #tpu.memory_space<hbm>>
        tpu.enqueue_dma source(%arg16 : memref<400x32xf32, #tpu.memory_space<vmem>>) target(%dma_start3A_70 : memref<400x32xf32, #tpu.memory_space<hbm>>) target_semaphore(%run_scoped3A : memref<!tpu.dma_semaphore, #tpu.memory_space<semaphore_mem>>)
        %dma_wait3A = arith.constant 0 : i32
        %dma_wait3A_71 = tpu.memref_slice %arg9[%add3A_66, %dma_wait3A] : memref<100000x32xf32, #tpu.memory_space<hbm>> -> memref<400x32xf32, #tpu.memory_space<hbm>>
        %dma_wait3A_72 = arith.constant 0 : i32
        %dma_wait3A_73 = tpu.memref_slice %arg9[%add3A_66, %dma_wait3A_72] : memref<100000x32xf32, #tpu.memory_space<hbm>> -> memref<400x32xf32, #tpu.memory_space<hbm>>
        tpu.wait_dma2 semaphore(%run_scoped3A : memref<!tpu.dma_semaphore, #tpu.memory_space<semaphore_mem>>) src(%arg16 : memref<400x32xf32, #tpu.memory_space<vmem>>) dst(%dma_wait3A_73 : memref<400x32xf32, #tpu.memory_space<hbm>>)
        tpu.yield
      }) : () -> ()
      %while3A_67 = arith.constant 0 : i32
      scf.yield %while3A_67 : i32
    }
    %while3A_52 = arith.constant 1 : i32
    %while3A_53 = scf.for %while3A_54 = %while3A_49 to %while3A_45 step %while3A_52 iter_args(%while3A_55 = %while3A_51) -> (i32)  : i32 {
      %mul3A_56 = arith.constant 400 : i32
      %mul3A_57 = arith.muli %while3A_54, %mul3A_56 : i32
      "tpu.region"() ({
        %run_scoped3A = tpu.sem_alloc : memref<!tpu.dma_semaphore, #tpu.memory_space<semaphore_mem>>
        %dma_start3A = arith.constant 0 : i32
        %dma_start3A_68 = tpu.memref_slice %arg10[%mul3A_57, %dma_start3A] : memref<50008x32xf32, #tpu.memory_space<vmem_shared>> -> memref<400x32xf32, #tpu.memory_space<vmem_shared>>
        %dma_start3A_69 = arith.constant 0 : i32
        %dma_start3A_70 = tpu.memref_slice %arg10[%mul3A_57, %dma_start3A_69] : memref<50008x32xf32, #tpu.memory_space<vmem_shared>> -> memref<400x32xf32, #tpu.memory_space<vmem_shared>>
        tpu.enqueue_dma source(%dma_start3A_70 : memref<400x32xf32, #tpu.memory_space<vmem_shared>>) target(%arg16 : memref<400x32xf32, #tpu.memory_space<vmem>>) target_semaphore(%run_scoped3A : memref<!tpu.dma_semaphore, #tpu.memory_space<semaphore_mem>>)
        %dma_wait3A = arith.constant 0 : i32
        %dma_wait3A_71 = tpu.memref_slice %arg10[%mul3A_57, %dma_wait3A] : memref<50008x32xf32, #tpu.memory_space<vmem_shared>> -> memref<400x32xf32, #tpu.memory_space<vmem_shared>>
        %dma_wait3A_72 = arith.constant 0 : i32
        %dma_wait3A_73 = tpu.memref_slice %arg10[%mul3A_57, %dma_wait3A_72] : memref<50008x32xf32, #tpu.memory_space<vmem_shared>> -> memref<400x32xf32, #tpu.memory_space<vmem_shared>>
        tpu.wait_dma2 semaphore(%run_scoped3A : memref<!tpu.dma_semaphore, #tpu.memory_space<semaphore_mem>>) src(%dma_wait3A_73 : memref<400x32xf32, #tpu.memory_space<vmem_shared>>) dst(%arg16 : memref<400x32xf32, #tpu.memory_space<vmem>>)
        tpu.yield
      }) : () -> ()
      %add3A_58 = arith.addi %mul3A_0, %mul3A_57 : i32
      "tpu.region"() ({
        %run_scoped3A = tpu.sem_alloc : memref<!tpu.dma_semaphore, #tpu.memory_space<semaphore_mem>>
        %dma_start3A = arith.constant 0 : i32
        %dma_start3A_68 = tpu.memref_slice %arg8[%add3A_58, %dma_start3A] : memref<100000x32xf32, #tpu.memory_space<hbm>> -> memref<400x32xf32, #tpu.memory_space<hbm>>
        %dma_start3A_69 = arith.constant 0 : i32
        %dma_start3A_70 = tpu.memref_slice %arg8[%add3A_58, %dma_start3A_69] : memref<100000x32xf32, #tpu.memory_space<hbm>> -> memref<400x32xf32, #tpu.memory_space<hbm>>
        tpu.enqueue_dma source(%arg16 : memref<400x32xf32, #tpu.memory_space<vmem>>) target(%dma_start3A_70 : memref<400x32xf32, #tpu.memory_space<hbm>>) target_semaphore(%run_scoped3A : memref<!tpu.dma_semaphore, #tpu.memory_space<semaphore_mem>>)
        %dma_wait3A = arith.constant 0 : i32
        %dma_wait3A_71 = tpu.memref_slice %arg8[%add3A_58, %dma_wait3A] : memref<100000x32xf32, #tpu.memory_space<hbm>> -> memref<400x32xf32, #tpu.memory_space<hbm>>
        %dma_wait3A_72 = arith.constant 0 : i32
        %dma_wait3A_73 = tpu.memref_slice %arg8[%add3A_58, %dma_wait3A_72] : memref<100000x32xf32, #tpu.memory_space<hbm>> -> memref<400x32xf32, #tpu.memory_space<hbm>>
        tpu.wait_dma2 semaphore(%run_scoped3A : memref<!tpu.dma_semaphore, #tpu.memory_space<semaphore_mem>>) src(%arg16 : memref<400x32xf32, #tpu.memory_space<vmem>>) dst(%dma_wait3A_73 : memref<400x32xf32, #tpu.memory_space<hbm>>)
        tpu.yield
      }) : () -> ()
      %add3A_59 = arith.addi %mul3A_0, %mul3A_57 : i32
      "tpu.region"() ({
        %run_scoped3A = tpu.sem_alloc : memref<!tpu.dma_semaphore, #tpu.memory_space<semaphore_mem>>
        %dma_start3A = arith.constant 0 : i32
        %dma_start3A_68 = tpu.memref_slice %arg3[%add3A_59, %dma_start3A] : memref<100000x32xf32, #tpu.memory_space<hbm>> -> memref<400x32xf32, #tpu.memory_space<hbm>>
        %dma_start3A_69 = arith.constant 0 : i32
        %dma_start3A_70 = tpu.memref_slice %arg3[%add3A_59, %dma_start3A_69] : memref<100000x32xf32, #tpu.memory_space<hbm>> -> memref<400x32xf32, #tpu.memory_space<hbm>>
        tpu.enqueue_dma source(%dma_start3A_70 : memref<400x32xf32, #tpu.memory_space<hbm>>) target(%arg17 : memref<400x32xf32, #tpu.memory_space<vmem>>) target_semaphore(%run_scoped3A : memref<!tpu.dma_semaphore, #tpu.memory_space<semaphore_mem>>)
        %dma_wait3A = arith.constant 0 : i32
        %dma_wait3A_71 = tpu.memref_slice %arg3[%add3A_59, %dma_wait3A] : memref<100000x32xf32, #tpu.memory_space<hbm>> -> memref<400x32xf32, #tpu.memory_space<hbm>>
        %dma_wait3A_72 = arith.constant 0 : i32
        %dma_wait3A_73 = tpu.memref_slice %arg3[%add3A_59, %dma_wait3A_72] : memref<100000x32xf32, #tpu.memory_space<hbm>> -> memref<400x32xf32, #tpu.memory_space<hbm>>
        tpu.wait_dma2 semaphore(%run_scoped3A : memref<!tpu.dma_semaphore, #tpu.memory_space<semaphore_mem>>) src(%dma_wait3A_73 : memref<400x32xf32, #tpu.memory_space<hbm>>) dst(%arg17 : memref<400x32xf32, #tpu.memory_space<vmem>>)
        tpu.yield
      }) : () -> ()
      %scan3A = arith.constant 0 : i32
      %scan3A_60 = arith.constant 0 : i32
      %scan3A_61 = arith.constant 400 : i32
      %scan3A_62 = arith.addi %scan3A_60, %scan3A_61 : i32
      %scan3A_63 = arith.constant 1 : i32
      %scan3A_64 = scf.for %scan3A_68 = %scan3A_60 to %scan3A_62 step %scan3A_63 iter_args(%scan3A_69 = %scan3A) -> (i32)  : i32 {
        %get3A = arith.index_cast %scan3A_68 : i32 to index
        %get3A_70 = arith.constant 0 : index
        %get3A_71 = tpu.vector_load %arg16[%get3A, %get3A_70] {strides = array<i32>} : memref<400x32xf32, #tpu.memory_space<vmem>>, vector<1x16xf32>,
        %get3A_72 = vector.shape_cast %get3A_71 : vector<1x16xf32> to vector<16xf32>
        %get3A_73 = arith.index_cast %scan3A_68 : i32 to index
        %get3A_74 = arith.constant 0 : index
        %get3A_75 = tpu.vector_load %arg17[%get3A_73, %get3A_74] {strides = array<i32>} : memref<400x32xf32, #tpu.memory_space<vmem>>, vector<1x16xf32>,
        %get3A_76 = vector.shape_cast %get3A_75 : vector<1x16xf32> to vector<16xf32>
        %add3A_77 = arith.addf %get3A_72, %get3A_76 : vector<16xf32>
        %swap3A = arith.index_cast %scan3A_68 : i32 to index
        %swap3A_78 = arith.constant 0 : index
        %swap3A_79 = tpu.vector_load %arg16[%swap3A, %swap3A_78] {strides = array<i32>} : memref<400x32xf32, #tpu.memory_space<vmem>>, vector<1x16xf32>,
        %swap3A_80 = vector.shape_cast %swap3A_79 : vector<1x16xf32> to vector<16xf32>
        %swap3A_81 = vector.shape_cast %add3A_77 : vector<16xf32> to vector<1x16xf32>
        tpu.vector_store %arg16[%swap3A, %swap3A_78], %swap3A_81 {strides = array<i32>} : memref<400x32xf32, #tpu.memory_space<vmem>>, vector<1x16xf32>,
        %get3A_82 = arith.index_cast %scan3A_68 : i32 to index
        %get3A_83 = arith.constant 16 : index
        %get3A_84 = tpu.vector_load %arg16[%get3A_82, %get3A_83] {strides = array<i32>} : memref<400x32xf32, #tpu.memory_space<vmem>>, vector<1x16xf32>,
        %get3A_85 = vector.shape_cast %get3A_84 : vector<1x16xf32> to vector<16xf32>
        %get3A_86 = arith.index_cast %scan3A_68 : i32 to index
        %get3A_87 = arith.constant 16 : index
        %get3A_88 = tpu.vector_load %arg17[%get3A_86, %get3A_87] {strides = array<i32>} : memref<400x32xf32, #tpu.memory_space<vmem>>, vector<1x16xf32>,
        %get3A_89 = vector.shape_cast %get3A_88 : vector<1x16xf32> to vector<16xf32>
        %add3A_90 = arith.addf %get3A_85, %get3A_89 : vector<16xf32>
        %swap3A_91 = arith.index_cast %scan3A_68 : i32 to index
        %swap3A_92 = arith.constant 16 : index
        %swap3A_93 = tpu.vector_load %arg16[%swap3A_91, %swap3A_92] {strides = array<i32>} : memref<400x32xf32, #tpu.memory_space<vmem>>, vector<1x16xf32>,
        %swap3A_94 = vector.shape_cast %swap3A_93 : vector<1x16xf32> to vector<16xf32>
        %swap3A_95 = vector.shape_cast %add3A_90 : vector<16xf32> to vector<1x16xf32>
        tpu.vector_store %arg16[%swap3A_91, %swap3A_92], %swap3A_95 {strides = array<i32>} : memref<400x32xf32, #tpu.memory_space<vmem>>, vector<1x16xf32>,
        %scan3A_96 = arith.constant 0 : i32
        scf.yield %scan3A_96 : i32
      }
      %scan3A_65 = arith.constant 400 : i32
      %add3A_66 = arith.addi %mul3A_0, %mul3A_57 : i32
      "tpu.region"() ({
        %run_scoped3A = tpu.sem_alloc : memref<!tpu.dma_semaphore, #tpu.memory_space<semaphore_mem>>
        %dma_start3A = arith.constant 0 : i32
        %dma_start3A_68 = tpu.memref_slice %arg9[%add3A_66, %dma_start3A] : memref<100000x32xf32, #tpu.memory_space<hbm>> -> memref<400x32xf32, #tpu.memory_space<hbm>>
        %dma_start3A_69 = arith.constant 0 : i32
        %dma_start3A_70 = tpu.memref_slice %arg9[%add3A_66, %dma_start3A_69] : memref<100000x32xf32, #tpu.memory_space<hbm>> -> memref<400x32xf32, #tpu.memory_space<hbm>>
        tpu.enqueue_dma source(%arg16 : memref<400x32xf32, #tpu.memory_space<vmem>>) target(%dma_start3A_70 : memref<400x32xf32, #tpu.memory_space<hbm>>) target_semaphore(%run_scoped3A : memref<!tpu.dma_semaphore, #tpu.memory_space<semaphore_mem>>)
        %dma_wait3A = arith.constant 0 : i32
        %dma_wait3A_71 = tpu.memref_slice %arg9[%add3A_66, %dma_wait3A] : memref<100000x32xf32, #tpu.memory_space<hbm>> -> memref<400x32xf32, #tpu.memory_space<hbm>>
        %dma_wait3A_72 = arith.constant 0 : i32
        %dma_wait3A_73 = tpu.memref_slice %arg9[%add3A_66, %dma_wait3A_72] : memref<100000x32xf32, #tpu.memory_space<hbm>> -> memref<400x32xf32, #tpu.memory_space<hbm>>
        tpu.wait_dma2 semaphore(%run_scoped3A : memref<!tpu.dma_semaphore, #tpu.memory_space<semaphore_mem>>) src(%arg16 : memref<400x32xf32, #tpu.memory_space<vmem>>) dst(%dma_wait3A_73 : memref<400x32xf32, #tpu.memory_space<hbm>>)
        tpu.yield
      }) : () -> ()
      %while3A_67 = arith.constant 0 : i32
      scf.yield %while3A_67 : i32
    }
    return
  }
}

#map = affine_map<(d0, d1) -> (0, 0)>
#map1 = affine_map<(d0, d1) -> (0, 0, 0)>
module attributes {stable_mosaic.version = 14 : i64} {
  func.func @body(%arg0: i32, %arg1: i32, %arg2: memref<100000x32xf32, #tpu.memory_space<hbm>>, %arg3: memref<100000x32xf32, #tpu.memory_space<hbm>>, %arg4: memref<12500x1x128xi32, #tpu.memory_space<hbm>>, %arg5: memref<12500x1x128xi32, #tpu.memory_space<hbm>>, %arg6: memref<12500x1x128xf32, #tpu.memory_space<hbm>>, %arg7: memref<50000x32xf32, #tpu.memory_space<hbm>>, %arg8: memref<100000x32xf32, #tpu.memory_space<hbm>>, %arg9: memref<50008x32xf32, #tpu.memory_space<vmem_shared>>, %arg10: memref<1x128xi32, #tpu.memory_space<vmem>>, %arg11: memref<1x128xi32, #tpu.memory_space<vmem>>, %arg12: memref<1x128xi32, #tpu.memory_space<vmem>>, %arg13: memref<1x128xf32, #tpu.memory_space<vmem>>, %arg14: memref<128x32xf32, #tpu.memory_space<vmem>>, %arg15: memref<400x32xf32, #tpu.memory_space<vmem>>, %arg16: memref<400x32xf32, #tpu.memory_space<vmem>>, %arg17: memref<!tpu.dma_semaphore, #tpu.memory_space<semaphore_mem>>) attributes {dimension_semantics = [#tpu.dimension_semantics<core_parallel>, #tpu.dimension_semantics<subcore_parallel>], iteration_bounds = array<i64: 2, 16>, scalar_prefetch = 0 : i64, scratch_operands = 9 : i64, tpu.core_type = #tpu.core_type<sc_vector_subcore>, window_params = [{transform_indices = #map}, {transform_indices = #map}, {transform_indices = #map1}, {transform_indices = #map1}, {transform_indices = #map1}, {transform_indices = #map}, {transform_indices = #map}]} {
    %mul3A = arith.constant 50000 : i32
    %mul3A_0 = arith.muli %arg0, %mul3A : i32
    %mul3A_1 = arith.constant 7 : i32
    %mul3A_2 = arith.muli %arg1, %mul3A_1 : i32
    %min3A = arith.constant 13 : i32
    %min3A_3 = arith.minsi %arg1, %min3A : i32
    %add3A = arith.addi %mul3A_2, %min3A_3 : i32
    %lt3A = arith.constant 13 : i32
    %lt3A_4 = arith.cmpi slt, %arg1, %lt3A : i32
    %jit3A = arith.constant 1 : i32
    %jit3A_5 = arith.constant 0 : i32
    %select_n3A = arith.select %lt3A_4, %jit3A, %jit3A_5 : i32
    %add3A_6 = arith.constant 7 : i32
    %add3A_7 = arith.addi %add3A_6, %select_n3A : i32
    %add3A_8 = arith.addi %add3A, %add3A_7 : i32
    %while3A = arith.constant 0 : i32
    %while3A_9 = arith.subi %add3A_8, %add3A : i32
    %while3A_10 = arith.addi %add3A, %while3A_9 : i32
    %while3A_11 = arith.constant 1 : i32
    %while3A_12 = arith.divsi %while3A_9, %while3A_11 : i32
    %while3A_13 = arith.muli %while3A_12, %while3A_11 : i32
    %while3A_14 = arith.addi %add3A, %while3A_13 : i32
    %while3A_15 = arith.constant 1 : i32
    %while3A_16 = scf.for %while3A_54 = %add3A to %while3A_14 step %while3A_15 iter_args(%while3A_55 = %while3A) -> (i32)  : i32 {
      %mul3A_56 = arith.constant 400 : i32
      %mul3A_57 = arith.muli %while3A_54, %mul3A_56 : i32
      "tpu.region"() ({
        %run_scoped3A = tpu.sem_alloc : memref<!tpu.dma_semaphore, #tpu.memory_space<semaphore_mem>>
        %dma_start3A = arith.constant 0 : i32
        %dma_start3A_59 = tpu.memref_slice %arg9[%mul3A_57, %dma_start3A] : memref<50008x32xf32, #tpu.memory_space<vmem_shared>> -> memref<400x32xf32, #tpu.memory_space<vmem_shared>>
        %dma_start3A_60 = arith.constant 0 : i32
        %dma_start3A_61 = tpu.memref_slice %arg7[%mul3A_57, %dma_start3A_60] : memref<50000x32xf32, #tpu.memory_space<hbm>> -> memref<400x32xf32, #tpu.memory_space<hbm>>
        tpu.enqueue_dma source(%dma_start3A_61 : memref<400x32xf32, #tpu.memory_space<hbm>>) target(%dma_start3A_59 : memref<400x32xf32, #tpu.memory_space<vmem_shared>>) target_semaphore(%run_scoped3A : memref<!tpu.dma_semaphore, #tpu.memory_space<semaphore_mem>>)
        %dma_wait3A = arith.constant 0 : i32
        %dma_wait3A_62 = tpu.memref_slice %arg9[%mul3A_57, %dma_wait3A] : memref<50008x32xf32, #tpu.memory_space<vmem_shared>> -> memref<400x32xf32, #tpu.memory_space<vmem_shared>>
        %dma_wait3A_63 = arith.constant 0 : i32
        %dma_wait3A_64 = tpu.memref_slice %arg7[%mul3A_57, %dma_wait3A_63] : memref<50000x32xf32, #tpu.memory_space<hbm>> -> memref<400x32xf32, #tpu.memory_space<hbm>>
        tpu.wait_dma2 semaphore(%run_scoped3A : memref<!tpu.dma_semaphore, #tpu.memory_space<semaphore_mem>>) src(%dma_wait3A_64 : memref<400x32xf32, #tpu.memory_space<hbm>>) dst(%dma_wait3A_62 : memref<400x32xf32, #tpu.memory_space<vmem_shared>>)
        tpu.yield
      }) : () -> ()
      %while3A_58 = arith.constant 0 : i32
      scf.yield %while3A_58 : i32
    }
    %while3A_17 = arith.constant 1 : i32
    %while3A_18 = scf.for %while3A_54 = %while3A_14 to %while3A_10 step %while3A_17 iter_args(%while3A_55 = %while3A_16) -> (i32)  : i32 {
      %mul3A_56 = arith.constant 400 : i32
      %mul3A_57 = arith.muli %while3A_54, %mul3A_56 : i32
      "tpu.region"() ({
        %run_scoped3A = tpu.sem_alloc : memref<!tpu.dma_semaphore, #tpu.memory_space<semaphore_mem>>
        %dma_start3A = arith.constant 0 : i32
        %dma_start3A_59 = tpu.memref_slice %arg9[%mul3A_57, %dma_start3A] : memref<50008x32xf32, #tpu.memory_space<vmem_shared>> -> memref<400x32xf32, #tpu.memory_space<vmem_shared>>
        %dma_start3A_60 = arith.constant 0 : i32
        %dma_start3A_61 = tpu.memref_slice %arg7[%mul3A_57, %dma_start3A_60] : memref<50000x32xf32, #tpu.memory_space<hbm>> -> memref<400x32xf32, #tpu.memory_space<hbm>>
        tpu.enqueue_dma source(%dma_start3A_61 : memref<400x32xf32, #tpu.memory_space<hbm>>) target(%dma_start3A_59 : memref<400x32xf32, #tpu.memory_space<vmem_shared>>) target_semaphore(%run_scoped3A : memref<!tpu.dma_semaphore, #tpu.memory_space<semaphore_mem>>)
        %dma_wait3A = arith.constant 0 : i32
        %dma_wait3A_62 = tpu.memref_slice %arg9[%mul3A_57, %dma_wait3A] : memref<50008x32xf32, #tpu.memory_space<vmem_shared>> -> memref<400x32xf32, #tpu.memory_space<vmem_shared>>
        %dma_wait3A_63 = arith.constant 0 : i32
        %dma_wait3A_64 = tpu.memref_slice %arg7[%mul3A_57, %dma_wait3A_63] : memref<50000x32xf32, #tpu.memory_space<hbm>> -> memref<400x32xf32, #tpu.memory_space<hbm>>
        tpu.wait_dma2 semaphore(%run_scoped3A : memref<!tpu.dma_semaphore, #tpu.memory_space<semaphore_mem>>) src(%dma_wait3A_64 : memref<400x32xf32, #tpu.memory_space<hbm>>) dst(%dma_wait3A_62 : memref<400x32xf32, #tpu.memory_space<vmem_shared>>)
        tpu.yield
      }) : () -> ()
      %while3A_58 = arith.constant 0 : i32
      scf.yield %while3A_58 : i32
    }
    %barrier3A = arith.constant 0 : index
    tpu.barrier barrier_id(%barrier3A)
    %mul3A_19 = arith.constant 781 : i32
    %mul3A_20 = arith.muli %arg1, %mul3A_19 : i32
    %min3A_21 = arith.constant 4 : i32
    %min3A_22 = arith.minsi %arg1, %min3A_21 : i32
    %add3A_23 = arith.addi %mul3A_20, %min3A_22 : i32
    %lt3A_24 = arith.constant 4 : i32
    %lt3A_25 = arith.cmpi slt, %arg1, %lt3A_24 : i32
    %jit3A_26 = arith.constant 1 : i32
    %jit3A_27 = arith.constant 0 : i32
    %select_n3A_28 = arith.select %lt3A_25, %jit3A_26, %jit3A_27 : i32
    %add3A_29 = arith.constant 781 : i32
    %add3A_30 = arith.addi %add3A_29, %select_n3A_28 : i32
    %add3A_31 = arith.addi %add3A_23, %add3A_30 : i32
    %while3A_32 = arith.constant 0 : i32
    %while3A_33 = arith.subi %add3A_31, %add3A_23 : i32
    %while3A_34 = arith.addi %add3A_23, %while3A_33 : i32
    %while3A_35 = arith.constant 1 : i32
    %while3A_36 = arith.divsi %while3A_33, %while3A_35 : i32
    %while3A_37 = arith.muli %while3A_36, %while3A_35 : i32
    %while3A_38 = arith.addi %add3A_23, %while3A_37 : i32
    %while3A_39 = arith.constant 1 : i32
    scf.for %while3A_54 = %add3A_23 to %while3A_38 step %while3A_39  : i32 {
      "tpu.region"() ({
        %run_scoped3A_73 = tpu.sem_alloc : memref<!tpu.dma_semaphore, #tpu.memory_space<semaphore_mem>>
        %dma_start3A_74 = arith.constant 0 : i32
        %dma_start3A_75 = arith.constant 0 : i32
        %dma_start3A_76 = tpu.memref_slice %arg4[%while3A_54, %dma_start3A_74, %dma_start3A_75] : memref<12500x1x128xi32, #tpu.memory_space<hbm>> -> memref<1x1x128xi32, #tpu.memory_space<hbm>>
        %dma_start3A_77 = tpu.memref_squeeze %dma_start3A_76 : memref<1x1x128xi32, #tpu.memory_space<hbm>> -> memref<1x128xi32, #tpu.memory_space<hbm>>
        %dma_start3A_78 = arith.constant 0 : i32
        %dma_start3A_79 = arith.constant 0 : i32
        %dma_start3A_80 = tpu.memref_slice %arg4[%while3A_54, %dma_start3A_78, %dma_start3A_79] : memref<12500x1x128xi32, #tpu.memory_space<hbm>> -> memref<1x1x128xi32, #tpu.memory_space<hbm>>
        %dma_start3A_81 = tpu.memref_squeeze %dma_start3A_80 : memref<1x1x128xi32, #tpu.memory_space<hbm>> -> memref<1x128xi32, #tpu.memory_space<hbm>>
        tpu.enqueue_dma source(%dma_start3A_81 : memref<1x128xi32, #tpu.memory_space<hbm>>) target(%arg10 : memref<1x128xi32, #tpu.memory_space<vmem>>) target_semaphore(%run_scoped3A_73 : memref<!tpu.dma_semaphore, #tpu.memory_space<semaphore_mem>>)
        %dma_wait3A_82 = arith.constant 0 : i32
        %dma_wait3A_83 = arith.constant 0 : i32
        %dma_wait3A_84 = tpu.memref_slice %arg4[%while3A_54, %dma_wait3A_82, %dma_wait3A_83] : memref<12500x1x128xi32, #tpu.memory_space<hbm>> -> memref<1x1x128xi32, #tpu.memory_space<hbm>>
        %dma_wait3A_85 = tpu.memref_squeeze %dma_wait3A_84 : memref<1x1x128xi32, #tpu.memory_space<hbm>> -> memref<1x128xi32, #tpu.memory_space<hbm>>
        %dma_wait3A_86 = arith.constant 0 : i32
        %dma_wait3A_87 = arith.constant 0 : i32
        %dma_wait3A_88 = tpu.memref_slice %arg4[%while3A_54, %dma_wait3A_86, %dma_wait3A_87] : memref<12500x1x128xi32, #tpu.memory_space<hbm>> -> memref<1x1x128xi32, #tpu.memory_space<hbm>>
        %dma_wait3A_89 = tpu.memref_squeeze %dma_wait3A_88 : memref<1x1x128xi32, #tpu.memory_space<hbm>> -> memref<1x128xi32, #tpu.memory_space<hbm>>
        tpu.wait_dma2 semaphore(%run_scoped3A_73 : memref<!tpu.dma_semaphore, #tpu.memory_space<semaphore_mem>>) src(%dma_wait3A_89 : memref<1x128xi32, #tpu.memory_space<hbm>>) dst(%arg10 : memref<1x128xi32, #tpu.memory_space<vmem>>)
        tpu.yield
      }) : () -> ()
      "tpu.region"() ({
        %run_scoped3A_73 = tpu.sem_alloc : memref<!tpu.dma_semaphore, #tpu.memory_space<semaphore_mem>>
        %dma_start3A_74 = arith.constant 0 : i32
        %dma_start3A_75 = arith.constant 0 : i32
        %dma_start3A_76 = tpu.memref_slice %arg5[%while3A_54, %dma_start3A_74, %dma_start3A_75] : memref<12500x1x128xi32, #tpu.memory_space<hbm>> -> memref<1x1x128xi32, #tpu.memory_space<hbm>>
        %dma_start3A_77 = tpu.memref_squeeze %dma_start3A_76 : memref<1x1x128xi32, #tpu.memory_space<hbm>> -> memref<1x128xi32, #tpu.memory_space<hbm>>
        %dma_start3A_78 = arith.constant 0 : i32
        %dma_start3A_79 = arith.constant 0 : i32
        %dma_start3A_80 = tpu.memref_slice %arg5[%while3A_54, %dma_start3A_78, %dma_start3A_79] : memref<12500x1x128xi32, #tpu.memory_space<hbm>> -> memref<1x1x128xi32, #tpu.memory_space<hbm>>
        %dma_start3A_81 = tpu.memref_squeeze %dma_start3A_80 : memref<1x1x128xi32, #tpu.memory_space<hbm>> -> memref<1x128xi32, #tpu.memory_space<hbm>>
        tpu.enqueue_dma source(%dma_start3A_81 : memref<1x128xi32, #tpu.memory_space<hbm>>) target(%arg12 : memref<1x128xi32, #tpu.memory_space<vmem>>) target_semaphore(%run_scoped3A_73 : memref<!tpu.dma_semaphore, #tpu.memory_space<semaphore_mem>>)
        %dma_wait3A_82 = arith.constant 0 : i32
        %dma_wait3A_83 = arith.constant 0 : i32
        %dma_wait3A_84 = tpu.memref_slice %arg5[%while3A_54, %dma_wait3A_82, %dma_wait3A_83] : memref<12500x1x128xi32, #tpu.memory_space<hbm>> -> memref<1x1x128xi32, #tpu.memory_space<hbm>>
        %dma_wait3A_85 = tpu.memref_squeeze %dma_wait3A_84 : memref<1x1x128xi32, #tpu.memory_space<hbm>> -> memref<1x128xi32, #tpu.memory_space<hbm>>
        %dma_wait3A_86 = arith.constant 0 : i32
        %dma_wait3A_87 = arith.constant 0 : i32
        %dma_wait3A_88 = tpu.memref_slice %arg5[%while3A_54, %dma_wait3A_86, %dma_wait3A_87] : memref<12500x1x128xi32, #tpu.memory_space<hbm>> -> memref<1x1x128xi32, #tpu.memory_space<hbm>>
        %dma_wait3A_89 = tpu.memref_squeeze %dma_wait3A_88 : memref<1x1x128xi32, #tpu.memory_space<hbm>> -> memref<1x128xi32, #tpu.memory_space<hbm>>
        tpu.wait_dma2 semaphore(%run_scoped3A_73 : memref<!tpu.dma_semaphore, #tpu.memory_space<semaphore_mem>>) src(%dma_wait3A_89 : memref<1x128xi32, #tpu.memory_space<hbm>>) dst(%arg12 : memref<1x128xi32, #tpu.memory_space<vmem>>)
        tpu.yield
      }) : () -> ()
      "tpu.region"() ({
        %run_scoped3A_73 = tpu.sem_alloc : memref<!tpu.dma_semaphore, #tpu.memory_space<semaphore_mem>>
        %dma_start3A_74 = arith.constant 0 : i32
        %dma_start3A_75 = arith.constant 0 : i32
        %dma_start3A_76 = tpu.memref_slice %arg6[%while3A_54, %dma_start3A_74, %dma_start3A_75] : memref<12500x1x128xf32, #tpu.memory_space<hbm>> -> memref<1x1x128xf32, #tpu.memory_space<hbm>>
        %dma_start3A_77 = tpu.memref_squeeze %dma_start3A_76 : memref<1x1x128xf32, #tpu.memory_space<hbm>> -> memref<1x128xf32, #tpu.memory_space<hbm>>
        %dma_start3A_78 = arith.constant 0 : i32
        %dma_start3A_79 = arith.constant 0 : i32
        %dma_start3A_80 = tpu.memref_slice %arg6[%while3A_54, %dma_start3A_78, %dma_start3A_79] : memref<12500x1x128xf32, #tpu.memory_space<hbm>> -> memref<1x1x128xf32, #tpu.memory_space<hbm>>
        %dma_start3A_81 = tpu.memref_squeeze %dma_start3A_80 : memref<1x1x128xf32, #tpu.memory_space<hbm>> -> memref<1x128xf32, #tpu.memory_space<hbm>>
        tpu.enqueue_dma source(%dma_start3A_81 : memref<1x128xf32, #tpu.memory_space<hbm>>) target(%arg13 : memref<1x128xf32, #tpu.memory_space<vmem>>) target_semaphore(%run_scoped3A_73 : memref<!tpu.dma_semaphore, #tpu.memory_space<semaphore_mem>>)
        %dma_wait3A_82 = arith.constant 0 : i32
        %dma_wait3A_83 = arith.constant 0 : i32
        %dma_wait3A_84 = tpu.memref_slice %arg6[%while3A_54, %dma_wait3A_82, %dma_wait3A_83] : memref<12500x1x128xf32, #tpu.memory_space<hbm>> -> memref<1x1x128xf32, #tpu.memory_space<hbm>>
        %dma_wait3A_85 = tpu.memref_squeeze %dma_wait3A_84 : memref<1x1x128xf32, #tpu.memory_space<hbm>> -> memref<1x128xf32, #tpu.memory_space<hbm>>
        %dma_wait3A_86 = arith.constant 0 : i32
        %dma_wait3A_87 = arith.constant 0 : i32
        %dma_wait3A_88 = tpu.memref_slice %arg6[%while3A_54, %dma_wait3A_86, %dma_wait3A_87] : memref<12500x1x128xf32, #tpu.memory_space<hbm>> -> memref<1x1x128xf32, #tpu.memory_space<hbm>>
        %dma_wait3A_89 = tpu.memref_squeeze %dma_wait3A_88 : memref<1x1x128xf32, #tpu.memory_space<hbm>> -> memref<1x128xf32, #tpu.memory_space<hbm>>
        tpu.wait_dma2 semaphore(%run_scoped3A_73 : memref<!tpu.dma_semaphore, #tpu.memory_space<semaphore_mem>>) src(%dma_wait3A_89 : memref<1x128xf32, #tpu.memory_space<hbm>>) dst(%arg13 : memref<1x128xf32, #tpu.memory_space<vmem>>)
        tpu.yield
      }) : () -> ()
      %dma_start3A = arith.constant 0 : i32
      %dma_start3A_55 = arith.constant 0 : i32
      %dma_start3A_56 = tpu.memref_slice %arg10[%dma_start3A, %dma_start3A_55] : memref<1x128xi32, #tpu.memory_space<vmem>> -> memref<1x128xi32, #tpu.memory_space<vmem>>
      %dma_start3A_57 = tpu.memref_squeeze %dma_start3A_56 : memref<1x128xi32, #tpu.memory_space<vmem>> -> memref<128xi32, #tpu.memory_space<vmem>>
      %dma_start3A_58 = arith.constant 0 : i32
      %dma_start3A_59 = arith.constant 0 : i32
      %dma_start3A_60 = tpu.memref_slice %arg2[%dma_start3A_58, %dma_start3A_59] : memref<100000x32xf32, #tpu.memory_space<hbm>> -> memref<100000x32xf32, #tpu.memory_space<hbm>>
      tpu.enqueue_indirect_dma source(%dma_start3A_60 : memref<100000x32xf32, #tpu.memory_space<hbm>>) target(%arg14 : memref<128x32xf32, #tpu.memory_space<vmem>>) offsets(%dma_start3A_57 : memref<128xi32, #tpu.memory_space<vmem>>) semaphore(%arg17 : memref<!tpu.dma_semaphore, #tpu.memory_space<semaphore_mem>>)
      %dma_wait3A = arith.constant 0 : i32
      %dma_wait3A_61 = arith.constant 0 : i32
      %dma_wait3A_62 = tpu.memref_slice %arg10[%dma_wait3A, %dma_wait3A_61] : memref<1x128xi32, #tpu.memory_space<vmem>> -> memref<1x128xi32, #tpu.memory_space<vmem>>
      %dma_wait3A_63 = tpu.memref_squeeze %dma_wait3A_62 : memref<1x128xi32, #tpu.memory_space<vmem>> -> memref<128xi32, #tpu.memory_space<vmem>>
      %dma_wait3A_64 = arith.constant 0 : i32
      %dma_wait3A_65 = arith.constant 0 : i32
      %dma_wait3A_66 = tpu.memref_slice %arg2[%dma_wait3A_64, %dma_wait3A_65] : memref<100000x32xf32, #tpu.memory_space<hbm>> -> memref<100000x32xf32, #tpu.memory_space<hbm>>
      tpu.wait_indirect_dma semaphore(%arg17 : memref<!tpu.dma_semaphore, #tpu.memory_space<semaphore_mem>>) src(%dma_wait3A_66 : memref<100000x32xf32, #tpu.memory_space<hbm>>) dst(%arg14 : memref<128x32xf32, #tpu.memory_space<vmem>>)
      %scan3A = arith.constant 0 : i32
      %scan3A_67 = arith.constant 0 : i32
      %scan3A_68 = arith.constant 8 : i32
      %scan3A_69 = arith.addi %scan3A_67, %scan3A_68 : i32
      %scan3A_70 = arith.constant 1 : i32
      %scan3A_71 = scf.for %scan3A_73 = %scan3A_67 to %scan3A_69 step %scan3A_70 iter_args(%scan3A_74 = %scan3A) -> (i32)  : i32 {
        %mul3A_75 = arith.constant 16 : i32
        %mul3A_76 = arith.muli %scan3A_73, %mul3A_75 : i32
        %get3A = arith.constant 0 : i32
        %get3A_77 = arith.index_cast %get3A : i32 to index
        %get3A_78 = arith.index_cast %mul3A_76 : i32 to index
        %get3A_79 = tpu.vector_load %arg12[%get3A_77, %get3A_78] {strides = array<i32>} : memref<1x128xi32, #tpu.memory_space<vmem>>, vector<1x16xi32>,
        %get3A_80 = vector.shape_cast %get3A_79 : vector<1x16xi32> to vector<16xi32>
        %sub3A = vector.broadcast %mul3A_0 : i32 to vector<16xi32>
        %sub3A_81 = arith.subi %get3A_80, %sub3A : vector<16xi32>
        %ge3A = arith.constant 0 : i32
        %ge3A_82 = vector.broadcast %ge3A : i32 to vector<16xi32>
        %ge3A_83 = arith.cmpi sge, %sub3A_81, %ge3A_82 : vector<16xi32>
        %lt3A_84 = arith.constant 50000 : i32
        %lt3A_85 = vector.broadcast %lt3A_84 : i32 to vector<16xi32>
        %lt3A_86 = arith.cmpi slt, %sub3A_81, %lt3A_85 : vector<16xi32>
        %and3A = arith.andi %ge3A_83, %lt3A_86 : vector<16xi1>
        %jit3A_87 = arith.constant 50000 : i32
        %broadcast_in_dim3A = vector.broadcast %jit3A_87 : i32 to vector<16xi32>
        %select_n3A_88 = arith.select %and3A, %sub3A_81, %broadcast_in_dim3A : vector<16xi1>, vector<16xi32>
        %mul3A_89 = arith.constant 16 : i32
        %mul3A_90 = arith.muli %scan3A_73, %mul3A_89 : i32
        %swap3A = arith.constant 0 : i32
        %swap3A_91 = arith.index_cast %swap3A : i32 to index
        %swap3A_92 = arith.index_cast %mul3A_90 : i32 to index
        %swap3A_93 = tpu.vector_load %arg11[%swap3A_91, %swap3A_92] {strides = array<i32>} : memref<1x128xi32, #tpu.memory_space<vmem>>, vector<1x16xi32>,
        %swap3A_94 = vector.shape_cast %swap3A_93 : vector<1x16xi32> to vector<16xi32>
        %swap3A_95 = vector.shape_cast %select_n3A_88 : vector<16xi32> to vector<1x16xi32>
        tpu.vector_store %arg11[%swap3A_91, %swap3A_92], %swap3A_95 {strides = array<i32>} : memref<1x128xi32, #tpu.memory_space<vmem>>, vector<1x16xi32>,
        %mul3A_96 = arith.constant 16 : i32
        %mul3A_97 = arith.muli %scan3A_73, %mul3A_96 : i32
        %get3A_98 = arith.constant 0 : i32
        %get3A_99 = arith.index_cast %get3A_98 : i32 to index
        %get3A_100 = arith.index_cast %mul3A_97 : i32 to index
        %get3A_101 = tpu.vector_load %arg13[%get3A_99, %get3A_100] {strides = array<i32>} : memref<1x128xf32, #tpu.memory_space<vmem>>, vector<1x16xf32>,
        %get3A_102 = vector.shape_cast %get3A_101 : vector<1x16xf32> to vector<16xf32>
        %mul3A_103 = arith.constant 16 : i32
        %mul3A_104 = arith.muli %scan3A_73, %mul3A_103 : i32
        %add3A_105 = arith.constant 0 : i32
        %add3A_106 = arith.addi %mul3A_104, %add3A_105 : i32
        %slice3A = vector.extract_strided_slice %get3A_102 {offsets = [0], sizes = [1], strides = [1]} : vector<16xf32> to vector<1xf32>
        %squeeze3A = vector.extract %slice3A[0] : f32 from vector<1xf32>
        %get3A_107 = arith.index_cast %add3A_106 : i32 to index
        %get3A_108 = arith.constant 0 : index
        %get3A_109 = tpu.vector_load %arg14[%get3A_107, %get3A_108] {strides = array<i32>} : memref<128x32xf32, #tpu.memory_space<vmem>>, vector<1x16xf32>,
        %get3A_110 = vector.shape_cast %get3A_109 : vector<1x16xf32> to vector<16xf32>
        %mul3A_111 = vector.broadcast %squeeze3A : f32 to vector<16xf32>
        %mul3A_112 = arith.mulf %get3A_110, %mul3A_111 : vector<16xf32>
        %swap3A_113 = arith.index_cast %add3A_106 : i32 to index
        %swap3A_114 = arith.constant 0 : index
        %swap3A_115 = tpu.vector_load %arg14[%swap3A_113, %swap3A_114] {strides = array<i32>} : memref<128x32xf32, #tpu.memory_space<vmem>>, vector<1x16xf32>,
        %swap3A_116 = vector.shape_cast %swap3A_115 : vector<1x16xf32> to vector<16xf32>
        %swap3A_117 = vector.shape_cast %mul3A_112 : vector<16xf32> to vector<1x16xf32>
        tpu.vector_store %arg14[%swap3A_113, %swap3A_114], %swap3A_117 {strides = array<i32>} : memref<128x32xf32, #tpu.memory_space<vmem>>, vector<1x16xf32>,
        %get3A_118 = arith.index_cast %add3A_106 : i32 to index
        %get3A_119 = arith.constant 16 : index
        %get3A_120 = tpu.vector_load %arg14[%get3A_118, %get3A_119] {strides = array<i32>} : memref<128x32xf32, #tpu.memory_space<vmem>>, vector<1x16xf32>,
        %get3A_121 = vector.shape_cast %get3A_120 : vector<1x16xf32> to vector<16xf32>
        %mul3A_122 = vector.broadcast %squeeze3A : f32 to vector<16xf32>
        %mul3A_123 = arith.mulf %get3A_121, %mul3A_122 : vector<16xf32>
        %swap3A_124 = arith.index_cast %add3A_106 : i32 to index
        %swap3A_125 = arith.constant 16 : index
        %swap3A_126 = tpu.vector_load %arg14[%swap3A_124, %swap3A_125] {strides = array<i32>} : memref<128x32xf32, #tpu.memory_space<vmem>>, vector<1x16xf32>,
        %swap3A_127 = vector.shape_cast %swap3A_126 : vector<1x16xf32> to vector<16xf32>
        %swap3A_128 = vector.shape_cast %mul3A_123 : vector<16xf32> to vector<1x16xf32>
        tpu.vector_store %arg14[%swap3A_124, %swap3A_125], %swap3A_128 {strides = array<i32>} : memref<128x32xf32, #tpu.memory_space<vmem>>, vector<1x16xf32>,
        %mul3A_129 = arith.constant 16 : i32
        %mul3A_130 = arith.muli %scan3A_73, %mul3A_129 : i32
        %add3A_131 = arith.constant 1 : i32
        %add3A_132 = arith.addi %mul3A_130, %add3A_131 : i32
        %slice3A_133 = vector.extract_strided_slice %get3A_102 {offsets = [1], sizes = [1], strides = [1]} : vector<16xf32> to vector<1xf32>
        %squeeze3A_134 = vector.extract %slice3A_133[0] : f32 from vector<1xf32>
        %get3A_135 = arith.index_cast %add3A_132 : i32 to index
        %get3A_136 = arith.constant 0 : index
        %get3A_137 = tpu.vector_load %arg14[%get3A_135, %get3A_136] {strides = array<i32>} : memref<128x32xf32, #tpu.memory_space<vmem>>, vector<1x16xf32>,
        %get3A_138 = vector.shape_cast %get3A_137 : vector<1x16xf32> to vector<16xf32>
        %mul3A_139 = vector.broadcast %squeeze3A_134 : f32 to vector<16xf32>
        %mul3A_140 = arith.mulf %get3A_138, %mul3A_139 : vector<16xf32>
        %swap3A_141 = arith.index_cast %add3A_132 : i32 to index
        %swap3A_142 = arith.constant 0 : index
        %swap3A_143 = tpu.vector_load %arg14[%swap3A_141, %swap3A_142] {strides = array<i32>} : memref<128x32xf32, #tpu.memory_space<vmem>>, vector<1x16xf32>,
        %swap3A_144 = vector.shape_cast %swap3A_143 : vector<1x16xf32> to vector<16xf32>
        %swap3A_145 = vector.shape_cast %mul3A_140 : vector<16xf32> to vector<1x16xf32>
        tpu.vector_store %arg14[%swap3A_141, %swap3A_142], %swap3A_145 {strides = array<i32>} : memref<128x32xf32, #tpu.memory_space<vmem>>, vector<1x16xf32>,
        %get3A_146 = arith.index_cast %add3A_132 : i32 to index
        %get3A_147 = arith.constant 16 : index
        %get3A_148 = tpu.vector_load %arg14[%get3A_146, %get3A_147] {strides = array<i32>} : memref<128x32xf32, #tpu.memory_space<vmem>>, vector<1x16xf32>,
        %get3A_149 = vector.shape_cast %get3A_148 : vector<1x16xf32> to vector<16xf32>
        %mul3A_150 = vector.broadcast %squeeze3A_134 : f32 to vector<16xf32>
        %mul3A_151 = arith.mulf %get3A_149, %mul3A_150 : vector<16xf32>
        %swap3A_152 = arith.index_cast %add3A_132 : i32 to index
        %swap3A_153 = arith.constant 16 : index
        %swap3A_154 = tpu.vector_load %arg14[%swap3A_152, %swap3A_153] {strides = array<i32>} : memref<128x32xf32, #tpu.memory_space<vmem>>, vector<1x16xf32>,
        %swap3A_155 = vector.shape_cast %swap3A_154 : vector<1x16xf32> to vector<16xf32>
        %swap3A_156 = vector.shape_cast %mul3A_151 : vector<16xf32> to vector<1x16xf32>
        tpu.vector_store %arg14[%swap3A_152, %swap3A_153], %swap3A_156 {strides = array<i32>} : memref<128x32xf32, #tpu.memory_space<vmem>>, vector<1x16xf32>,
        %mul3A_157 = arith.constant 16 : i32
        %mul3A_158 = arith.muli %scan3A_73, %mul3A_157 : i32
        %add3A_159 = arith.constant 2 : i32
        %add3A_160 = arith.addi %mul3A_158, %add3A_159 : i32
        %slice3A_161 = vector.extract_strided_slice %get3A_102 {offsets = [2], sizes = [1], strides = [1]} : vector<16xf32> to vector<1xf32>
        %squeeze3A_162 = vector.extract %slice3A_161[0] : f32 from vector<1xf32>
        %get3A_163 = arith.index_cast %add3A_160 : i32 to index
        %get3A_164 = arith.constant 0 : index
        %get3A_165 = tpu.vector_load %arg14[%get3A_163, %get3A_164] {strides = array<i32>} : memref<128x32xf32, #tpu.memory_space<vmem>>, vector<1x16xf32>,
        %get3A_166 = vector.shape_cast %get3A_165 : vector<1x16xf32> to vector<16xf32>
        %mul3A_167 = vector.broadcast %squeeze3A_162 : f32 to vector<16xf32>
        %mul3A_168 = arith.mulf %get3A_166, %mul3A_167 : vector<16xf32>
        %swap3A_169 = arith.index_cast %add3A_160 : i32 to index
        %swap3A_170 = arith.constant 0 : index
        %swap3A_171 = tpu.vector_load %arg14[%swap3A_169, %swap3A_170] {strides = array<i32>} : memref<128x32xf32, #tpu.memory_space<vmem>>, vector<1x16xf32>,
        %swap3A_172 = vector.shape_cast %swap3A_171 : vector<1x16xf32> to vector<16xf32>
        %swap3A_173 = vector.shape_cast %mul3A_168 : vector<16xf32> to vector<1x16xf32>
        tpu.vector_store %arg14[%swap3A_169, %swap3A_170], %swap3A_173 {strides = array<i32>} : memref<128x32xf32, #tpu.memory_space<vmem>>, vector<1x16xf32>,
        %get3A_174 = arith.index_cast %add3A_160 : i32 to index
        %get3A_175 = arith.constant 16 : index
        %get3A_176 = tpu.vector_load %arg14[%get3A_174, %get3A_175] {strides = array<i32>} : memref<128x32xf32, #tpu.memory_space<vmem>>, vector<1x16xf32>,
        %get3A_177 = vector.shape_cast %get3A_176 : vector<1x16xf32> to vector<16xf32>
        %mul3A_178 = vector.broadcast %squeeze3A_162 : f32 to vector<16xf32>
        %mul3A_179 = arith.mulf %get3A_177, %mul3A_178 : vector<16xf32>
        %swap3A_180 = arith.index_cast %add3A_160 : i32 to index
        %swap3A_181 = arith.constant 16 : index
        %swap3A_182 = tpu.vector_load %arg14[%swap3A_180, %swap3A_181] {strides = array<i32>} : memref<128x32xf32, #tpu.memory_space<vmem>>, vector<1x16xf32>,
        %swap3A_183 = vector.shape_cast %swap3A_182 : vector<1x16xf32> to vector<16xf32>
        %swap3A_184 = vector.shape_cast %mul3A_179 : vector<16xf32> to vector<1x16xf32>
        tpu.vector_store %arg14[%swap3A_180, %swap3A_181], %swap3A_184 {strides = array<i32>} : memref<128x32xf32, #tpu.memory_space<vmem>>, vector<1x16xf32>,
        %mul3A_185 = arith.constant 16 : i32
        %mul3A_186 = arith.muli %scan3A_73, %mul3A_185 : i32
        %add3A_187 = arith.constant 3 : i32
        %add3A_188 = arith.addi %mul3A_186, %add3A_187 : i32
        %slice3A_189 = vector.extract_strided_slice %get3A_102 {offsets = [3], sizes = [1], strides = [1]} : vector<16xf32> to vector<1xf32>
        %squeeze3A_190 = vector.extract %slice3A_189[0] : f32 from vector<1xf32>
        %get3A_191 = arith.index_cast %add3A_188 : i32 to index
        %get3A_192 = arith.constant 0 : index
        %get3A_193 = tpu.vector_load %arg14[%get3A_191, %get3A_192] {strides = array<i32>} : memref<128x32xf32, #tpu.memory_space<vmem>>, vector<1x16xf32>,
        %get3A_194 = vector.shape_cast %get3A_193 : vector<1x16xf32> to vector<16xf32>
        %mul3A_195 = vector.broadcast %squeeze3A_190 : f32 to vector<16xf32>
        %mul3A_196 = arith.mulf %get3A_194, %mul3A_195 : vector<16xf32>
        %swap3A_197 = arith.index_cast %add3A_188 : i32 to index
        %swap3A_198 = arith.constant 0 : index
        %swap3A_199 = tpu.vector_load %arg14[%swap3A_197, %swap3A_198] {strides = array<i32>} : memref<128x32xf32, #tpu.memory_space<vmem>>, vector<1x16xf32>,
        %swap3A_200 = vector.shape_cast %swap3A_199 : vector<1x16xf32> to vector<16xf32>
        %swap3A_201 = vector.shape_cast %mul3A_196 : vector<16xf32> to vector<1x16xf32>
        tpu.vector_store %arg14[%swap3A_197, %swap3A_198], %swap3A_201 {strides = array<i32>} : memref<128x32xf32, #tpu.memory_space<vmem>>, vector<1x16xf32>,
        %get3A_202 = arith.index_cast %add3A_188 : i32 to index
        %get3A_203 = arith.constant 16 : index
        %get3A_204 = tpu.vector_load %arg14[%get3A_202, %get3A_203] {strides = array<i32>} : memref<128x32xf32, #tpu.memory_space<vmem>>, vector<1x16xf32>,
        %get3A_205 = vector.shape_cast %get3A_204 : vector<1x16xf32> to vector<16xf32>
        %mul3A_206 = vector.broadcast %squeeze3A_190 : f32 to vector<16xf32>
        %mul3A_207 = arith.mulf %get3A_205, %mul3A_206 : vector<16xf32>
        %swap3A_208 = arith.index_cast %add3A_188 : i32 to index
        %swap3A_209 = arith.constant 16 : index
        %swap3A_210 = tpu.vector_load %arg14[%swap3A_208, %swap3A_209] {strides = array<i32>} : memref<128x32xf32, #tpu.memory_space<vmem>>, vector<1x16xf32>,
        %swap3A_211 = vector.shape_cast %swap3A_210 : vector<1x16xf32> to vector<16xf32>
        %swap3A_212 = vector.shape_cast %mul3A_207 : vector<16xf32> to vector<1x16xf32>
        tpu.vector_store %arg14[%swap3A_208, %swap3A_209], %swap3A_212 {strides = array<i32>} : memref<128x32xf32, #tpu.memory_space<vmem>>, vector<1x16xf32>,
        %mul3A_213 = arith.constant 16 : i32
        %mul3A_214 = arith.muli %scan3A_73, %mul3A_213 : i32
        %add3A_215 = arith.constant 4 : i32
        %add3A_216 = arith.addi %mul3A_214, %add3A_215 : i32
        %slice3A_217 = vector.extract_strided_slice %get3A_102 {offsets = [4], sizes = [1], strides = [1]} : vector<16xf32> to vector<1xf32>
        %squeeze3A_218 = vector.extract %slice3A_217[0] : f32 from vector<1xf32>
        %get3A_219 = arith.index_cast %add3A_216 : i32 to index
        %get3A_220 = arith.constant 0 : index
        %get3A_221 = tpu.vector_load %arg14[%get3A_219, %get3A_220] {strides = array<i32>} : memref<128x32xf32, #tpu.memory_space<vmem>>, vector<1x16xf32>,
        %get3A_222 = vector.shape_cast %get3A_221 : vector<1x16xf32> to vector<16xf32>
        %mul3A_223 = vector.broadcast %squeeze3A_218 : f32 to vector<16xf32>
        %mul3A_224 = arith.mulf %get3A_222, %mul3A_223 : vector<16xf32>
        %swap3A_225 = arith.index_cast %add3A_216 : i32 to index
        %swap3A_226 = arith.constant 0 : index
        %swap3A_227 = tpu.vector_load %arg14[%swap3A_225, %swap3A_226] {strides = array<i32>} : memref<128x32xf32, #tpu.memory_space<vmem>>, vector<1x16xf32>,
        %swap3A_228 = vector.shape_cast %swap3A_227 : vector<1x16xf32> to vector<16xf32>
        %swap3A_229 = vector.shape_cast %mul3A_224 : vector<16xf32> to vector<1x16xf32>
        tpu.vector_store %arg14[%swap3A_225, %swap3A_226], %swap3A_229 {strides = array<i32>} : memref<128x32xf32, #tpu.memory_space<vmem>>, vector<1x16xf32>,
        %get3A_230 = arith.index_cast %add3A_216 : i32 to index
        %get3A_231 = arith.constant 16 : index
        %get3A_232 = tpu.vector_load %arg14[%get3A_230, %get3A_231] {strides = array<i32>} : memref<128x32xf32, #tpu.memory_space<vmem>>, vector<1x16xf32>,
        %get3A_233 = vector.shape_cast %get3A_232 : vector<1x16xf32> to vector<16xf32>
        %mul3A_234 = vector.broadcast %squeeze3A_218 : f32 to vector<16xf32>
        %mul3A_235 = arith.mulf %get3A_233, %mul3A_234 : vector<16xf32>
        %swap3A_236 = arith.index_cast %add3A_216 : i32 to index
        %swap3A_237 = arith.constant 16 : index
        %swap3A_238 = tpu.vector_load %arg14[%swap3A_236, %swap3A_237] {strides = array<i32>} : memref<128x32xf32, #tpu.memory_space<vmem>>, vector<1x16xf32>,
        %swap3A_239 = vector.shape_cast %swap3A_238 : vector<1x16xf32> to vector<16xf32>
        %swap3A_240 = vector.shape_cast %mul3A_235 : vector<16xf32> to vector<1x16xf32>
        tpu.vector_store %arg14[%swap3A_236, %swap3A_237], %swap3A_240 {strides = array<i32>} : memref<128x32xf32, #tpu.memory_space<vmem>>, vector<1x16xf32>,
        %mul3A_241 = arith.constant 16 : i32
        %mul3A_242 = arith.muli %scan3A_73, %mul3A_241 : i32
        %add3A_243 = arith.constant 5 : i32
        %add3A_244 = arith.addi %mul3A_242, %add3A_243 : i32
        %slice3A_245 = vector.extract_strided_slice %get3A_102 {offsets = [5], sizes = [1], strides = [1]} : vector<16xf32> to vector<1xf32>
        %squeeze3A_246 = vector.extract %slice3A_245[0] : f32 from vector<1xf32>
        %get3A_247 = arith.index_cast %add3A_244 : i32 to index
        %get3A_248 = arith.constant 0 : index
        %get3A_249 = tpu.vector_load %arg14[%get3A_247, %get3A_248] {strides = array<i32>} : memref<128x32xf32, #tpu.memory_space<vmem>>, vector<1x16xf32>,
        %get3A_250 = vector.shape_cast %get3A_249 : vector<1x16xf32> to vector<16xf32>
        %mul3A_251 = vector.broadcast %squeeze3A_246 : f32 to vector<16xf32>
        %mul3A_252 = arith.mulf %get3A_250, %mul3A_251 : vector<16xf32>
        %swap3A_253 = arith.index_cast %add3A_244 : i32 to index
        %swap3A_254 = arith.constant 0 : index
        %swap3A_255 = tpu.vector_load %arg14[%swap3A_253, %swap3A_254] {strides = array<i32>} : memref<128x32xf32, #tpu.memory_space<vmem>>, vector<1x16xf32>,
        %swap3A_256 = vector.shape_cast %swap3A_255 : vector<1x16xf32> to vector<16xf32>
        %swap3A_257 = vector.shape_cast %mul3A_252 : vector<16xf32> to vector<1x16xf32>
        tpu.vector_store %arg14[%swap3A_253, %swap3A_254], %swap3A_257 {strides = array<i32>} : memref<128x32xf32, #tpu.memory_space<vmem>>, vector<1x16xf32>,
        %get3A_258 = arith.index_cast %add3A_244 : i32 to index
        %get3A_259 = arith.constant 16 : index
        %get3A_260 = tpu.vector_load %arg14[%get3A_258, %get3A_259] {strides = array<i32>} : memref<128x32xf32, #tpu.memory_space<vmem>>, vector<1x16xf32>,
        %get3A_261 = vector.shape_cast %get3A_260 : vector<1x16xf32> to vector<16xf32>
        %mul3A_262 = vector.broadcast %squeeze3A_246 : f32 to vector<16xf32>
        %mul3A_263 = arith.mulf %get3A_261, %mul3A_262 : vector<16xf32>
        %swap3A_264 = arith.index_cast %add3A_244 : i32 to index
        %swap3A_265 = arith.constant 16 : index
        %swap3A_266 = tpu.vector_load %arg14[%swap3A_264, %swap3A_265] {strides = array<i32>} : memref<128x32xf32, #tpu.memory_space<vmem>>, vector<1x16xf32>,
        %swap3A_267 = vector.shape_cast %swap3A_266 : vector<1x16xf32> to vector<16xf32>
        %swap3A_268 = vector.shape_cast %mul3A_263 : vector<16xf32> to vector<1x16xf32>
        tpu.vector_store %arg14[%swap3A_264, %swap3A_265], %swap3A_268 {strides = array<i32>} : memref<128x32xf32, #tpu.memory_space<vmem>>, vector<1x16xf32>,
        %mul3A_269 = arith.constant 16 : i32
        %mul3A_270 = arith.muli %scan3A_73, %mul3A_269 : i32
        %add3A_271 = arith.constant 6 : i32
        %add3A_272 = arith.addi %mul3A_270, %add3A_271 : i32
        %slice3A_273 = vector.extract_strided_slice %get3A_102 {offsets = [6], sizes = [1], strides = [1]} : vector<16xf32> to vector<1xf32>
        %squeeze3A_274 = vector.extract %slice3A_273[0] : f32 from vector<1xf32>
        %get3A_275 = arith.index_cast %add3A_272 : i32 to index
        %get3A_276 = arith.constant 0 : index
        %get3A_277 = tpu.vector_load %arg14[%get3A_275, %get3A_276] {strides = array<i32>} : memref<128x32xf32, #tpu.memory_space<vmem>>, vector<1x16xf32>,
        %get3A_278 = vector.shape_cast %get3A_277 : vector<1x16xf32> to vector<16xf32>
        %mul3A_279 = vector.broadcast %squeeze3A_274 : f32 to vector<16xf32>
        %mul3A_280 = arith.mulf %get3A_278, %mul3A_279 : vector<16xf32>
        %swap3A_281 = arith.index_cast %add3A_272 : i32 to index
        %swap3A_282 = arith.constant 0 : index
        %swap3A_283 = tpu.vector_load %arg14[%swap3A_281, %swap3A_282] {strides = array<i32>} : memref<128x32xf32, #tpu.memory_space<vmem>>, vector<1x16xf32>,
        %swap3A_284 = vector.shape_cast %swap3A_283 : vector<1x16xf32> to vector<16xf32>
        %swap3A_285 = vector.shape_cast %mul3A_280 : vector<16xf32> to vector<1x16xf32>
        tpu.vector_store %arg14[%swap3A_281, %swap3A_282], %swap3A_285 {strides = array<i32>} : memref<128x32xf32, #tpu.memory_space<vmem>>, vector<1x16xf32>,
        %get3A_286 = arith.index_cast %add3A_272 : i32 to index
        %get3A_287 = arith.constant 16 : index
        %get3A_288 = tpu.vector_load %arg14[%get3A_286, %get3A_287] {strides = array<i32>} : memref<128x32xf32, #tpu.memory_space<vmem>>, vector<1x16xf32>,
        %get3A_289 = vector.shape_cast %get3A_288 : vector<1x16xf32> to vector<16xf32>
        %mul3A_290 = vector.broadcast %squeeze3A_274 : f32 to vector<16xf32>
        %mul3A_291 = arith.mulf %get3A_289, %mul3A_290 : vector<16xf32>
        %swap3A_292 = arith.index_cast %add3A_272 : i32 to index
        %swap3A_293 = arith.constant 16 : index
        %swap3A_294 = tpu.vector_load %arg14[%swap3A_292, %swap3A_293] {strides = array<i32>} : memref<128x32xf32, #tpu.memory_space<vmem>>, vector<1x16xf32>,
        %swap3A_295 = vector.shape_cast %swap3A_294 : vector<1x16xf32> to vector<16xf32>
        %swap3A_296 = vector.shape_cast %mul3A_291 : vector<16xf32> to vector<1x16xf32>
        tpu.vector_store %arg14[%swap3A_292, %swap3A_293], %swap3A_296 {strides = array<i32>} : memref<128x32xf32, #tpu.memory_space<vmem>>, vector<1x16xf32>,
        %mul3A_297 = arith.constant 16 : i32
        %mul3A_298 = arith.muli %scan3A_73, %mul3A_297 : i32
        %add3A_299 = arith.constant 7 : i32
        %add3A_300 = arith.addi %mul3A_298, %add3A_299 : i32
        %slice3A_301 = vector.extract_strided_slice %get3A_102 {offsets = [7], sizes = [1], strides = [1]} : vector<16xf32> to vector<1xf32>
        %squeeze3A_302 = vector.extract %slice3A_301[0] : f32 from vector<1xf32>
        %get3A_303 = arith.index_cast %add3A_300 : i32 to index
        %get3A_304 = arith.constant 0 : index
        %get3A_305 = tpu.vector_load %arg14[%get3A_303, %get3A_304] {strides = array<i32>} : memref<128x32xf32, #tpu.memory_space<vmem>>, vector<1x16xf32>,
        %get3A_306 = vector.shape_cast %get3A_305 : vector<1x16xf32> to vector<16xf32>
        %mul3A_307 = vector.broadcast %squeeze3A_302 : f32 to vector<16xf32>
        %mul3A_308 = arith.mulf %get3A_306, %mul3A_307 : vector<16xf32>
        %swap3A_309 = arith.index_cast %add3A_300 : i32 to index
        %swap3A_310 = arith.constant 0 : index
        %swap3A_311 = tpu.vector_load %arg14[%swap3A_309, %swap3A_310] {strides = array<i32>} : memref<128x32xf32, #tpu.memory_space<vmem>>, vector<1x16xf32>,
        %swap3A_312 = vector.shape_cast %swap3A_311 : vector<1x16xf32> to vector<16xf32>
        %swap3A_313 = vector.shape_cast %mul3A_308 : vector<16xf32> to vector<1x16xf32>
        tpu.vector_store %arg14[%swap3A_309, %swap3A_310], %swap3A_313 {strides = array<i32>} : memref<128x32xf32, #tpu.memory_space<vmem>>, vector<1x16xf32>,
        %get3A_314 = arith.index_cast %add3A_300 : i32 to index
        %get3A_315 = arith.constant 16 : index
        %get3A_316 = tpu.vector_load %arg14[%get3A_314, %get3A_315] {strides = array<i32>} : memref<128x32xf32, #tpu.memory_space<vmem>>, vector<1x16xf32>,
        %get3A_317 = vector.shape_cast %get3A_316 : vector<1x16xf32> to vector<16xf32>
        %mul3A_318 = vector.broadcast %squeeze3A_302 : f32 to vector<16xf32>
        %mul3A_319 = arith.mulf %get3A_317, %mul3A_318 : vector<16xf32>
        %swap3A_320 = arith.index_cast %add3A_300 : i32 to index
        %swap3A_321 = arith.constant 16 : index
        %swap3A_322 = tpu.vector_load %arg14[%swap3A_320, %swap3A_321] {strides = array<i32>} : memref<128x32xf32, #tpu.memory_space<vmem>>, vector<1x16xf32>,
        %swap3A_323 = vector.shape_cast %swap3A_322 : vector<1x16xf32> to vector<16xf32>
        %swap3A_324 = vector.shape_cast %mul3A_319 : vector<16xf32> to vector<1x16xf32>
        tpu.vector_store %arg14[%swap3A_320, %swap3A_321], %swap3A_324 {strides = array<i32>} : memref<128x32xf32, #tpu.memory_space<vmem>>, vector<1x16xf32>,
        %mul3A_325 = arith.constant 16 : i32
        %mul3A_326 = arith.muli %scan3A_73, %mul3A_325 : i32
        %add3A_327 = arith.constant 8 : i32
        %add3A_328 = arith.addi %mul3A_326, %add3A_327 : i32
        %slice3A_329 = vector.extract_strided_slice %get3A_102 {offsets = [8], sizes = [1], strides = [1]} : vector<16xf32> to vector<1xf32>
        %squeeze3A_330 = vector.extract %slice3A_329[0] : f32 from vector<1xf32>
        %get3A_331 = arith.index_cast %add3A_328 : i32 to index
        %get3A_332 = arith.constant 0 : index
        %get3A_333 = tpu.vector_load %arg14[%get3A_331, %get3A_332] {strides = array<i32>} : memref<128x32xf32, #tpu.memory_space<vmem>>, vector<1x16xf32>,
        %get3A_334 = vector.shape_cast %get3A_333 : vector<1x16xf32> to vector<16xf32>
        %mul3A_335 = vector.broadcast %squeeze3A_330 : f32 to vector<16xf32>
        %mul3A_336 = arith.mulf %get3A_334, %mul3A_335 : vector<16xf32>
        %swap3A_337 = arith.index_cast %add3A_328 : i32 to index
        %swap3A_338 = arith.constant 0 : index
        %swap3A_339 = tpu.vector_load %arg14[%swap3A_337, %swap3A_338] {strides = array<i32>} : memref<128x32xf32, #tpu.memory_space<vmem>>, vector<1x16xf32>,
        %swap3A_340 = vector.shape_cast %swap3A_339 : vector<1x16xf32> to vector<16xf32>
        %swap3A_341 = vector.shape_cast %mul3A_336 : vector<16xf32> to vector<1x16xf32>
        tpu.vector_store %arg14[%swap3A_337, %swap3A_338], %swap3A_341 {strides = array<i32>} : memref<128x32xf32, #tpu.memory_space<vmem>>, vector<1x16xf32>,
        %get3A_342 = arith.index_cast %add3A_328 : i32 to index
        %get3A_343 = arith.constant 16 : index
        %get3A_344 = tpu.vector_load %arg14[%get3A_342, %get3A_343] {strides = array<i32>} : memref<128x32xf32, #tpu.memory_space<vmem>>, vector<1x16xf32>,
        %get3A_345 = vector.shape_cast %get3A_344 : vector<1x16xf32> to vector<16xf32>
        %mul3A_346 = vector.broadcast %squeeze3A_330 : f32 to vector<16xf32>
        %mul3A_347 = arith.mulf %get3A_345, %mul3A_346 : vector<16xf32>
        %swap3A_348 = arith.index_cast %add3A_328 : i32 to index
        %swap3A_349 = arith.constant 16 : index
        %swap3A_350 = tpu.vector_load %arg14[%swap3A_348, %swap3A_349] {strides = array<i32>} : memref<128x32xf32, #tpu.memory_space<vmem>>, vector<1x16xf32>,
        %swap3A_351 = vector.shape_cast %swap3A_350 : vector<1x16xf32> to vector<16xf32>
        %swap3A_352 = vector.shape_cast %mul3A_347 : vector<16xf32> to vector<1x16xf32>
        tpu.vector_store %arg14[%swap3A_348, %swap3A_349], %swap3A_352 {strides = array<i32>} : memref<128x32xf32, #tpu.memory_space<vmem>>, vector<1x16xf32>,
        %mul3A_353 = arith.constant 16 : i32
        %mul3A_354 = arith.muli %scan3A_73, %mul3A_353 : i32
        %add3A_355 = arith.constant 9 : i32
        %add3A_356 = arith.addi %mul3A_354, %add3A_355 : i32
        %slice3A_357 = vector.extract_strided_slice %get3A_102 {offsets = [9], sizes = [1], strides = [1]} : vector<16xf32> to vector<1xf32>
        %squeeze3A_358 = vector.extract %slice3A_357[0] : f32 from vector<1xf32>
        %get3A_359 = arith.index_cast %add3A_356 : i32 to index
        %get3A_360 = arith.constant 0 : index
        %get3A_361 = tpu.vector_load %arg14[%get3A_359, %get3A_360] {strides = array<i32>} : memref<128x32xf32, #tpu.memory_space<vmem>>, vector<1x16xf32>,
        %get3A_362 = vector.shape_cast %get3A_361 : vector<1x16xf32> to vector<16xf32>
        %mul3A_363 = vector.broadcast %squeeze3A_358 : f32 to vector<16xf32>
        %mul3A_364 = arith.mulf %get3A_362, %mul3A_363 : vector<16xf32>
        %swap3A_365 = arith.index_cast %add3A_356 : i32 to index
        %swap3A_366 = arith.constant 0 : index
        %swap3A_367 = tpu.vector_load %arg14[%swap3A_365, %swap3A_366] {strides = array<i32>} : memref<128x32xf32, #tpu.memory_space<vmem>>, vector<1x16xf32>,
        %swap3A_368 = vector.shape_cast %swap3A_367 : vector<1x16xf32> to vector<16xf32>
        %swap3A_369 = vector.shape_cast %mul3A_364 : vector<16xf32> to vector<1x16xf32>
        tpu.vector_store %arg14[%swap3A_365, %swap3A_366], %swap3A_369 {strides = array<i32>} : memref<128x32xf32, #tpu.memory_space<vmem>>, vector<1x16xf32>,
        %get3A_370 = arith.index_cast %add3A_356 : i32 to index
        %get3A_371 = arith.constant 16 : index
        %get3A_372 = tpu.vector_load %arg14[%get3A_370, %get3A_371] {strides = array<i32>} : memref<128x32xf32, #tpu.memory_space<vmem>>, vector<1x16xf32>,
        %get3A_373 = vector.shape_cast %get3A_372 : vector<1x16xf32> to vector<16xf32>
        %mul3A_374 = vector.broadcast %squeeze3A_358 : f32 to vector<16xf32>
        %mul3A_375 = arith.mulf %get3A_373, %mul3A_374 : vector<16xf32>
        %swap3A_376 = arith.index_cast %add3A_356 : i32 to index
        %swap3A_377 = arith.constant 16 : index
        %swap3A_378 = tpu.vector_load %arg14[%swap3A_376, %swap3A_377] {strides = array<i32>} : memref<128x32xf32, #tpu.memory_space<vmem>>, vector<1x16xf32>,
        %swap3A_379 = vector.shape_cast %swap3A_378 : vector<1x16xf32> to vector<16xf32>
        %swap3A_380 = vector.shape_cast %mul3A_375 : vector<16xf32> to vector<1x16xf32>
        tpu.vector_store %arg14[%swap3A_376, %swap3A_377], %swap3A_380 {strides = array<i32>} : memref<128x32xf32, #tpu.memory_space<vmem>>, vector<1x16xf32>,
        %mul3A_381 = arith.constant 16 : i32
        %mul3A_382 = arith.muli %scan3A_73, %mul3A_381 : i32
        %add3A_383 = arith.constant 10 : i32
        %add3A_384 = arith.addi %mul3A_382, %add3A_383 : i32
        %slice3A_385 = vector.extract_strided_slice %get3A_102 {offsets = [10], sizes = [1], strides = [1]} : vector<16xf32> to vector<1xf32>
        %squeeze3A_386 = vector.extract %slice3A_385[0] : f32 from vector<1xf32>
        %get3A_387 = arith.index_cast %add3A_384 : i32 to index
        %get3A_388 = arith.constant 0 : index
        %get3A_389 = tpu.vector_load %arg14[%get3A_387, %get3A_388] {strides = array<i32>} : memref<128x32xf32, #tpu.memory_space<vmem>>, vector<1x16xf32>,
        %get3A_390 = vector.shape_cast %get3A_389 : vector<1x16xf32> to vector<16xf32>
        %mul3A_391 = vector.broadcast %squeeze3A_386 : f32 to vector<16xf32>
        %mul3A_392 = arith.mulf %get3A_390, %mul3A_391 : vector<16xf32>
        %swap3A_393 = arith.index_cast %add3A_384 : i32 to index
        %swap3A_394 = arith.constant 0 : index
        %swap3A_395 = tpu.vector_load %arg14[%swap3A_393, %swap3A_394] {strides = array<i32>} : memref<128x32xf32, #tpu.memory_space<vmem>>, vector<1x16xf32>,
        %swap3A_396 = vector.shape_cast %swap3A_395 : vector<1x16xf32> to vector<16xf32>
        %swap3A_397 = vector.shape_cast %mul3A_392 : vector<16xf32> to vector<1x16xf32>
        tpu.vector_store %arg14[%swap3A_393, %swap3A_394], %swap3A_397 {strides = array<i32>} : memref<128x32xf32, #tpu.memory_space<vmem>>, vector<1x16xf32>,
        %get3A_398 = arith.index_cast %add3A_384 : i32 to index
        %get3A_399 = arith.constant 16 : index
        %get3A_400 = tpu.vector_load %arg14[%get3A_398, %get3A_399] {strides = array<i32>} : memref<128x32xf32, #tpu.memory_space<vmem>>, vector<1x16xf32>,
        %get3A_401 = vector.shape_cast %get3A_400 : vector<1x16xf32> to vector<16xf32>
        %mul3A_402 = vector.broadcast %squeeze3A_386 : f32 to vector<16xf32>
        %mul3A_403 = arith.mulf %get3A_401, %mul3A_402 : vector<16xf32>
        %swap3A_404 = arith.index_cast %add3A_384 : i32 to index
        %swap3A_405 = arith.constant 16 : index
        %swap3A_406 = tpu.vector_load %arg14[%swap3A_404, %swap3A_405] {strides = array<i32>} : memref<128x32xf32, #tpu.memory_space<vmem>>, vector<1x16xf32>,
        %swap3A_407 = vector.shape_cast %swap3A_406 : vector<1x16xf32> to vector<16xf32>
        %swap3A_408 = vector.shape_cast %mul3A_403 : vector<16xf32> to vector<1x16xf32>
        tpu.vector_store %arg14[%swap3A_404, %swap3A_405], %swap3A_408 {strides = array<i32>} : memref<128x32xf32, #tpu.memory_space<vmem>>, vector<1x16xf32>,
        %mul3A_409 = arith.constant 16 : i32
        %mul3A_410 = arith.muli %scan3A_73, %mul3A_409 : i32
        %add3A_411 = arith.constant 11 : i32
        %add3A_412 = arith.addi %mul3A_410, %add3A_411 : i32
        %slice3A_413 = vector.extract_strided_slice %get3A_102 {offsets = [11], sizes = [1], strides = [1]} : vector<16xf32> to vector<1xf32>
        %squeeze3A_414 = vector.extract %slice3A_413[0] : f32 from vector<1xf32>
        %get3A_415 = arith.index_cast %add3A_412 : i32 to index
        %get3A_416 = arith.constant 0 : index
        %get3A_417 = tpu.vector_load %arg14[%get3A_415, %get3A_416] {strides = array<i32>} : memref<128x32xf32, #tpu.memory_space<vmem>>, vector<1x16xf32>,
        %get3A_418 = vector.shape_cast %get3A_417 : vector<1x16xf32> to vector<16xf32>
        %mul3A_419 = vector.broadcast %squeeze3A_414 : f32 to vector<16xf32>
        %mul3A_420 = arith.mulf %get3A_418, %mul3A_419 : vector<16xf32>
        %swap3A_421 = arith.index_cast %add3A_412 : i32 to index
        %swap3A_422 = arith.constant 0 : index
        %swap3A_423 = tpu.vector_load %arg14[%swap3A_421, %swap3A_422] {strides = array<i32>} : memref<128x32xf32, #tpu.memory_space<vmem>>, vector<1x16xf32>,
        %swap3A_424 = vector.shape_cast %swap3A_423 : vector<1x16xf32> to vector<16xf32>
        %swap3A_425 = vector.shape_cast %mul3A_420 : vector<16xf32> to vector<1x16xf32>
        tpu.vector_store %arg14[%swap3A_421, %swap3A_422], %swap3A_425 {strides = array<i32>} : memref<128x32xf32, #tpu.memory_space<vmem>>, vector<1x16xf32>,
        %get3A_426 = arith.index_cast %add3A_412 : i32 to index
        %get3A_427 = arith.constant 16 : index
        %get3A_428 = tpu.vector_load %arg14[%get3A_426, %get3A_427] {strides = array<i32>} : memref<128x32xf32, #tpu.memory_space<vmem>>, vector<1x16xf32>,
        %get3A_429 = vector.shape_cast %get3A_428 : vector<1x16xf32> to vector<16xf32>
        %mul3A_430 = vector.broadcast %squeeze3A_414 : f32 to vector<16xf32>
        %mul3A_431 = arith.mulf %get3A_429, %mul3A_430 : vector<16xf32>
        %swap3A_432 = arith.index_cast %add3A_412 : i32 to index
        %swap3A_433 = arith.constant 16 : index
        %swap3A_434 = tpu.vector_load %arg14[%swap3A_432, %swap3A_433] {strides = array<i32>} : memref<128x32xf32, #tpu.memory_space<vmem>>, vector<1x16xf32>,
        %swap3A_435 = vector.shape_cast %swap3A_434 : vector<1x16xf32> to vector<16xf32>
        %swap3A_436 = vector.shape_cast %mul3A_431 : vector<16xf32> to vector<1x16xf32>
        tpu.vector_store %arg14[%swap3A_432, %swap3A_433], %swap3A_436 {strides = array<i32>} : memref<128x32xf32, #tpu.memory_space<vmem>>, vector<1x16xf32>,
        %mul3A_437 = arith.constant 16 : i32
        %mul3A_438 = arith.muli %scan3A_73, %mul3A_437 : i32
        %add3A_439 = arith.constant 12 : i32
        %add3A_440 = arith.addi %mul3A_438, %add3A_439 : i32
        %slice3A_441 = vector.extract_strided_slice %get3A_102 {offsets = [12], sizes = [1], strides = [1]} : vector<16xf32> to vector<1xf32>
        %squeeze3A_442 = vector.extract %slice3A_441[0] : f32 from vector<1xf32>
        %get3A_443 = arith.index_cast %add3A_440 : i32 to index
        %get3A_444 = arith.constant 0 : index
        %get3A_445 = tpu.vector_load %arg14[%get3A_443, %get3A_444] {strides = array<i32>} : memref<128x32xf32, #tpu.memory_space<vmem>>, vector<1x16xf32>,
        %get3A_446 = vector.shape_cast %get3A_445 : vector<1x16xf32> to vector<16xf32>
        %mul3A_447 = vector.broadcast %squeeze3A_442 : f32 to vector<16xf32>
        %mul3A_448 = arith.mulf %get3A_446, %mul3A_447 : vector<16xf32>
        %swap3A_449 = arith.index_cast %add3A_440 : i32 to index
        %swap3A_450 = arith.constant 0 : index
        %swap3A_451 = tpu.vector_load %arg14[%swap3A_449, %swap3A_450] {strides = array<i32>} : memref<128x32xf32, #tpu.memory_space<vmem>>, vector<1x16xf32>,
        %swap3A_452 = vector.shape_cast %swap3A_451 : vector<1x16xf32> to vector<16xf32>
        %swap3A_453 = vector.shape_cast %mul3A_448 : vector<16xf32> to vector<1x16xf32>
        tpu.vector_store %arg14[%swap3A_449, %swap3A_450], %swap3A_453 {strides = array<i32>} : memref<128x32xf32, #tpu.memory_space<vmem>>, vector<1x16xf32>,
        %get3A_454 = arith.index_cast %add3A_440 : i32 to index
        %get3A_455 = arith.constant 16 : index
        %get3A_456 = tpu.vector_load %arg14[%get3A_454, %get3A_455] {strides = array<i32>} : memref<128x32xf32, #tpu.memory_space<vmem>>, vector<1x16xf32>,
        %get3A_457 = vector.shape_cast %get3A_456 : vector<1x16xf32> to vector<16xf32>
        %mul3A_458 = vector.broadcast %squeeze3A_442 : f32 to vector<16xf32>
        %mul3A_459 = arith.mulf %get3A_457, %mul3A_458 : vector<16xf32>
        %swap3A_460 = arith.index_cast %add3A_440 : i32 to index
        %swap3A_461 = arith.constant 16 : index
        %swap3A_462 = tpu.vector_load %arg14[%swap3A_460, %swap3A_461] {strides = array<i32>} : memref<128x32xf32, #tpu.memory_space<vmem>>, vector<1x16xf32>,
        %swap3A_463 = vector.shape_cast %swap3A_462 : vector<1x16xf32> to vector<16xf32>
        %swap3A_464 = vector.shape_cast %mul3A_459 : vector<16xf32> to vector<1x16xf32>
        tpu.vector_store %arg14[%swap3A_460, %swap3A_461], %swap3A_464 {strides = array<i32>} : memref<128x32xf32, #tpu.memory_space<vmem>>, vector<1x16xf32>,
        %mul3A_465 = arith.constant 16 : i32
        %mul3A_466 = arith.muli %scan3A_73, %mul3A_465 : i32
        %add3A_467 = arith.constant 13 : i32
        %add3A_468 = arith.addi %mul3A_466, %add3A_467 : i32
        %slice3A_469 = vector.extract_strided_slice %get3A_102 {offsets = [13], sizes = [1], strides = [1]} : vector<16xf32> to vector<1xf32>
        %squeeze3A_470 = vector.extract %slice3A_469[0] : f32 from vector<1xf32>
        %get3A_471 = arith.index_cast %add3A_468 : i32 to index
        %get3A_472 = arith.constant 0 : index
        %get3A_473 = tpu.vector_load %arg14[%get3A_471, %get3A_472] {strides = array<i32>} : memref<128x32xf32, #tpu.memory_space<vmem>>, vector<1x16xf32>,
        %get3A_474 = vector.shape_cast %get3A_473 : vector<1x16xf32> to vector<16xf32>
        %mul3A_475 = vector.broadcast %squeeze3A_470 : f32 to vector<16xf32>
        %mul3A_476 = arith.mulf %get3A_474, %mul3A_475 : vector<16xf32>
        %swap3A_477 = arith.index_cast %add3A_468 : i32 to index
        %swap3A_478 = arith.constant 0 : index
        %swap3A_479 = tpu.vector_load %arg14[%swap3A_477, %swap3A_478] {strides = array<i32>} : memref<128x32xf32, #tpu.memory_space<vmem>>, vector<1x16xf32>,
        %swap3A_480 = vector.shape_cast %swap3A_479 : vector<1x16xf32> to vector<16xf32>
        %swap3A_481 = vector.shape_cast %mul3A_476 : vector<16xf32> to vector<1x16xf32>
        tpu.vector_store %arg14[%swap3A_477, %swap3A_478], %swap3A_481 {strides = array<i32>} : memref<128x32xf32, #tpu.memory_space<vmem>>, vector<1x16xf32>,
        %get3A_482 = arith.index_cast %add3A_468 : i32 to index
        %get3A_483 = arith.constant 16 : index
        %get3A_484 = tpu.vector_load %arg14[%get3A_482, %get3A_483] {strides = array<i32>} : memref<128x32xf32, #tpu.memory_space<vmem>>, vector<1x16xf32>,
        %get3A_485 = vector.shape_cast %get3A_484 : vector<1x16xf32> to vector<16xf32>
        %mul3A_486 = vector.broadcast %squeeze3A_470 : f32 to vector<16xf32>
        %mul3A_487 = arith.mulf %get3A_485, %mul3A_486 : vector<16xf32>
        %swap3A_488 = arith.index_cast %add3A_468 : i32 to index
        %swap3A_489 = arith.constant 16 : index
        %swap3A_490 = tpu.vector_load %arg14[%swap3A_488, %swap3A_489] {strides = array<i32>} : memref<128x32xf32, #tpu.memory_space<vmem>>, vector<1x16xf32>,
        %swap3A_491 = vector.shape_cast %swap3A_490 : vector<1x16xf32> to vector<16xf32>
        %swap3A_492 = vector.shape_cast %mul3A_487 : vector<16xf32> to vector<1x16xf32>
        tpu.vector_store %arg14[%swap3A_488, %swap3A_489], %swap3A_492 {strides = array<i32>} : memref<128x32xf32, #tpu.memory_space<vmem>>, vector<1x16xf32>,
        %mul3A_493 = arith.constant 16 : i32
        %mul3A_494 = arith.muli %scan3A_73, %mul3A_493 : i32
        %add3A_495 = arith.constant 14 : i32
        %add3A_496 = arith.addi %mul3A_494, %add3A_495 : i32
        %slice3A_497 = vector.extract_strided_slice %get3A_102 {offsets = [14], sizes = [1], strides = [1]} : vector<16xf32> to vector<1xf32>
        %squeeze3A_498 = vector.extract %slice3A_497[0] : f32 from vector<1xf32>
        %get3A_499 = arith.index_cast %add3A_496 : i32 to index
        %get3A_500 = arith.constant 0 : index
        %get3A_501 = tpu.vector_load %arg14[%get3A_499, %get3A_500] {strides = array<i32>} : memref<128x32xf32, #tpu.memory_space<vmem>>, vector<1x16xf32>,
        %get3A_502 = vector.shape_cast %get3A_501 : vector<1x16xf32> to vector<16xf32>
        %mul3A_503 = vector.broadcast %squeeze3A_498 : f32 to vector<16xf32>
        %mul3A_504 = arith.mulf %get3A_502, %mul3A_503 : vector<16xf32>
        %swap3A_505 = arith.index_cast %add3A_496 : i32 to index
        %swap3A_506 = arith.constant 0 : index
        %swap3A_507 = tpu.vector_load %arg14[%swap3A_505, %swap3A_506] {strides = array<i32>} : memref<128x32xf32, #tpu.memory_space<vmem>>, vector<1x16xf32>,
        %swap3A_508 = vector.shape_cast %swap3A_507 : vector<1x16xf32> to vector<16xf32>
        %swap3A_509 = vector.shape_cast %mul3A_504 : vector<16xf32> to vector<1x16xf32>
        tpu.vector_store %arg14[%swap3A_505, %swap3A_506], %swap3A_509 {strides = array<i32>} : memref<128x32xf32, #tpu.memory_space<vmem>>, vector<1x16xf32>,
        %get3A_510 = arith.index_cast %add3A_496 : i32 to index
        %get3A_511 = arith.constant 16 : index
        %get3A_512 = tpu.vector_load %arg14[%get3A_510, %get3A_511] {strides = array<i32>} : memref<128x32xf32, #tpu.memory_space<vmem>>, vector<1x16xf32>,
        %get3A_513 = vector.shape_cast %get3A_512 : vector<1x16xf32> to vector<16xf32>
        %mul3A_514 = vector.broadcast %squeeze3A_498 : f32 to vector<16xf32>
        %mul3A_515 = arith.mulf %get3A_513, %mul3A_514 : vector<16xf32>
        %swap3A_516 = arith.index_cast %add3A_496 : i32 to index
        %swap3A_517 = arith.constant 16 : index
        %swap3A_518 = tpu.vector_load %arg14[%swap3A_516, %swap3A_517] {strides = array<i32>} : memref<128x32xf32, #tpu.memory_space<vmem>>, vector<1x16xf32>,
        %swap3A_519 = vector.shape_cast %swap3A_518 : vector<1x16xf32> to vector<16xf32>
        %swap3A_520 = vector.shape_cast %mul3A_515 : vector<16xf32> to vector<1x16xf32>
        tpu.vector_store %arg14[%swap3A_516, %swap3A_517], %swap3A_520 {strides = array<i32>} : memref<128x32xf32, #tpu.memory_space<vmem>>, vector<1x16xf32>,
        %mul3A_521 = arith.constant 16 : i32
        %mul3A_522 = arith.muli %scan3A_73, %mul3A_521 : i32
        %add3A_523 = arith.constant 15 : i32
        %add3A_524 = arith.addi %mul3A_522, %add3A_523 : i32
        %slice3A_525 = vector.extract_strided_slice %get3A_102 {offsets = [15], sizes = [1], strides = [1]} : vector<16xf32> to vector<1xf32>
        %squeeze3A_526 = vector.extract %slice3A_525[0] : f32 from vector<1xf32>
        %get3A_527 = arith.index_cast %add3A_524 : i32 to index
        %get3A_528 = arith.constant 0 : index
        %get3A_529 = tpu.vector_load %arg14[%get3A_527, %get3A_528] {strides = array<i32>} : memref<128x32xf32, #tpu.memory_space<vmem>>, vector<1x16xf32>,
        %get3A_530 = vector.shape_cast %get3A_529 : vector<1x16xf32> to vector<16xf32>
        %mul3A_531 = vector.broadcast %squeeze3A_526 : f32 to vector<16xf32>
        %mul3A_532 = arith.mulf %get3A_530, %mul3A_531 : vector<16xf32>
        %swap3A_533 = arith.index_cast %add3A_524 : i32 to index
        %swap3A_534 = arith.constant 0 : index
        %swap3A_535 = tpu.vector_load %arg14[%swap3A_533, %swap3A_534] {strides = array<i32>} : memref<128x32xf32, #tpu.memory_space<vmem>>, vector<1x16xf32>,
        %swap3A_536 = vector.shape_cast %swap3A_535 : vector<1x16xf32> to vector<16xf32>
        %swap3A_537 = vector.shape_cast %mul3A_532 : vector<16xf32> to vector<1x16xf32>
        tpu.vector_store %arg14[%swap3A_533, %swap3A_534], %swap3A_537 {strides = array<i32>} : memref<128x32xf32, #tpu.memory_space<vmem>>, vector<1x16xf32>,
        %get3A_538 = arith.index_cast %add3A_524 : i32 to index
        %get3A_539 = arith.constant 16 : index
        %get3A_540 = tpu.vector_load %arg14[%get3A_538, %get3A_539] {strides = array<i32>} : memref<128x32xf32, #tpu.memory_space<vmem>>, vector<1x16xf32>,
        %get3A_541 = vector.shape_cast %get3A_540 : vector<1x16xf32> to vector<16xf32>
        %mul3A_542 = vector.broadcast %squeeze3A_526 : f32 to vector<16xf32>
        %mul3A_543 = arith.mulf %get3A_541, %mul3A_542 : vector<16xf32>
        %swap3A_544 = arith.index_cast %add3A_524 : i32 to index
        %swap3A_545 = arith.constant 16 : index
        %swap3A_546 = tpu.vector_load %arg14[%swap3A_544, %swap3A_545] {strides = array<i32>} : memref<128x32xf32, #tpu.memory_space<vmem>>, vector<1x16xf32>,
        %swap3A_547 = vector.shape_cast %swap3A_546 : vector<1x16xf32> to vector<16xf32>
        %swap3A_548 = vector.shape_cast %mul3A_543 : vector<16xf32> to vector<1x16xf32>
        tpu.vector_store %arg14[%swap3A_544, %swap3A_545], %swap3A_548 {strides = array<i32>} : memref<128x32xf32, #tpu.memory_space<vmem>>, vector<1x16xf32>,
        %scan3A_549 = arith.constant 0 : i32
        scf.yield %scan3A_549 : i32
      }
      %scan3A_72 = arith.constant 8 : i32
      %run_scoped3A = arith.constant 0 : i32
      "tpu.region"() ({
        %run_scoped3A_73 = tpu.sem_alloc : memref<!tpu.dma_semaphore, #tpu.memory_space<semaphore_mem>>
        %dma_start3A_74 = arith.constant 0 : i32
        %dma_start3A_75 = tpu.memref_slice %arg11[%run_scoped3A, %dma_start3A_74] : memref<1x128xi32, #tpu.memory_space<vmem>> -> memref<1x128xi32, #tpu.memory_space<vmem>>
        %dma_start3A_76 = tpu.memref_squeeze %dma_start3A_75 : memref<1x128xi32, #tpu.memory_space<vmem>> -> memref<128xi32, #tpu.memory_space<vmem>>
        %dma_start3A_77 = arith.constant 0 : i32
        %dma_start3A_78 = arith.constant 0 : i32
        %dma_start3A_79 = tpu.memref_slice %arg9[%dma_start3A_77, %dma_start3A_78] : memref<50008x32xf32, #tpu.memory_space<vmem_shared>> -> memref<50008x32xf32, #tpu.memory_space<vmem_shared>>
        tpu.enqueue_indirect_dma source(%arg14 : memref<128x32xf32, #tpu.memory_space<vmem>>) target(%dma_start3A_79 : memref<50008x32xf32, #tpu.memory_space<vmem_shared>>) offsets(%dma_start3A_76 : memref<128xi32, #tpu.memory_space<vmem>>) semaphore(%run_scoped3A_73 : memref<!tpu.dma_semaphore, #tpu.memory_space<semaphore_mem>>) {add = true}
        %dma_wait3A_80 = arith.constant 0 : i32
        %dma_wait3A_81 = tpu.memref_slice %arg11[%run_scoped3A, %dma_wait3A_80] : memref<1x128xi32, #tpu.memory_space<vmem>> -> memref<1x128xi32, #tpu.memory_space<vmem>>
        %dma_wait3A_82 = tpu.memref_squeeze %dma_wait3A_81 : memref<1x128xi32, #tpu.memory_space<vmem>> -> memref<128xi32, #tpu.memory_space<vmem>>
        %dma_wait3A_83 = arith.constant 0 : i32
        %dma_wait3A_84 = arith.constant 0 : i32
        %dma_wait3A_85 = tpu.memref_slice %arg9[%dma_wait3A_83, %dma_wait3A_84] : memref<50008x32xf32, #tpu.memory_space<vmem_shared>> -> memref<50008x32xf32, #tpu.memory_space<vmem_shared>>
        tpu.wait_indirect_dma semaphore(%run_scoped3A_73 : memref<!tpu.dma_semaphore, #tpu.memory_space<semaphore_mem>>) src(%arg14 : memref<128x32xf32, #tpu.memory_space<vmem>>) dst(%dma_wait3A_85 : memref<50008x32xf32, #tpu.memory_space<vmem_shared>>)
        tpu.yield
      }) : () -> ()
    }
    %while3A_40 = arith.constant 1 : i32
    scf.for %while3A_54 = %while3A_38 to %while3A_34 step %while3A_40  : i32 {
      "tpu.region"() ({
        %run_scoped3A_73 = tpu.sem_alloc : memref<!tpu.dma_semaphore, #tpu.memory_space<semaphore_mem>>
        %dma_start3A_74 = arith.constant 0 : i32
        %dma_start3A_75 = arith.constant 0 : i32
        %dma_start3A_76 = tpu.memref_slice %arg4[%while3A_54, %dma_start3A_74, %dma_start3A_75] : memref<12500x1x128xi32, #tpu.memory_space<hbm>> -> memref<1x1x128xi32, #tpu.memory_space<hbm>>
        %dma_start3A_77 = tpu.memref_squeeze %dma_start3A_76 : memref<1x1x128xi32, #tpu.memory_space<hbm>> -> memref<1x128xi32, #tpu.memory_space<hbm>>
        %dma_start3A_78 = arith.constant 0 : i32
        %dma_start3A_79 = arith.constant 0 : i32
        %dma_start3A_80 = tpu.memref_slice %arg4[%while3A_54, %dma_start3A_78, %dma_start3A_79] : memref<12500x1x128xi32, #tpu.memory_space<hbm>> -> memref<1x1x128xi32, #tpu.memory_space<hbm>>
        %dma_start3A_81 = tpu.memref_squeeze %dma_start3A_80 : memref<1x1x128xi32, #tpu.memory_space<hbm>> -> memref<1x128xi32, #tpu.memory_space<hbm>>
        tpu.enqueue_dma source(%dma_start3A_81 : memref<1x128xi32, #tpu.memory_space<hbm>>) target(%arg10 : memref<1x128xi32, #tpu.memory_space<vmem>>) target_semaphore(%run_scoped3A_73 : memref<!tpu.dma_semaphore, #tpu.memory_space<semaphore_mem>>)
        %dma_wait3A_82 = arith.constant 0 : i32
        %dma_wait3A_83 = arith.constant 0 : i32
        %dma_wait3A_84 = tpu.memref_slice %arg4[%while3A_54, %dma_wait3A_82, %dma_wait3A_83] : memref<12500x1x128xi32, #tpu.memory_space<hbm>> -> memref<1x1x128xi32, #tpu.memory_space<hbm>>
        %dma_wait3A_85 = tpu.memref_squeeze %dma_wait3A_84 : memref<1x1x128xi32, #tpu.memory_space<hbm>> -> memref<1x128xi32, #tpu.memory_space<hbm>>
        %dma_wait3A_86 = arith.constant 0 : i32
        %dma_wait3A_87 = arith.constant 0 : i32
        %dma_wait3A_88 = tpu.memref_slice %arg4[%while3A_54, %dma_wait3A_86, %dma_wait3A_87] : memref<12500x1x128xi32, #tpu.memory_space<hbm>> -> memref<1x1x128xi32, #tpu.memory_space<hbm>>
        %dma_wait3A_89 = tpu.memref_squeeze %dma_wait3A_88 : memref<1x1x128xi32, #tpu.memory_space<hbm>> -> memref<1x128xi32, #tpu.memory_space<hbm>>
        tpu.wait_dma2 semaphore(%run_scoped3A_73 : memref<!tpu.dma_semaphore, #tpu.memory_space<semaphore_mem>>) src(%dma_wait3A_89 : memref<1x128xi32, #tpu.memory_space<hbm>>) dst(%arg10 : memref<1x128xi32, #tpu.memory_space<vmem>>)
        tpu.yield
      }) : () -> ()
      "tpu.region"() ({
        %run_scoped3A_73 = tpu.sem_alloc : memref<!tpu.dma_semaphore, #tpu.memory_space<semaphore_mem>>
        %dma_start3A_74 = arith.constant 0 : i32
        %dma_start3A_75 = arith.constant 0 : i32
        %dma_start3A_76 = tpu.memref_slice %arg5[%while3A_54, %dma_start3A_74, %dma_start3A_75] : memref<12500x1x128xi32, #tpu.memory_space<hbm>> -> memref<1x1x128xi32, #tpu.memory_space<hbm>>
        %dma_start3A_77 = tpu.memref_squeeze %dma_start3A_76 : memref<1x1x128xi32, #tpu.memory_space<hbm>> -> memref<1x128xi32, #tpu.memory_space<hbm>>
        %dma_start3A_78 = arith.constant 0 : i32
        %dma_start3A_79 = arith.constant 0 : i32
        %dma_start3A_80 = tpu.memref_slice %arg5[%while3A_54, %dma_start3A_78, %dma_start3A_79] : memref<12500x1x128xi32, #tpu.memory_space<hbm>> -> memref<1x1x128xi32, #tpu.memory_space<hbm>>
        %dma_start3A_81 = tpu.memref_squeeze %dma_start3A_80 : memref<1x1x128xi32, #tpu.memory_space<hbm>> -> memref<1x128xi32, #tpu.memory_space<hbm>>
        tpu.enqueue_dma source(%dma_start3A_81 : memref<1x128xi32, #tpu.memory_space<hbm>>) target(%arg12 : memref<1x128xi32, #tpu.memory_space<vmem>>) target_semaphore(%run_scoped3A_73 : memref<!tpu.dma_semaphore, #tpu.memory_space<semaphore_mem>>)
        %dma_wait3A_82 = arith.constant 0 : i32
        %dma_wait3A_83 = arith.constant 0 : i32
        %dma_wait3A_84 = tpu.memref_slice %arg5[%while3A_54, %dma_wait3A_82, %dma_wait3A_83] : memref<12500x1x128xi32, #tpu.memory_space<hbm>> -> memref<1x1x128xi32, #tpu.memory_space<hbm>>
        %dma_wait3A_85 = tpu.memref_squeeze %dma_wait3A_84 : memref<1x1x128xi32, #tpu.memory_space<hbm>> -> memref<1x128xi32, #tpu.memory_space<hbm>>
        %dma_wait3A_86 = arith.constant 0 : i32
        %dma_wait3A_87 = arith.constant 0 : i32
        %dma_wait3A_88 = tpu.memref_slice %arg5[%while3A_54, %dma_wait3A_86, %dma_wait3A_87] : memref<12500x1x128xi32, #tpu.memory_space<hbm>> -> memref<1x1x128xi32, #tpu.memory_space<hbm>>
        %dma_wait3A_89 = tpu.memref_squeeze %dma_wait3A_88 : memref<1x1x128xi32, #tpu.memory_space<hbm>> -> memref<1x128xi32, #tpu.memory_space<hbm>>
        tpu.wait_dma2 semaphore(%run_scoped3A_73 : memref<!tpu.dma_semaphore, #tpu.memory_space<semaphore_mem>>) src(%dma_wait3A_89 : memref<1x128xi32, #tpu.memory_space<hbm>>) dst(%arg12 : memref<1x128xi32, #tpu.memory_space<vmem>>)
        tpu.yield
      }) : () -> ()
      "tpu.region"() ({
        %run_scoped3A_73 = tpu.sem_alloc : memref<!tpu.dma_semaphore, #tpu.memory_space<semaphore_mem>>
        %dma_start3A_74 = arith.constant 0 : i32
        %dma_start3A_75 = arith.constant 0 : i32
        %dma_start3A_76 = tpu.memref_slice %arg6[%while3A_54, %dma_start3A_74, %dma_start3A_75] : memref<12500x1x128xf32, #tpu.memory_space<hbm>> -> memref<1x1x128xf32, #tpu.memory_space<hbm>>
        %dma_start3A_77 = tpu.memref_squeeze %dma_start3A_76 : memref<1x1x128xf32, #tpu.memory_space<hbm>> -> memref<1x128xf32, #tpu.memory_space<hbm>>
        %dma_start3A_78 = arith.constant 0 : i32
        %dma_start3A_79 = arith.constant 0 : i32
        %dma_start3A_80 = tpu.memref_slice %arg6[%while3A_54, %dma_start3A_78, %dma_start3A_79] : memref<12500x1x128xf32, #tpu.memory_space<hbm>> -> memref<1x1x128xf32, #tpu.memory_space<hbm>>
        %dma_start3A_81 = tpu.memref_squeeze %dma_start3A_80 : memref<1x1x128xf32, #tpu.memory_space<hbm>> -> memref<1x128xf32, #tpu.memory_space<hbm>>
        tpu.enqueue_dma source(%dma_start3A_81 : memref<1x128xf32, #tpu.memory_space<hbm>>) target(%arg13 : memref<1x128xf32, #tpu.memory_space<vmem>>) target_semaphore(%run_scoped3A_73 : memref<!tpu.dma_semaphore, #tpu.memory_space<semaphore_mem>>)
        %dma_wait3A_82 = arith.constant 0 : i32
        %dma_wait3A_83 = arith.constant 0 : i32
        %dma_wait3A_84 = tpu.memref_slice %arg6[%while3A_54, %dma_wait3A_82, %dma_wait3A_83] : memref<12500x1x128xf32, #tpu.memory_space<hbm>> -> memref<1x1x128xf32, #tpu.memory_space<hbm>>
        %dma_wait3A_85 = tpu.memref_squeeze %dma_wait3A_84 : memref<1x1x128xf32, #tpu.memory_space<hbm>> -> memref<1x128xf32, #tpu.memory_space<hbm>>
        %dma_wait3A_86 = arith.constant 0 : i32
        %dma_wait3A_87 = arith.constant 0 : i32
        %dma_wait3A_88 = tpu.memref_slice %arg6[%while3A_54, %dma_wait3A_86, %dma_wait3A_87] : memref<12500x1x128xf32, #tpu.memory_space<hbm>> -> memref<1x1x128xf32, #tpu.memory_space<hbm>>
        %dma_wait3A_89 = tpu.memref_squeeze %dma_wait3A_88 : memref<1x1x128xf32, #tpu.memory_space<hbm>> -> memref<1x128xf32, #tpu.memory_space<hbm>>
        tpu.wait_dma2 semaphore(%run_scoped3A_73 : memref<!tpu.dma_semaphore, #tpu.memory_space<semaphore_mem>>) src(%dma_wait3A_89 : memref<1x128xf32, #tpu.memory_space<hbm>>) dst(%arg13 : memref<1x128xf32, #tpu.memory_space<vmem>>)
        tpu.yield
      }) : () -> ()
      %dma_start3A = arith.constant 0 : i32
      %dma_start3A_55 = arith.constant 0 : i32
      %dma_start3A_56 = tpu.memref_slice %arg10[%dma_start3A, %dma_start3A_55] : memref<1x128xi32, #tpu.memory_space<vmem>> -> memref<1x128xi32, #tpu.memory_space<vmem>>
      %dma_start3A_57 = tpu.memref_squeeze %dma_start3A_56 : memref<1x128xi32, #tpu.memory_space<vmem>> -> memref<128xi32, #tpu.memory_space<vmem>>
      %dma_start3A_58 = arith.constant 0 : i32
      %dma_start3A_59 = arith.constant 0 : i32
      %dma_start3A_60 = tpu.memref_slice %arg2[%dma_start3A_58, %dma_start3A_59] : memref<100000x32xf32, #tpu.memory_space<hbm>> -> memref<100000x32xf32, #tpu.memory_space<hbm>>
      tpu.enqueue_indirect_dma source(%dma_start3A_60 : memref<100000x32xf32, #tpu.memory_space<hbm>>) target(%arg14 : memref<128x32xf32, #tpu.memory_space<vmem>>) offsets(%dma_start3A_57 : memref<128xi32, #tpu.memory_space<vmem>>) semaphore(%arg17 : memref<!tpu.dma_semaphore, #tpu.memory_space<semaphore_mem>>)
      %dma_wait3A = arith.constant 0 : i32
      %dma_wait3A_61 = arith.constant 0 : i32
      %dma_wait3A_62 = tpu.memref_slice %arg10[%dma_wait3A, %dma_wait3A_61] : memref<1x128xi32, #tpu.memory_space<vmem>> -> memref<1x128xi32, #tpu.memory_space<vmem>>
      %dma_wait3A_63 = tpu.memref_squeeze %dma_wait3A_62 : memref<1x128xi32, #tpu.memory_space<vmem>> -> memref<128xi32, #tpu.memory_space<vmem>>
      %dma_wait3A_64 = arith.constant 0 : i32
      %dma_wait3A_65 = arith.constant 0 : i32
      %dma_wait3A_66 = tpu.memref_slice %arg2[%dma_wait3A_64, %dma_wait3A_65] : memref<100000x32xf32, #tpu.memory_space<hbm>> -> memref<100000x32xf32, #tpu.memory_space<hbm>>
      tpu.wait_indirect_dma semaphore(%arg17 : memref<!tpu.dma_semaphore, #tpu.memory_space<semaphore_mem>>) src(%dma_wait3A_66 : memref<100000x32xf32, #tpu.memory_space<hbm>>) dst(%arg14 : memref<128x32xf32, #tpu.memory_space<vmem>>)
      %scan3A = arith.constant 0 : i32
      %scan3A_67 = arith.constant 0 : i32
      %scan3A_68 = arith.constant 8 : i32
      %scan3A_69 = arith.addi %scan3A_67, %scan3A_68 : i32
      %scan3A_70 = arith.constant 1 : i32
      %scan3A_71 = scf.for %scan3A_73 = %scan3A_67 to %scan3A_69 step %scan3A_70 iter_args(%scan3A_74 = %scan3A) -> (i32)  : i32 {
        %mul3A_75 = arith.constant 16 : i32
        %mul3A_76 = arith.muli %scan3A_73, %mul3A_75 : i32
        %get3A = arith.constant 0 : i32
        %get3A_77 = arith.index_cast %get3A : i32 to index
        %get3A_78 = arith.index_cast %mul3A_76 : i32 to index
        %get3A_79 = tpu.vector_load %arg12[%get3A_77, %get3A_78] {strides = array<i32>} : memref<1x128xi32, #tpu.memory_space<vmem>>, vector<1x16xi32>,
        %get3A_80 = vector.shape_cast %get3A_79 : vector<1x16xi32> to vector<16xi32>
        %sub3A = vector.broadcast %mul3A_0 : i32 to vector<16xi32>
        %sub3A_81 = arith.subi %get3A_80, %sub3A : vector<16xi32>
        %ge3A = arith.constant 0 : i32
        %ge3A_82 = vector.broadcast %ge3A : i32 to vector<16xi32>
        %ge3A_83 = arith.cmpi sge, %sub3A_81, %ge3A_82 : vector<16xi32>
        %lt3A_84 = arith.constant 50000 : i32
        %lt3A_85 = vector.broadcast %lt3A_84 : i32 to vector<16xi32>
        %lt3A_86 = arith.cmpi slt, %sub3A_81, %lt3A_85 : vector<16xi32>
        %and3A = arith.andi %ge3A_83, %lt3A_86 : vector<16xi1>
        %jit3A_87 = arith.constant 50000 : i32
        %broadcast_in_dim3A = vector.broadcast %jit3A_87 : i32 to vector<16xi32>
        %select_n3A_88 = arith.select %and3A, %sub3A_81, %broadcast_in_dim3A : vector<16xi1>, vector<16xi32>
        %mul3A_89 = arith.constant 16 : i32
        %mul3A_90 = arith.muli %scan3A_73, %mul3A_89 : i32
        %swap3A = arith.constant 0 : i32
        %swap3A_91 = arith.index_cast %swap3A : i32 to index
        %swap3A_92 = arith.index_cast %mul3A_90 : i32 to index
        %swap3A_93 = tpu.vector_load %arg11[%swap3A_91, %swap3A_92] {strides = array<i32>} : memref<1x128xi32, #tpu.memory_space<vmem>>, vector<1x16xi32>,
        %swap3A_94 = vector.shape_cast %swap3A_93 : vector<1x16xi32> to vector<16xi32>
        %swap3A_95 = vector.shape_cast %select_n3A_88 : vector<16xi32> to vector<1x16xi32>
        tpu.vector_store %arg11[%swap3A_91, %swap3A_92], %swap3A_95 {strides = array<i32>} : memref<1x128xi32, #tpu.memory_space<vmem>>, vector<1x16xi32>,
        %mul3A_96 = arith.constant 16 : i32
        %mul3A_97 = arith.muli %scan3A_73, %mul3A_96 : i32
        %get3A_98 = arith.constant 0 : i32
        %get3A_99 = arith.index_cast %get3A_98 : i32 to index
        %get3A_100 = arith.index_cast %mul3A_97 : i32 to index
        %get3A_101 = tpu.vector_load %arg13[%get3A_99, %get3A_100] {strides = array<i32>} : memref<1x128xf32, #tpu.memory_space<vmem>>, vector<1x16xf32>,
        %get3A_102 = vector.shape_cast %get3A_101 : vector<1x16xf32> to vector<16xf32>
        %mul3A_103 = arith.constant 16 : i32
        %mul3A_104 = arith.muli %scan3A_73, %mul3A_103 : i32
        %add3A_105 = arith.constant 0 : i32
        %add3A_106 = arith.addi %mul3A_104, %add3A_105 : i32
        %slice3A = vector.extract_strided_slice %get3A_102 {offsets = [0], sizes = [1], strides = [1]} : vector<16xf32> to vector<1xf32>
        %squeeze3A = vector.extract %slice3A[0] : f32 from vector<1xf32>
        %get3A_107 = arith.index_cast %add3A_106 : i32 to index
        %get3A_108 = arith.constant 0 : index
        %get3A_109 = tpu.vector_load %arg14[%get3A_107, %get3A_108] {strides = array<i32>} : memref<128x32xf32, #tpu.memory_space<vmem>>, vector<1x16xf32>,
        %get3A_110 = vector.shape_cast %get3A_109 : vector<1x16xf32> to vector<16xf32>
        %mul3A_111 = vector.broadcast %squeeze3A : f32 to vector<16xf32>
        %mul3A_112 = arith.mulf %get3A_110, %mul3A_111 : vector<16xf32>
        %swap3A_113 = arith.index_cast %add3A_106 : i32 to index
        %swap3A_114 = arith.constant 0 : index
        %swap3A_115 = tpu.vector_load %arg14[%swap3A_113, %swap3A_114] {strides = array<i32>} : memref<128x32xf32, #tpu.memory_space<vmem>>, vector<1x16xf32>,
        %swap3A_116 = vector.shape_cast %swap3A_115 : vector<1x16xf32> to vector<16xf32>
        %swap3A_117 = vector.shape_cast %mul3A_112 : vector<16xf32> to vector<1x16xf32>
        tpu.vector_store %arg14[%swap3A_113, %swap3A_114], %swap3A_117 {strides = array<i32>} : memref<128x32xf32, #tpu.memory_space<vmem>>, vector<1x16xf32>,
        %get3A_118 = arith.index_cast %add3A_106 : i32 to index
        %get3A_119 = arith.constant 16 : index
        %get3A_120 = tpu.vector_load %arg14[%get3A_118, %get3A_119] {strides = array<i32>} : memref<128x32xf32, #tpu.memory_space<vmem>>, vector<1x16xf32>,
        %get3A_121 = vector.shape_cast %get3A_120 : vector<1x16xf32> to vector<16xf32>
        %mul3A_122 = vector.broadcast %squeeze3A : f32 to vector<16xf32>
        %mul3A_123 = arith.mulf %get3A_121, %mul3A_122 : vector<16xf32>
        %swap3A_124 = arith.index_cast %add3A_106 : i32 to index
        %swap3A_125 = arith.constant 16 : index
        %swap3A_126 = tpu.vector_load %arg14[%swap3A_124, %swap3A_125] {strides = array<i32>} : memref<128x32xf32, #tpu.memory_space<vmem>>, vector<1x16xf32>,
        %swap3A_127 = vector.shape_cast %swap3A_126 : vector<1x16xf32> to vector<16xf32>
        %swap3A_128 = vector.shape_cast %mul3A_123 : vector<16xf32> to vector<1x16xf32>
        tpu.vector_store %arg14[%swap3A_124, %swap3A_125], %swap3A_128 {strides = array<i32>} : memref<128x32xf32, #tpu.memory_space<vmem>>, vector<1x16xf32>,
        %mul3A_129 = arith.constant 16 : i32
        %mul3A_130 = arith.muli %scan3A_73, %mul3A_129 : i32
        %add3A_131 = arith.constant 1 : i32
        %add3A_132 = arith.addi %mul3A_130, %add3A_131 : i32
        %slice3A_133 = vector.extract_strided_slice %get3A_102 {offsets = [1], sizes = [1], strides = [1]} : vector<16xf32> to vector<1xf32>
        %squeeze3A_134 = vector.extract %slice3A_133[0] : f32 from vector<1xf32>
        %get3A_135 = arith.index_cast %add3A_132 : i32 to index
        %get3A_136 = arith.constant 0 : index
        %get3A_137 = tpu.vector_load %arg14[%get3A_135, %get3A_136] {strides = array<i32>} : memref<128x32xf32, #tpu.memory_space<vmem>>, vector<1x16xf32>,
        %get3A_138 = vector.shape_cast %get3A_137 : vector<1x16xf32> to vector<16xf32>
        %mul3A_139 = vector.broadcast %squeeze3A_134 : f32 to vector<16xf32>
        %mul3A_140 = arith.mulf %get3A_138, %mul3A_139 : vector<16xf32>
        %swap3A_141 = arith.index_cast %add3A_132 : i32 to index
        %swap3A_142 = arith.constant 0 : index
        %swap3A_143 = tpu.vector_load %arg14[%swap3A_141, %swap3A_142] {strides = array<i32>} : memref<128x32xf32, #tpu.memory_space<vmem>>, vector<1x16xf32>,
        %swap3A_144 = vector.shape_cast %swap3A_143 : vector<1x16xf32> to vector<16xf32>
        %swap3A_145 = vector.shape_cast %mul3A_140 : vector<16xf32> to vector<1x16xf32>
        tpu.vector_store %arg14[%swap3A_141, %swap3A_142], %swap3A_145 {strides = array<i32>} : memref<128x32xf32, #tpu.memory_space<vmem>>, vector<1x16xf32>,
        %get3A_146 = arith.index_cast %add3A_132 : i32 to index
        %get3A_147 = arith.constant 16 : index
        %get3A_148 = tpu.vector_load %arg14[%get3A_146, %get3A_147] {strides = array<i32>} : memref<128x32xf32, #tpu.memory_space<vmem>>, vector<1x16xf32>,
        %get3A_149 = vector.shape_cast %get3A_148 : vector<1x16xf32> to vector<16xf32>
        %mul3A_150 = vector.broadcast %squeeze3A_134 : f32 to vector<16xf32>
        %mul3A_151 = arith.mulf %get3A_149, %mul3A_150 : vector<16xf32>
        %swap3A_152 = arith.index_cast %add3A_132 : i32 to index
        %swap3A_153 = arith.constant 16 : index
        %swap3A_154 = tpu.vector_load %arg14[%swap3A_152, %swap3A_153] {strides = array<i32>} : memref<128x32xf32, #tpu.memory_space<vmem>>, vector<1x16xf32>,
        %swap3A_155 = vector.shape_cast %swap3A_154 : vector<1x16xf32> to vector<16xf32>
        %swap3A_156 = vector.shape_cast %mul3A_151 : vector<16xf32> to vector<1x16xf32>
        tpu.vector_store %arg14[%swap3A_152, %swap3A_153], %swap3A_156 {strides = array<i32>} : memref<128x32xf32, #tpu.memory_space<vmem>>, vector<1x16xf32>,
        %mul3A_157 = arith.constant 16 : i32
        %mul3A_158 = arith.muli %scan3A_73, %mul3A_157 : i32
        %add3A_159 = arith.constant 2 : i32
        %add3A_160 = arith.addi %mul3A_158, %add3A_159 : i32
        %slice3A_161 = vector.extract_strided_slice %get3A_102 {offsets = [2], sizes = [1], strides = [1]} : vector<16xf32> to vector<1xf32>
        %squeeze3A_162 = vector.extract %slice3A_161[0] : f32 from vector<1xf32>
        %get3A_163 = arith.index_cast %add3A_160 : i32 to index
        %get3A_164 = arith.constant 0 : index
        %get3A_165 = tpu.vector_load %arg14[%get3A_163, %get3A_164] {strides = array<i32>} : memref<128x32xf32, #tpu.memory_space<vmem>>, vector<1x16xf32>,
        %get3A_166 = vector.shape_cast %get3A_165 : vector<1x16xf32> to vector<16xf32>
        %mul3A_167 = vector.broadcast %squeeze3A_162 : f32 to vector<16xf32>
        %mul3A_168 = arith.mulf %get3A_166, %mul3A_167 : vector<16xf32>
        %swap3A_169 = arith.index_cast %add3A_160 : i32 to index
        %swap3A_170 = arith.constant 0 : index
        %swap3A_171 = tpu.vector_load %arg14[%swap3A_169, %swap3A_170] {strides = array<i32>} : memref<128x32xf32, #tpu.memory_space<vmem>>, vector<1x16xf32>,
        %swap3A_172 = vector.shape_cast %swap3A_171 : vector<1x16xf32> to vector<16xf32>
        %swap3A_173 = vector.shape_cast %mul3A_168 : vector<16xf32> to vector<1x16xf32>
        tpu.vector_store %arg14[%swap3A_169, %swap3A_170], %swap3A_173 {strides = array<i32>} : memref<128x32xf32, #tpu.memory_space<vmem>>, vector<1x16xf32>,
        %get3A_174 = arith.index_cast %add3A_160 : i32 to index
        %get3A_175 = arith.constant 16 : index
        %get3A_176 = tpu.vector_load %arg14[%get3A_174, %get3A_175] {strides = array<i32>} : memref<128x32xf32, #tpu.memory_space<vmem>>, vector<1x16xf32>,
        %get3A_177 = vector.shape_cast %get3A_176 : vector<1x16xf32> to vector<16xf32>
        %mul3A_178 = vector.broadcast %squeeze3A_162 : f32 to vector<16xf32>
        %mul3A_179 = arith.mulf %get3A_177, %mul3A_178 : vector<16xf32>
        %swap3A_180 = arith.index_cast %add3A_160 : i32 to index
        %swap3A_181 = arith.constant 16 : index
        %swap3A_182 = tpu.vector_load %arg14[%swap3A_180, %swap3A_181] {strides = array<i32>} : memref<128x32xf32, #tpu.memory_space<vmem>>, vector<1x16xf32>,
        %swap3A_183 = vector.shape_cast %swap3A_182 : vector<1x16xf32> to vector<16xf32>
        %swap3A_184 = vector.shape_cast %mul3A_179 : vector<16xf32> to vector<1x16xf32>
        tpu.vector_store %arg14[%swap3A_180, %swap3A_181], %swap3A_184 {strides = array<i32>} : memref<128x32xf32, #tpu.memory_space<vmem>>, vector<1x16xf32>,
        %mul3A_185 = arith.constant 16 : i32
        %mul3A_186 = arith.muli %scan3A_73, %mul3A_185 : i32
        %add3A_187 = arith.constant 3 : i32
        %add3A_188 = arith.addi %mul3A_186, %add3A_187 : i32
        %slice3A_189 = vector.extract_strided_slice %get3A_102 {offsets = [3], sizes = [1], strides = [1]} : vector<16xf32> to vector<1xf32>
        %squeeze3A_190 = vector.extract %slice3A_189[0] : f32 from vector<1xf32>
        %get3A_191 = arith.index_cast %add3A_188 : i32 to index
        %get3A_192 = arith.constant 0 : index
        %get3A_193 = tpu.vector_load %arg14[%get3A_191, %get3A_192] {strides = array<i32>} : memref<128x32xf32, #tpu.memory_space<vmem>>, vector<1x16xf32>,
        %get3A_194 = vector.shape_cast %get3A_193 : vector<1x16xf32> to vector<16xf32>
        %mul3A_195 = vector.broadcast %squeeze3A_190 : f32 to vector<16xf32>
        %mul3A_196 = arith.mulf %get3A_194, %mul3A_195 : vector<16xf32>
        %swap3A_197 = arith.index_cast %add3A_188 : i32 to index
        %swap3A_198 = arith.constant 0 : index
        %swap3A_199 = tpu.vector_load %arg14[%swap3A_197, %swap3A_198] {strides = array<i32>} : memref<128x32xf32, #tpu.memory_space<vmem>>, vector<1x16xf32>,
        %swap3A_200 = vector.shape_cast %swap3A_199 : vector<1x16xf32> to vector<16xf32>
        %swap3A_201 = vector.shape_cast %mul3A_196 : vector<16xf32> to vector<1x16xf32>
        tpu.vector_store %arg14[%swap3A_197, %swap3A_198], %swap3A_201 {strides = array<i32>} : memref<128x32xf32, #tpu.memory_space<vmem>>, vector<1x16xf32>,
        %get3A_202 = arith.index_cast %add3A_188 : i32 to index
        %get3A_203 = arith.constant 16 : index
        %get3A_204 = tpu.vector_load %arg14[%get3A_202, %get3A_203] {strides = array<i32>} : memref<128x32xf32, #tpu.memory_space<vmem>>, vector<1x16xf32>,
        %get3A_205 = vector.shape_cast %get3A_204 : vector<1x16xf32> to vector<16xf32>
        %mul3A_206 = vector.broadcast %squeeze3A_190 : f32 to vector<16xf32>
        %mul3A_207 = arith.mulf %get3A_205, %mul3A_206 : vector<16xf32>
        %swap3A_208 = arith.index_cast %add3A_188 : i32 to index
        %swap3A_209 = arith.constant 16 : index
        %swap3A_210 = tpu.vector_load %arg14[%swap3A_208, %swap3A_209] {strides = array<i32>} : memref<128x32xf32, #tpu.memory_space<vmem>>, vector<1x16xf32>,
        %swap3A_211 = vector.shape_cast %swap3A_210 : vector<1x16xf32> to vector<16xf32>
        %swap3A_212 = vector.shape_cast %mul3A_207 : vector<16xf32> to vector<1x16xf32>
        tpu.vector_store %arg14[%swap3A_208, %swap3A_209], %swap3A_212 {strides = array<i32>} : memref<128x32xf32, #tpu.memory_space<vmem>>, vector<1x16xf32>,
        %mul3A_213 = arith.constant 16 : i32
        %mul3A_214 = arith.muli %scan3A_73, %mul3A_213 : i32
        %add3A_215 = arith.constant 4 : i32
        %add3A_216 = arith.addi %mul3A_214, %add3A_215 : i32
        %slice3A_217 = vector.extract_strided_slice %get3A_102 {offsets = [4], sizes = [1], strides = [1]} : vector<16xf32> to vector<1xf32>
        %squeeze3A_218 = vector.extract %slice3A_217[0] : f32 from vector<1xf32>
        %get3A_219 = arith.index_cast %add3A_216 : i32 to index
        %get3A_220 = arith.constant 0 : index
        %get3A_221 = tpu.vector_load %arg14[%get3A_219, %get3A_220] {strides = array<i32>} : memref<128x32xf32, #tpu.memory_space<vmem>>, vector<1x16xf32>,
        %get3A_222 = vector.shape_cast %get3A_221 : vector<1x16xf32> to vector<16xf32>
        %mul3A_223 = vector.broadcast %squeeze3A_218 : f32 to vector<16xf32>
        %mul3A_224 = arith.mulf %get3A_222, %mul3A_223 : vector<16xf32>
        %swap3A_225 = arith.index_cast %add3A_216 : i32 to index
        %swap3A_226 = arith.constant 0 : index
        %swap3A_227 = tpu.vector_load %arg14[%swap3A_225, %swap3A_226] {strides = array<i32>} : memref<128x32xf32, #tpu.memory_space<vmem>>, vector<1x16xf32>,
        %swap3A_228 = vector.shape_cast %swap3A_227 : vector<1x16xf32> to vector<16xf32>
        %swap3A_229 = vector.shape_cast %mul3A_224 : vector<16xf32> to vector<1x16xf32>
        tpu.vector_store %arg14[%swap3A_225, %swap3A_226], %swap3A_229 {strides = array<i32>} : memref<128x32xf32, #tpu.memory_space<vmem>>, vector<1x16xf32>,
        %get3A_230 = arith.index_cast %add3A_216 : i32 to index
        %get3A_231 = arith.constant 16 : index
        %get3A_232 = tpu.vector_load %arg14[%get3A_230, %get3A_231] {strides = array<i32>} : memref<128x32xf32, #tpu.memory_space<vmem>>, vector<1x16xf32>,
        %get3A_233 = vector.shape_cast %get3A_232 : vector<1x16xf32> to vector<16xf32>
        %mul3A_234 = vector.broadcast %squeeze3A_218 : f32 to vector<16xf32>
        %mul3A_235 = arith.mulf %get3A_233, %mul3A_234 : vector<16xf32>
        %swap3A_236 = arith.index_cast %add3A_216 : i32 to index
        %swap3A_237 = arith.constant 16 : index
        %swap3A_238 = tpu.vector_load %arg14[%swap3A_236, %swap3A_237] {strides = array<i32>} : memref<128x32xf32, #tpu.memory_space<vmem>>, vector<1x16xf32>,
        %swap3A_239 = vector.shape_cast %swap3A_238 : vector<1x16xf32> to vector<16xf32>
        %swap3A_240 = vector.shape_cast %mul3A_235 : vector<16xf32> to vector<1x16xf32>
        tpu.vector_store %arg14[%swap3A_236, %swap3A_237], %swap3A_240 {strides = array<i32>} : memref<128x32xf32, #tpu.memory_space<vmem>>, vector<1x16xf32>,
        %mul3A_241 = arith.constant 16 : i32
        %mul3A_242 = arith.muli %scan3A_73, %mul3A_241 : i32
        %add3A_243 = arith.constant 5 : i32
        %add3A_244 = arith.addi %mul3A_242, %add3A_243 : i32
        %slice3A_245 = vector.extract_strided_slice %get3A_102 {offsets = [5], sizes = [1], strides = [1]} : vector<16xf32> to vector<1xf32>
        %squeeze3A_246 = vector.extract %slice3A_245[0] : f32 from vector<1xf32>
        %get3A_247 = arith.index_cast %add3A_244 : i32 to index
        %get3A_248 = arith.constant 0 : index
        %get3A_249 = tpu.vector_load %arg14[%get3A_247, %get3A_248] {strides = array<i32>} : memref<128x32xf32, #tpu.memory_space<vmem>>, vector<1x16xf32>,
        %get3A_250 = vector.shape_cast %get3A_249 : vector<1x16xf32> to vector<16xf32>
        %mul3A_251 = vector.broadcast %squeeze3A_246 : f32 to vector<16xf32>
        %mul3A_252 = arith.mulf %get3A_250, %mul3A_251 : vector<16xf32>
        %swap3A_253 = arith.index_cast %add3A_244 : i32 to index
        %swap3A_254 = arith.constant 0 : index
        %swap3A_255 = tpu.vector_load %arg14[%swap3A_253, %swap3A_254] {strides = array<i32>} : memref<128x32xf32, #tpu.memory_space<vmem>>, vector<1x16xf32>,
        %swap3A_256 = vector.shape_cast %swap3A_255 : vector<1x16xf32> to vector<16xf32>
        %swap3A_257 = vector.shape_cast %mul3A_252 : vector<16xf32> to vector<1x16xf32>
        tpu.vector_store %arg14[%swap3A_253, %swap3A_254], %swap3A_257 {strides = array<i32>} : memref<128x32xf32, #tpu.memory_space<vmem>>, vector<1x16xf32>,
        %get3A_258 = arith.index_cast %add3A_244 : i32 to index
        %get3A_259 = arith.constant 16 : index
        %get3A_260 = tpu.vector_load %arg14[%get3A_258, %get3A_259] {strides = array<i32>} : memref<128x32xf32, #tpu.memory_space<vmem>>, vector<1x16xf32>,
        %get3A_261 = vector.shape_cast %get3A_260 : vector<1x16xf32> to vector<16xf32>
        %mul3A_262 = vector.broadcast %squeeze3A_246 : f32 to vector<16xf32>
        %mul3A_263 = arith.mulf %get3A_261, %mul3A_262 : vector<16xf32>
        %swap3A_264 = arith.index_cast %add3A_244 : i32 to index
        %swap3A_265 = arith.constant 16 : index
        %swap3A_266 = tpu.vector_load %arg14[%swap3A_264, %swap3A_265] {strides = array<i32>} : memref<128x32xf32, #tpu.memory_space<vmem>>, vector<1x16xf32>,
        %swap3A_267 = vector.shape_cast %swap3A_266 : vector<1x16xf32> to vector<16xf32>
        %swap3A_268 = vector.shape_cast %mul3A_263 : vector<16xf32> to vector<1x16xf32>
        tpu.vector_store %arg14[%swap3A_264, %swap3A_265], %swap3A_268 {strides = array<i32>} : memref<128x32xf32, #tpu.memory_space<vmem>>, vector<1x16xf32>,
        %mul3A_269 = arith.constant 16 : i32
        %mul3A_270 = arith.muli %scan3A_73, %mul3A_269 : i32
        %add3A_271 = arith.constant 6 : i32
        %add3A_272 = arith.addi %mul3A_270, %add3A_271 : i32
        %slice3A_273 = vector.extract_strided_slice %get3A_102 {offsets = [6], sizes = [1], strides = [1]} : vector<16xf32> to vector<1xf32>
        %squeeze3A_274 = vector.extract %slice3A_273[0] : f32 from vector<1xf32>
        %get3A_275 = arith.index_cast %add3A_272 : i32 to index
        %get3A_276 = arith.constant 0 : index
        %get3A_277 = tpu.vector_load %arg14[%get3A_275, %get3A_276] {strides = array<i32>} : memref<128x32xf32, #tpu.memory_space<vmem>>, vector<1x16xf32>,
        %get3A_278 = vector.shape_cast %get3A_277 : vector<1x16xf32> to vector<16xf32>
        %mul3A_279 = vector.broadcast %squeeze3A_274 : f32 to vector<16xf32>
        %mul3A_280 = arith.mulf %get3A_278, %mul3A_279 : vector<16xf32>
        %swap3A_281 = arith.index_cast %add3A_272 : i32 to index
        %swap3A_282 = arith.constant 0 : index
        %swap3A_283 = tpu.vector_load %arg14[%swap3A_281, %swap3A_282] {strides = array<i32>} : memref<128x32xf32, #tpu.memory_space<vmem>>, vector<1x16xf32>,
        %swap3A_284 = vector.shape_cast %swap3A_283 : vector<1x16xf32> to vector<16xf32>
        %swap3A_285 = vector.shape_cast %mul3A_280 : vector<16xf32> to vector<1x16xf32>
        tpu.vector_store %arg14[%swap3A_281, %swap3A_282], %swap3A_285 {strides = array<i32>} : memref<128x32xf32, #tpu.memory_space<vmem>>, vector<1x16xf32>,
        %get3A_286 = arith.index_cast %add3A_272 : i32 to index
        %get3A_287 = arith.constant 16 : index
        %get3A_288 = tpu.vector_load %arg14[%get3A_286, %get3A_287] {strides = array<i32>} : memref<128x32xf32, #tpu.memory_space<vmem>>, vector<1x16xf32>,
        %get3A_289 = vector.shape_cast %get3A_288 : vector<1x16xf32> to vector<16xf32>
        %mul3A_290 = vector.broadcast %squeeze3A_274 : f32 to vector<16xf32>
        %mul3A_291 = arith.mulf %get3A_289, %mul3A_290 : vector<16xf32>
        %swap3A_292 = arith.index_cast %add3A_272 : i32 to index
        %swap3A_293 = arith.constant 16 : index
        %swap3A_294 = tpu.vector_load %arg14[%swap3A_292, %swap3A_293] {strides = array<i32>} : memref<128x32xf32, #tpu.memory_space<vmem>>, vector<1x16xf32>,
        %swap3A_295 = vector.shape_cast %swap3A_294 : vector<1x16xf32> to vector<16xf32>
        %swap3A_296 = vector.shape_cast %mul3A_291 : vector<16xf32> to vector<1x16xf32>
        tpu.vector_store %arg14[%swap3A_292, %swap3A_293], %swap3A_296 {strides = array<i32>} : memref<128x32xf32, #tpu.memory_space<vmem>>, vector<1x16xf32>,
        %mul3A_297 = arith.constant 16 : i32
        %mul3A_298 = arith.muli %scan3A_73, %mul3A_297 : i32
        %add3A_299 = arith.constant 7 : i32
        %add3A_300 = arith.addi %mul3A_298, %add3A_299 : i32
        %slice3A_301 = vector.extract_strided_slice %get3A_102 {offsets = [7], sizes = [1], strides = [1]} : vector<16xf32> to vector<1xf32>
        %squeeze3A_302 = vector.extract %slice3A_301[0] : f32 from vector<1xf32>
        %get3A_303 = arith.index_cast %add3A_300 : i32 to index
        %get3A_304 = arith.constant 0 : index
        %get3A_305 = tpu.vector_load %arg14[%get3A_303, %get3A_304] {strides = array<i32>} : memref<128x32xf32, #tpu.memory_space<vmem>>, vector<1x16xf32>,
        %get3A_306 = vector.shape_cast %get3A_305 : vector<1x16xf32> to vector<16xf32>
        %mul3A_307 = vector.broadcast %squeeze3A_302 : f32 to vector<16xf32>
        %mul3A_308 = arith.mulf %get3A_306, %mul3A_307 : vector<16xf32>
        %swap3A_309 = arith.index_cast %add3A_300 : i32 to index
        %swap3A_310 = arith.constant 0 : index
        %swap3A_311 = tpu.vector_load %arg14[%swap3A_309, %swap3A_310] {strides = array<i32>} : memref<128x32xf32, #tpu.memory_space<vmem>>, vector<1x16xf32>,
        %swap3A_312 = vector.shape_cast %swap3A_311 : vector<1x16xf32> to vector<16xf32>
        %swap3A_313 = vector.shape_cast %mul3A_308 : vector<16xf32> to vector<1x16xf32>
        tpu.vector_store %arg14[%swap3A_309, %swap3A_310], %swap3A_313 {strides = array<i32>} : memref<128x32xf32, #tpu.memory_space<vmem>>, vector<1x16xf32>,
        %get3A_314 = arith.index_cast %add3A_300 : i32 to index
        %get3A_315 = arith.constant 16 : index
        %get3A_316 = tpu.vector_load %arg14[%get3A_314, %get3A_315] {strides = array<i32>} : memref<128x32xf32, #tpu.memory_space<vmem>>, vector<1x16xf32>,
        %get3A_317 = vector.shape_cast %get3A_316 : vector<1x16xf32> to vector<16xf32>
        %mul3A_318 = vector.broadcast %squeeze3A_302 : f32 to vector<16xf32>
        %mul3A_319 = arith.mulf %get3A_317, %mul3A_318 : vector<16xf32>
        %swap3A_320 = arith.index_cast %add3A_300 : i32 to index
        %swap3A_321 = arith.constant 16 : index
        %swap3A_322 = tpu.vector_load %arg14[%swap3A_320, %swap3A_321] {strides = array<i32>} : memref<128x32xf32, #tpu.memory_space<vmem>>, vector<1x16xf32>,
        %swap3A_323 = vector.shape_cast %swap3A_322 : vector<1x16xf32> to vector<16xf32>
        %swap3A_324 = vector.shape_cast %mul3A_319 : vector<16xf32> to vector<1x16xf32>
        tpu.vector_store %arg14[%swap3A_320, %swap3A_321], %swap3A_324 {strides = array<i32>} : memref<128x32xf32, #tpu.memory_space<vmem>>, vector<1x16xf32>,
        %mul3A_325 = arith.constant 16 : i32
        %mul3A_326 = arith.muli %scan3A_73, %mul3A_325 : i32
        %add3A_327 = arith.constant 8 : i32
        %add3A_328 = arith.addi %mul3A_326, %add3A_327 : i32
        %slice3A_329 = vector.extract_strided_slice %get3A_102 {offsets = [8], sizes = [1], strides = [1]} : vector<16xf32> to vector<1xf32>
        %squeeze3A_330 = vector.extract %slice3A_329[0] : f32 from vector<1xf32>
        %get3A_331 = arith.index_cast %add3A_328 : i32 to index
        %get3A_332 = arith.constant 0 : index
        %get3A_333 = tpu.vector_load %arg14[%get3A_331, %get3A_332] {strides = array<i32>} : memref<128x32xf32, #tpu.memory_space<vmem>>, vector<1x16xf32>,
        %get3A_334 = vector.shape_cast %get3A_333 : vector<1x16xf32> to vector<16xf32>
        %mul3A_335 = vector.broadcast %squeeze3A_330 : f32 to vector<16xf32>
        %mul3A_336 = arith.mulf %get3A_334, %mul3A_335 : vector<16xf32>
        %swap3A_337 = arith.index_cast %add3A_328 : i32 to index
        %swap3A_338 = arith.constant 0 : index
        %swap3A_339 = tpu.vector_load %arg14[%swap3A_337, %swap3A_338] {strides = array<i32>} : memref<128x32xf32, #tpu.memory_space<vmem>>, vector<1x16xf32>,
        %swap3A_340 = vector.shape_cast %swap3A_339 : vector<1x16xf32> to vector<16xf32>
        %swap3A_341 = vector.shape_cast %mul3A_336 : vector<16xf32> to vector<1x16xf32>
        tpu.vector_store %arg14[%swap3A_337, %swap3A_338], %swap3A_341 {strides = array<i32>} : memref<128x32xf32, #tpu.memory_space<vmem>>, vector<1x16xf32>,
        %get3A_342 = arith.index_cast %add3A_328 : i32 to index
        %get3A_343 = arith.constant 16 : index
        %get3A_344 = tpu.vector_load %arg14[%get3A_342, %get3A_343] {strides = array<i32>} : memref<128x32xf32, #tpu.memory_space<vmem>>, vector<1x16xf32>,
        %get3A_345 = vector.shape_cast %get3A_344 : vector<1x16xf32> to vector<16xf32>
        %mul3A_346 = vector.broadcast %squeeze3A_330 : f32 to vector<16xf32>
        %mul3A_347 = arith.mulf %get3A_345, %mul3A_346 : vector<16xf32>
        %swap3A_348 = arith.index_cast %add3A_328 : i32 to index
        %swap3A_349 = arith.constant 16 : index
        %swap3A_350 = tpu.vector_load %arg14[%swap3A_348, %swap3A_349] {strides = array<i32>} : memref<128x32xf32, #tpu.memory_space<vmem>>, vector<1x16xf32>,
        %swap3A_351 = vector.shape_cast %swap3A_350 : vector<1x16xf32> to vector<16xf32>
        %swap3A_352 = vector.shape_cast %mul3A_347 : vector<16xf32> to vector<1x16xf32>
        tpu.vector_store %arg14[%swap3A_348, %swap3A_349], %swap3A_352 {strides = array<i32>} : memref<128x32xf32, #tpu.memory_space<vmem>>, vector<1x16xf32>,
        %mul3A_353 = arith.constant 16 : i32
        %mul3A_354 = arith.muli %scan3A_73, %mul3A_353 : i32
        %add3A_355 = arith.constant 9 : i32
        %add3A_356 = arith.addi %mul3A_354, %add3A_355 : i32
        %slice3A_357 = vector.extract_strided_slice %get3A_102 {offsets = [9], sizes = [1], strides = [1]} : vector<16xf32> to vector<1xf32>
        %squeeze3A_358 = vector.extract %slice3A_357[0] : f32 from vector<1xf32>
        %get3A_359 = arith.index_cast %add3A_356 : i32 to index
        %get3A_360 = arith.constant 0 : index
        %get3A_361 = tpu.vector_load %arg14[%get3A_359, %get3A_360] {strides = array<i32>} : memref<128x32xf32, #tpu.memory_space<vmem>>, vector<1x16xf32>,
        %get3A_362 = vector.shape_cast %get3A_361 : vector<1x16xf32> to vector<16xf32>
        %mul3A_363 = vector.broadcast %squeeze3A_358 : f32 to vector<16xf32>
        %mul3A_364 = arith.mulf %get3A_362, %mul3A_363 : vector<16xf32>
        %swap3A_365 = arith.index_cast %add3A_356 : i32 to index
        %swap3A_366 = arith.constant 0 : index
        %swap3A_367 = tpu.vector_load %arg14[%swap3A_365, %swap3A_366] {strides = array<i32>} : memref<128x32xf32, #tpu.memory_space<vmem>>, vector<1x16xf32>,
        %swap3A_368 = vector.shape_cast %swap3A_367 : vector<1x16xf32> to vector<16xf32>
        %swap3A_369 = vector.shape_cast %mul3A_364 : vector<16xf32> to vector<1x16xf32>
        tpu.vector_store %arg14[%swap3A_365, %swap3A_366], %swap3A_369 {strides = array<i32>} : memref<128x32xf32, #tpu.memory_space<vmem>>, vector<1x16xf32>,
        %get3A_370 = arith.index_cast %add3A_356 : i32 to index
        %get3A_371 = arith.constant 16 : index
        %get3A_372 = tpu.vector_load %arg14[%get3A_370, %get3A_371] {strides = array<i32>} : memref<128x32xf32, #tpu.memory_space<vmem>>, vector<1x16xf32>,
        %get3A_373 = vector.shape_cast %get3A_372 : vector<1x16xf32> to vector<16xf32>
        %mul3A_374 = vector.broadcast %squeeze3A_358 : f32 to vector<16xf32>
        %mul3A_375 = arith.mulf %get3A_373, %mul3A_374 : vector<16xf32>
        %swap3A_376 = arith.index_cast %add3A_356 : i32 to index
        %swap3A_377 = arith.constant 16 : index
        %swap3A_378 = tpu.vector_load %arg14[%swap3A_376, %swap3A_377] {strides = array<i32>} : memref<128x32xf32, #tpu.memory_space<vmem>>, vector<1x16xf32>,
        %swap3A_379 = vector.shape_cast %swap3A_378 : vector<1x16xf32> to vector<16xf32>
        %swap3A_380 = vector.shape_cast %mul3A_375 : vector<16xf32> to vector<1x16xf32>
        tpu.vector_store %arg14[%swap3A_376, %swap3A_377], %swap3A_380 {strides = array<i32>} : memref<128x32xf32, #tpu.memory_space<vmem>>, vector<1x16xf32>,
        %mul3A_381 = arith.constant 16 : i32
        %mul3A_382 = arith.muli %scan3A_73, %mul3A_381 : i32
        %add3A_383 = arith.constant 10 : i32
        %add3A_384 = arith.addi %mul3A_382, %add3A_383 : i32
        %slice3A_385 = vector.extract_strided_slice %get3A_102 {offsets = [10], sizes = [1], strides = [1]} : vector<16xf32> to vector<1xf32>
        %squeeze3A_386 = vector.extract %slice3A_385[0] : f32 from vector<1xf32>
        %get3A_387 = arith.index_cast %add3A_384 : i32 to index
        %get3A_388 = arith.constant 0 : index
        %get3A_389 = tpu.vector_load %arg14[%get3A_387, %get3A_388] {strides = array<i32>} : memref<128x32xf32, #tpu.memory_space<vmem>>, vector<1x16xf32>,
        %get3A_390 = vector.shape_cast %get3A_389 : vector<1x16xf32> to vector<16xf32>
        %mul3A_391 = vector.broadcast %squeeze3A_386 : f32 to vector<16xf32>
        %mul3A_392 = arith.mulf %get3A_390, %mul3A_391 : vector<16xf32>
        %swap3A_393 = arith.index_cast %add3A_384 : i32 to index
        %swap3A_394 = arith.constant 0 : index
        %swap3A_395 = tpu.vector_load %arg14[%swap3A_393, %swap3A_394] {strides = array<i32>} : memref<128x32xf32, #tpu.memory_space<vmem>>, vector<1x16xf32>,
        %swap3A_396 = vector.shape_cast %swap3A_395 : vector<1x16xf32> to vector<16xf32>
        %swap3A_397 = vector.shape_cast %mul3A_392 : vector<16xf32> to vector<1x16xf32>
        tpu.vector_store %arg14[%swap3A_393, %swap3A_394], %swap3A_397 {strides = array<i32>} : memref<128x32xf32, #tpu.memory_space<vmem>>, vector<1x16xf32>,
        %get3A_398 = arith.index_cast %add3A_384 : i32 to index
        %get3A_399 = arith.constant 16 : index
        %get3A_400 = tpu.vector_load %arg14[%get3A_398, %get3A_399] {strides = array<i32>} : memref<128x32xf32, #tpu.memory_space<vmem>>, vector<1x16xf32>,
        %get3A_401 = vector.shape_cast %get3A_400 : vector<1x16xf32> to vector<16xf32>
        %mul3A_402 = vector.broadcast %squeeze3A_386 : f32 to vector<16xf32>
        %mul3A_403 = arith.mulf %get3A_401, %mul3A_402 : vector<16xf32>
        %swap3A_404 = arith.index_cast %add3A_384 : i32 to index
        %swap3A_405 = arith.constant 16 : index
        %swap3A_406 = tpu.vector_load %arg14[%swap3A_404, %swap3A_405] {strides = array<i32>} : memref<128x32xf32, #tpu.memory_space<vmem>>, vector<1x16xf32>,
        %swap3A_407 = vector.shape_cast %swap3A_406 : vector<1x16xf32> to vector<16xf32>
        %swap3A_408 = vector.shape_cast %mul3A_403 : vector<16xf32> to vector<1x16xf32>
        tpu.vector_store %arg14[%swap3A_404, %swap3A_405], %swap3A_408 {strides = array<i32>} : memref<128x32xf32, #tpu.memory_space<vmem>>, vector<1x16xf32>,
        %mul3A_409 = arith.constant 16 : i32
        %mul3A_410 = arith.muli %scan3A_73, %mul3A_409 : i32
        %add3A_411 = arith.constant 11 : i32
        %add3A_412 = arith.addi %mul3A_410, %add3A_411 : i32
        %slice3A_413 = vector.extract_strided_slice %get3A_102 {offsets = [11], sizes = [1], strides = [1]} : vector<16xf32> to vector<1xf32>
        %squeeze3A_414 = vector.extract %slice3A_413[0] : f32 from vector<1xf32>
        %get3A_415 = arith.index_cast %add3A_412 : i32 to index
        %get3A_416 = arith.constant 0 : index
        %get3A_417 = tpu.vector_load %arg14[%get3A_415, %get3A_416] {strides = array<i32>} : memref<128x32xf32, #tpu.memory_space<vmem>>, vector<1x16xf32>,
        %get3A_418 = vector.shape_cast %get3A_417 : vector<1x16xf32> to vector<16xf32>
        %mul3A_419 = vector.broadcast %squeeze3A_414 : f32 to vector<16xf32>
        %mul3A_420 = arith.mulf %get3A_418, %mul3A_419 : vector<16xf32>
        %swap3A_421 = arith.index_cast %add3A_412 : i32 to index
        %swap3A_422 = arith.constant 0 : index
        %swap3A_423 = tpu.vector_load %arg14[%swap3A_421, %swap3A_422] {strides = array<i32>} : memref<128x32xf32, #tpu.memory_space<vmem>>, vector<1x16xf32>,
        %swap3A_424 = vector.shape_cast %swap3A_423 : vector<1x16xf32> to vector<16xf32>
        %swap3A_425 = vector.shape_cast %mul3A_420 : vector<16xf32> to vector<1x16xf32>
        tpu.vector_store %arg14[%swap3A_421, %swap3A_422], %swap3A_425 {strides = array<i32>} : memref<128x32xf32, #tpu.memory_space<vmem>>, vector<1x16xf32>,
        %get3A_426 = arith.index_cast %add3A_412 : i32 to index
        %get3A_427 = arith.constant 16 : index
        %get3A_428 = tpu.vector_load %arg14[%get3A_426, %get3A_427] {strides = array<i32>} : memref<128x32xf32, #tpu.memory_space<vmem>>, vector<1x16xf32>,
        %get3A_429 = vector.shape_cast %get3A_428 : vector<1x16xf32> to vector<16xf32>
        %mul3A_430 = vector.broadcast %squeeze3A_414 : f32 to vector<16xf32>
        %mul3A_431 = arith.mulf %get3A_429, %mul3A_430 : vector<16xf32>
        %swap3A_432 = arith.index_cast %add3A_412 : i32 to index
        %swap3A_433 = arith.constant 16 : index
        %swap3A_434 = tpu.vector_load %arg14[%swap3A_432, %swap3A_433] {strides = array<i32>} : memref<128x32xf32, #tpu.memory_space<vmem>>, vector<1x16xf32>,
        %swap3A_435 = vector.shape_cast %swap3A_434 : vector<1x16xf32> to vector<16xf32>
        %swap3A_436 = vector.shape_cast %mul3A_431 : vector<16xf32> to vector<1x16xf32>
        tpu.vector_store %arg14[%swap3A_432, %swap3A_433], %swap3A_436 {strides = array<i32>} : memref<128x32xf32, #tpu.memory_space<vmem>>, vector<1x16xf32>,
        %mul3A_437 = arith.constant 16 : i32
        %mul3A_438 = arith.muli %scan3A_73, %mul3A_437 : i32
        %add3A_439 = arith.constant 12 : i32
        %add3A_440 = arith.addi %mul3A_438, %add3A_439 : i32
        %slice3A_441 = vector.extract_strided_slice %get3A_102 {offsets = [12], sizes = [1], strides = [1]} : vector<16xf32> to vector<1xf32>
        %squeeze3A_442 = vector.extract %slice3A_441[0] : f32 from vector<1xf32>
        %get3A_443 = arith.index_cast %add3A_440 : i32 to index
        %get3A_444 = arith.constant 0 : index
        %get3A_445 = tpu.vector_load %arg14[%get3A_443, %get3A_444] {strides = array<i32>} : memref<128x32xf32, #tpu.memory_space<vmem>>, vector<1x16xf32>,
        %get3A_446 = vector.shape_cast %get3A_445 : vector<1x16xf32> to vector<16xf32>
        %mul3A_447 = vector.broadcast %squeeze3A_442 : f32 to vector<16xf32>
        %mul3A_448 = arith.mulf %get3A_446, %mul3A_447 : vector<16xf32>
        %swap3A_449 = arith.index_cast %add3A_440 : i32 to index
        %swap3A_450 = arith.constant 0 : index
        %swap3A_451 = tpu.vector_load %arg14[%swap3A_449, %swap3A_450] {strides = array<i32>} : memref<128x32xf32, #tpu.memory_space<vmem>>, vector<1x16xf32>,
        %swap3A_452 = vector.shape_cast %swap3A_451 : vector<1x16xf32> to vector<16xf32>
        %swap3A_453 = vector.shape_cast %mul3A_448 : vector<16xf32> to vector<1x16xf32>
        tpu.vector_store %arg14[%swap3A_449, %swap3A_450], %swap3A_453 {strides = array<i32>} : memref<128x32xf32, #tpu.memory_space<vmem>>, vector<1x16xf32>,
        %get3A_454 = arith.index_cast %add3A_440 : i32 to index
        %get3A_455 = arith.constant 16 : index
        %get3A_456 = tpu.vector_load %arg14[%get3A_454, %get3A_455] {strides = array<i32>} : memref<128x32xf32, #tpu.memory_space<vmem>>, vector<1x16xf32>,
        %get3A_457 = vector.shape_cast %get3A_456 : vector<1x16xf32> to vector<16xf32>
        %mul3A_458 = vector.broadcast %squeeze3A_442 : f32 to vector<16xf32>
        %mul3A_459 = arith.mulf %get3A_457, %mul3A_458 : vector<16xf32>
        %swap3A_460 = arith.index_cast %add3A_440 : i32 to index
        %swap3A_461 = arith.constant 16 : index
        %swap3A_462 = tpu.vector_load %arg14[%swap3A_460, %swap3A_461] {strides = array<i32>} : memref<128x32xf32, #tpu.memory_space<vmem>>, vector<1x16xf32>,
        %swap3A_463 = vector.shape_cast %swap3A_462 : vector<1x16xf32> to vector<16xf32>
        %swap3A_464 = vector.shape_cast %mul3A_459 : vector<16xf32> to vector<1x16xf32>
        tpu.vector_store %arg14[%swap3A_460, %swap3A_461], %swap3A_464 {strides = array<i32>} : memref<128x32xf32, #tpu.memory_space<vmem>>, vector<1x16xf32>,
        %mul3A_465 = arith.constant 16 : i32
        %mul3A_466 = arith.muli %scan3A_73, %mul3A_465 : i32
        %add3A_467 = arith.constant 13 : i32
        %add3A_468 = arith.addi %mul3A_466, %add3A_467 : i32
        %slice3A_469 = vector.extract_strided_slice %get3A_102 {offsets = [13], sizes = [1], strides = [1]} : vector<16xf32> to vector<1xf32>
        %squeeze3A_470 = vector.extract %slice3A_469[0] : f32 from vector<1xf32>
        %get3A_471 = arith.index_cast %add3A_468 : i32 to index
        %get3A_472 = arith.constant 0 : index
        %get3A_473 = tpu.vector_load %arg14[%get3A_471, %get3A_472] {strides = array<i32>} : memref<128x32xf32, #tpu.memory_space<vmem>>, vector<1x16xf32>,
        %get3A_474 = vector.shape_cast %get3A_473 : vector<1x16xf32> to vector<16xf32>
        %mul3A_475 = vector.broadcast %squeeze3A_470 : f32 to vector<16xf32>
        %mul3A_476 = arith.mulf %get3A_474, %mul3A_475 : vector<16xf32>
        %swap3A_477 = arith.index_cast %add3A_468 : i32 to index
        %swap3A_478 = arith.constant 0 : index
        %swap3A_479 = tpu.vector_load %arg14[%swap3A_477, %swap3A_478] {strides = array<i32>} : memref<128x32xf32, #tpu.memory_space<vmem>>, vector<1x16xf32>,
        %swap3A_480 = vector.shape_cast %swap3A_479 : vector<1x16xf32> to vector<16xf32>
        %swap3A_481 = vector.shape_cast %mul3A_476 : vector<16xf32> to vector<1x16xf32>
        tpu.vector_store %arg14[%swap3A_477, %swap3A_478], %swap3A_481 {strides = array<i32>} : memref<128x32xf32, #tpu.memory_space<vmem>>, vector<1x16xf32>,
        %get3A_482 = arith.index_cast %add3A_468 : i32 to index
        %get3A_483 = arith.constant 16 : index
        %get3A_484 = tpu.vector_load %arg14[%get3A_482, %get3A_483] {strides = array<i32>} : memref<128x32xf32, #tpu.memory_space<vmem>>, vector<1x16xf32>,
        %get3A_485 = vector.shape_cast %get3A_484 : vector<1x16xf32> to vector<16xf32>
        %mul3A_486 = vector.broadcast %squeeze3A_470 : f32 to vector<16xf32>
        %mul3A_487 = arith.mulf %get3A_485, %mul3A_486 : vector<16xf32>
        %swap3A_488 = arith.index_cast %add3A_468 : i32 to index
        %swap3A_489 = arith.constant 16 : index
        %swap3A_490 = tpu.vector_load %arg14[%swap3A_488, %swap3A_489] {strides = array<i32>} : memref<128x32xf32, #tpu.memory_space<vmem>>, vector<1x16xf32>,
        %swap3A_491 = vector.shape_cast %swap3A_490 : vector<1x16xf32> to vector<16xf32>
        %swap3A_492 = vector.shape_cast %mul3A_487 : vector<16xf32> to vector<1x16xf32>
        tpu.vector_store %arg14[%swap3A_488, %swap3A_489], %swap3A_492 {strides = array<i32>} : memref<128x32xf32, #tpu.memory_space<vmem>>, vector<1x16xf32>,
        %mul3A_493 = arith.constant 16 : i32
        %mul3A_494 = arith.muli %scan3A_73, %mul3A_493 : i32
        %add3A_495 = arith.constant 14 : i32
        %add3A_496 = arith.addi %mul3A_494, %add3A_495 : i32
        %slice3A_497 = vector.extract_strided_slice %get3A_102 {offsets = [14], sizes = [1], strides = [1]} : vector<16xf32> to vector<1xf32>
        %squeeze3A_498 = vector.extract %slice3A_497[0] : f32 from vector<1xf32>
        %get3A_499 = arith.index_cast %add3A_496 : i32 to index
        %get3A_500 = arith.constant 0 : index
        %get3A_501 = tpu.vector_load %arg14[%get3A_499, %get3A_500] {strides = array<i32>} : memref<128x32xf32, #tpu.memory_space<vmem>>, vector<1x16xf32>,
        %get3A_502 = vector.shape_cast %get3A_501 : vector<1x16xf32> to vector<16xf32>
        %mul3A_503 = vector.broadcast %squeeze3A_498 : f32 to vector<16xf32>
        %mul3A_504 = arith.mulf %get3A_502, %mul3A_503 : vector<16xf32>
        %swap3A_505 = arith.index_cast %add3A_496 : i32 to index
        %swap3A_506 = arith.constant 0 : index
        %swap3A_507 = tpu.vector_load %arg14[%swap3A_505, %swap3A_506] {strides = array<i32>} : memref<128x32xf32, #tpu.memory_space<vmem>>, vector<1x16xf32>,
        %swap3A_508 = vector.shape_cast %swap3A_507 : vector<1x16xf32> to vector<16xf32>
        %swap3A_509 = vector.shape_cast %mul3A_504 : vector<16xf32> to vector<1x16xf32>
        tpu.vector_store %arg14[%swap3A_505, %swap3A_506], %swap3A_509 {strides = array<i32>} : memref<128x32xf32, #tpu.memory_space<vmem>>, vector<1x16xf32>,
        %get3A_510 = arith.index_cast %add3A_496 : i32 to index
        %get3A_511 = arith.constant 16 : index
        %get3A_512 = tpu.vector_load %arg14[%get3A_510, %get3A_511] {strides = array<i32>} : memref<128x32xf32, #tpu.memory_space<vmem>>, vector<1x16xf32>,
        %get3A_513 = vector.shape_cast %get3A_512 : vector<1x16xf32> to vector<16xf32>
        %mul3A_514 = vector.broadcast %squeeze3A_498 : f32 to vector<16xf32>
        %mul3A_515 = arith.mulf %get3A_513, %mul3A_514 : vector<16xf32>
        %swap3A_516 = arith.index_cast %add3A_496 : i32 to index
        %swap3A_517 = arith.constant 16 : index
        %swap3A_518 = tpu.vector_load %arg14[%swap3A_516, %swap3A_517] {strides = array<i32>} : memref<128x32xf32, #tpu.memory_space<vmem>>, vector<1x16xf32>,
        %swap3A_519 = vector.shape_cast %swap3A_518 : vector<1x16xf32> to vector<16xf32>
        %swap3A_520 = vector.shape_cast %mul3A_515 : vector<16xf32> to vector<1x16xf32>
        tpu.vector_store %arg14[%swap3A_516, %swap3A_517], %swap3A_520 {strides = array<i32>} : memref<128x32xf32, #tpu.memory_space<vmem>>, vector<1x16xf32>,
        %mul3A_521 = arith.constant 16 : i32
        %mul3A_522 = arith.muli %scan3A_73, %mul3A_521 : i32
        %add3A_523 = arith.constant 15 : i32
        %add3A_524 = arith.addi %mul3A_522, %add3A_523 : i32
        %slice3A_525 = vector.extract_strided_slice %get3A_102 {offsets = [15], sizes = [1], strides = [1]} : vector<16xf32> to vector<1xf32>
        %squeeze3A_526 = vector.extract %slice3A_525[0] : f32 from vector<1xf32>
        %get3A_527 = arith.index_cast %add3A_524 : i32 to index
        %get3A_528 = arith.constant 0 : index
        %get3A_529 = tpu.vector_load %arg14[%get3A_527, %get3A_528] {strides = array<i32>} : memref<128x32xf32, #tpu.memory_space<vmem>>, vector<1x16xf32>,
        %get3A_530 = vector.shape_cast %get3A_529 : vector<1x16xf32> to vector<16xf32>
        %mul3A_531 = vector.broadcast %squeeze3A_526 : f32 to vector<16xf32>
        %mul3A_532 = arith.mulf %get3A_530, %mul3A_531 : vector<16xf32>
        %swap3A_533 = arith.index_cast %add3A_524 : i32 to index
        %swap3A_534 = arith.constant 0 : index
        %swap3A_535 = tpu.vector_load %arg14[%swap3A_533, %swap3A_534] {strides = array<i32>} : memref<128x32xf32, #tpu.memory_space<vmem>>, vector<1x16xf32>,
        %swap3A_536 = vector.shape_cast %swap3A_535 : vector<1x16xf32> to vector<16xf32>
        %swap3A_537 = vector.shape_cast %mul3A_532 : vector<16xf32> to vector<1x16xf32>
        tpu.vector_store %arg14[%swap3A_533, %swap3A_534], %swap3A_537 {strides = array<i32>} : memref<128x32xf32, #tpu.memory_space<vmem>>, vector<1x16xf32>,
        %get3A_538 = arith.index_cast %add3A_524 : i32 to index
        %get3A_539 = arith.constant 16 : index
        %get3A_540 = tpu.vector_load %arg14[%get3A_538, %get3A_539] {strides = array<i32>} : memref<128x32xf32, #tpu.memory_space<vmem>>, vector<1x16xf32>,
        %get3A_541 = vector.shape_cast %get3A_540 : vector<1x16xf32> to vector<16xf32>
        %mul3A_542 = vector.broadcast %squeeze3A_526 : f32 to vector<16xf32>
        %mul3A_543 = arith.mulf %get3A_541, %mul3A_542 : vector<16xf32>
        %swap3A_544 = arith.index_cast %add3A_524 : i32 to index
        %swap3A_545 = arith.constant 16 : index
        %swap3A_546 = tpu.vector_load %arg14[%swap3A_544, %swap3A_545] {strides = array<i32>} : memref<128x32xf32, #tpu.memory_space<vmem>>, vector<1x16xf32>,
        %swap3A_547 = vector.shape_cast %swap3A_546 : vector<1x16xf32> to vector<16xf32>
        %swap3A_548 = vector.shape_cast %mul3A_543 : vector<16xf32> to vector<1x16xf32>
        tpu.vector_store %arg14[%swap3A_544, %swap3A_545], %swap3A_548 {strides = array<i32>} : memref<128x32xf32, #tpu.memory_space<vmem>>, vector<1x16xf32>,
        %scan3A_549 = arith.constant 0 : i32
        scf.yield %scan3A_549 : i32
      }
      %scan3A_72 = arith.constant 8 : i32
      %run_scoped3A = arith.constant 0 : i32
      "tpu.region"() ({
        %run_scoped3A_73 = tpu.sem_alloc : memref<!tpu.dma_semaphore, #tpu.memory_space<semaphore_mem>>
        %dma_start3A_74 = arith.constant 0 : i32
        %dma_start3A_75 = tpu.memref_slice %arg11[%run_scoped3A, %dma_start3A_74] : memref<1x128xi32, #tpu.memory_space<vmem>> -> memref<1x128xi32, #tpu.memory_space<vmem>>
        %dma_start3A_76 = tpu.memref_squeeze %dma_start3A_75 : memref<1x128xi32, #tpu.memory_space<vmem>> -> memref<128xi32, #tpu.memory_space<vmem>>
        %dma_start3A_77 = arith.constant 0 : i32
        %dma_start3A_78 = arith.constant 0 : i32
        %dma_start3A_79 = tpu.memref_slice %arg9[%dma_start3A_77, %dma_start3A_78] : memref<50008x32xf32, #tpu.memory_space<vmem_shared>> -> memref<50008x32xf32, #tpu.memory_space<vmem_shared>>
        tpu.enqueue_indirect_dma source(%arg14 : memref<128x32xf32, #tpu.memory_space<vmem>>) target(%dma_start3A_79 : memref<50008x32xf32, #tpu.memory_space<vmem_shared>>) offsets(%dma_start3A_76 : memref<128xi32, #tpu.memory_space<vmem>>) semaphore(%run_scoped3A_73 : memref<!tpu.dma_semaphore, #tpu.memory_space<semaphore_mem>>) {add = true}
        %dma_wait3A_80 = arith.constant 0 : i32
        %dma_wait3A_81 = tpu.memref_slice %arg11[%run_scoped3A, %dma_wait3A_80] : memref<1x128xi32, #tpu.memory_space<vmem>> -> memref<1x128xi32, #tpu.memory_space<vmem>>
        %dma_wait3A_82 = tpu.memref_squeeze %dma_wait3A_81 : memref<1x128xi32, #tpu.memory_space<vmem>> -> memref<128xi32, #tpu.memory_space<vmem>>
        %dma_wait3A_83 = arith.constant 0 : i32
        %dma_wait3A_84 = arith.constant 0 : i32
        %dma_wait3A_85 = tpu.memref_slice %arg9[%dma_wait3A_83, %dma_wait3A_84] : memref<50008x32xf32, #tpu.memory_space<vmem_shared>> -> memref<50008x32xf32, #tpu.memory_space<vmem_shared>>
        tpu.wait_indirect_dma semaphore(%run_scoped3A_73 : memref<!tpu.dma_semaphore, #tpu.memory_space<semaphore_mem>>) src(%arg14 : memref<128x32xf32, #tpu.memory_space<vmem>>) dst(%dma_wait3A_85 : memref<50008x32xf32, #tpu.memory_space<vmem_shared>>)
        tpu.yield
      }) : () -> ()
    }
    %barrier3A_41 = arith.constant 0 : index
    tpu.barrier barrier_id(%barrier3A_41)
    %add3A_42 = arith.addi %add3A, %add3A_7 : i32
    %while3A_43 = arith.constant 0 : i32
    %while3A_44 = arith.subi %add3A_42, %add3A : i32
    %while3A_45 = arith.addi %add3A, %while3A_44 : i32
    %while3A_46 = arith.constant 1 : i32
    %while3A_47 = arith.divsi %while3A_44, %while3A_46 : i32
    %while3A_48 = arith.muli %while3A_47, %while3A_46 : i32
    %while3A_49 = arith.addi %add3A, %while3A_48 : i32
    %while3A_50 = arith.constant 1 : i32
    %while3A_51 = scf.for %while3A_54 = %add3A to %while3A_49 step %while3A_50 iter_args(%while3A_55 = %while3A_43) -> (i32)  : i32 {
      %mul3A_56 = arith.constant 400 : i32
      %mul3A_57 = arith.muli %while3A_54, %mul3A_56 : i32
      "tpu.region"() ({
        %run_scoped3A = tpu.sem_alloc : memref<!tpu.dma_semaphore, #tpu.memory_space<semaphore_mem>>
        %dma_start3A = arith.constant 0 : i32
        %dma_start3A_67 = tpu.memref_slice %arg9[%mul3A_57, %dma_start3A] : memref<50008x32xf32, #tpu.memory_space<vmem_shared>> -> memref<400x32xf32, #tpu.memory_space<vmem_shared>>
        %dma_start3A_68 = arith.constant 0 : i32
        %dma_start3A_69 = tpu.memref_slice %arg9[%mul3A_57, %dma_start3A_68] : memref<50008x32xf32, #tpu.memory_space<vmem_shared>> -> memref<400x32xf32, #tpu.memory_space<vmem_shared>>
        tpu.enqueue_dma source(%dma_start3A_69 : memref<400x32xf32, #tpu.memory_space<vmem_shared>>) target(%arg15 : memref<400x32xf32, #tpu.memory_space<vmem>>) target_semaphore(%run_scoped3A : memref<!tpu.dma_semaphore, #tpu.memory_space<semaphore_mem>>)
        %dma_wait3A = arith.constant 0 : i32
        %dma_wait3A_70 = tpu.memref_slice %arg9[%mul3A_57, %dma_wait3A] : memref<50008x32xf32, #tpu.memory_space<vmem_shared>> -> memref<400x32xf32, #tpu.memory_space<vmem_shared>>
        %dma_wait3A_71 = arith.constant 0 : i32
        %dma_wait3A_72 = tpu.memref_slice %arg9[%mul3A_57, %dma_wait3A_71] : memref<50008x32xf32, #tpu.memory_space<vmem_shared>> -> memref<400x32xf32, #tpu.memory_space<vmem_shared>>
        tpu.wait_dma2 semaphore(%run_scoped3A : memref<!tpu.dma_semaphore, #tpu.memory_space<semaphore_mem>>) src(%dma_wait3A_72 : memref<400x32xf32, #tpu.memory_space<vmem_shared>>) dst(%arg15 : memref<400x32xf32, #tpu.memory_space<vmem>>)
        tpu.yield
      }) : () -> ()
      %add3A_58 = arith.addi %mul3A_0, %mul3A_57 : i32
      "tpu.region"() ({
        %run_scoped3A = tpu.sem_alloc : memref<!tpu.dma_semaphore, #tpu.memory_space<semaphore_mem>>
        %dma_start3A = arith.constant 0 : i32
        %dma_start3A_67 = tpu.memref_slice %arg3[%add3A_58, %dma_start3A] : memref<100000x32xf32, #tpu.memory_space<hbm>> -> memref<400x32xf32, #tpu.memory_space<hbm>>
        %dma_start3A_68 = arith.constant 0 : i32
        %dma_start3A_69 = tpu.memref_slice %arg3[%add3A_58, %dma_start3A_68] : memref<100000x32xf32, #tpu.memory_space<hbm>> -> memref<400x32xf32, #tpu.memory_space<hbm>>
        tpu.enqueue_dma source(%dma_start3A_69 : memref<400x32xf32, #tpu.memory_space<hbm>>) target(%arg16 : memref<400x32xf32, #tpu.memory_space<vmem>>) target_semaphore(%run_scoped3A : memref<!tpu.dma_semaphore, #tpu.memory_space<semaphore_mem>>)
        %dma_wait3A = arith.constant 0 : i32
        %dma_wait3A_70 = tpu.memref_slice %arg3[%add3A_58, %dma_wait3A] : memref<100000x32xf32, #tpu.memory_space<hbm>> -> memref<400x32xf32, #tpu.memory_space<hbm>>
        %dma_wait3A_71 = arith.constant 0 : i32
        %dma_wait3A_72 = tpu.memref_slice %arg3[%add3A_58, %dma_wait3A_71] : memref<100000x32xf32, #tpu.memory_space<hbm>> -> memref<400x32xf32, #tpu.memory_space<hbm>>
        tpu.wait_dma2 semaphore(%run_scoped3A : memref<!tpu.dma_semaphore, #tpu.memory_space<semaphore_mem>>) src(%dma_wait3A_72 : memref<400x32xf32, #tpu.memory_space<hbm>>) dst(%arg16 : memref<400x32xf32, #tpu.memory_space<vmem>>)
        tpu.yield
      }) : () -> ()
      %scan3A = arith.constant 0 : i32
      %scan3A_59 = arith.constant 0 : i32
      %scan3A_60 = arith.constant 400 : i32
      %scan3A_61 = arith.addi %scan3A_59, %scan3A_60 : i32
      %scan3A_62 = arith.constant 1 : i32
      %scan3A_63 = scf.for %scan3A_67 = %scan3A_59 to %scan3A_61 step %scan3A_62 iter_args(%scan3A_68 = %scan3A) -> (i32)  : i32 {
        %get3A = arith.index_cast %scan3A_67 : i32 to index
        %get3A_69 = arith.constant 0 : index
        %get3A_70 = tpu.vector_load %arg15[%get3A, %get3A_69] {strides = array<i32>} : memref<400x32xf32, #tpu.memory_space<vmem>>, vector<1x16xf32>,
        %get3A_71 = vector.shape_cast %get3A_70 : vector<1x16xf32> to vector<16xf32>
        %get3A_72 = arith.index_cast %scan3A_67 : i32 to index
        %get3A_73 = arith.constant 0 : index
        %get3A_74 = tpu.vector_load %arg16[%get3A_72, %get3A_73] {strides = array<i32>} : memref<400x32xf32, #tpu.memory_space<vmem>>, vector<1x16xf32>,
        %get3A_75 = vector.shape_cast %get3A_74 : vector<1x16xf32> to vector<16xf32>
        %add3A_76 = arith.addf %get3A_71, %get3A_75 : vector<16xf32>
        %mul3A_77 = arith.constant 2.500000e-01 : f32
        %mul3A_78 = vector.broadcast %mul3A_77 : f32 to vector<16xf32>
        %mul3A_79 = arith.mulf %add3A_76, %mul3A_78 : vector<16xf32>
        %swap3A = arith.index_cast %scan3A_67 : i32 to index
        %swap3A_80 = arith.constant 0 : index
        %swap3A_81 = tpu.vector_load %arg15[%swap3A, %swap3A_80] {strides = array<i32>} : memref<400x32xf32, #tpu.memory_space<vmem>>, vector<1x16xf32>,
        %swap3A_82 = vector.shape_cast %swap3A_81 : vector<1x16xf32> to vector<16xf32>
        %swap3A_83 = vector.shape_cast %mul3A_79 : vector<16xf32> to vector<1x16xf32>
        tpu.vector_store %arg15[%swap3A, %swap3A_80], %swap3A_83 {strides = array<i32>} : memref<400x32xf32, #tpu.memory_space<vmem>>, vector<1x16xf32>,
        %get3A_84 = arith.index_cast %scan3A_67 : i32 to index
        %get3A_85 = arith.constant 16 : index
        %get3A_86 = tpu.vector_load %arg15[%get3A_84, %get3A_85] {strides = array<i32>} : memref<400x32xf32, #tpu.memory_space<vmem>>, vector<1x16xf32>,
        %get3A_87 = vector.shape_cast %get3A_86 : vector<1x16xf32> to vector<16xf32>
        %get3A_88 = arith.index_cast %scan3A_67 : i32 to index
        %get3A_89 = arith.constant 16 : index
        %get3A_90 = tpu.vector_load %arg16[%get3A_88, %get3A_89] {strides = array<i32>} : memref<400x32xf32, #tpu.memory_space<vmem>>, vector<1x16xf32>,
        %get3A_91 = vector.shape_cast %get3A_90 : vector<1x16xf32> to vector<16xf32>
        %add3A_92 = arith.addf %get3A_87, %get3A_91 : vector<16xf32>
        %mul3A_93 = arith.constant 2.500000e-01 : f32
        %mul3A_94 = vector.broadcast %mul3A_93 : f32 to vector<16xf32>
        %mul3A_95 = arith.mulf %add3A_92, %mul3A_94 : vector<16xf32>
        %swap3A_96 = arith.index_cast %scan3A_67 : i32 to index
        %swap3A_97 = arith.constant 16 : index
        %swap3A_98 = tpu.vector_load %arg15[%swap3A_96, %swap3A_97] {strides = array<i32>} : memref<400x32xf32, #tpu.memory_space<vmem>>, vector<1x16xf32>,
        %swap3A_99 = vector.shape_cast %swap3A_98 : vector<1x16xf32> to vector<16xf32>
        %swap3A_100 = vector.shape_cast %mul3A_95 : vector<16xf32> to vector<1x16xf32>
        tpu.vector_store %arg15[%swap3A_96, %swap3A_97], %swap3A_100 {strides = array<i32>} : memref<400x32xf32, #tpu.memory_space<vmem>>, vector<1x16xf32>,
        %scan3A_101 = arith.constant 0 : i32
        scf.yield %scan3A_101 : i32
      }
      %scan3A_64 = arith.constant 400 : i32
      %add3A_65 = arith.addi %mul3A_0, %mul3A_57 : i32
      "tpu.region"() ({
        %run_scoped3A = tpu.sem_alloc : memref<!tpu.dma_semaphore, #tpu.memory_space<semaphore_mem>>
        %dma_start3A = arith.constant 0 : i32
        %dma_start3A_67 = tpu.memref_slice %arg8[%add3A_65, %dma_start3A] : memref<100000x32xf32, #tpu.memory_space<hbm>> -> memref<400x32xf32, #tpu.memory_space<hbm>>
        %dma_start3A_68 = arith.constant 0 : i32
        %dma_start3A_69 = tpu.memref_slice %arg8[%add3A_65, %dma_start3A_68] : memref<100000x32xf32, #tpu.memory_space<hbm>> -> memref<400x32xf32, #tpu.memory_space<hbm>>
        tpu.enqueue_dma source(%arg15 : memref<400x32xf32, #tpu.memory_space<vmem>>) target(%dma_start3A_69 : memref<400x32xf32, #tpu.memory_space<hbm>>) target_semaphore(%run_scoped3A : memref<!tpu.dma_semaphore, #tpu.memory_space<semaphore_mem>>)
        %dma_wait3A = arith.constant 0 : i32
        %dma_wait3A_70 = tpu.memref_slice %arg8[%add3A_65, %dma_wait3A] : memref<100000x32xf32, #tpu.memory_space<hbm>> -> memref<400x32xf32, #tpu.memory_space<hbm>>
        %dma_wait3A_71 = arith.constant 0 : i32
        %dma_wait3A_72 = tpu.memref_slice %arg8[%add3A_65, %dma_wait3A_71] : memref<100000x32xf32, #tpu.memory_space<hbm>> -> memref<400x32xf32, #tpu.memory_space<hbm>>
        tpu.wait_dma2 semaphore(%run_scoped3A : memref<!tpu.dma_semaphore, #tpu.memory_space<semaphore_mem>>) src(%arg15 : memref<400x32xf32, #tpu.memory_space<vmem>>) dst(%dma_wait3A_72 : memref<400x32xf32, #tpu.memory_space<hbm>>)
        tpu.yield
      }) : () -> ()
      %while3A_66 = arith.constant 0 : i32
      scf.yield %while3A_66 : i32
    }
    %while3A_52 = arith.constant 1 : i32
    %while3A_53 = scf.for %while3A_54 = %while3A_49 to %while3A_45 step %while3A_52 iter_args(%while3A_55 = %while3A_51) -> (i32)  : i32 {
      %mul3A_56 = arith.constant 400 : i32
      %mul3A_57 = arith.muli %while3A_54, %mul3A_56 : i32
      "tpu.region"() ({
        %run_scoped3A = tpu.sem_alloc : memref<!tpu.dma_semaphore, #tpu.memory_space<semaphore_mem>>
        %dma_start3A = arith.constant 0 : i32
        %dma_start3A_67 = tpu.memref_slice %arg9[%mul3A_57, %dma_start3A] : memref<50008x32xf32, #tpu.memory_space<vmem_shared>> -> memref<400x32xf32, #tpu.memory_space<vmem_shared>>
        %dma_start3A_68 = arith.constant 0 : i32
        %dma_start3A_69 = tpu.memref_slice %arg9[%mul3A_57, %dma_start3A_68] : memref<50008x32xf32, #tpu.memory_space<vmem_shared>> -> memref<400x32xf32, #tpu.memory_space<vmem_shared>>
        tpu.enqueue_dma source(%dma_start3A_69 : memref<400x32xf32, #tpu.memory_space<vmem_shared>>) target(%arg15 : memref<400x32xf32, #tpu.memory_space<vmem>>) target_semaphore(%run_scoped3A : memref<!tpu.dma_semaphore, #tpu.memory_space<semaphore_mem>>)
        %dma_wait3A = arith.constant 0 : i32
        %dma_wait3A_70 = tpu.memref_slice %arg9[%mul3A_57, %dma_wait3A] : memref<50008x32xf32, #tpu.memory_space<vmem_shared>> -> memref<400x32xf32, #tpu.memory_space<vmem_shared>>
        %dma_wait3A_71 = arith.constant 0 : i32
        %dma_wait3A_72 = tpu.memref_slice %arg9[%mul3A_57, %dma_wait3A_71] : memref<50008x32xf32, #tpu.memory_space<vmem_shared>> -> memref<400x32xf32, #tpu.memory_space<vmem_shared>>
        tpu.wait_dma2 semaphore(%run_scoped3A : memref<!tpu.dma_semaphore, #tpu.memory_space<semaphore_mem>>) src(%dma_wait3A_72 : memref<400x32xf32, #tpu.memory_space<vmem_shared>>) dst(%arg15 : memref<400x32xf32, #tpu.memory_space<vmem>>)
        tpu.yield
      }) : () -> ()
      %add3A_58 = arith.addi %mul3A_0, %mul3A_57 : i32
      "tpu.region"() ({
        %run_scoped3A = tpu.sem_alloc : memref<!tpu.dma_semaphore, #tpu.memory_space<semaphore_mem>>
        %dma_start3A = arith.constant 0 : i32
        %dma_start3A_67 = tpu.memref_slice %arg3[%add3A_58, %dma_start3A] : memref<100000x32xf32, #tpu.memory_space<hbm>> -> memref<400x32xf32, #tpu.memory_space<hbm>>
        %dma_start3A_68 = arith.constant 0 : i32
        %dma_start3A_69 = tpu.memref_slice %arg3[%add3A_58, %dma_start3A_68] : memref<100000x32xf32, #tpu.memory_space<hbm>> -> memref<400x32xf32, #tpu.memory_space<hbm>>
        tpu.enqueue_dma source(%dma_start3A_69 : memref<400x32xf32, #tpu.memory_space<hbm>>) target(%arg16 : memref<400x32xf32, #tpu.memory_space<vmem>>) target_semaphore(%run_scoped3A : memref<!tpu.dma_semaphore, #tpu.memory_space<semaphore_mem>>)
        %dma_wait3A = arith.constant 0 : i32
        %dma_wait3A_70 = tpu.memref_slice %arg3[%add3A_58, %dma_wait3A] : memref<100000x32xf32, #tpu.memory_space<hbm>> -> memref<400x32xf32, #tpu.memory_space<hbm>>
        %dma_wait3A_71 = arith.constant 0 : i32
        %dma_wait3A_72 = tpu.memref_slice %arg3[%add3A_58, %dma_wait3A_71] : memref<100000x32xf32, #tpu.memory_space<hbm>> -> memref<400x32xf32, #tpu.memory_space<hbm>>
        tpu.wait_dma2 semaphore(%run_scoped3A : memref<!tpu.dma_semaphore, #tpu.memory_space<semaphore_mem>>) src(%dma_wait3A_72 : memref<400x32xf32, #tpu.memory_space<hbm>>) dst(%arg16 : memref<400x32xf32, #tpu.memory_space<vmem>>)
        tpu.yield
      }) : () -> ()
      %scan3A = arith.constant 0 : i32
      %scan3A_59 = arith.constant 0 : i32
      %scan3A_60 = arith.constant 400 : i32
      %scan3A_61 = arith.addi %scan3A_59, %scan3A_60 : i32
      %scan3A_62 = arith.constant 1 : i32
      %scan3A_63 = scf.for %scan3A_67 = %scan3A_59 to %scan3A_61 step %scan3A_62 iter_args(%scan3A_68 = %scan3A) -> (i32)  : i32 {
        %get3A = arith.index_cast %scan3A_67 : i32 to index
        %get3A_69 = arith.constant 0 : index
        %get3A_70 = tpu.vector_load %arg15[%get3A, %get3A_69] {strides = array<i32>} : memref<400x32xf32, #tpu.memory_space<vmem>>, vector<1x16xf32>,
        %get3A_71 = vector.shape_cast %get3A_70 : vector<1x16xf32> to vector<16xf32>
        %get3A_72 = arith.index_cast %scan3A_67 : i32 to index
        %get3A_73 = arith.constant 0 : index
        %get3A_74 = tpu.vector_load %arg16[%get3A_72, %get3A_73] {strides = array<i32>} : memref<400x32xf32, #tpu.memory_space<vmem>>, vector<1x16xf32>,
        %get3A_75 = vector.shape_cast %get3A_74 : vector<1x16xf32> to vector<16xf32>
        %add3A_76 = arith.addf %get3A_71, %get3A_75 : vector<16xf32>
        %mul3A_77 = arith.constant 2.500000e-01 : f32
        %mul3A_78 = vector.broadcast %mul3A_77 : f32 to vector<16xf32>
        %mul3A_79 = arith.mulf %add3A_76, %mul3A_78 : vector<16xf32>
        %swap3A = arith.index_cast %scan3A_67 : i32 to index
        %swap3A_80 = arith.constant 0 : index
        %swap3A_81 = tpu.vector_load %arg15[%swap3A, %swap3A_80] {strides = array<i32>} : memref<400x32xf32, #tpu.memory_space<vmem>>, vector<1x16xf32>,
        %swap3A_82 = vector.shape_cast %swap3A_81 : vector<1x16xf32> to vector<16xf32>
        %swap3A_83 = vector.shape_cast %mul3A_79 : vector<16xf32> to vector<1x16xf32>
        tpu.vector_store %arg15[%swap3A, %swap3A_80], %swap3A_83 {strides = array<i32>} : memref<400x32xf32, #tpu.memory_space<vmem>>, vector<1x16xf32>,
        %get3A_84 = arith.index_cast %scan3A_67 : i32 to index
        %get3A_85 = arith.constant 16 : index
        %get3A_86 = tpu.vector_load %arg15[%get3A_84, %get3A_85] {strides = array<i32>} : memref<400x32xf32, #tpu.memory_space<vmem>>, vector<1x16xf32>,
        %get3A_87 = vector.shape_cast %get3A_86 : vector<1x16xf32> to vector<16xf32>
        %get3A_88 = arith.index_cast %scan3A_67 : i32 to index
        %get3A_89 = arith.constant 16 : index
        %get3A_90 = tpu.vector_load %arg16[%get3A_88, %get3A_89] {strides = array<i32>} : memref<400x32xf32, #tpu.memory_space<vmem>>, vector<1x16xf32>,
        %get3A_91 = vector.shape_cast %get3A_90 : vector<1x16xf32> to vector<16xf32>
        %add3A_92 = arith.addf %get3A_87, %get3A_91 : vector<16xf32>
        %mul3A_93 = arith.constant 2.500000e-01 : f32
        %mul3A_94 = vector.broadcast %mul3A_93 : f32 to vector<16xf32>
        %mul3A_95 = arith.mulf %add3A_92, %mul3A_94 : vector<16xf32>
        %swap3A_96 = arith.index_cast %scan3A_67 : i32 to index
        %swap3A_97 = arith.constant 16 : index
        %swap3A_98 = tpu.vector_load %arg15[%swap3A_96, %swap3A_97] {strides = array<i32>} : memref<400x32xf32, #tpu.memory_space<vmem>>, vector<1x16xf32>,
        %swap3A_99 = vector.shape_cast %swap3A_98 : vector<1x16xf32> to vector<16xf32>
        %swap3A_100 = vector.shape_cast %mul3A_95 : vector<16xf32> to vector<1x16xf32>
        tpu.vector_store %arg15[%swap3A_96, %swap3A_97], %swap3A_100 {strides = array<i32>} : memref<400x32xf32, #tpu.memory_space<vmem>>, vector<1x16xf32>,
        %scan3A_101 = arith.constant 0 : i32
        scf.yield %scan3A_101 : i32
      }
      %scan3A_64 = arith.constant 400 : i32
      %add3A_65 = arith.addi %mul3A_0, %mul3A_57 : i32
      "tpu.region"() ({
        %run_scoped3A = tpu.sem_alloc : memref<!tpu.dma_semaphore, #tpu.memory_space<semaphore_mem>>
        %dma_start3A = arith.constant 0 : i32
        %dma_start3A_67 = tpu.memref_slice %arg8[%add3A_65, %dma_start3A] : memref<100000x32xf32, #tpu.memory_space<hbm>> -> memref<400x32xf32, #tpu.memory_space<hbm>>
        %dma_start3A_68 = arith.constant 0 : i32
        %dma_start3A_69 = tpu.memref_slice %arg8[%add3A_65, %dma_start3A_68] : memref<100000x32xf32, #tpu.memory_space<hbm>> -> memref<400x32xf32, #tpu.memory_space<hbm>>
        tpu.enqueue_dma source(%arg15 : memref<400x32xf32, #tpu.memory_space<vmem>>) target(%dma_start3A_69 : memref<400x32xf32, #tpu.memory_space<hbm>>) target_semaphore(%run_scoped3A : memref<!tpu.dma_semaphore, #tpu.memory_space<semaphore_mem>>)
        %dma_wait3A = arith.constant 0 : i32
        %dma_wait3A_70 = tpu.memref_slice %arg8[%add3A_65, %dma_wait3A] : memref<100000x32xf32, #tpu.memory_space<hbm>> -> memref<400x32xf32, #tpu.memory_space<hbm>>
        %dma_wait3A_71 = arith.constant 0 : i32
        %dma_wait3A_72 = tpu.memref_slice %arg8[%add3A_65, %dma_wait3A_71] : memref<100000x32xf32, #tpu.memory_space<hbm>> -> memref<400x32xf32, #tpu.memory_space<hbm>>
        tpu.wait_dma2 semaphore(%run_scoped3A : memref<!tpu.dma_semaphore, #tpu.memory_space<semaphore_mem>>) src(%arg15 : memref<400x32xf32, #tpu.memory_space<vmem>>) dst(%dma_wait3A_72 : memref<400x32xf32, #tpu.memory_space<hbm>>)
        tpu.yield
      }) : () -> ()
      %while3A_66 = arith.constant 0 : i32
      scf.yield %while3A_66 : i32
    }
    return
  }
}

</mosaic_0001>

<sc_bundles>
// kernel: kernel.11.cloned.1.call-start
scs
__scs_entry_jumppad:
0x0: {  	(pc) =	sbr.rel $0x88, $3  }
0x1: {  	(tag) =	ssettag $0x0;
	lr =	simm.s32 $0x1  }
0x2: {  	[smem:$0x3F9D] =	sst lr;
	_ =	strace $0xD0000000  }
0x3: {  	_ = 	snop  }
0x4: {  	_ = 	snop  }
0x5: {  	_ = 	snop  }
0x6: {  	_ = 	snop  }
0x7: {  	_ = 	snop  }
__scs_overlays_trampoline_lowered:
0x8: {  	[smem:$0x3FAC] =	sst s0  }
0x9: {  	[smem:$0x3FAD] =	sst s1  }
0xa: {  	[smem:$0x3FAE] =	sst s2  }
0xb: {  	[smem:$0x3FAF] =	sst s3  }
0xc: {  	[smem:$0x3FB0] =	sst s4  }
0xd: {  	[smem:$0x3FB1] =	sst s5  }
0xe: {  	[smem:$0x3FB2] =	sst s6  }
0xf: {  	[smem:$0x3FB3] =	sst s7  }
0x10: {  	[smem:$0x3FB4] =	sst s8  }
0x11: {  	[smem:$0x3FB5] =	sst s9;
	s0 =	simm.s32 @!p0 $0x0  }
0x12: {  	s1 =	sld [smem:$0x3F9B];
	s0 =	simm.s32 @p0 $0x1  }
0x13: {  	[smem:$0x3FB6] =	sst s0;
	s0 =	simm.s32 @!p1 $0x0  }
0x14: {  	s2 =	sld [smem:$0x3F9A];
	s0 =	simm.s32 @p1 $0x1  }
0x15: {  	[smem:$0x3FB7] =	sst s0;
	s0 =	simm.s32 @!p2 $0x0  }
0x16: {  	s3 =	sld [smem:$0x3FDB];
	s0 =	simm.s32 @p2 $0x1  }
0x17: {  	s4 =	simm.s32 $0x1BF5;
	[smem:$0x3FB9] =	sst s0  }
0x18: {  	s0 =	sld [smem:$0x3F9C];
	_ =	swait.ge [sflag:s4], $0x0  }
0x19: {  	s7 =	sld [smem:$0x3F9D]  }
0x1a: {  	s8 =	sadd.s32 $0xFFFFE003, lr  }
0x1b: {  	s9 =	sadd.s32 $0xFFFFFEF7, lr;
	s5 =	simm.s32 $0xFFFFFFFF;
	p2 =	slt.u32 s8, $0xFFFFF086  }
0x1c: {  	p1 =	slt.u32 s9, $0xF7A;
	s5 =	simm.s32 @!p2 $0x0  }
0x1d: {  	s5 =	simm.s32 @p1 $0x1;
	p0 =	seq.s32 s7, s2  }
0x1e: {  	s7 =	smul.u32 @!p0 $0xF7A, s2;
	p2 =	seq.s32 @!p0 s5, $0x0  }
0x1f: {  	s9 =	smul.u32 $0xF7A, s1;
	s8 =	simm.s32 @!p0 $0x1BF5;
	p2 =	por !p2, p0  }
0x20: {  	[sflag:s8] =	ssyncset.s32 @!p0 $0xFFFFF086;
	s6 =	sadd.s32 @!p0 s3, s7;
	s7 =	simm.s32 @!p0 $0x108  }
0x21: {  	s3 =	sadd.s32 s3, s9;
	s6 =	sadd.s32 @!p0 $0x88, s6;
	s7 =	simm.s32 @p2 $0x1082  }
0x22: {  	[simem:s7], [sflag:s8] =	dma.local @!p0 [hbm:s6], $0xF7A  }
0x23: {  	s9 =	sor.u32 $0xD0000000, s2;
	s6 =	simm.s32 $0x108;
	_ =	swait.ge @!p0 [sflag:s8], $0x0  }
0x24: {  	s3 =	sadd.s32 $0x88, s3;
	s6 =	simm.s32 @!p1 $0x1082;
	[sflag:s4] =	ssyncset.s32 $0xFFFFF086  }
0x25: {  	[simem:s6], [sflag:s4] =	dma.local [hbm:s3], $0xF7A  }
0x26: {  	[smem:$0x3F9D] =	sst s1;
	(tag) =	ssettag s2;
	_ =	strace s9  }
0x27: {  	s1 =	sld [smem:$0x3FAD]  }
0x28: {  	s2 =	sld [smem:$0x3FAE]  }
0x29: {  	s4 =	sld [smem:$0x3FB0]  }
0x2a: {  	p0 =	seq.s32 s5, $0x0;
	s5 =	sld [smem:$0x3FB1]  }
0x2b: {  	s6 =	sld [smem:$0x3FB2]  }
0x2c: {  	s7 =	sld [smem:$0x3FB3]  }
0x2d: {  	s3 =	simm.s32 $0x108;
	s8 =	sld [smem:$0x3FB4]  }
0x2e: {  	s3 =	simm.s32 @!p0 $0x1082;
	s9 =	sld [smem:$0x3FB5]  }
0x2f: {  	lr =	sadd.s32 s0, s3;
	s0 =	sld [smem:$0x3FAC]  }
0x30: {  	s3 =	sld [smem:$0x3FAF]  }
0x31: {  	[smem:$0x3FB8] =	sst s10  }
0x32: {  	s10 =	sld [smem:$0x3FB6];
	_ =	sdelay $0x3  }
0x33: {  	p0 =	seq.s32 s10, $0x1;
	s10 =	sld [smem:$0x3FB8];
	_ =	sdelay $0x3  }
0x34: {  	[smem:$0x3FB8] =	sst s10  }
0x35: {  	s10 =	sld [smem:$0x3FB7];
	_ =	sdelay $0x3  }
0x36: {  	p1 =	seq.s32 s10, $0x1;
	s10 =	sld [smem:$0x3FB8];
	_ =	sdelay $0x3  }
0x37: {  	[smem:$0x3FB8] =	sst s10  }
0x38: {  	s10 =	sld [smem:$0x3FB9]  }
0x39: {  	_ = 	snop;
	(pc) =	sbr.ind lr, $3  }
0x3a: {  	_ = 	snop  }
0x3b: {  	_ = 	snop  }
0x3c: {  	p2 =	seq.s32 s10, $0x1;
	s10 =	sld [smem:$0x3FB8]  }
0x3d: {  	_ =	shalt  }
0x3e: {  	_ =	shalt  }
0x3f: {  	_ =	shalt  }
0x40: {  	_ =	shalt  }
0x41: {  	_ =	shalt  }
0x42: {  	_ =	shalt  }
0x43: {  	_ =	shalt  }
0x44: {  	_ =	shalt  }
0x45: {  	_ =	shalt  }
0x46: {  	_ =	shalt  }
0x47: {  	_ =	shalt  }
0x48: {  	_ =	shalt  }
0x49: {  	_ =	shalt  }
0x4a: {  	_ =	shalt  }
0x4b: {  	_ =	shalt  }
0x4c: {  	_ =	shalt  }
0x4d: {  	_ =	shalt  }
0x4e: {  	_ =	shalt  }
0x4f: {  	_ =	shalt  }
0x50: {  	_ =	shalt  }
0x51: {  	_ =	shalt  }
0x52: {  	_ =	shalt  }
0x53: {  	_ =	shalt  }
0x54: {  	_ =	shalt  }
0x55: {  	_ =	shalt  }
0x56: {  	_ =	shalt  }
0x57: {  	_ =	shalt  }
0x58: {  	_ =	shalt  }
0x59: {  	_ =	shalt  }
0x5a: {  	_ =	shalt  }
0x5b: {  	_ =	shalt  }
0x5c: {  	_ =	shalt  }
0x5d: {  	_ =	shalt  }
0x5e: {  	_ =	shalt  }
0x5f: {  	_ =	shalt  }
0x60: {  	_ =	shalt  }
0x61: {  	_ =	shalt  }
0x62: {  	_ =	shalt  }
0x63: {  	_ =	shalt  }
0x64: {  	_ =	shalt  }
0x65: {  	_ =	shalt  }
0x66: {  	_ =	shalt  }
0x67: {  	_ =	shalt  }
0x68: {  	_ =	shalt  }
0x69: {  	_ =	shalt  }
0x6a: {  	_ =	shalt  }
0x6b: {  	_ =	shalt  }
0x6c: {  	_ =	shalt  }
0x6d: {  	_ =	shalt  }
0x6e: {  	_ =	shalt  }
0x6f: {  	_ =	shalt  }
0x70: {  	_ =	shalt  }
0x71: {  	_ =	shalt  }
0x72: {  	_ =	shalt  }
0x73: {  	_ =	shalt  }
0x74: {  	_ =	shalt  }
0x75: {  	_ =	shalt  }
0x76: {  	_ =	shalt  }
0x77: {  	_ =	shalt  }
0x78: {  	_ =	shalt  }
0x79: {  	_ =	shalt  }
0x7a: {  	_ =	shalt  }
0x7b: {  	_ =	shalt  }
0x7c: {  	_ =	shalt  }
0x7d: {  	_ =	shalt  }
0x7e: {  	_ =	shalt  }
0x7f: {  	_ =	shalt  }
0x80: {  	_ =	shalt  }
0x81: {  	_ =	shalt  }
0x82: {  	_ =	shalt  }
0x83: {  	_ =	shalt  }
0x84: {  	_ =	shalt  }
0x85: {  	_ =	shalt  }
0x86: {  	_ =	shalt  }
0x87: {  	_ =	shalt  }
.Lfunc_end0:
.L_simem_size_0:
called_computation.2_lowered:
.L_overlay_start_0:
0x88: {  	s2 =	sld [smem:$0x3FD9]  }
0x89: {  	s3 =	sld [smem:$0x3FFE];
	_ =	sdelay $0x1  }
0x8a: {  	s1 =	srdreg.scid  }
0x8b: {  	s0 =	sand.u32 $0x1, s1  }
0x8c: {  	s14 =	sshll.u32 s0, $0xA;
	s2 =	sadd.s32 s3, s2  }
0x8d: {  	s2 =	sadd.s32 s2, s14  }
0x8e: {  	[smem:$0x3FC4] =	sst s2  }
0x8f: {  	_ = 	snop  }
0x90: {  	s2 =	sld [smem:$0x3FD0];
	_ =	sdelay $0x2  }
0x91: {  	s4 =	simm.s32 $0xA;
	s5 =	simm.s32 $0x10;
	s15 =	sld [smem:$0x3FC6]  }
0x92: {  	[smem:s5], [sflag:s4] =	dma.local [hbm:s2], $0x1  }
0x93: {  	_ =	swait.eq [sflag:s4], $0x1  }
0x94: {  	[sflag:s4] =	ssyncset.done $0x0  }
0x95: {  	s16 =	sld [smem:$0x10];
	[sflag:s4] =	ssyncadd.s32 $0xFFFFFFFF  }
0x96: {  	s17 =	sld [smem:$0x11];
	(tm) =	ssettm $0x1  }
0x97: {  	s18 =	sld [smem:$0x3FFB];
	_ =	sdelay $0x3  }
0x98: {  	_ =	strace s18  }
0x99: {  	s5 =	sld [smem:$0x3FFC];
	_ =	sdelay $0x3  }
0x9a: {  	_ =	strace s5  }
0x9b: {  	s5 =	sld [smem:$0x3FFD];
	_ =	sdelay $0x3  }
0x9c: {  	_ =	strace s5  }
0x9d: {  	_ =	strace $0x8FFFFFFF  }
0x9e: {  	s19 =	sld [smem:$0x3FDB];
	_ =	sdelay $0x1  }
0x9f: {  	s6 =	simm.s32 $_scs_section_size  }
0xa0: {  	s7 =	simm.s32 $_size__tile_overlayer_lowered;
	s8 =	simm.s32 $_tile_overlayer_lowered  }
0xa1: {  	s22 =	simm.s32 $0x1BFF;
	s21 =	sshll.u32 s8, $0x1;
	s5 =	sadd.s32 s6, s19  }
0xa2: {  	s9 =	simm.s32 $0x0;
	s20 =	sshll.u32 s7, $0x1;
	s7 =	sadd.s32 s21, s5  }
0xa3: {  	[timem:s9], [sflag:s22] =	dma.local [hbm:s7], s20  }
0xa4: {  	_ =	swait.ge [sflag:s22], s20  }
0xa5: {  	s6 =	ssub.s32 $0x0, s20;
	[sflag:s22] =	ssyncset.done $0x0  }
0xa6: {  	[sflag:s22] =	ssyncadd.s32 s6;
	_ =	sdelay $0x1  }
0xa7: {  	s23 =	simm.s32 $0x1B8B  }
0xa8: {  	_ =	swait.ge [sflag:s23], $0x1  }
0xa9: {  	[sflag:s23] =	ssyncset.done $0x0  }
0xaa: {  	s25 =	simm.s32 $0x1B8E;
	s24 =	sld [smem:$0x3FFE];
	[sflag:s23] =	ssyncadd.s32 $0xFFFFFFFF  }
0xab: {  	s26 =	simm.s32 $execute0_lowered;
	[smem:$0x3FD2] =	sst s25  }
0xac: {  	s7 =	sshll.u32 s26, $0x1;
	_ =	strace $0x8000004C;
	[dreg:$0x1] =	wrdreg $0xFFFFFFFF  }
0xad: {  	s28 =	simm.s32 $_size_execute0_lowered;
	s5 =	sadd.s32 s5, s7;
	[dreg:$0x0] =	wrdreg $0x0  }
0xae: {  	s7 =	sshll.u32 s28, $0x1;
	[dreg:$0x2] =	wrdreg s5  }
0xaf: {  	[dreg:$0x3] =	wrdreg s7  }
0xb0: {  	[dreg:$0x4] =	wrdreg $0xC0  }
0xb1: {  	_ =	task [dreg:s9], $0x5FFFF  }
0xb2: {  	[dreg:$0x1] =	wrdreg $0xFFFFFFFF  }
0xb3: {  	[dreg:$0x0] =	wrdreg $0x60  }
0xb4: {  	[dreg:$0x2] =	wrdreg s24  }
0xb5: {  	[dreg:$0x3] =	wrdreg s16  }
0xb6: {  	[dreg:$0x4] =	wrdreg s17  }
0xb7: {  	[dreg:$0x5] =	wrdreg s15  }
0xb8: {  	[dreg:$0x6] =	wrdreg $0x0  }
0xb9: {  	[dreg:$0x7] =	wrdreg $0x9  }
0xba: {  	_ =	task.clear_ibuf [dreg:s9], $0x8FFFF;
	_ =	strace $0x9000004C  }
0xbb: {  	s29 =	simm.s32 $0x9;
	_ =	strace $0x8000004E  }
0xbc: {  	_ =	swait.ge [sflag:s29], $0x1  }
0xbd: {  	[sflag:s29] =	ssyncadd.s32 $0xFFFFFFFF  }
0xbe: {  	_ =	strace $0x9000004E  }
0xbf: {  	_ =	sfence  }
0xc0: {  	s30 =	sld [smem:$0x0];
	_ =	sdelay $0x2  }
0xc1: {  	s31 =	sshll.u32 s1, $0xD;
	s1 =	sshrl.u32 s1, $0x2  }
0xc2: {  	s3 =	sand.u32 $0x4000, s31;
	s1 =	sadd.s32 s1, s30  }
0xc3: {  	s0 =	sor.u32 s3, s0;
	s1 =	sshll.u32 s1, $0x11  }
0xc4: {  	s0 =	sor.u32 s1, s0  }
0xc5: {  	s0 =	sadd.s32 $0x8F2B, s0  }
0xc6: {  	[sflag:s0] =	ssyncadd.remote.s32 $0x1  }
0xc7: {  	_ =	sfence.sel $0xFFFF  }
0xc8: {  	[dreg:$0x0] =	wrdreg $0xFFFFFFFF;
	(pc) =	sbr.abs _section_cstart, $3  }
0xc9: {  	[dreg:$0x1] =	wrdreg $0xFFFFFFFF  }
0xca: {  	_ =	task.clear_ibuf [dreg:s9], $0x2FFFF;
	_ =	strace $0x9FFFFFFF  }
0xcb: {  	(tm) =	ssettm $0x7FFFFFFF  }
tec
execute0_lowered:
.L_overlay_start_1:
0x0: {  	(tag) =	ssettag $0x1  }
0x1: {  	s0 =	rddreg [dreg:$0x0]  }
0x2: {  	s1 =	rddreg [dreg:$0x1]  }
0x3: {  	s3 =	rddreg [dreg:$0x2]  }
0x4: {  	s4 =	rddreg [dreg:$0x3]  }
0x5: {  	s5 =	rddreg [dreg:$0x4];
	s18 =	stileid.u32  }
0x6: {  	s6 =	simm.s32 $0x0;
	s10 =	srdreg.scid;
	s14 =	simm.s32 $0x8  }
0x7: {  	s16 =	simm.s32 $0x30E;
	s19 =	simm.s32 $0x2;
	s20 =	simm.s32 $0x186B0  }
0x8: {  	s21 =	simm.s32 $0x187B0;
	s28 =	simm.s32 $0x198B0;
	s29 =	simm.s32 $0x1CAB0  }
0x9: {  	s30 =	simm.s32 $0x0;
	s2 =	smin.u32 s18, $0xD;
	s8 =	smul.u32 $0x15E00, s18  }
0xa: {  	[smem:$0x7FF] =	sst s6;
	s7 =	sadd.s32 $0xF5800, s0;
	s13 =	smul.u32 $0x7, s18  }
0xb: {  	s10 =	sand.u32 $0x1, s10;
	p0 =	slt.u32 s18, $0xD;
	s15 =	smul.u32 $0x30D, s18  }
0xc: {  	s23 =	smul.u32 $0x57800, s18;
	s24 =	smin.u32 s18, $0x4;
	s26 =	sshll.u32 s18, $0x6  }
0xd: {  	s9 =	smul.u32 $0x3200, s2;
	_ =	strace $0x8000004D;
	s12 =	ssub.s32 $0x2, s10  }
0xe: {  	s14 =	simm.s32 @!p0 $0x7;
	p0 =	slt.u32 s18, $0x4;
	s18 =	sor.u32 $0x1C02, s26  }
0xf: {  	s26 =	simm.s32 $0x18730;
	s31 =	sadd.s32 s2, s13;
	s2 =	smul.u32 $0xC800, s2  }
0x10: {  	s22 =	sshrl.u32 s12, $0x1;
	s16 =	simm.s32 @!p0 $0x30D;
	s9 =	sadd.s32 s9, s8  }
0x11: {  	s8 =	sadd.s32 $0x157400, s0;
	s9 =	sshrl.u32 s9, $0x3;
	s2 =	sadd.s32 s2, s23  }
0x12: {  	s23 =	simm.s32 $0x80;
	s11 =	sadd.s32 s9, s0;
	s9 =	smul.u32 $0xC350, s10  }
0x13: {  	s10 =	sadd.s32 $0x32000, s0;
	s0 =	ssub.s32 s12, s22;
	s12 =	sadd.s32 s14, s31  }
0x14: {  	s14 =	sadd.s32 s24, s15;
	s25 =	sshrl.u32 s2, $0x2;
	s22 =	simm.s32 $0x18830  }
0x15: {  	s24 =	simm.s32 $0x188B0;
	[dreg:$0x6] =	wrdreg s14;
	s0 =	smax.u32 s0, $0x1  }
0x16: {  	s14 =	sadd.s32 s16, s14;
	[dreg:$0x7] =	wrdreg s0;
	s0 =	sadd.s32 s25, s5  }
0x17: {  	s16 =	sadd.s32 $0x1200, s11;
	s25 =	simm.s32 $0x1;
	v0 =	vmov s9;
	[dreg:$0x8] =	wrdreg s0  }
.LBB2_1:
0x18: {  	s0 =	sadd.s32 $0x1, s31  }
0x19: {  	p0 =	slt.u32 s0, s12  }
.Ltmp0:
0x1a: {  	s11 =	rddreg [dreg:$0x8];
	(pc) =	sbr.rel @!p0 .LBB2_3-.Ltmp0, $4  }
0x1b: {  	s2 =	sshrl.u32 s11, $0x3  }
0x1c: {  	[spmem:s2], [sflag:s18] =	dma.local [hbm:s16], $0x640  }
0x1d: {  	s17 =	smov.u32 s31;
	_ =	swait.ge [sflag:s19], $0x640  }
0x1e: {  	s2 =	sadd.s32 $0x3200, s11;
	s11 =	smov.u32 s16;
	[sflag:s19] =	ssyncset.done $0x0  }
.LBB2_2:
0x1f: {  	s0 =	sadd.s32 $0x1, s0  }
0x20: {  	[sflag:s19] =	ssyncadd.s32 $0xFFFFF9C0;
	s11 =	sadd.s32 $0x640, s11;
	p0 =	slt.u32 s0, s12  }
.Ltmp1:
0x21: {  	(pc) =	sbr.rel @p0 .LBB2_2-.Ltmp1, $4  }
0x22: {  	s13 =	sshrl.u32 s2, $0x3  }
0x23: {  	[spmem:s13], [sflag:s18] =	dma.local [hbm:s11], $0x640  }
0x24: {  	_ =	swait.ge [sflag:s19], $0x640  }
0x25: {  	s2 =	sadd.s32 $0x3200, s2;
	[sflag:s19] =	ssyncset.done $0x0  }
.LBB2_3:
0x26: {  	[sflag:s19] =	ssyncadd.s32 $0xFFFFF9C0  }
0x27: {  	[bflag:$0x0] =	sbarrier.arrive $0xFFFF  }
0x28: {  	s31 =	rddreg [dreg:$0x6]  }
.LBB2_4:
0x29: {  	s0 =	sshll.u32 s31, $0x4  }
0x2a: {  	s11 =	simm.s32 $0x0;
	s2 =	sadd.s32 s1, s0  }
0x2b: {  	[tilespmem:s20], [sflag:$0x2] =	stream.linear.gather [hbm4b:s2+s11], $0x80, $0x38;
	[tilespmem:$0x1FCB0] =	vst v63  }
0x2c: {  	_ =	swait.ge [sflag:s19], $0x80  }
0x2d: {  	[sflag:s19] =	ssyncset.done $0x0  }
0x2e: {  	s15 =	sadd.s32 s3, s0;
	[sflag:s19] =	ssyncadd.s32 $0xFFFFFF80  }
0x2f: {  	[tilespmem:s21], [sflag:$0x2] =	stream.linear.gather [hbm4b:s15+s11], $0x80, $0x38;
	[tilespmem:$0x1FCB0] =	vst v63  }
0x30: {  	_ =	swait.ge [sflag:s19], $0x80  }
0x31: {  	[sflag:s19] =	ssyncset.done $0x0  }
0x32: {  	s0 =	sadd.s32 s4, s0;
	[sflag:s19] =	ssyncadd.s32 $0xFFFFFF80  }
0x33: {  	[tilespmem:s22], [sflag:$0x2] =	stream.linear.gather [hbm4b:s0+s11], $0x80, $0x38;
	[tilespmem:$0x1FCB0] =	vst v63  }
0x34: {  	_ =	swait.ge [sflag:s19], $0x80  }
0x35: {  	[sflag:s19] =	ssyncset.done $0x0  }
0x36: {  	[sflag:s19] =	ssyncadd.s32 $0xFFFFFF80  }
0x37: {  	[tilespmem:s24], [sflag:$0x1] =	stream.indirect.gather [hbm4b:s7+s23], $0x20, s20, s23, $0xb8;
	[tilespmem:$0x1FCB0] =	vst v63  }
0x38: {  	_ =	swait.ge [sflag:s25], $0x1000  }
0x39: {  	[sflag:s25] =	ssyncset.done $0x0  }
0x3a: {  	s11 =	simm.s32 $0x0;
	[sflag:s25] =	ssyncadd.s32 $0xFFFFF000  }
0x3b: {  	v2 =	vld [tilespmem:s11+$0x18830]  }
0x3c: {  	v3 =	vld [tilespmem:s11+$0x187B0];
	_ =	sdelay $0x4  }
0x3d: {  	s2 =	simm.s32 $0x189B0;
	s15 =	simm.s32 $0x40;
	s0 =	simm.s32 $0x189B0;
	v1 =	vbroadcast v2, $0x9;
	v3 =	vsub.s32 v3, v0;
	v4 =	vbroadcast v2, $0xC  }
.LBB2_5:
0x3e: {  	p0 =	sne.s32 s15, $0x1C0  }
0x3f: {  	v3 =	vmin.u32 v3, $0xC350;
	v5 =	vbroadcast v2, $0xB;
	s2 =	sadd.s32 $0x200, s2;
	s13 =	smov.u32 s15;
	s15 =	sadd.s32 $0x40, s15  }
0x40: {  	v6 =	vbroadcast v2, $0x4;
	[tilespmem:s11+$0x18730] =	vst v3  }
0x41: {  	v7 =	vbroadcast v2, $0x6;
	v8 =	vld [tilespmem:s0+$0x90]  }
0x42: {  	v3 =	vbroadcast v2, $0xA;
	v9 =	vld [tilespmem:s0+$0x50]  }
0x43: {  	v10 =	vbroadcast v2, $0x0;
	v11 =	vbroadcast v2, $0x7;
	v12 =	vld [tilespmem:s0+$0x60]  }
0x44: {  	v13 =	vbroadcast v2, $0x1;
	v14 =	vld [tilespmem:s0+$0x70]  }
0x45: {  	v15 =	vld [tilespmem:s0+$0x80]  }
0x46: {  	v16 =	vld [tilespmem:s0+$0xFFFFFFA0]  }
0x47: {  	v9 =	vmul.f32 v9, v3;
	v17 =	vld [tilespmem:s0+$0xA0]  }
0x48: {  	v12 =	vmul.f32 v12, v5;
	v18 =	vld [tilespmem:s0+$0xB0]  }
0x49: {  	v19 =	vld [tilespmem:s0+$0xFFFFFFB0];
	[tilespmem:s0+$0x50] =	vst v9;
	v5 =	vmul.f32 v14, v5  }
0x4a: {  	[tilespmem:s0+$0x60] =	vst v12;
	v9 =	vmul.f32 v15, v4;
	v12 =	vbroadcast v2, $0xD;
	v14 =	vld [tilespmem:s0+$0xC0]  }
0x4b: {  	v4 =	vmul.f32 v8, v4;
	v15 =	vld [tilespmem:s0+$0xFFFFFF70];
	[tilespmem:s0+$0x70] =	vst v5;
	v5 =	vbroadcast v2, $0xE  }
0x4c: {  	v8 =	vbroadcast v2, $0x5;
	v20 =	vld [tilespmem:s0+$0x10];
	[tilespmem:s0+$0x80] =	vst v9;
	v9 =	vmul.f32 v17, v12  }
0x4d: {  	v17 =	vbroadcast v2, $0x3;
	[tilespmem:s0+$0x90] =	vst v4;
	v4 =	vmul.f32 v18, v12;
	v12 =	vld [tilespmem:s0+$0xE0]  }
0x4e: {  	v16 =	vmul.f32 v16, v8;
	v8 =	vmul.f32 v19, v8;
	[tilespmem:s0+$0xA0] =	vst v9;
	v9 =	vld [tilespmem:s0+$0xD0]  }
0x4f: {  	v18 =	vbroadcast v2, $0x8;
	[tilespmem:s0+$0xB0] =	vst v4;
	v4 =	vmul.f32 v14, v5;
	v14 =	vld [tilespmem:s0+$0xF0]  }
0x50: {  	v19 =	vld [tilespmem:s0+$0xFFFFFF00];
	v15 =	vmul.f32 v15, v17;
	[tilespmem:s0+$0xFFFFFFA0] =	vst v16  }
0x51: {  	v16 =	vld [tilespmem:s0+$0xFFFFFF10];
	v20 =	vmul.f32 v20, v18;
	[tilespmem:s0+$0xC0] =	vst v4;
	v4 =	vbroadcast v2, $0xF  }
0x52: {  	v21 =	vld [tilespmem:s0+$0xFFFFFF60];
	[tilespmem:s0+$0xFFFFFF70] =	vst v15  }
0x53: {  	v15 =	vld [tilespmem:s0+$0xFFFFFF20];
	[tilespmem:s0+$0x10] =	vst v20;
	v5 =	vmul.f32 v9, v5;
	v9 =	vmul.f32 v12, v4  }
0x54: {  	v12 =	vld [tilespmem:s0+$0xFFFFFF30];
	v4 =	vmul.f32 v14, v4  }
0x55: {  	v14 =	vmul.f32 v10, v19;
	v19 =	vld [tilespmem:s0+$0xFFFFFF40];
	[tilespmem:s0+$0xE0] =	vst v9  }
0x56: {  	v9 =	vmul.f32 v16, v10;
	v10 =	vld [tilespmem:s0+$0x0];
	[tilespmem:s0+$0xF0] =	vst v4  }
0x57: {  	v4 =	vmul.f32 v21, v17;
	v16 =	vld [tilespmem:s0+$0xFFFFFF80];
	[tilespmem:s0+$0xFFFFFFB0] =	vst v8  }
0x58: {  	v2 =	vbroadcast v2, $0x2;
	[tilespmem:s0+$0xFFFFFF10] =	vst v9;
	v8 =	vmul.f32 v15, v13;
	v9 =	vld [tilespmem:s0+$0xFFFFFF50]  }
0x59: {  	v12 =	vmul.f32 v12, v13;
	[tilespmem:s0+$0xFFFFFF60] =	vst v4;
	v4 =	vld [tilespmem:s0+$0xFFFFFF90]  }
0x5a: {  	[tilespmem:s0+$0xFFFFFF20] =	vst v8;
	v8 =	vmul.f32 v19, v2;
	v13 =	vld [tilespmem:s0+$0xFFFFFFC0]  }
0x5b: {  	[tilespmem:s0+$0xFFFFFF30] =	vst v12;
	v12 =	vld [tilespmem:s0+$0xFFFFFFD0];
	v10 =	vmul.f32 v10, v18  }
0x5c: {  	[tilespmem:s0+$0xFFFFFF40] =	vst v8;
	v8 =	vmul.f32 v16, v6;
	v15 =	vld [tilespmem:s0+$0xFFFFFFE0]  }
0x5d: {  	v16 =	vld [tilespmem:s0+$0xFFFFFFF0];
	[tilespmem:s0+$0x0] =	vst v10  }
0x5e: {  	[tilespmem:s0+$0xFFFFFF80] =	vst v8;
	v4 =	vmul.f32 v4, v6;
	v6 =	vld [tilespmem:s0+$0x20]  }
0x5f: {  	[tilespmem:s0+$0xFFFFFF00] =	vst v14;
	v8 =	vmul.f32 v13, v7;
	v10 =	vld [tilespmem:s0+$0x30]  }
0x60: {  	v7 =	vmul.f32 v12, v7;
	v12 =	vld [tilespmem:s0+$0x40];
	[tilespmem:s0+$0xD0] =	vst v5  }
0x61: {  	s11 =	sshra.s32 s13, $0x2;
	v2 =	vmul.f32 v9, v2;
	[tilespmem:s0+$0xFFFFFF90] =	vst v4;
	v4 =	vmul.f32 v15, v11  }
0x62: {  	[tilespmem:s0+$0xFFFFFFD0] =	vst v7;
	v5 =	vmul.f32 v16, v11  }
0x63: {  	[tilespmem:s0+$0xFFFFFF50] =	vst v2;
	v2 =	vmul.f32 v6, v1  }
0x64: {  	[tilespmem:s0+$0xFFFFFFC0] =	vst v8;
	v1 =	vmul.f32 v10, v1  }
0x65: {  	[tilespmem:s0+$0x20] =	vst v2;
	v2 =	vmul.f32 v12, v3  }
0x66: {  	[tilespmem:s0+$0xFFFFFFE0] =	vst v4  }
0x67: {  	[tilespmem:s0+$0x30] =	vst v1  }
0x68: {  	[tilespmem:s0+$0xFFFFFFF0] =	vst v5  }
0x69: {  	[tilespmem:s0+$0x40] =	vst v2;
	s0 =	smov.u32 s2  }
0x6a: {  	v2 =	vld [tilespmem:s11+$0x18830]  }
0x6b: {  	v3 =	vld [tilespmem:s11+$0x187B0]  }
.Ltmp2:
0x6c: {  	(pc) =	sbr.rel @p0 .LBB2_5-.Ltmp2, $3  }
0x6d: {  	_ =	sdelay $0x1  }
0x6e: {  	v1 =	vbroadcast v2, $0x9  }
0x6f: {  	v4 =	vbroadcast v2, $0xC;
	v3 =	vsub.s32 v3, v0  }
0x70: {  	v3 =	vmin.u32 v3, $0xC350  }
0x71: {  	[tilespmem:s11+$0x18730] =	vst v3  }
0x72: {  	v3 =	vld [tilespmem:s0+$0x50]  }
0x73: {  	v5 =	vld [tilespmem:s0+$0x60]  }
0x74: {  	v6 =	vld [tilespmem:s0+$0x70]  }
0x75: {  	v8 =	vld [tilespmem:s0+$0x80]  }
0x76: {  	v7 =	vbroadcast v2, $0xA;
	v11 =	vld [tilespmem:s0+$0xA0]  }
0x77: {  	v9 =	vbroadcast v2, $0xB;
	v13 =	vld [tilespmem:s0+$0xB0]  }
0x78: {  	v30 =	vld [tilespmem:s0+$0xC0];
	v3 =	vmul.f32 v3, v7  }
0x79: {  	v29 =	vbroadcast v2, $0xD;
	v34 =	vld [tilespmem:s0+$0xE0];
	v5 =	vmul.f32 v5, v9  }
0x7a: {  	v15 =	vld [tilespmem:s0+$0xF0];
	v28 =	vmul.f32 v8, v4;
	[tilespmem:s0+$0x50] =	vst v3  }
0x7b: {  	v35 =	vbroadcast v2, $0xE;
	v17 =	vld [tilespmem:s0+$0xFFFFFF60];
	v32 =	vmul.f32 v11, v29;
	[tilespmem:s0+$0x60] =	vst v5  }
0x7c: {  	v39 =	vbroadcast v2, $0xF;
	v44 =	vld [tilespmem:s0+$0xFFFFFF40];
	v8 =	vmul.f32 v13, v29;
	[tilespmem:s0+$0x80] =	vst v28  }
0x7d: {  	v49 =	vld [tilespmem:s0+$0xFFFFFF80];
	v37 =	vmul.f32 v30, v35;
	[tilespmem:s0+$0xA0] =	vst v32  }
0x7e: {  	v14 =	vbroadcast v2, $0x3;
	v50 =	vld [tilespmem:s0+$0xFFFFFF00];
	v41 =	vmul.f32 v34, v39;
	[tilespmem:s0+$0xB0] =	vst v8  }
0x7f: {  	v18 =	vbroadcast v2, $0x2;
	v54 =	vld [tilespmem:s0+$0xFFFFFFD0];
	v43 =	vmul.f32 v15, v39;
	[tilespmem:s0+$0xC0] =	vst v37  }
0x80: {  	v52 =	vbroadcast v2, $0x4;
	v10 =	vld [tilespmem:s0+$0x90];
	v48 =	vmul.f32 v17, v14;
	[tilespmem:s0+$0xE0] =	vst v41  }
0x81: {  	v45 =	vbroadcast v2, $0x0;
	v38 =	vld [tilespmem:s0+$0xFFFFFF10];
	v53 =	vmul.f32 v44, v18;
	[tilespmem:s0+$0xF0] =	vst v43  }
0x82: {  	v60 =	vbroadcast v2, $0x6;
	v40 =	vld [tilespmem:s0+$0xFFFFFF20];
	v56 =	vmul.f32 v49, v52;
	[tilespmem:s0+$0xFFFFFF60] =	vst v48  }
0x83: {  	v12 =	vld [tilespmem:s0+$0xFFFFFFA0];
	v58 =	vmul.f32 v45, v50;
	[tilespmem:s0+$0xFFFFFF40] =	vst v53  }
0x84: {  	v42 =	vld [tilespmem:s0+$0xFFFFFF30];
	v11 =	vmul.f32 v54, v60;
	[tilespmem:s0+$0xFFFFFF80] =	vst v56  }
0x85: {  	v47 =	vbroadcast v2, $0x1;
	v36 =	vld [tilespmem:s0+$0xD0];
	v3 =	vmul.f32 v6, v9;
	[tilespmem:s0+$0xFFFFFF00] =	vst v58  }
0x86: {  	v31 =	vld [tilespmem:s0+$0xFFFFFF70];
	v9 =	vmul.f32 v38, v45;
	[tilespmem:s0+$0xFFFFFFD0] =	vst v11  }
0x87: {  	v27 =	vld [tilespmem:s0+$0xFFFFFFB0];
	v8 =	vmul.f32 v40, v47;
	[tilespmem:s0+$0x70] =	vst v3  }
0x88: {  	v33 =	vld [tilespmem:s0+$0x10];
	v3 =	vmul.f32 v10, v4;
	[tilespmem:s0+$0xFFFFFF10] =	vst v9  }
0x89: {  	v51 =	vld [tilespmem:s0+$0xFFFFFF90];
	v6 =	vmul.f32 v42, v47;
	[tilespmem:s0+$0xFFFFFF20] =	vst v8  }
0x8a: {  	v46 =	vld [tilespmem:s0+$0x0];
	v5 =	vmul.f32 v36, v35;
	[tilespmem:s0+$0x90] =	vst v3;
	v3 =	vbroadcast v2, $0x5  }
0x8b: {  	v16 =	vbroadcast v2, $0x8;
	v4 =	vmul.f32 v31, v14;
	[tilespmem:s0+$0xFFFFFF30] =	vst v6  }
0x8c: {  	v59 =	vld [tilespmem:s0+$0xFFFFFFC0];
	[tilespmem:s0+$0xD0] =	vst v5;
	v12 =	vmul.f32 v12, v3;
	v3 =	vmul.f32 v27, v3  }
0x8d: {  	v55 =	vld [tilespmem:s0+$0xFFFFFFE0];
	v10 =	vmul.f32 v33, v16;
	[tilespmem:s0+$0xFFFFFF70] =	vst v4  }
0x8e: {  	v9 =	vmul.f32 v51, v52;
	[tilespmem:s0+$0xFFFFFFB0] =	vst v3;
	v3 =	vld [tilespmem:s0+$0xFFFFFF50]  }
0x8f: {  	v57 =	vld [tilespmem:s0+$0xFFFFFFF0];
	[tilespmem:s0+$0x10] =	vst v10;
	v4 =	vmul.f32 v46, v16  }
0x90: {  	v61 =	vld [tilespmem:s0+$0x20];
	[tilespmem:s0+$0xFFFFFF90] =	vst v9;
	v2 =	vbroadcast v2, $0x7  }
0x91: {  	v62 =	vld [tilespmem:s0+$0x30];
	[tilespmem:s0+$0x0] =	vst v4;
	v4 =	vmul.f32 v59, v60  }
0x92: {  	v63 =	vld [tilespmem:s0+$0x40];
	v6 =	vmul.f32 v55, v2;
	[tilespmem:s0+$0xFFFFFFA0] =	vst v12  }
0x93: {  	[tilespmem:s0+$0xFFFFFFC0] =	vst v4;
	v3 =	vmul.f32 v3, v18  }
0x94: {  	v2 =	vmul.f32 v57, v2;
	[tilespmem:s0+$0xFFFFFFE0] =	vst v6  }
0x95: {  	[tilespmem:s0+$0xFFFFFF50] =	vst v3;
	v3 =	vmul.f32 v61, v1  }
0x96: {  	[tilespmem:s0+$0xFFFFFFF0] =	vst v2;
	v1 =	vmul.f32 v62, v1  }
0x97: {  	s31 =	sadd.s32 $0x1, s31;
	[tilespmem:s0+$0x20] =	vst v3;
	v3 =	vmul.f32 v63, v7  }
0x98: {  	p0 =	slt.u32 s31, s14;
	[tilespmem:s0+$0x30] =	vst v1  }
.Ltmp3:
0x99: {  	[tilespmem:s0+$0x40] =	vst v3;
	(pc) =	sbr.rel @p0 .LBB2_4-.Ltmp3, $4  }
0x9a: {  	[spmem:s5] =	stream.indirect.scatter.add.f32 [tilespmem:s24], [sflag:$0x2], $0x20, s26, s23, $0xb8;
	[tilespmem:$0x1FCB0] =	vst v63  }
0x9b: {  	_ =	swait.ge [sflag:s19], $0x1000  }
0x9c: {  	[sflag:s19] =	ssyncset.done $0x0  }
0x9d: {  	[sflag:s19] =	ssyncadd.s32 $0xFFFFF000  }
0x9e: {  	[bflag:$0x0] =	sbarrier.arrive $0xFFFF;
	s31 =	smov.u32 s17;
	s0 =	smov.u32 s17  }
.LBB2_8:
0x9f: {  	s2 =	smul.u32 $0xC800, s0  }
0xa0: {  	s11 =	smul.u32 $0x190, s0  }
0xa1: {  	s2 =	sshra.s32 s2, $0x2  }
0xa2: {  	s15 =	sadd.s32 s9, s11;
	s2 =	sadd.s32 s2, s5  }
0xa3: {  	[tilespmem:s28], [sflag:$0x2] =	stream.linear.gather [spmem:s2], $0x3200, $0x38;
	[tilespmem:$0x1FCB0] =	vst v63  }
0xa4: {  	s2 =	sshll.u32 s15, $0x2;
	_ =	swait.ge [sflag:s19], $0x3200  }
0xa5: {  	s2 =	sand.u32 $0x1FFFFFC0, s2;
	[sflag:s19] =	ssyncset.done $0x0  }
0xa6: {  	s13 =	simm.s32 $0x0;
	s17 =	sadd.s32 s8, s2;
	[sflag:s19] =	ssyncadd.s32 $0xFFFFCE00  }
0xa7: {  	[tilespmem:s29], [sflag:$0x2] =	stream.linear.gather [hbm4b:s17+s13], $0x3200, $0x38;
	[tilespmem:$0x1FCB0] =	vst v63  }
0xa8: {  	_ =	swait.ge [sflag:s19], $0x3200  }
0xa9: {  	[sflag:s19] =	ssyncset.done $0x0  }
0xaa: {  	s11 =	simm.s32 $0x0;
	[sflag:s19] =	ssyncadd.s32 $0xFFFFCE00  }
0xab: {  	v1 =	vld [tilespmem:s11+$0x1CAB0]  }
0xac: {  	v2 =	vld [tilespmem:s11+$0x1CAC0]  }
0xad: {  	s13 =	simm.s32 $0x80;
	v3 =	vld [tilespmem:s11+$0x198B0]  }
.LBB2_9:
0xae: {  	p0 =	sne.s32 s13, $0xC780;
	v4 =	vld [tilespmem:s11+$0x198C0];
	_ =	sdelay $0x3  }
0xaf: {  	v1 =	vadd.f32 v1, v3  }
.Ltmp4:
0xb0: {  	v2 =	vadd.f32 v2, v4;
	(pc) =	sbr.rel @p0 .LBB2_9-.Ltmp4, $4  }
0xb1: {  	s15 =	sshra.s32 s13, $0x2;
	v3 =	vmul.f32 $2.500000000e-01, v1  }
0xb2: {  	v1 =	vld [tilespmem:s15+$0x1CAB0];
	v4 =	vmul.f32 $2.500000000e-01, v2  }
0xb3: {  	v2 =	vld [tilespmem:s15+$0x1CAC0];
	[tilespmem:s11+$0x198B0] =	vst v3  }
0xb4: {  	s13 =	sadd.s32 $0x80, s13;
	v3 =	vld [tilespmem:s15+$0x198B0];
	[tilespmem:s11+$0x198C0] =	vst v4;
	s11 =	smov.u32 s15  }
0xb5: {  	v4 =	vld [tilespmem:s11+$0x198C0];
	_ =	sdelay $0x3  }
0xb6: {  	v1 =	vadd.f32 v1, v3  }
0xb7: {  	v2 =	vadd.f32 v2, v4  }
0xb8: {  	v1 =	vmul.f32 $2.500000000e-01, v1  }
0xb9: {  	s0 =	sadd.s32 $0x1, s0;
	v2 =	vmul.f32 $2.500000000e-01, v2  }
0xba: {  	p0 =	slt.u32 s0, s12;
	[tilespmem:s11+$0x198B0] =	vst v1  }
.Ltmp5:
0xbb: {  	s2 =	sadd.s32 s10, s2;
	[tilespmem:s11+$0x198C0] =	vst v2;
	(pc) =	sbr.rel @p0 .LBB2_8-.Ltmp5, $4  }
0xbc: {  	[hbm4b:s2+s6] =	stream.linear.scatter [tilespmem:s28], [sflag:$0x2], $0x3200, $0x38;
	[tilespmem:$0x1FCB0] =	vst v63  }
0xbd: {  	_ =	swait.ge [sflag:s19], $0x3200  }
0xbe: {  	[sflag:s19] =	ssyncset.done $0x0  }
0xbf: {  	[sflag:s19] =	ssyncadd.s32 $0xFFFFCE00  }
0xc0: {  	s30 =	sadd.s32 $0x1, s30;
	s0 =	rddreg [dreg:$0x7]  }
0xc1: {  	p0 =	sne.s32 s30, s0  }
.Ltmp6:
0xc2: {  	_ = 	snop;
	(pc) =	sbr.rel @p0 .LBB2_1-.Ltmp6, $1  }
0xc3: {  	_ =	sdelay $0x3  }
0xc4: {  	_ =	sfence.sel $0x180000  }
0xc5: {  	[bflag:$0x0] =	sbarrier.arrive $0xFFFF  }
0xc6: {  	_ =	strace $0x9000004D  }
0xc7: {  	s0 =	stileid.u32;
	[bflag:$0x2] =	sbarrier.arrive $0xFFFF  }
0xc8: {  	p0 =	sne.s32 s0, $0x0;
	s0 =	rddreg [dreg:$0x5]  }
0xc9: {  	s0 =	sadd.s32 @!p0 $0x100000, s0  }
0xca: {  	[sflag:s0] =	ssyncadd.tile.s32 @!p0 $0x1;
	_ =	shalt  }
.Lfunc_end2:
_tile_overlayer_lowered:
.L_overlay_start_2:
0xcb: {  	(tag) =	ssettag $0x2  }
0xcc: {  	s0 =	rddreg [dreg:$0x0];
	s2 =	stileid.u32  }
0xcd: {  	s1 =	rddreg [dreg:$0x1];
	p0 =	sne.s32 s2, $0x0  }
0xce: {  	s3 =	rddreg [dreg:$0x2];
	[bflag:$0x3] =	sbarrier.arrive $0xFFFF;
	s2 =	simm.s32 @!p0 $0x1C02  }
0xcf: {  	[timem:s3], [sflag:s2] =	dma.local @!p0 [hbm:s0], s1  }
0xd0: {  	s0 =	simm.s32 @!p0 $0x2  }
0xd1: {  	_ =	swait.ge @!p0 [sflag:s0], s1  }
0xd2: {  	s1 =	ssub.s32 @!p0 $0x0, s1;
	[sflag:s0] =	ssyncset.done @!p0 $0x0  }
0xd3: {  	[sflag:s0] =	ssyncadd.s32 @!p0 s1  }
0xd4: {  	[bflag:$0x3] =	sbarrier.arrive $0xFFFF  }
0xd5: {  	_ =	shalt  }

// kernel: kernel.5.cloned.1.call-start
scs
__scs_entry_jumppad:
0x0: {  	(pc) =	sbr.rel $0x88, $3  }
0x1: {  	(tag) =	ssettag $0x0;
	lr =	simm.s32 $0x1  }
0x2: {  	[smem:$0x3F9D] =	sst lr;
	_ =	strace $0xD0000000  }
0x3: {  	_ = 	snop  }
0x4: {  	_ = 	snop  }
0x5: {  	_ = 	snop  }
0x6: {  	_ = 	snop  }
0x7: {  	_ = 	snop  }
__scs_overlays_trampoline_lowered:
0x8: {  	[smem:$0x3FAC] =	sst s0  }
0x9: {  	[smem:$0x3FAD] =	sst s1  }
0xa: {  	[smem:$0x3FAE] =	sst s2  }
0xb: {  	[smem:$0x3FAF] =	sst s3  }
0xc: {  	[smem:$0x3FB0] =	sst s4  }
0xd: {  	[smem:$0x3FB1] =	sst s5  }
0xe: {  	[smem:$0x3FB2] =	sst s6  }
0xf: {  	[smem:$0x3FB3] =	sst s7  }
0x10: {  	[smem:$0x3FB4] =	sst s8  }
0x11: {  	[smem:$0x3FB5] =	sst s9;
	s0 =	simm.s32 @!p0 $0x0  }
0x12: {  	s1 =	sld [smem:$0x3F9B];
	s0 =	simm.s32 @p0 $0x1  }
0x13: {  	[smem:$0x3FB6] =	sst s0;
	s0 =	simm.s32 @!p1 $0x0  }
0x14: {  	s2 =	sld [smem:$0x3F9A];
	s0 =	simm.s32 @p1 $0x1  }
0x15: {  	[smem:$0x3FB7] =	sst s0;
	s0 =	simm.s32 @!p2 $0x0  }
0x16: {  	s3 =	sld [smem:$0x3FDB];
	s0 =	simm.s32 @p2 $0x1  }
0x17: {  	s4 =	simm.s32 $0x1BF5;
	[smem:$0x3FB9] =	sst s0  }
0x18: {  	s0 =	sld [smem:$0x3F9C];
	_ =	swait.ge [sflag:s4], $0x0  }
0x19: {  	s7 =	sld [smem:$0x3F9D]  }
0x1a: {  	s8 =	sadd.s32 $0xFFFFE003, lr  }
0x1b: {  	s9 =	sadd.s32 $0xFFFFFEF7, lr;
	s5 =	simm.s32 $0xFFFFFFFF;
	p2 =	slt.u32 s8, $0xFFFFF086  }
0x1c: {  	p1 =	slt.u32 s9, $0xF7A;
	s5 =	simm.s32 @!p2 $0x0  }
0x1d: {  	s5 =	simm.s32 @p1 $0x1;
	p0 =	seq.s32 s7, s2  }
0x1e: {  	s7 =	smul.u32 @!p0 $0xF7A, s2;
	p2 =	seq.s32 @!p0 s5, $0x0  }
0x1f: {  	s9 =	smul.u32 $0xF7A, s1;
	s8 =	simm.s32 @!p0 $0x1BF5;
	p2 =	por !p2, p0  }
0x20: {  	[sflag:s8] =	ssyncset.s32 @!p0 $0xFFFFF086;
	s6 =	sadd.s32 @!p0 s3, s7;
	s7 =	simm.s32 @!p0 $0x108  }
0x21: {  	s3 =	sadd.s32 s3, s9;
	s6 =	sadd.s32 @!p0 $0x88, s6;
	s7 =	simm.s32 @p2 $0x1082  }
0x22: {  	[simem:s7], [sflag:s8] =	dma.local @!p0 [hbm:s6], $0xF7A  }
0x23: {  	s9 =	sor.u32 $0xD0000000, s2;
	s6 =	simm.s32 $0x108;
	_ =	swait.ge @!p0 [sflag:s8], $0x0  }
0x24: {  	s3 =	sadd.s32 $0x88, s3;
	s6 =	simm.s32 @!p1 $0x1082;
	[sflag:s4] =	ssyncset.s32 $0xFFFFF086  }
0x25: {  	[simem:s6], [sflag:s4] =	dma.local [hbm:s3], $0xF7A  }
0x26: {  	[smem:$0x3F9D] =	sst s1;
	(tag) =	ssettag s2;
	_ =	strace s9  }
0x27: {  	s1 =	sld [smem:$0x3FAD]  }
0x28: {  	s2 =	sld [smem:$0x3FAE]  }
0x29: {  	s4 =	sld [smem:$0x3FB0]  }
0x2a: {  	p0 =	seq.s32 s5, $0x0;
	s5 =	sld [smem:$0x3FB1]  }
0x2b: {  	s6 =	sld [smem:$0x3FB2]  }
0x2c: {  	s7 =	sld [smem:$0x3FB3]  }
0x2d: {  	s3 =	simm.s32 $0x108;
	s8 =	sld [smem:$0x3FB4]  }
0x2e: {  	s3 =	simm.s32 @!p0 $0x1082;
	s9 =	sld [smem:$0x3FB5]  }
0x2f: {  	lr =	sadd.s32 s0, s3;
	s0 =	sld [smem:$0x3FAC]  }
0x30: {  	s3 =	sld [smem:$0x3FAF]  }
0x31: {  	[smem:$0x3FB8] =	sst s10  }
0x32: {  	s10 =	sld [smem:$0x3FB6];
	_ =	sdelay $0x3  }
0x33: {  	p0 =	seq.s32 s10, $0x1;
	s10 =	sld [smem:$0x3FB8];
	_ =	sdelay $0x3  }
0x34: {  	[smem:$0x3FB8] =	sst s10  }
0x35: {  	s10 =	sld [smem:$0x3FB7];
	_ =	sdelay $0x3  }
0x36: {  	p1 =	seq.s32 s10, $0x1;
	s10 =	sld [smem:$0x3FB8];
	_ =	sdelay $0x3  }
0x37: {  	[smem:$0x3FB8] =	sst s10  }
0x38: {  	s10 =	sld [smem:$0x3FB9]  }
0x39: {  	_ = 	snop;
	(pc) =	sbr.ind lr, $3  }
0x3a: {  	_ = 	snop  }
0x3b: {  	_ = 	snop  }
0x3c: {  	p2 =	seq.s32 s10, $0x1;
	s10 =	sld [smem:$0x3FB8]  }
0x3d: {  	_ =	shalt  }
0x3e: {  	_ =	shalt  }
0x3f: {  	_ =	shalt  }
0x40: {  	_ =	shalt  }
0x41: {  	_ =	shalt  }
0x42: {  	_ =	shalt  }
0x43: {  	_ =	shalt  }
0x44: {  	_ =	shalt  }
0x45: {  	_ =	shalt  }
0x46: {  	_ =	shalt  }
0x47: {  	_ =	shalt  }
0x48: {  	_ =	shalt  }
0x49: {  	_ =	shalt  }
0x4a: {  	_ =	shalt  }
0x4b: {  	_ =	shalt  }
0x4c: {  	_ =	shalt  }
0x4d: {  	_ =	shalt  }
0x4e: {  	_ =	shalt  }
0x4f: {  	_ =	shalt  }
0x50: {  	_ =	shalt  }
0x51: {  	_ =	shalt  }
0x52: {  	_ =	shalt  }
0x53: {  	_ =	shalt  }
0x54: {  	_ =	shalt  }
0x55: {  	_ =	shalt  }
0x56: {  	_ =	shalt  }
0x57: {  	_ =	shalt  }
0x58: {  	_ =	shalt  }
0x59: {  	_ =	shalt  }
0x5a: {  	_ =	shalt  }
0x5b: {  	_ =	shalt  }
0x5c: {  	_ =	shalt  }
0x5d: {  	_ =	shalt  }
0x5e: {  	_ =	shalt  }
0x5f: {  	_ =	shalt  }
0x60: {  	_ =	shalt  }
0x61: {  	_ =	shalt  }
0x62: {  	_ =	shalt  }
0x63: {  	_ =	shalt  }
0x64: {  	_ =	shalt  }
0x65: {  	_ =	shalt  }
0x66: {  	_ =	shalt  }
0x67: {  	_ =	shalt  }
0x68: {  	_ =	shalt  }
0x69: {  	_ =	shalt  }
0x6a: {  	_ =	shalt  }
0x6b: {  	_ =	shalt  }
0x6c: {  	_ =	shalt  }
0x6d: {  	_ =	shalt  }
0x6e: {  	_ =	shalt  }
0x6f: {  	_ =	shalt  }
0x70: {  	_ =	shalt  }
0x71: {  	_ =	shalt  }
0x72: {  	_ =	shalt  }
0x73: {  	_ =	shalt  }
0x74: {  	_ =	shalt  }
0x75: {  	_ =	shalt  }
0x76: {  	_ =	shalt  }
0x77: {  	_ =	shalt  }
0x78: {  	_ =	shalt  }
0x79: {  	_ =	shalt  }
0x7a: {  	_ =	shalt  }
0x7b: {  	_ =	shalt  }
0x7c: {  	_ =	shalt  }
0x7d: {  	_ =	shalt  }
0x7e: {  	_ =	shalt  }
0x7f: {  	_ =	shalt  }
0x80: {  	_ =	shalt  }
0x81: {  	_ =	shalt  }
0x82: {  	_ =	shalt  }
0x83: {  	_ =	shalt  }
0x84: {  	_ =	shalt  }
0x85: {  	_ =	shalt  }
0x86: {  	_ =	shalt  }
0x87: {  	_ =	shalt  }
.Lfunc_end0:
.L_simem_size_0:
called_computation_lowered:
.L_overlay_start_0:
0x88: {  	s2 =	sld [smem:$0x3FD9]  }
0x89: {  	s3 =	sld [smem:$0x3FFE];
	_ =	sdelay $0x1  }
0x8a: {  	s1 =	srdreg.scid  }
0x8b: {  	s0 =	sand.u32 $0x1, s1  }
0x8c: {  	s14 =	sshll.u32 s0, $0xA;
	s2 =	sadd.s32 s3, s2  }
0x8d: {  	s2 =	sadd.s32 s2, s14  }
0x8e: {  	[smem:$0x3FC4] =	sst s2  }
0x8f: {  	_ = 	snop  }
0x90: {  	s2 =	sld [smem:$0x3FD0];
	_ =	sdelay $0x2  }
0x91: {  	s4 =	simm.s32 $0xA;
	s5 =	simm.s32 $0x10;
	s15 =	sld [smem:$0x3FC6]  }
0x92: {  	[smem:s5], [sflag:s4] =	dma.local [hbm:s2], $0x1  }
0x93: {  	_ =	swait.eq [sflag:s4], $0x1  }
0x94: {  	[sflag:s4] =	ssyncset.done $0x0  }
0x95: {  	s16 =	sld [smem:$0x10];
	[sflag:s4] =	ssyncadd.s32 $0xFFFFFFFF  }
0x96: {  	s17 =	sld [smem:$0x11];
	(tm) =	ssettm $0x1  }
0x97: {  	s18 =	sld [smem:$0x3FFB];
	_ =	sdelay $0x3  }
0x98: {  	_ =	strace s18  }
0x99: {  	s5 =	sld [smem:$0x3FFC];
	_ =	sdelay $0x3  }
0x9a: {  	_ =	strace s5  }
0x9b: {  	s5 =	sld [smem:$0x3FFD];
	_ =	sdelay $0x3  }
0x9c: {  	_ =	strace s5  }
0x9d: {  	_ =	strace $0x8FFFFFFF  }
0x9e: {  	s19 =	sld [smem:$0x3FDB];
	_ =	sdelay $0x1  }
0x9f: {  	s6 =	simm.s32 $_scs_section_size  }
0xa0: {  	s7 =	simm.s32 $_size__tile_overlayer_lowered;
	s8 =	simm.s32 $_tile_overlayer_lowered  }
0xa1: {  	s22 =	simm.s32 $0x1BFF;
	s21 =	sshll.u32 s8, $0x1;
	s5 =	sadd.s32 s6, s19  }
0xa2: {  	s9 =	simm.s32 $0x0;
	s20 =	sshll.u32 s7, $0x1;
	s7 =	sadd.s32 s21, s5  }
0xa3: {  	[timem:s9], [sflag:s22] =	dma.local [hbm:s7], s20  }
0xa4: {  	_ =	swait.ge [sflag:s22], s20  }
0xa5: {  	s6 =	ssub.s32 $0x0, s20;
	[sflag:s22] =	ssyncset.done $0x0  }
0xa6: {  	[sflag:s22] =	ssyncadd.s32 s6;
	_ =	sdelay $0x1  }
0xa7: {  	s23 =	simm.s32 $0x1B8B  }
0xa8: {  	_ =	swait.ge [sflag:s23], $0x1  }
0xa9: {  	[sflag:s23] =	ssyncset.done $0x0  }
0xaa: {  	s25 =	simm.s32 $0x1B8E;
	s24 =	sld [smem:$0x3FFE];
	[sflag:s23] =	ssyncadd.s32 $0xFFFFFFFF  }
0xab: {  	s26 =	simm.s32 $execute0_lowered;
	[smem:$0x3FD2] =	sst s25  }
0xac: {  	s7 =	sshll.u32 s26, $0x1;
	_ =	strace $0x80000046;
	[dreg:$0x1] =	wrdreg $0xFFFFFFFF  }
0xad: {  	s28 =	simm.s32 $_size_execute0_lowered;
	s5 =	sadd.s32 s5, s7;
	[dreg:$0x0] =	wrdreg $0x0  }
0xae: {  	s7 =	sshll.u32 s28, $0x1;
	[dreg:$0x2] =	wrdreg s5  }
0xaf: {  	[dreg:$0x3] =	wrdreg s7  }
0xb0: {  	[dreg:$0x4] =	wrdreg $0xC0  }
0xb1: {  	_ =	task [dreg:s9], $0x5FFFF  }
0xb2: {  	[dreg:$0x1] =	wrdreg $0xFFFFFFFF  }
0xb3: {  	[dreg:$0x0] =	wrdreg $0x60  }
0xb4: {  	[dreg:$0x2] =	wrdreg s24  }
0xb5: {  	[dreg:$0x3] =	wrdreg s16  }
0xb6: {  	[dreg:$0x4] =	wrdreg s17  }
0xb7: {  	[dreg:$0x5] =	wrdreg s15  }
0xb8: {  	[dreg:$0x6] =	wrdreg $0x0  }
0xb9: {  	[dreg:$0x7] =	wrdreg $0x9  }
0xba: {  	_ =	task.clear_ibuf [dreg:s9], $0x8FFFF;
	_ =	strace $0x90000046  }
0xbb: {  	s29 =	simm.s32 $0x9;
	_ =	strace $0x80000048  }
0xbc: {  	_ =	swait.ge [sflag:s29], $0x1  }
0xbd: {  	[sflag:s29] =	ssyncadd.s32 $0xFFFFFFFF  }
0xbe: {  	_ =	strace $0x90000048  }
0xbf: {  	_ =	sfence  }
0xc0: {  	s30 =	sld [smem:$0x0];
	_ =	sdelay $0x2  }
0xc1: {  	s31 =	sshll.u32 s1, $0xD;
	s1 =	sshrl.u32 s1, $0x2  }
0xc2: {  	s3 =	sand.u32 $0x4000, s31;
	s1 =	sadd.s32 s1, s30  }
0xc3: {  	s0 =	sor.u32 s3, s0;
	s1 =	sshll.u32 s1, $0x11  }
0xc4: {  	s0 =	sor.u32 s1, s0  }
0xc5: {  	s0 =	sadd.s32 $0x8F2B, s0  }
0xc6: {  	[sflag:s0] =	ssyncadd.remote.s32 $0x1  }
0xc7: {  	_ =	sfence.sel $0xFFFF  }
0xc8: {  	[dreg:$0x0] =	wrdreg $0xFFFFFFFF;
	(pc) =	sbr.abs _section_cstart, $3  }
0xc9: {  	[dreg:$0x1] =	wrdreg $0xFFFFFFFF  }
0xca: {  	_ =	task.clear_ibuf [dreg:s9], $0x2FFFF;
	_ =	strace $0x9FFFFFFF  }
0xcb: {  	(tm) =	ssettm $0x7FFFFFFF  }
tec
execute0_lowered:
.L_overlay_start_1:
0x0: {  	(tag) =	ssettag $0x1  }
0x1: {  	s0 =	rddreg [dreg:$0x0]  }
0x2: {  	s1 =	rddreg [dreg:$0x1]  }
0x3: {  	s2 =	rddreg [dreg:$0x2]  }
0x4: {  	s4 =	rddreg [dreg:$0x3]  }
0x5: {  	s18 =	stileid.u32;
	s5 =	rddreg [dreg:$0x4]  }
0x6: {  	s6 =	simm.s32 $0x0;
	s9 =	srdreg.scid;
	s14 =	simm.s32 $0x8  }
0x7: {  	s16 =	simm.s32 $0x30E;
	s19 =	simm.s32 $0x2;
	s20 =	simm.s32 $0x186B0  }
0x8: {  	s21 =	simm.s32 $0x187B0;
	s28 =	simm.s32 $0x198B0;
	s29 =	simm.s32 $0x1CAB0  }
0x9: {  	s30 =	simm.s32 $0x0;
	s3 =	smin.u32 s18, $0xD;
	s7 =	smul.u32 $0x15E00, s18  }
0xa: {  	[smem:$0x7FF] =	sst s6;
	s9 =	sand.u32 $0x1, s9;
	s13 =	smul.u32 $0x7, s18  }
0xb: {  	s10 =	sadd.s32 $0x93C00, s0;
	p0 =	slt.u32 s18, $0xD;
	s15 =	smul.u32 $0x30D, s18  }
0xc: {  	s23 =	smul.u32 $0x57800, s18;
	s24 =	smin.u32 s18, $0x4;
	s26 =	sshll.u32 s18, $0x6  }
0xd: {  	s8 =	smul.u32 $0x3200, s3;
	_ =	strace $0x80000047;
	s12 =	ssub.s32 $0x2, s9  }
0xe: {  	s9 =	smul.u32 $0xC350, s9;
	s14 =	simm.s32 @!p0 $0x7;
	p0 =	slt.u32 s18, $0x4  }
0xf: {  	s18 =	sor.u32 $0x1C02, s26;
	s26 =	simm.s32 $0x18730;
	s22 =	sshrl.u32 s12, $0x1  }
0x10: {  	s31 =	sadd.s32 s3, s13;
	s3 =	smul.u32 $0xC800, s3;
	s7 =	sadd.s32 s8, s7  }
0x11: {  	s16 =	simm.s32 @!p0 $0x30D;
	s8 =	sshrl.u32 s7, $0x3;
	s7 =	sadd.s32 $0x187C00, s0  }
0x12: {  	s3 =	sadd.s32 s3, s23;
	s23 =	simm.s32 $0x80;
	s11 =	sadd.s32 s8, s0  }
0x13: {  	s8 =	sadd.s32 $0x32000, s0;
	s0 =	ssub.s32 s12, s22;
	s12 =	sadd.s32 s14, s31  }
0x14: {  	s14 =	sadd.s32 s24, s15;
	s25 =	sshrl.u32 s3, $0x2;
	s22 =	simm.s32 $0x18830  }
0x15: {  	s24 =	simm.s32 $0x188B0;
	[dreg:$0x6] =	wrdreg s14;
	s0 =	smax.u32 s0, $0x1  }
0x16: {  	s14 =	sadd.s32 s16, s14;
	[dreg:$0x7] =	wrdreg s0;
	s0 =	sadd.s32 s25, s5  }
0x17: {  	v0 =	vmov s9;
	s16 =	sadd.s32 $0x1200, s11;
	s25 =	simm.s32 $0x1;
	[dreg:$0x8] =	wrdreg s0  }
.LBB2_1:
0x18: {  	s0 =	sadd.s32 $0x1, s31  }
0x19: {  	p0 =	slt.u32 s0, s12  }
.Ltmp0:
0x1a: {  	s11 =	rddreg [dreg:$0x8];
	(pc) =	sbr.rel @!p0 .LBB2_3-.Ltmp0, $4  }
0x1b: {  	s3 =	sshrl.u32 s11, $0x3  }
0x1c: {  	[spmem:s3], [sflag:s18] =	dma.local [hbm:s16], $0x640  }
0x1d: {  	s17 =	smov.u32 s31;
	_ =	swait.ge [sflag:s19], $0x640  }
0x1e: {  	s3 =	sadd.s32 $0x3200, s11;
	s11 =	smov.u32 s16;
	[sflag:s19] =	ssyncset.done $0x0  }
.LBB2_2:
0x1f: {  	s0 =	sadd.s32 $0x1, s0  }
0x20: {  	[sflag:s19] =	ssyncadd.s32 $0xFFFFF9C0;
	s11 =	sadd.s32 $0x640, s11;
	p0 =	slt.u32 s0, s12  }
.Ltmp1:
0x21: {  	(pc) =	sbr.rel @p0 .LBB2_2-.Ltmp1, $4  }
0x22: {  	s13 =	sshrl.u32 s3, $0x3  }
0x23: {  	[spmem:s13], [sflag:s18] =	dma.local [hbm:s11], $0x640  }
0x24: {  	_ =	swait.ge [sflag:s19], $0x640  }
0x25: {  	s3 =	sadd.s32 $0x3200, s3;
	[sflag:s19] =	ssyncset.done $0x0  }
.LBB2_3:
0x26: {  	[sflag:s19] =	ssyncadd.s32 $0xFFFFF9C0  }
0x27: {  	[bflag:$0x0] =	sbarrier.arrive $0xFFFF  }
0x28: {  	s31 =	rddreg [dreg:$0x6]  }
.LBB2_4:
0x29: {  	s0 =	sshll.u32 s31, $0x4  }
0x2a: {  	s11 =	simm.s32 $0x0;
	s3 =	sadd.s32 s1, s0  }
0x2b: {  	[tilespmem:s20], [sflag:$0x2] =	stream.linear.gather [hbm4b:s3+s11], $0x80, $0x38;
	[tilespmem:$0x1FCB0] =	vst v63  }
0x2c: {  	_ =	swait.ge [sflag:s19], $0x80  }
0x2d: {  	[sflag:s19] =	ssyncset.done $0x0  }
0x2e: {  	s15 =	sadd.s32 s2, s0;
	[sflag:s19] =	ssyncadd.s32 $0xFFFFFF80  }
0x2f: {  	[tilespmem:s21], [sflag:$0x2] =	stream.linear.gather [hbm4b:s15+s11], $0x80, $0x38;
	[tilespmem:$0x1FCB0] =	vst v63  }
0x30: {  	_ =	swait.ge [sflag:s19], $0x80  }
0x31: {  	[sflag:s19] =	ssyncset.done $0x0  }
0x32: {  	s0 =	sadd.s32 s4, s0;
	[sflag:s19] =	ssyncadd.s32 $0xFFFFFF80  }
0x33: {  	[tilespmem:s22], [sflag:$0x2] =	stream.linear.gather [hbm4b:s0+s11], $0x80, $0x38;
	[tilespmem:$0x1FCB0] =	vst v63  }
0x34: {  	_ =	swait.ge [sflag:s19], $0x80  }
0x35: {  	[sflag:s19] =	ssyncset.done $0x0  }
0x36: {  	[sflag:s19] =	ssyncadd.s32 $0xFFFFFF80  }
0x37: {  	[tilespmem:s24], [sflag:$0x1] =	stream.indirect.gather [hbm4b:s7+s23], $0x20, s20, s23, $0xb8;
	[tilespmem:$0x1FCB0] =	vst v63  }
0x38: {  	_ =	swait.ge [sflag:s25], $0x1000  }
0x39: {  	[sflag:s25] =	ssyncset.done $0x0  }
0x3a: {  	s11 =	simm.s32 $0x0;
	[sflag:s25] =	ssyncadd.s32 $0xFFFFF000  }
0x3b: {  	v2 =	vld [tilespmem:s11+$0x18830]  }
0x3c: {  	v3 =	vld [tilespmem:s11+$0x187B0];
	_ =	sdelay $0x4  }
0x3d: {  	s3 =	simm.s32 $0x189B0;
	s15 =	simm.s32 $0x40;
	s0 =	simm.s32 $0x189B0;
	v1 =	vbroadcast v2, $0x9;
	v3 =	vsub.s32 v3, v0;
	v4 =	vbroadcast v2, $0xC  }
.LBB2_5:
0x3e: {  	p0 =	sne.s32 s15, $0x1C0  }
0x3f: {  	v3 =	vmin.u32 v3, $0xC350;
	v5 =	vbroadcast v2, $0xB;
	s0 =	sadd.s32 $0x200, s0;
	s13 =	smov.u32 s15;
	s15 =	sadd.s32 $0x40, s15  }
0x40: {  	v6 =	vbroadcast v2, $0x4;
	[tilespmem:s11+$0x18730] =	vst v3  }
0x41: {  	v7 =	vbroadcast v2, $0x6;
	v8 =	vld [tilespmem:s3+$0x90]  }
0x42: {  	v3 =	vbroadcast v2, $0xA;
	v9 =	vld [tilespmem:s3+$0x50]  }
0x43: {  	v10 =	vbroadcast v2, $0x0;
	v11 =	vbroadcast v2, $0x7;
	v12 =	vld [tilespmem:s3+$0x60]  }
0x44: {  	v13 =	vbroadcast v2, $0x1;
	v14 =	vld [tilespmem:s3+$0x70]  }
0x45: {  	v15 =	vld [tilespmem:s3+$0x80]  }
0x46: {  	v16 =	vld [tilespmem:s3+$0xFFFFFFA0]  }
0x47: {  	v9 =	vmul.f32 v9, v3;
	v17 =	vld [tilespmem:s3+$0xA0]  }
0x48: {  	v12 =	vmul.f32 v12, v5;
	v18 =	vld [tilespmem:s3+$0xB0]  }
0x49: {  	v19 =	vld [tilespmem:s3+$0xFFFFFFB0];
	[tilespmem:s3+$0x50] =	vst v9;
	v5 =	vmul.f32 v14, v5  }
0x4a: {  	[tilespmem:s3+$0x60] =	vst v12;
	v9 =	vmul.f32 v15, v4;
	v12 =	vbroadcast v2, $0xD;
	v14 =	vld [tilespmem:s3+$0xC0]  }
0x4b: {  	v4 =	vmul.f32 v8, v4;
	v15 =	vld [tilespmem:s3+$0xFFFFFF70];
	[tilespmem:s3+$0x70] =	vst v5;
	v5 =	vbroadcast v2, $0xE  }
0x4c: {  	v8 =	vbroadcast v2, $0x5;
	v20 =	vld [tilespmem:s3+$0x10];
	[tilespmem:s3+$0x80] =	vst v9;
	v9 =	vmul.f32 v17, v12  }
0x4d: {  	v17 =	vbroadcast v2, $0x3;
	[tilespmem:s3+$0x90] =	vst v4;
	v4 =	vmul.f32 v18, v12;
	v12 =	vld [tilespmem:s3+$0xE0]  }
0x4e: {  	v16 =	vmul.f32 v16, v8;
	v8 =	vmul.f32 v19, v8;
	[tilespmem:s3+$0xA0] =	vst v9;
	v9 =	vld [tilespmem:s3+$0xD0]  }
0x4f: {  	v18 =	vbroadcast v2, $0x8;
	[tilespmem:s3+$0xB0] =	vst v4;
	v4 =	vmul.f32 v14, v5;
	v14 =	vld [tilespmem:s3+$0xF0]  }
0x50: {  	v19 =	vld [tilespmem:s3+$0xFFFFFF00];
	v15 =	vmul.f32 v15, v17;
	[tilespmem:s3+$0xFFFFFFA0] =	vst v16  }
0x51: {  	v16 =	vld [tilespmem:s3+$0xFFFFFF10];
	v20 =	vmul.f32 v20, v18;
	[tilespmem:s3+$0xC0] =	vst v4;
	v4 =	vbroadcast v2, $0xF  }
0x52: {  	v21 =	vld [tilespmem:s3+$0xFFFFFF60];
	[tilespmem:s3+$0xFFFFFF70] =	vst v15  }
0x53: {  	v15 =	vld [tilespmem:s3+$0xFFFFFF20];
	[tilespmem:s3+$0x10] =	vst v20;
	v5 =	vmul.f32 v9, v5;
	v9 =	vmul.f32 v12, v4  }
0x54: {  	v12 =	vld [tilespmem:s3+$0xFFFFFF30];
	v4 =	vmul.f32 v14, v4  }
0x55: {  	v14 =	vmul.f32 v10, v19;
	v19 =	vld [tilespmem:s3+$0xFFFFFF40];
	[tilespmem:s3+$0xE0] =	vst v9  }
0x56: {  	v9 =	vmul.f32 v16, v10;
	v10 =	vld [tilespmem:s3+$0x0];
	[tilespmem:s3+$0xF0] =	vst v4  }
0x57: {  	v4 =	vmul.f32 v21, v17;
	v16 =	vld [tilespmem:s3+$0xFFFFFF80];
	[tilespmem:s3+$0xFFFFFFB0] =	vst v8  }
0x58: {  	v2 =	vbroadcast v2, $0x2;
	[tilespmem:s3+$0xFFFFFF10] =	vst v9;
	v8 =	vmul.f32 v15, v13;
	v9 =	vld [tilespmem:s3+$0xFFFFFF50]  }
0x59: {  	v12 =	vmul.f32 v12, v13;
	[tilespmem:s3+$0xFFFFFF60] =	vst v4;
	v4 =	vld [tilespmem:s3+$0xFFFFFF90]  }
0x5a: {  	[tilespmem:s3+$0xFFFFFF20] =	vst v8;
	v8 =	vmul.f32 v19, v2;
	v13 =	vld [tilespmem:s3+$0xFFFFFFC0]  }
0x5b: {  	[tilespmem:s3+$0xFFFFFF30] =	vst v12;
	v12 =	vld [tilespmem:s3+$0xFFFFFFD0];
	v10 =	vmul.f32 v10, v18  }
0x5c: {  	[tilespmem:s3+$0xFFFFFF40] =	vst v8;
	v8 =	vmul.f32 v16, v6;
	v15 =	vld [tilespmem:s3+$0xFFFFFFE0]  }
0x5d: {  	v16 =	vld [tilespmem:s3+$0xFFFFFFF0];
	[tilespmem:s3+$0x0] =	vst v10  }
0x5e: {  	[tilespmem:s3+$0xFFFFFF80] =	vst v8;
	v4 =	vmul.f32 v4, v6;
	v6 =	vld [tilespmem:s3+$0x20]  }
0x5f: {  	[tilespmem:s3+$0xFFFFFF00] =	vst v14;
	v8 =	vmul.f32 v13, v7;
	v10 =	vld [tilespmem:s3+$0x30]  }
0x60: {  	v7 =	vmul.f32 v12, v7;
	v12 =	vld [tilespmem:s3+$0x40];
	[tilespmem:s3+$0xD0] =	vst v5  }
0x61: {  	s11 =	sshra.s32 s13, $0x2;
	v2 =	vmul.f32 v9, v2;
	[tilespmem:s3+$0xFFFFFF90] =	vst v4;
	v4 =	vmul.f32 v15, v11  }
0x62: {  	[tilespmem:s3+$0xFFFFFFD0] =	vst v7;
	v5 =	vmul.f32 v16, v11  }
0x63: {  	[tilespmem:s3+$0xFFFFFF50] =	vst v2;
	v2 =	vmul.f32 v6, v1  }
0x64: {  	[tilespmem:s3+$0xFFFFFFC0] =	vst v8;
	v1 =	vmul.f32 v10, v1  }
0x65: {  	[tilespmem:s3+$0x20] =	vst v2;
	v2 =	vmul.f32 v12, v3  }
0x66: {  	[tilespmem:s3+$0xFFFFFFE0] =	vst v4  }
0x67: {  	[tilespmem:s3+$0x30] =	vst v1  }
0x68: {  	[tilespmem:s3+$0xFFFFFFF0] =	vst v5  }
0x69: {  	[tilespmem:s3+$0x40] =	vst v2;
	s3 =	smov.u32 s0  }
0x6a: {  	v2 =	vld [tilespmem:s11+$0x18830]  }
0x6b: {  	v3 =	vld [tilespmem:s11+$0x187B0]  }
.Ltmp2:
0x6c: {  	(pc) =	sbr.rel @p0 .LBB2_5-.Ltmp2, $3  }
0x6d: {  	_ =	sdelay $0x1  }
0x6e: {  	v1 =	vbroadcast v2, $0x9  }
0x6f: {  	v4 =	vbroadcast v2, $0xC;
	v3 =	vsub.s32 v3, v0  }
0x70: {  	v3 =	vmin.u32 v3, $0xC350  }
0x71: {  	[tilespmem:s11+$0x18730] =	vst v3  }
0x72: {  	v3 =	vld [tilespmem:s3+$0x50]  }
0x73: {  	v5 =	vld [tilespmem:s3+$0x60]  }
0x74: {  	v6 =	vld [tilespmem:s3+$0x70]  }
0x75: {  	v8 =	vld [tilespmem:s3+$0x80]  }
0x76: {  	v7 =	vbroadcast v2, $0xA;
	v11 =	vld [tilespmem:s3+$0xA0]  }
0x77: {  	v9 =	vbroadcast v2, $0xB;
	v13 =	vld [tilespmem:s3+$0xB0]  }
0x78: {  	v30 =	vld [tilespmem:s3+$0xC0];
	v3 =	vmul.f32 v3, v7  }
0x79: {  	v29 =	vbroadcast v2, $0xD;
	v34 =	vld [tilespmem:s3+$0xE0];
	v5 =	vmul.f32 v5, v9  }
0x7a: {  	v15 =	vld [tilespmem:s3+$0xF0];
	v28 =	vmul.f32 v8, v4;
	[tilespmem:s3+$0x50] =	vst v3  }
0x7b: {  	v35 =	vbroadcast v2, $0xE;
	v17 =	vld [tilespmem:s3+$0xFFFFFF60];
	v32 =	vmul.f32 v11, v29;
	[tilespmem:s3+$0x60] =	vst v5  }
0x7c: {  	v39 =	vbroadcast v2, $0xF;
	v44 =	vld [tilespmem:s3+$0xFFFFFF40];
	v8 =	vmul.f32 v13, v29;
	[tilespmem:s3+$0x80] =	vst v28  }
0x7d: {  	v49 =	vld [tilespmem:s3+$0xFFFFFF80];
	v37 =	vmul.f32 v30, v35;
	[tilespmem:s3+$0xA0] =	vst v32  }
0x7e: {  	v14 =	vbroadcast v2, $0x3;
	v50 =	vld [tilespmem:s3+$0xFFFFFF00];
	v41 =	vmul.f32 v34, v39;
	[tilespmem:s3+$0xB0] =	vst v8  }
0x7f: {  	v18 =	vbroadcast v2, $0x2;
	v54 =	vld [tilespmem:s3+$0xFFFFFFD0];
	v43 =	vmul.f32 v15, v39;
	[tilespmem:s3+$0xC0] =	vst v37  }
0x80: {  	v52 =	vbroadcast v2, $0x4;
	v10 =	vld [tilespmem:s3+$0x90];
	v48 =	vmul.f32 v17, v14;
	[tilespmem:s3+$0xE0] =	vst v41  }
0x81: {  	v45 =	vbroadcast v2, $0x0;
	v38 =	vld [tilespmem:s3+$0xFFFFFF10];
	v53 =	vmul.f32 v44, v18;
	[tilespmem:s3+$0xF0] =	vst v43  }
0x82: {  	v60 =	vbroadcast v2, $0x6;
	v40 =	vld [tilespmem:s3+$0xFFFFFF20];
	v56 =	vmul.f32 v49, v52;
	[tilespmem:s3+$0xFFFFFF60] =	vst v48  }
0x83: {  	v12 =	vld [tilespmem:s3+$0xFFFFFFA0];
	v58 =	vmul.f32 v45, v50;
	[tilespmem:s3+$0xFFFFFF40] =	vst v53  }
0x84: {  	v42 =	vld [tilespmem:s3+$0xFFFFFF30];
	v11 =	vmul.f32 v54, v60;
	[tilespmem:s3+$0xFFFFFF80] =	vst v56  }
0x85: {  	v47 =	vbroadcast v2, $0x1;
	v36 =	vld [tilespmem:s3+$0xD0];
	v3 =	vmul.f32 v6, v9;
	[tilespmem:s3+$0xFFFFFF00] =	vst v58  }
0x86: {  	v31 =	vld [tilespmem:s3+$0xFFFFFF70];
	v9 =	vmul.f32 v38, v45;
	[tilespmem:s3+$0xFFFFFFD0] =	vst v11  }
0x87: {  	v27 =	vld [tilespmem:s3+$0xFFFFFFB0];
	v8 =	vmul.f32 v40, v47;
	[tilespmem:s3+$0x70] =	vst v3  }
0x88: {  	v33 =	vld [tilespmem:s3+$0x10];
	v3 =	vmul.f32 v10, v4;
	[tilespmem:s3+$0xFFFFFF10] =	vst v9  }
0x89: {  	v51 =	vld [tilespmem:s3+$0xFFFFFF90];
	v6 =	vmul.f32 v42, v47;
	[tilespmem:s3+$0xFFFFFF20] =	vst v8  }
0x8a: {  	v46 =	vld [tilespmem:s3+$0x0];
	v5 =	vmul.f32 v36, v35;
	[tilespmem:s3+$0x90] =	vst v3;
	v3 =	vbroadcast v2, $0x5  }
0x8b: {  	v16 =	vbroadcast v2, $0x8;
	v4 =	vmul.f32 v31, v14;
	[tilespmem:s3+$0xFFFFFF30] =	vst v6  }
0x8c: {  	v59 =	vld [tilespmem:s3+$0xFFFFFFC0];
	[tilespmem:s3+$0xD0] =	vst v5;
	v12 =	vmul.f32 v12, v3;
	v3 =	vmul.f32 v27, v3  }
0x8d: {  	v55 =	vld [tilespmem:s3+$0xFFFFFFE0];
	v10 =	vmul.f32 v33, v16;
	[tilespmem:s3+$0xFFFFFF70] =	vst v4  }
0x8e: {  	v9 =	vmul.f32 v51, v52;
	[tilespmem:s3+$0xFFFFFFB0] =	vst v3;
	v3 =	vld [tilespmem:s3+$0xFFFFFF50]  }
0x8f: {  	v57 =	vld [tilespmem:s3+$0xFFFFFFF0];
	[tilespmem:s3+$0x10] =	vst v10;
	v4 =	vmul.f32 v46, v16  }
0x90: {  	v61 =	vld [tilespmem:s3+$0x20];
	[tilespmem:s3+$0xFFFFFF90] =	vst v9;
	v2 =	vbroadcast v2, $0x7  }
0x91: {  	v62 =	vld [tilespmem:s3+$0x30];
	[tilespmem:s3+$0x0] =	vst v4;
	v4 =	vmul.f32 v59, v60  }
0x92: {  	v63 =	vld [tilespmem:s3+$0x40];
	v6 =	vmul.f32 v55, v2;
	[tilespmem:s3+$0xFFFFFFA0] =	vst v12  }
0x93: {  	[tilespmem:s3+$0xFFFFFFC0] =	vst v4;
	v3 =	vmul.f32 v3, v18  }
0x94: {  	v2 =	vmul.f32 v57, v2;
	[tilespmem:s3+$0xFFFFFFE0] =	vst v6  }
0x95: {  	[tilespmem:s3+$0xFFFFFF50] =	vst v3;
	v3 =	vmul.f32 v61, v1  }
0x96: {  	[tilespmem:s3+$0xFFFFFFF0] =	vst v2;
	v1 =	vmul.f32 v62, v1  }
0x97: {  	s31 =	sadd.s32 $0x1, s31;
	[tilespmem:s3+$0x20] =	vst v3;
	v3 =	vmul.f32 v63, v7  }
0x98: {  	p0 =	slt.u32 s31, s14;
	[tilespmem:s3+$0x30] =	vst v1  }
.Ltmp3:
0x99: {  	[tilespmem:s3+$0x40] =	vst v3;
	(pc) =	sbr.rel @p0 .LBB2_4-.Ltmp3, $4  }
0x9a: {  	[spmem:s5] =	stream.indirect.scatter.add.f32 [tilespmem:s24], [sflag:$0x2], $0x20, s26, s23, $0xb8;
	[tilespmem:$0x1FCB0] =	vst v63  }
0x9b: {  	_ =	swait.ge [sflag:s19], $0x1000  }
0x9c: {  	[sflag:s19] =	ssyncset.done $0x0  }
0x9d: {  	[sflag:s19] =	ssyncadd.s32 $0xFFFFF000  }
0x9e: {  	[bflag:$0x0] =	sbarrier.arrive $0xFFFF;
	s31 =	smov.u32 s17;
	s0 =	smov.u32 s17  }
.LBB2_8:
0x9f: {  	s3 =	smul.u32 $0xC800, s0  }
0xa0: {  	s11 =	smul.u32 $0x190, s0  }
0xa1: {  	s3 =	sshra.s32 s3, $0x2  }
0xa2: {  	s13 =	sadd.s32 s9, s11;
	s3 =	sadd.s32 s3, s5  }
0xa3: {  	[tilespmem:s28], [sflag:$0x2] =	stream.linear.gather [spmem:s3], $0x3200, $0x38;
	[tilespmem:$0x1FCB0] =	vst v63  }
0xa4: {  	s3 =	sshll.u32 s13, $0x2;
	_ =	swait.ge [sflag:s19], $0x3200  }
0xa5: {  	s3 =	sand.u32 $0x1FFFFFC0, s3;
	[sflag:s19] =	ssyncset.done $0x0  }
0xa6: {  	s13 =	simm.s32 $0x0;
	s15 =	sadd.s32 s8, s3;
	[sflag:s19] =	ssyncadd.s32 $0xFFFFCE00  }
0xa7: {  	[hbm4b:s15+s13] =	stream.linear.scatter [tilespmem:s28], [sflag:$0x2], $0x3200, $0x38;
	[tilespmem:$0x1FCB0] =	vst v63  }
0xa8: {  	_ =	swait.ge [sflag:s19], $0x3200  }
0xa9: {  	[sflag:s19] =	ssyncset.done $0x0  }
0xaa: {  	s17 =	sadd.s32 s7, s3;
	[sflag:s19] =	ssyncadd.s32 $0xFFFFCE00  }
0xab: {  	[tilespmem:s29], [sflag:$0x2] =	stream.linear.gather [hbm4b:s17+s13], $0x3200, $0x38;
	[tilespmem:$0x1FCB0] =	vst v63  }
0xac: {  	_ =	swait.ge [sflag:s19], $0x3200  }
0xad: {  	[sflag:s19] =	ssyncset.done $0x0  }
0xae: {  	s11 =	simm.s32 $0x0;
	[sflag:s19] =	ssyncadd.s32 $0xFFFFCE00  }
0xaf: {  	v1 =	vld [tilespmem:s11+$0x1CAB0]  }
0xb0: {  	v2 =	vld [tilespmem:s11+$0x1CAC0]  }
0xb1: {  	s13 =	simm.s32 $0x80;
	v3 =	vld [tilespmem:s11+$0x198B0]  }
.LBB2_9:
0xb2: {  	p0 =	sne.s32 s13, $0xC780;
	v4 =	vld [tilespmem:s11+$0x198C0];
	_ =	sdelay $0x2  }
.Ltmp4:
0xb3: {  	(pc) =	sbr.rel @p0 .LBB2_9-.Ltmp4, $4  }
0xb4: {  	s15 =	sshra.s32 s13, $0x2;
	v3 =	vadd.f32 v1, v3  }
0xb5: {  	v1 =	vld [tilespmem:s15+$0x1CAB0];
	v4 =	vadd.f32 v2, v4  }
0xb6: {  	v2 =	vld [tilespmem:s15+$0x1CAC0];
	[tilespmem:s11+$0x198B0] =	vst v3  }
0xb7: {  	s13 =	sadd.s32 $0x80, s13;
	v3 =	vld [tilespmem:s15+$0x198B0];
	[tilespmem:s11+$0x198C0] =	vst v4;
	s11 =	smov.u32 s15  }
0xb8: {  	v4 =	vld [tilespmem:s11+$0x198C0];
	_ =	sdelay $0x3  }
0xb9: {  	v1 =	vadd.f32 v1, v3  }
0xba: {  	s0 =	sadd.s32 $0x1, s0;
	v2 =	vadd.f32 v2, v4  }
0xbb: {  	p0 =	slt.u32 s0, s12;
	[tilespmem:s11+$0x198B0] =	vst v1  }
.Ltmp5:
0xbc: {  	s3 =	sadd.s32 s10, s3;
	[tilespmem:s11+$0x198C0] =	vst v2;
	(pc) =	sbr.rel @p0 .LBB2_8-.Ltmp5, $4  }
0xbd: {  	[hbm4b:s3+s6] =	stream.linear.scatter [tilespmem:s28], [sflag:$0x2], $0x3200, $0x38;
	[tilespmem:$0x1FCB0] =	vst v63  }
0xbe: {  	_ =	swait.ge [sflag:s19], $0x3200  }
0xbf: {  	[sflag:s19] =	ssyncset.done $0x0  }
0xc0: {  	[sflag:s19] =	ssyncadd.s32 $0xFFFFCE00  }
0xc1: {  	s30 =	sadd.s32 $0x1, s30;
	s0 =	rddreg [dreg:$0x7]  }
0xc2: {  	p0 =	sne.s32 s30, s0  }
.Ltmp6:
0xc3: {  	_ = 	snop;
	(pc) =	sbr.rel @p0 .LBB2_1-.Ltmp6, $1  }
0xc4: {  	_ =	sdelay $0x3  }
0xc5: {  	_ =	sfence.sel $0x180000  }
0xc6: {  	[bflag:$0x0] =	sbarrier.arrive $0xFFFF  }
0xc7: {  	_ =	strace $0x90000047  }
0xc8: {  	s0 =	stileid.u32;
	[bflag:$0x2] =	sbarrier.arrive $0xFFFF  }
0xc9: {  	p0 =	sne.s32 s0, $0x0;
	s0 =	rddreg [dreg:$0x5]  }
0xca: {  	s0 =	sadd.s32 @!p0 $0x100000, s0  }
0xcb: {  	[sflag:s0] =	ssyncadd.tile.s32 @!p0 $0x1;
	_ =	shalt  }
.Lfunc_end2:
_tile_overlayer_lowered:
.L_overlay_start_2:
0xcc: {  	(tag) =	ssettag $0x2  }
0xcd: {  	s0 =	rddreg [dreg:$0x0];
	s2 =	stileid.u32  }
0xce: {  	s1 =	rddreg [dreg:$0x1];
	p0 =	sne.s32 s2, $0x0  }
0xcf: {  	s3 =	rddreg [dreg:$0x2];
	[bflag:$0x3] =	sbarrier.arrive $0xFFFF;
	s2 =	simm.s32 @!p0 $0x1C02  }
0xd0: {  	[timem:s3], [sflag:s2] =	dma.local @!p0 [hbm:s0], s1  }
0xd1: {  	s0 =	simm.s32 @!p0 $0x2  }
0xd2: {  	_ =	swait.ge @!p0 [sflag:s0], s1  }
0xd3: {  	s1 =	ssub.s32 @!p0 $0x0, s1;
	[sflag:s0] =	ssyncset.done @!p0 $0x0  }
0xd4: {  	[sflag:s0] =	ssyncadd.s32 @!p0 s1  }
0xd5: {  	[bflag:$0x3] =	sbarrier.arrive $0xFFFF  }
0xd6: {  	_ =	shalt  }

// kernel: kernel.8.cloned.1.call-start
scs
__scs_entry_jumppad:
0x0: {  	(pc) =	sbr.rel $0x88, $3  }
0x1: {  	(tag) =	ssettag $0x0;
	lr =	simm.s32 $0x1  }
0x2: {  	[smem:$0x3F9D] =	sst lr;
	_ =	strace $0xD0000000  }
0x3: {  	_ = 	snop  }
0x4: {  	_ = 	snop  }
0x5: {  	_ = 	snop  }
0x6: {  	_ = 	snop  }
0x7: {  	_ = 	snop  }
__scs_overlays_trampoline_lowered:
0x8: {  	[smem:$0x3FAC] =	sst s0  }
0x9: {  	[smem:$0x3FAD] =	sst s1  }
0xa: {  	[smem:$0x3FAE] =	sst s2  }
0xb: {  	[smem:$0x3FAF] =	sst s3  }
0xc: {  	[smem:$0x3FB0] =	sst s4  }
0xd: {  	[smem:$0x3FB1] =	sst s5  }
0xe: {  	[smem:$0x3FB2] =	sst s6  }
0xf: {  	[smem:$0x3FB3] =	sst s7  }
0x10: {  	[smem:$0x3FB4] =	sst s8  }
0x11: {  	[smem:$0x3FB5] =	sst s9;
	s0 =	simm.s32 @!p0 $0x0  }
0x12: {  	s1 =	sld [smem:$0x3F9B];
	s0 =	simm.s32 @p0 $0x1  }
0x13: {  	[smem:$0x3FB6] =	sst s0;
	s0 =	simm.s32 @!p1 $0x0  }
0x14: {  	s2 =	sld [smem:$0x3F9A];
	s0 =	simm.s32 @p1 $0x1  }
0x15: {  	[smem:$0x3FB7] =	sst s0;
	s0 =	simm.s32 @!p2 $0x0  }
0x16: {  	s3 =	sld [smem:$0x3FDB];
	s0 =	simm.s32 @p2 $0x1  }
0x17: {  	s4 =	simm.s32 $0x1BF5;
	[smem:$0x3FB9] =	sst s0  }
0x18: {  	s0 =	sld [smem:$0x3F9C];
	_ =	swait.ge [sflag:s4], $0x0  }
0x19: {  	s7 =	sld [smem:$0x3F9D]  }
0x1a: {  	s8 =	sadd.s32 $0xFFFFE003, lr  }
0x1b: {  	s9 =	sadd.s32 $0xFFFFFEF7, lr;
	s5 =	simm.s32 $0xFFFFFFFF;
	p2 =	slt.u32 s8, $0xFFFFF086  }
0x1c: {  	p1 =	slt.u32 s9, $0xF7A;
	s5 =	simm.s32 @!p2 $0x0  }
0x1d: {  	s5 =	simm.s32 @p1 $0x1;
	p0 =	seq.s32 s7, s2  }
0x1e: {  	s7 =	smul.u32 @!p0 $0xF7A, s2;
	p2 =	seq.s32 @!p0 s5, $0x0  }
0x1f: {  	s9 =	smul.u32 $0xF7A, s1;
	s8 =	simm.s32 @!p0 $0x1BF5;
	p2 =	por !p2, p0  }
0x20: {  	[sflag:s8] =	ssyncset.s32 @!p0 $0xFFFFF086;
	s6 =	sadd.s32 @!p0 s3, s7;
	s7 =	simm.s32 @!p0 $0x108  }
0x21: {  	s3 =	sadd.s32 s3, s9;
	s6 =	sadd.s32 @!p0 $0x88, s6;
	s7 =	simm.s32 @p2 $0x1082  }
0x22: {  	[simem:s7], [sflag:s8] =	dma.local @!p0 [hbm:s6], $0xF7A  }
0x23: {  	s9 =	sor.u32 $0xD0000000, s2;
	s6 =	simm.s32 $0x108;
	_ =	swait.ge @!p0 [sflag:s8], $0x0  }
0x24: {  	s3 =	sadd.s32 $0x88, s3;
	s6 =	simm.s32 @!p1 $0x1082;
	[sflag:s4] =	ssyncset.s32 $0xFFFFF086  }
0x25: {  	[simem:s6], [sflag:s4] =	dma.local [hbm:s3], $0xF7A  }
0x26: {  	[smem:$0x3F9D] =	sst s1;
	(tag) =	ssettag s2;
	_ =	strace s9  }
0x27: {  	s1 =	sld [smem:$0x3FAD]  }
0x28: {  	s2 =	sld [smem:$0x3FAE]  }
0x29: {  	s4 =	sld [smem:$0x3FB0]  }
0x2a: {  	p0 =	seq.s32 s5, $0x0;
	s5 =	sld [smem:$0x3FB1]  }
0x2b: {  	s6 =	sld [smem:$0x3FB2]  }
0x2c: {  	s7 =	sld [smem:$0x3FB3]  }
0x2d: {  	s3 =	simm.s32 $0x108;
	s8 =	sld [smem:$0x3FB4]  }
0x2e: {  	s3 =	simm.s32 @!p0 $0x1082;
	s9 =	sld [smem:$0x3FB5]  }
0x2f: {  	lr =	sadd.s32 s0, s3;
	s0 =	sld [smem:$0x3FAC]  }
0x30: {  	s3 =	sld [smem:$0x3FAF]  }
0x31: {  	[smem:$0x3FB8] =	sst s10  }
0x32: {  	s10 =	sld [smem:$0x3FB6];
	_ =	sdelay $0x3  }
0x33: {  	p0 =	seq.s32 s10, $0x1;
	s10 =	sld [smem:$0x3FB8];
	_ =	sdelay $0x3  }
0x34: {  	[smem:$0x3FB8] =	sst s10  }
0x35: {  	s10 =	sld [smem:$0x3FB7];
	_ =	sdelay $0x3  }
0x36: {  	p1 =	seq.s32 s10, $0x1;
	s10 =	sld [smem:$0x3FB8];
	_ =	sdelay $0x3  }
0x37: {  	[smem:$0x3FB8] =	sst s10  }
0x38: {  	s10 =	sld [smem:$0x3FB9]  }
0x39: {  	_ = 	snop;
	(pc) =	sbr.ind lr, $3  }
0x3a: {  	_ = 	snop  }
0x3b: {  	_ = 	snop  }
0x3c: {  	p2 =	seq.s32 s10, $0x1;
	s10 =	sld [smem:$0x3FB8]  }
0x3d: {  	_ =	shalt  }
0x3e: {  	_ =	shalt  }
0x3f: {  	_ =	shalt  }
0x40: {  	_ =	shalt  }
0x41: {  	_ =	shalt  }
0x42: {  	_ =	shalt  }
0x43: {  	_ =	shalt  }
0x44: {  	_ =	shalt  }
0x45: {  	_ =	shalt  }
0x46: {  	_ =	shalt  }
0x47: {  	_ =	shalt  }
0x48: {  	_ =	shalt  }
0x49: {  	_ =	shalt  }
0x4a: {  	_ =	shalt  }
0x4b: {  	_ =	shalt  }
0x4c: {  	_ =	shalt  }
0x4d: {  	_ =	shalt  }
0x4e: {  	_ =	shalt  }
0x4f: {  	_ =	shalt  }
0x50: {  	_ =	shalt  }
0x51: {  	_ =	shalt  }
0x52: {  	_ =	shalt  }
0x53: {  	_ =	shalt  }
0x54: {  	_ =	shalt  }
0x55: {  	_ =	shalt  }
0x56: {  	_ =	shalt  }
0x57: {  	_ =	shalt  }
0x58: {  	_ =	shalt  }
0x59: {  	_ =	shalt  }
0x5a: {  	_ =	shalt  }
0x5b: {  	_ =	shalt  }
0x5c: {  	_ =	shalt  }
0x5d: {  	_ =	shalt  }
0x5e: {  	_ =	shalt  }
0x5f: {  	_ =	shalt  }
0x60: {  	_ =	shalt  }
0x61: {  	_ =	shalt  }
0x62: {  	_ =	shalt  }
0x63: {  	_ =	shalt  }
0x64: {  	_ =	shalt  }
0x65: {  	_ =	shalt  }
0x66: {  	_ =	shalt  }
0x67: {  	_ =	shalt  }
0x68: {  	_ =	shalt  }
0x69: {  	_ =	shalt  }
0x6a: {  	_ =	shalt  }
0x6b: {  	_ =	shalt  }
0x6c: {  	_ =	shalt  }
0x6d: {  	_ =	shalt  }
0x6e: {  	_ =	shalt  }
0x6f: {  	_ =	shalt  }
0x70: {  	_ =	shalt  }
0x71: {  	_ =	shalt  }
0x72: {  	_ =	shalt  }
0x73: {  	_ =	shalt  }
0x74: {  	_ =	shalt  }
0x75: {  	_ =	shalt  }
0x76: {  	_ =	shalt  }
0x77: {  	_ =	shalt  }
0x78: {  	_ =	shalt  }
0x79: {  	_ =	shalt  }
0x7a: {  	_ =	shalt  }
0x7b: {  	_ =	shalt  }
0x7c: {  	_ =	shalt  }
0x7d: {  	_ =	shalt  }
0x7e: {  	_ =	shalt  }
0x7f: {  	_ =	shalt  }
0x80: {  	_ =	shalt  }
0x81: {  	_ =	shalt  }
0x82: {  	_ =	shalt  }
0x83: {  	_ =	shalt  }
0x84: {  	_ =	shalt  }
0x85: {  	_ =	shalt  }
0x86: {  	_ =	shalt  }
0x87: {  	_ =	shalt  }
.Lfunc_end0:
.L_simem_size_0:
called_computation.1_lowered:
.L_overlay_start_0:
0x88: {  	s2 =	sld [smem:$0x3FD9]  }
0x89: {  	s3 =	sld [smem:$0x3FFE];
	_ =	sdelay $0x1  }
0x8a: {  	s1 =	srdreg.scid  }
0x8b: {  	s0 =	sand.u32 $0x1, s1  }
0x8c: {  	s14 =	sshll.u32 s0, $0xA;
	s2 =	sadd.s32 s3, s2  }
0x8d: {  	s2 =	sadd.s32 s2, s14  }
0x8e: {  	[smem:$0x3FC4] =	sst s2  }
0x8f: {  	_ = 	snop  }
0x90: {  	s2 =	sld [smem:$0x3FD0];
	_ =	sdelay $0x2  }
0x91: {  	s4 =	simm.s32 $0xA;
	s5 =	simm.s32 $0x10;
	s15 =	sld [smem:$0x3FC6]  }
0x92: {  	[smem:s5], [sflag:s4] =	dma.local [hbm:s2], $0x1  }
0x93: {  	_ =	swait.eq [sflag:s4], $0x1  }
0x94: {  	[sflag:s4] =	ssyncset.done $0x0  }
0x95: {  	s16 =	sld [smem:$0x10];
	[sflag:s4] =	ssyncadd.s32 $0xFFFFFFFF  }
0x96: {  	s17 =	sld [smem:$0x11];
	(tm) =	ssettm $0x1  }
0x97: {  	s18 =	sld [smem:$0x3FFB];
	_ =	sdelay $0x3  }
0x98: {  	_ =	strace s18  }
0x99: {  	s5 =	sld [smem:$0x3FFC];
	_ =	sdelay $0x3  }
0x9a: {  	_ =	strace s5  }
0x9b: {  	s5 =	sld [smem:$0x3FFD];
	_ =	sdelay $0x3  }
0x9c: {  	_ =	strace s5  }
0x9d: {  	_ =	strace $0x8FFFFFFF  }
0x9e: {  	s19 =	sld [smem:$0x3FDB];
	_ =	sdelay $0x1  }
0x9f: {  	s6 =	simm.s32 $_scs_section_size  }
0xa0: {  	s7 =	simm.s32 $_size__tile_overlayer_lowered;
	s8 =	simm.s32 $_tile_overlayer_lowered  }
0xa1: {  	s22 =	simm.s32 $0x1BFF;
	s21 =	sshll.u32 s8, $0x1;
	s5 =	sadd.s32 s6, s19  }
0xa2: {  	s9 =	simm.s32 $0x0;
	s20 =	sshll.u32 s7, $0x1;
	s7 =	sadd.s32 s21, s5  }
0xa3: {  	[timem:s9], [sflag:s22] =	dma.local [hbm:s7], s20  }
0xa4: {  	_ =	swait.ge [sflag:s22], s20  }
0xa5: {  	s6 =	ssub.s32 $0x0, s20;
	[sflag:s22] =	ssyncset.done $0x0  }
0xa6: {  	[sflag:s22] =	ssyncadd.s32 s6;
	_ =	sdelay $0x1  }
0xa7: {  	s23 =	simm.s32 $0x1B8B  }
0xa8: {  	_ =	swait.ge [sflag:s23], $0x1  }
0xa9: {  	[sflag:s23] =	ssyncset.done $0x0  }
0xaa: {  	s25 =	simm.s32 $0x1B8E;
	s24 =	sld [smem:$0x3FFE];
	[sflag:s23] =	ssyncadd.s32 $0xFFFFFFFF  }
0xab: {  	s26 =	simm.s32 $execute0_lowered;
	[smem:$0x3FD2] =	sst s25  }
0xac: {  	s7 =	sshll.u32 s26, $0x1;
	_ =	strace $0x80000049;
	[dreg:$0x1] =	wrdreg $0xFFFFFFFF  }
0xad: {  	s28 =	simm.s32 $_size_execute0_lowered;
	s5 =	sadd.s32 s5, s7;
	[dreg:$0x0] =	wrdreg $0x0  }
0xae: {  	s7 =	sshll.u32 s28, $0x1;
	[dreg:$0x2] =	wrdreg s5  }
0xaf: {  	[dreg:$0x3] =	wrdreg s7  }
0xb0: {  	[dreg:$0x4] =	wrdreg $0xC0  }
0xb1: {  	_ =	task [dreg:s9], $0x5FFFF  }
0xb2: {  	[dreg:$0x1] =	wrdreg $0xFFFFFFFF  }
0xb3: {  	[dreg:$0x0] =	wrdreg $0x60  }
0xb4: {  	[dreg:$0x2] =	wrdreg s24  }
0xb5: {  	[dreg:$0x3] =	wrdreg s16  }
0xb6: {  	[dreg:$0x4] =	wrdreg s17  }
0xb7: {  	[dreg:$0x5] =	wrdreg s15  }
0xb8: {  	[dreg:$0x6] =	wrdreg $0x0  }
0xb9: {  	[dreg:$0x7] =	wrdreg $0x9  }
0xba: {  	_ =	task.clear_ibuf [dreg:s9], $0x8FFFF;
	_ =	strace $0x90000049  }
0xbb: {  	s29 =	simm.s32 $0x9;
	_ =	strace $0x8000004B  }
0xbc: {  	_ =	swait.ge [sflag:s29], $0x1  }
0xbd: {  	[sflag:s29] =	ssyncadd.s32 $0xFFFFFFFF  }
0xbe: {  	_ =	strace $0x9000004B  }
0xbf: {  	_ =	sfence  }
0xc0: {  	s30 =	sld [smem:$0x0];
	_ =	sdelay $0x2  }
0xc1: {  	s31 =	sshll.u32 s1, $0xD;
	s1 =	sshrl.u32 s1, $0x2  }
0xc2: {  	s3 =	sand.u32 $0x4000, s31;
	s1 =	sadd.s32 s1, s30  }
0xc3: {  	s0 =	sor.u32 s3, s0;
	s1 =	sshll.u32 s1, $0x11  }
0xc4: {  	s0 =	sor.u32 s1, s0  }
0xc5: {  	s0 =	sadd.s32 $0x8F2B, s0  }
0xc6: {  	[sflag:s0] =	ssyncadd.remote.s32 $0x1  }
0xc7: {  	_ =	sfence.sel $0xFFFF  }
0xc8: {  	[dreg:$0x0] =	wrdreg $0xFFFFFFFF;
	(pc) =	sbr.abs _section_cstart, $3  }
0xc9: {  	[dreg:$0x1] =	wrdreg $0xFFFFFFFF  }
0xca: {  	_ =	task.clear_ibuf [dreg:s9], $0x2FFFF;
	_ =	strace $0x9FFFFFFF  }
0xcb: {  	(tm) =	ssettm $0x7FFFFFFF  }
tec
execute0_lowered:
.L_overlay_start_1:
0x0: {  	(tag) =	ssettag $0x1  }
0x1: {  	s0 =	rddreg [dreg:$0x0]  }
0x2: {  	s1 =	rddreg [dreg:$0x1]  }
0x3: {  	s3 =	rddreg [dreg:$0x2]  }
0x4: {  	s4 =	rddreg [dreg:$0x3];
	s18 =	stileid.u32  }
0x5: {  	s5 =	rddreg [dreg:$0x4];
	s6 =	simm.s32 $0x0;
	s10 =	srdreg.scid  }
0x6: {  	s15 =	simm.s32 $0x8;
	s20 =	simm.s32 $0x2;
	s21 =	simm.s32 $0x186B0  }
0x7: {  	s28 =	simm.s32 $0x18730;
	s29 =	simm.s32 $0x198B0;
	s30 =	simm.s32 $0x1CAB0  }
0x8: {  	s31 =	simm.s32 $0x0;
	s2 =	smin.u32 s18, $0xD;
	s7 =	smul.u32 $0x15E00, s18  }
0x9: {  	[smem:$0x7FF] =	sst s6;
	s10 =	sand.u32 $0x1, s10;
	s14 =	smul.u32 $0x7, s18  }
0xa: {  	s11 =	sadd.s32 $0x157400, s0;
	p0 =	slt.u32 s18, $0xD;
	s16 =	smul.u32 $0x30D, s18  }
0xb: {  	s23 =	smul.u32 $0x57800, s18;
	s24 =	smin.u32 s18, $0x4;
	s26 =	sshll.u32 s18, $0x6  }
0xc: {  	s8 =	smul.u32 $0x3200, s2;
	_ =	strace $0x8000004A;
	s13 =	ssub.s32 $0x2, s10  }
0xd: {  	s10 =	smul.u32 $0xC350, s10;
	s15 =	simm.s32 @!p0 $0x7;
	p0 =	slt.u32 s18, $0x4  }
0xe: {  	s19 =	sor.u32 $0x1C02, s26;
	s26 =	simm.s32 $0x1;
	s22 =	sshrl.u32 s13, $0x1  }
0xf: {  	s17 =	sadd.s32 s2, s14;
	s2 =	smul.u32 $0xC800, s2;
	s8 =	sadd.s32 s8, s7  }
0x10: {  	s7 =	sadd.s32 $0x32000, s0;
	[dreg:$0x6] =	wrdreg s17;
	s9 =	sshrl.u32 s8, $0x3  }
0x11: {  	s8 =	sadd.s32 $0x93C00, s0;
	s2 =	sadd.s32 s2, s23;
	s23 =	simm.s32 $0x18830  }
0x12: {  	s12 =	sadd.s32 s9, s0;
	s9 =	sadd.s32 $0xF5800, s0;
	s0 =	ssub.s32 s13, s22  }
0x13: {  	s13 =	sadd.s32 s15, s17;
	s17 =	simm.s32 $0x30E;
	s15 =	sadd.s32 s24, s16  }
0x14: {  	s25 =	sshrl.u32 s2, $0x2;
	s22 =	simm.s32 $0x187B0;
	s24 =	simm.s32 $0x80  }
0x15: {  	s17 =	simm.s32 @!p0 $0x30D;
	[dreg:$0x7] =	wrdreg s15;
	s0 =	smax.u32 s0, $0x1  }
0x16: {  	s15 =	sadd.s32 s17, s15;
	[dreg:$0x8] =	wrdreg s0;
	s0 =	sadd.s32 s25, s5  }
0x17: {  	v0 =	vmov s10;
	s17 =	sadd.s32 $0x1200, s12;
	s25 =	simm.s32 $0x188B0;
	[dreg:$0x9] =	wrdreg s0  }
.LBB2_1:
0x18: {  	s0 =	rddreg [dreg:$0x6]  }
0x19: {  	s0 =	sadd.s32 $0x1, s0  }
0x1a: {  	p0 =	slt.u32 s0, s13  }
.Ltmp0:
0x1b: {  	s12 =	rddreg [dreg:$0x9];
	(pc) =	sbr.rel @!p0 .LBB2_3-.Ltmp0, $4  }
0x1c: {  	s2 =	sshrl.u32 s12, $0x3  }
0x1d: {  	[spmem:s2], [sflag:s19] =	dma.local [hbm:s17], $0x640  }
0x1e: {  	_ =	swait.ge [sflag:s20], $0x640  }
0x1f: {  	s2 =	sadd.s32 $0x3200, s12;
	s12 =	smov.u32 s17;
	[sflag:s20] =	ssyncset.done $0x0  }
.LBB2_2:
0x20: {  	s0 =	sadd.s32 $0x1, s0  }
0x21: {  	[sflag:s20] =	ssyncadd.s32 $0xFFFFF9C0;
	s12 =	sadd.s32 $0x640, s12;
	p0 =	slt.u32 s0, s13  }
.Ltmp1:
0x22: {  	(pc) =	sbr.rel @p0 .LBB2_2-.Ltmp1, $4  }
0x23: {  	s14 =	sshrl.u32 s2, $0x3  }
0x24: {  	[spmem:s14], [sflag:s19] =	dma.local [hbm:s12], $0x640  }
0x25: {  	_ =	swait.ge [sflag:s20], $0x640  }
0x26: {  	s2 =	sadd.s32 $0x3200, s2;
	[sflag:s20] =	ssyncset.done $0x0  }
.LBB2_3:
0x27: {  	[sflag:s20] =	ssyncadd.s32 $0xFFFFF9C0  }
0x28: {  	[bflag:$0x0] =	sbarrier.arrive $0xFFFF  }
0x29: {  	s14 =	rddreg [dreg:$0x7]  }
.LBB2_4:
0x2a: {  	s0 =	sshll.u32 s14, $0x4  }
0x2b: {  	s12 =	simm.s32 $0x0;
	s2 =	sadd.s32 s1, s0  }
0x2c: {  	[tilespmem:s21], [sflag:$0x2] =	stream.linear.gather [hbm4b:s2+s12], $0x80, $0x38;
	[tilespmem:$0x1FCB0] =	vst v63  }
0x2d: {  	_ =	swait.ge [sflag:s20], $0x80  }
0x2e: {  	[sflag:s20] =	ssyncset.done $0x0  }
0x2f: {  	s18 =	sadd.s32 s3, s0;
	[sflag:s20] =	ssyncadd.s32 $0xFFFFFF80  }
0x30: {  	[tilespmem:s22], [sflag:$0x2] =	stream.linear.gather [hbm4b:s18+s12], $0x80, $0x38;
	[tilespmem:$0x1FCB0] =	vst v63  }
0x31: {  	_ =	swait.ge [sflag:s20], $0x80  }
0x32: {  	[sflag:s20] =	ssyncset.done $0x0  }
0x33: {  	s0 =	sadd.s32 s4, s0;
	[sflag:s20] =	ssyncadd.s32 $0xFFFFFF80  }
0x34: {  	[tilespmem:s23], [sflag:$0x2] =	stream.linear.gather [hbm4b:s0+s12], $0x80, $0x38;
	[tilespmem:$0x1FCB0] =	vst v63  }
0x35: {  	_ =	swait.ge [sflag:s20], $0x80  }
0x36: {  	[sflag:s20] =	ssyncset.done $0x0  }
0x37: {  	[sflag:s20] =	ssyncadd.s32 $0xFFFFFF80  }
0x38: {  	[tilespmem:s25], [sflag:$0x1] =	stream.indirect.gather [hbm4b:s7+s24], $0x20, s21, s24, $0xb8;
	[tilespmem:$0x1FCB0] =	vst v63  }
0x39: {  	_ =	swait.ge [sflag:s26], $0x1000  }
0x3a: {  	[sflag:s26] =	ssyncset.done $0x0  }
0x3b: {  	s18 =	simm.s32 $0x0;
	[sflag:s26] =	ssyncadd.s32 $0xFFFFF000  }
0x3c: {  	v2 =	vld [tilespmem:s18+$0x18830]  }
0x3d: {  	v3 =	vld [tilespmem:s18+$0x187B0];
	_ =	sdelay $0x4  }
0x3e: {  	s16 =	simm.s32 $0x189B0;
	s2 =	simm.s32 $0x40;
	s0 =	simm.s32 $0x189B0;
	v1 =	vbroadcast v2, $0x9;
	v3 =	vsub.s32 v3, v0;
	v4 =	vbroadcast v2, $0xC  }
.LBB2_5:
0x3f: {  	p0 =	sne.s32 s2, $0x1C0  }
0x40: {  	v3 =	vmin.u32 v3, $0xC350;
	v5 =	vbroadcast v2, $0xB;
	s16 =	sadd.s32 $0x200, s16;
	s12 =	smov.u32 s2;
	s2 =	sadd.s32 $0x40, s2  }
0x41: {  	v6 =	vbroadcast v2, $0x4;
	[tilespmem:s18+$0x18730] =	vst v3  }
0x42: {  	v7 =	vbroadcast v2, $0x6;
	v8 =	vld [tilespmem:s0+$0x90]  }
0x43: {  	v3 =	vbroadcast v2, $0xA;
	v9 =	vld [tilespmem:s0+$0x50]  }
0x44: {  	v10 =	vbroadcast v2, $0x0;
	v11 =	vbroadcast v2, $0x7;
	v12 =	vld [tilespmem:s0+$0x60]  }
0x45: {  	v13 =	vbroadcast v2, $0x1;
	v14 =	vld [tilespmem:s0+$0x70]  }
0x46: {  	v15 =	vld [tilespmem:s0+$0x80]  }
0x47: {  	v16 =	vld [tilespmem:s0+$0xFFFFFFA0]  }
0x48: {  	v9 =	vmul.f32 v9, v3;
	v17 =	vld [tilespmem:s0+$0xA0]  }
0x49: {  	v12 =	vmul.f32 v12, v5;
	v18 =	vld [tilespmem:s0+$0xB0]  }
0x4a: {  	v19 =	vld [tilespmem:s0+$0xFFFFFFB0];
	[tilespmem:s0+$0x50] =	vst v9;
	v5 =	vmul.f32 v14, v5  }
0x4b: {  	[tilespmem:s0+$0x60] =	vst v12;
	v9 =	vmul.f32 v15, v4;
	v12 =	vbroadcast v2, $0xD;
	v14 =	vld [tilespmem:s0+$0xC0]  }
0x4c: {  	v4 =	vmul.f32 v8, v4;
	v15 =	vld [tilespmem:s0+$0xFFFFFF70];
	[tilespmem:s0+$0x70] =	vst v5;
	v5 =	vbroadcast v2, $0xE  }
0x4d: {  	v8 =	vbroadcast v2, $0x5;
	v20 =	vld [tilespmem:s0+$0x10];
	[tilespmem:s0+$0x80] =	vst v9;
	v9 =	vmul.f32 v17, v12  }
0x4e: {  	v17 =	vbroadcast v2, $0x3;
	[tilespmem:s0+$0x90] =	vst v4;
	v4 =	vmul.f32 v18, v12;
	v12 =	vld [tilespmem:s0+$0xE0]  }
0x4f: {  	v16 =	vmul.f32 v16, v8;
	v8 =	vmul.f32 v19, v8;
	[tilespmem:s0+$0xA0] =	vst v9;
	v9 =	vld [tilespmem:s0+$0xD0]  }
0x50: {  	v18 =	vbroadcast v2, $0x8;
	[tilespmem:s0+$0xB0] =	vst v4;
	v4 =	vmul.f32 v14, v5;
	v14 =	vld [tilespmem:s0+$0xF0]  }
0x51: {  	v19 =	vld [tilespmem:s0+$0xFFFFFF00];
	v15 =	vmul.f32 v15, v17;
	[tilespmem:s0+$0xFFFFFFA0] =	vst v16  }
0x52: {  	v16 =	vld [tilespmem:s0+$0xFFFFFF10];
	v20 =	vmul.f32 v20, v18;
	[tilespmem:s0+$0xC0] =	vst v4;
	v4 =	vbroadcast v2, $0xF  }
0x53: {  	v21 =	vld [tilespmem:s0+$0xFFFFFF60];
	[tilespmem:s0+$0xFFFFFF70] =	vst v15  }
0x54: {  	v15 =	vld [tilespmem:s0+$0xFFFFFF20];
	[tilespmem:s0+$0x10] =	vst v20;
	v5 =	vmul.f32 v9, v5;
	v9 =	vmul.f32 v12, v4  }
0x55: {  	v12 =	vld [tilespmem:s0+$0xFFFFFF30];
	v4 =	vmul.f32 v14, v4  }
0x56: {  	v14 =	vmul.f32 v10, v19;
	v19 =	vld [tilespmem:s0+$0xFFFFFF40];
	[tilespmem:s0+$0xE0] =	vst v9  }
0x57: {  	v9 =	vmul.f32 v16, v10;
	v10 =	vld [tilespmem:s0+$0x0];
	[tilespmem:s0+$0xF0] =	vst v4  }
0x58: {  	v4 =	vmul.f32 v21, v17;
	v16 =	vld [tilespmem:s0+$0xFFFFFF80];
	[tilespmem:s0+$0xFFFFFFB0] =	vst v8  }
0x59: {  	v2 =	vbroadcast v2, $0x2;
	[tilespmem:s0+$0xFFFFFF10] =	vst v9;
	v8 =	vmul.f32 v15, v13;
	v9 =	vld [tilespmem:s0+$0xFFFFFF50]  }
0x5a: {  	v12 =	vmul.f32 v12, v13;
	[tilespmem:s0+$0xFFFFFF60] =	vst v4;
	v4 =	vld [tilespmem:s0+$0xFFFFFF90]  }
0x5b: {  	[tilespmem:s0+$0xFFFFFF20] =	vst v8;
	v8 =	vmul.f32 v19, v2;
	v13 =	vld [tilespmem:s0+$0xFFFFFFC0]  }
0x5c: {  	[tilespmem:s0+$0xFFFFFF30] =	vst v12;
	v12 =	vld [tilespmem:s0+$0xFFFFFFD0];
	v10 =	vmul.f32 v10, v18  }
0x5d: {  	[tilespmem:s0+$0xFFFFFF40] =	vst v8;
	v8 =	vmul.f32 v16, v6;
	v15 =	vld [tilespmem:s0+$0xFFFFFFE0]  }
0x5e: {  	v16 =	vld [tilespmem:s0+$0xFFFFFFF0];
	[tilespmem:s0+$0x0] =	vst v10  }
0x5f: {  	[tilespmem:s0+$0xFFFFFF80] =	vst v8;
	v4 =	vmul.f32 v4, v6;
	v6 =	vld [tilespmem:s0+$0x20]  }
0x60: {  	[tilespmem:s0+$0xFFFFFF00] =	vst v14;
	v8 =	vmul.f32 v13, v7;
	v10 =	vld [tilespmem:s0+$0x30]  }
0x61: {  	v7 =	vmul.f32 v12, v7;
	v12 =	vld [tilespmem:s0+$0x40];
	[tilespmem:s0+$0xD0] =	vst v5  }
0x62: {  	s18 =	sshra.s32 s12, $0x2;
	v2 =	vmul.f32 v9, v2;
	[tilespmem:s0+$0xFFFFFF90] =	vst v4;
	v4 =	vmul.f32 v15, v11  }
0x63: {  	[tilespmem:s0+$0xFFFFFFD0] =	vst v7;
	v5 =	vmul.f32 v16, v11  }
0x64: {  	[tilespmem:s0+$0xFFFFFF50] =	vst v2;
	v2 =	vmul.f32 v6, v1  }
0x65: {  	[tilespmem:s0+$0xFFFFFFC0] =	vst v8;
	v1 =	vmul.f32 v10, v1  }
0x66: {  	[tilespmem:s0+$0x20] =	vst v2;
	v2 =	vmul.f32 v12, v3  }
0x67: {  	[tilespmem:s0+$0xFFFFFFE0] =	vst v4  }
0x68: {  	[tilespmem:s0+$0x30] =	vst v1  }
0x69: {  	[tilespmem:s0+$0xFFFFFFF0] =	vst v5  }
0x6a: {  	[tilespmem:s0+$0x40] =	vst v2;
	s0 =	smov.u32 s16  }
0x6b: {  	v2 =	vld [tilespmem:s18+$0x18830]  }
0x6c: {  	v3 =	vld [tilespmem:s18+$0x187B0]  }
.Ltmp2:
0x6d: {  	(pc) =	sbr.rel @p0 .LBB2_5-.Ltmp2, $3  }
0x6e: {  	_ =	sdelay $0x1  }
0x6f: {  	v1 =	vbroadcast v2, $0x9  }
0x70: {  	v4 =	vbroadcast v2, $0xC;
	v3 =	vsub.s32 v3, v0  }
0x71: {  	v3 =	vmin.u32 v3, $0xC350  }
0x72: {  	[tilespmem:s18+$0x18730] =	vst v3  }
0x73: {  	v3 =	vld [tilespmem:s0+$0x50]  }
0x74: {  	v5 =	vld [tilespmem:s0+$0x60]  }
0x75: {  	v6 =	vld [tilespmem:s0+$0x70]  }
0x76: {  	v8 =	vld [tilespmem:s0+$0x80]  }
0x77: {  	v7 =	vbroadcast v2, $0xA;
	v11 =	vld [tilespmem:s0+$0xA0]  }
0x78: {  	v9 =	vbroadcast v2, $0xB;
	v13 =	vld [tilespmem:s0+$0xB0]  }
0x79: {  	v30 =	vld [tilespmem:s0+$0xC0];
	v3 =	vmul.f32 v3, v7  }
0x7a: {  	v29 =	vbroadcast v2, $0xD;
	v34 =	vld [tilespmem:s0+$0xE0];
	v5 =	vmul.f32 v5, v9  }
0x7b: {  	v15 =	vld [tilespmem:s0+$0xF0];
	v28 =	vmul.f32 v8, v4;
	[tilespmem:s0+$0x50] =	vst v3  }
0x7c: {  	v35 =	vbroadcast v2, $0xE;
	v17 =	vld [tilespmem:s0+$0xFFFFFF60];
	v32 =	vmul.f32 v11, v29;
	[tilespmem:s0+$0x60] =	vst v5  }
0x7d: {  	v39 =	vbroadcast v2, $0xF;
	v44 =	vld [tilespmem:s0+$0xFFFFFF40];
	v8 =	vmul.f32 v13, v29;
	[tilespmem:s0+$0x80] =	vst v28  }
0x7e: {  	v49 =	vld [tilespmem:s0+$0xFFFFFF80];
	v37 =	vmul.f32 v30, v35;
	[tilespmem:s0+$0xA0] =	vst v32  }
0x7f: {  	v14 =	vbroadcast v2, $0x3;
	v50 =	vld [tilespmem:s0+$0xFFFFFF00];
	v41 =	vmul.f32 v34, v39;
	[tilespmem:s0+$0xB0] =	vst v8  }
0x80: {  	v18 =	vbroadcast v2, $0x2;
	v54 =	vld [tilespmem:s0+$0xFFFFFFD0];
	v43 =	vmul.f32 v15, v39;
	[tilespmem:s0+$0xC0] =	vst v37  }
0x81: {  	v52 =	vbroadcast v2, $0x4;
	v10 =	vld [tilespmem:s0+$0x90];
	v48 =	vmul.f32 v17, v14;
	[tilespmem:s0+$0xE0] =	vst v41  }
0x82: {  	v45 =	vbroadcast v2, $0x0;
	v38 =	vld [tilespmem:s0+$0xFFFFFF10];
	v53 =	vmul.f32 v44, v18;
	[tilespmem:s0+$0xF0] =	vst v43  }
0x83: {  	v60 =	vbroadcast v2, $0x6;
	v40 =	vld [tilespmem:s0+$0xFFFFFF20];
	v56 =	vmul.f32 v49, v52;
	[tilespmem:s0+$0xFFFFFF60] =	vst v48  }
0x84: {  	v12 =	vld [tilespmem:s0+$0xFFFFFFA0];
	v58 =	vmul.f32 v45, v50;
	[tilespmem:s0+$0xFFFFFF40] =	vst v53  }
0x85: {  	v42 =	vld [tilespmem:s0+$0xFFFFFF30];
	v11 =	vmul.f32 v54, v60;
	[tilespmem:s0+$0xFFFFFF80] =	vst v56  }
0x86: {  	v47 =	vbroadcast v2, $0x1;
	v36 =	vld [tilespmem:s0+$0xD0];
	v3 =	vmul.f32 v6, v9;
	[tilespmem:s0+$0xFFFFFF00] =	vst v58  }
0x87: {  	v31 =	vld [tilespmem:s0+$0xFFFFFF70];
	v9 =	vmul.f32 v38, v45;
	[tilespmem:s0+$0xFFFFFFD0] =	vst v11  }
0x88: {  	v27 =	vld [tilespmem:s0+$0xFFFFFFB0];
	v8 =	vmul.f32 v40, v47;
	[tilespmem:s0+$0x70] =	vst v3  }
0x89: {  	v33 =	vld [tilespmem:s0+$0x10];
	v3 =	vmul.f32 v10, v4;
	[tilespmem:s0+$0xFFFFFF10] =	vst v9  }
0x8a: {  	v51 =	vld [tilespmem:s0+$0xFFFFFF90];
	v6 =	vmul.f32 v42, v47;
	[tilespmem:s0+$0xFFFFFF20] =	vst v8  }
0x8b: {  	v46 =	vld [tilespmem:s0+$0x0];
	v5 =	vmul.f32 v36, v35;
	[tilespmem:s0+$0x90] =	vst v3;
	v3 =	vbroadcast v2, $0x5  }
0x8c: {  	v16 =	vbroadcast v2, $0x8;
	v4 =	vmul.f32 v31, v14;
	[tilespmem:s0+$0xFFFFFF30] =	vst v6  }
0x8d: {  	v59 =	vld [tilespmem:s0+$0xFFFFFFC0];
	[tilespmem:s0+$0xD0] =	vst v5;
	v12 =	vmul.f32 v12, v3;
	v3 =	vmul.f32 v27, v3  }
0x8e: {  	v55 =	vld [tilespmem:s0+$0xFFFFFFE0];
	v10 =	vmul.f32 v33, v16;
	[tilespmem:s0+$0xFFFFFF70] =	vst v4  }
0x8f: {  	v9 =	vmul.f32 v51, v52;
	[tilespmem:s0+$0xFFFFFFB0] =	vst v3;
	v3 =	vld [tilespmem:s0+$0xFFFFFF50]  }
0x90: {  	v57 =	vld [tilespmem:s0+$0xFFFFFFF0];
	[tilespmem:s0+$0x10] =	vst v10;
	v4 =	vmul.f32 v46, v16  }
0x91: {  	v61 =	vld [tilespmem:s0+$0x20];
	[tilespmem:s0+$0xFFFFFF90] =	vst v9;
	v2 =	vbroadcast v2, $0x7  }
0x92: {  	v62 =	vld [tilespmem:s0+$0x30];
	[tilespmem:s0+$0x0] =	vst v4;
	v4 =	vmul.f32 v59, v60  }
0x93: {  	v63 =	vld [tilespmem:s0+$0x40];
	v6 =	vmul.f32 v55, v2;
	[tilespmem:s0+$0xFFFFFFA0] =	vst v12  }
0x94: {  	[tilespmem:s0+$0xFFFFFFC0] =	vst v4;
	v3 =	vmul.f32 v3, v18  }
0x95: {  	v2 =	vmul.f32 v57, v2;
	[tilespmem:s0+$0xFFFFFFE0] =	vst v6  }
0x96: {  	[tilespmem:s0+$0xFFFFFF50] =	vst v3;
	v3 =	vmul.f32 v61, v1  }
0x97: {  	[tilespmem:s0+$0xFFFFFFF0] =	vst v2;
	v1 =	vmul.f32 v62, v1  }
0x98: {  	s14 =	sadd.s32 $0x1, s14;
	[tilespmem:s0+$0x20] =	vst v3;
	v3 =	vmul.f32 v63, v7  }
0x99: {  	p0 =	slt.u32 s14, s15;
	[tilespmem:s0+$0x30] =	vst v1  }
.Ltmp3:
0x9a: {  	[tilespmem:s0+$0x40] =	vst v3;
	(pc) =	sbr.rel @p0 .LBB2_4-.Ltmp3, $4  }
0x9b: {  	[spmem:s5] =	stream.indirect.scatter.add.f32 [tilespmem:s25], [sflag:$0x2], $0x20, s28, s24, $0xb8;
	[tilespmem:$0x1FCB0] =	vst v63  }
0x9c: {  	_ =	swait.ge [sflag:s20], $0x1000  }
0x9d: {  	[sflag:s20] =	ssyncset.done $0x0  }
0x9e: {  	[sflag:s20] =	ssyncadd.s32 $0xFFFFF000  }
0x9f: {  	[bflag:$0x0] =	sbarrier.arrive $0xFFFF  }
0xa0: {  	s0 =	rddreg [dreg:$0x6]  }
.LBB2_8:
0xa1: {  	s2 =	smul.u32 $0xC800, s0  }
0xa2: {  	s12 =	smul.u32 $0x190, s0  }
0xa3: {  	s2 =	sshra.s32 s2, $0x2  }
0xa4: {  	s14 =	sadd.s32 s10, s12;
	s2 =	sadd.s32 s2, s5  }
0xa5: {  	[tilespmem:s29], [sflag:$0x2] =	stream.linear.gather [spmem:s2], $0x3200, $0x38;
	[tilespmem:$0x1FCB0] =	vst v63  }
0xa6: {  	s2 =	sshll.u32 s14, $0x2;
	_ =	swait.ge [sflag:s20], $0x3200  }
0xa7: {  	s2 =	sand.u32 $0x1FFFFFC0, s2;
	[sflag:s20] =	ssyncset.done $0x0  }
0xa8: {  	s14 =	simm.s32 $0x0;
	s16 =	sadd.s32 s9, s2;
	[sflag:s20] =	ssyncadd.s32 $0xFFFFCE00  }
0xa9: {  	[hbm4b:s16+s14] =	stream.linear.scatter [tilespmem:s29], [sflag:$0x2], $0x3200, $0x38;
	[tilespmem:$0x1FCB0] =	vst v63  }
0xaa: {  	_ =	swait.ge [sflag:s20], $0x3200  }
0xab: {  	[sflag:s20] =	ssyncset.done $0x0  }
0xac: {  	s18 =	sadd.s32 s8, s2;
	[sflag:s20] =	ssyncadd.s32 $0xFFFFCE00  }
0xad: {  	[tilespmem:s30], [sflag:$0x2] =	stream.linear.gather [hbm4b:s18+s14], $0x3200, $0x38;
	[tilespmem:$0x1FCB0] =	vst v63  }
0xae: {  	_ =	swait.ge [sflag:s20], $0x3200  }
0xaf: {  	[sflag:s20] =	ssyncset.done $0x0  }
0xb0: {  	s12 =	simm.s32 $0x0;
	[sflag:s20] =	ssyncadd.s32 $0xFFFFCE00  }
0xb1: {  	v1 =	vld [tilespmem:s12+$0x1CAB0]  }
0xb2: {  	v2 =	vld [tilespmem:s12+$0x1CAC0]  }
0xb3: {  	s14 =	simm.s32 $0x80;
	v3 =	vld [tilespmem:s12+$0x198B0]  }
.LBB2_9:
0xb4: {  	p0 =	sne.s32 s14, $0xC780;
	v4 =	vld [tilespmem:s12+$0x198C0];
	_ =	sdelay $0x2  }
.Ltmp4:
0xb5: {  	(pc) =	sbr.rel @p0 .LBB2_9-.Ltmp4, $4  }
0xb6: {  	s16 =	sshra.s32 s14, $0x2;
	v3 =	vadd.f32 v1, v3  }
0xb7: {  	v1 =	vld [tilespmem:s16+$0x1CAB0];
	v4 =	vadd.f32 v2, v4  }
0xb8: {  	v2 =	vld [tilespmem:s16+$0x1CAC0];
	[tilespmem:s12+$0x198B0] =	vst v3  }
0xb9: {  	s14 =	sadd.s32 $0x80, s14;
	v3 =	vld [tilespmem:s16+$0x198B0];
	[tilespmem:s12+$0x198C0] =	vst v4;
	s12 =	smov.u32 s16  }
0xba: {  	v4 =	vld [tilespmem:s12+$0x198C0];
	_ =	sdelay $0x3  }
0xbb: {  	v1 =	vadd.f32 v1, v3  }
0xbc: {  	s0 =	sadd.s32 $0x1, s0;
	v2 =	vadd.f32 v2, v4  }
0xbd: {  	p0 =	slt.u32 s0, s13;
	[tilespmem:s12+$0x198B0] =	vst v1  }
.Ltmp5:
0xbe: {  	s2 =	sadd.s32 s11, s2;
	[tilespmem:s12+$0x198C0] =	vst v2;
	(pc) =	sbr.rel @p0 .LBB2_8-.Ltmp5, $4  }
0xbf: {  	[hbm4b:s2+s6] =	stream.linear.scatter [tilespmem:s29], [sflag:$0x2], $0x3200, $0x38;
	[tilespmem:$0x1FCB0] =	vst v63  }
0xc0: {  	_ =	swait.ge [sflag:s20], $0x3200  }
0xc1: {  	[sflag:s20] =	ssyncset.done $0x0  }
0xc2: {  	[sflag:s20] =	ssyncadd.s32 $0xFFFFCE00  }
0xc3: {  	s31 =	sadd.s32 $0x1, s31;
	s0 =	rddreg [dreg:$0x8]  }
0xc4: {  	p0 =	sne.s32 s31, s0  }
.Ltmp6:
0xc5: {  	_ = 	snop;
	(pc) =	sbr.rel @p0 .LBB2_1-.Ltmp6, $1  }
0xc6: {  	_ =	sdelay $0x3  }
0xc7: {  	_ =	sfence.sel $0x180000  }
0xc8: {  	[bflag:$0x0] =	sbarrier.arrive $0xFFFF  }
0xc9: {  	_ =	strace $0x9000004A  }
0xca: {  	s0 =	stileid.u32;
	[bflag:$0x2] =	sbarrier.arrive $0xFFFF  }
0xcb: {  	p0 =	sne.s32 s0, $0x0;
	s0 =	rddreg [dreg:$0x5]  }
0xcc: {  	s0 =	sadd.s32 @!p0 $0x100000, s0  }
0xcd: {  	[sflag:s0] =	ssyncadd.tile.s32 @!p0 $0x1;
	_ =	shalt  }
.Lfunc_end2:
_tile_overlayer_lowered:
.L_overlay_start_2:
0xce: {  	(tag) =	ssettag $0x2  }
0xcf: {  	s0 =	rddreg [dreg:$0x0];
	s2 =	stileid.u32  }
0xd0: {  	s1 =	rddreg [dreg:$0x1];
	p0 =	sne.s32 s2, $0x0  }
0xd1: {  	s3 =	rddreg [dreg:$0x2];
	[bflag:$0x3] =	sbarrier.arrive $0xFFFF;
	s2 =	simm.s32 @!p0 $0x1C02  }
0xd2: {  	[timem:s3], [sflag:s2] =	dma.local @!p0 [hbm:s0], s1  }
0xd3: {  	s0 =	simm.s32 @!p0 $0x2  }
0xd4: {  	_ =	swait.ge @!p0 [sflag:s0], s1  }
0xd5: {  	s1 =	ssub.s32 @!p0 $0x0, s1;
	[sflag:s0] =	ssyncset.done @!p0 $0x0  }
0xd6: {  	[sflag:s0] =	ssyncadd.s32 @!p0 s1  }
0xd7: {  	[bflag:$0x3] =	sbarrier.arrive $0xFFFF  }
0xd8: {  	_ =	shalt  }

</sc_bundles>
